<compile_context>
chip_gen: v7x
topology: tpu7x:2x2x1
jax: 0.10.2.dev20260603
libtpu: 0.0.44.dev20260713+nightly
codegen_flags: <defaults>
</compile_context>

<pallas_src>
import jax
import jax.numpy as jnp
from jax import lax
from jax.experimental import pallas as pl
from jax.experimental.pallas import tpu as pltpu
from jax.experimental.pallas import tpu_sc as plsc

N_MET = 100000
N_RXN = 100000
E_SUB = 800000
E_ALL = 1600000

NC, NS, NW = 2, 16, 32
ES_PAD = 819200
ES_ROWS = ES_PAD // 128
EA_PAD = 1638400
EA_ROWS = EA_PAD // 128
NR_PAD = 100352
NM_PAD = 100352
RPT = NR_PAD // NS

_MESH = plsc.VectorSubcoreMesh(core_axis_name="c", subcore_axis_name="s")
_f32 = jnp.float32


def _zero_fill(buf, n16):
    def body(i, _):
        buf[pl.ds(i * 16, 16)] = jnp.zeros((16,), _f32)
        return 0
    lax.fori_loop(0, n16, body, 0)


def _gather_scatter_sub(conc_hbm, ext_hbm, met2d, rxn2d,
                        concg, extp, cntp,
                        idx_m, idx_r, vals_c, vals_e, ones_v, zbuf,
                        conc_sh, ext_sh, ext_acc, cnt_acc, sem):
    c = lax.axis_index("c")
    s = lax.axis_index("s")
    wid = c * NS + s

    def fill_ones(i, _):
        ones_v[i // 8, pl.ds((i % 8) * 16, 16)] = jnp.full((16,), 1.0, _f32)
        return 0
    lax.fori_loop(0, 320, fill_ones, 0)
    _zero_fill(zbuf, RPT // 16)
    pltpu.sync_copy(zbuf, ext_acc.at[pl.ds(s * RPT, RPT)])
    pltpu.sync_copy(zbuf, cnt_acc.at[pl.ds(s * RPT, RPT)])
    pltpu.sync_copy(conc_hbm.at[pl.ds(s * RPT, RPT)], conc_sh.at[pl.ds(s * RPT, RPT)])
    pltpu.sync_copy(ext_hbm.at[pl.ds(s * RPT, RPT)], ext_sh.at[pl.ds(s * RPT, RPT)])
    plsc.subcore_barrier()

    base = wid * 200
    nk = 5

    def chunk(k, _):
        off = base + k * 40
        pltpu.sync_copy(met2d.at[pl.ds(off, 40)], idx_m)
        pltpu.sync_copy(rxn2d.at[pl.ds(off, 40)], idx_r)

        def grow(j, _):
            pltpu.async_copy(conc_sh.at[idx_m.at[j]], vals_c.at[j], sem)
            pltpu.async_copy(ext_sh.at[idx_m.at[j]], vals_e.at[j], sem)
            return 0
        lax.fori_loop(0, 40, grow, 0)
        pltpu.make_async_copy(met2d.at[pl.ds(0, 40)], idx_m, sem).wait()
        pltpu.make_async_copy(met2d.at[pl.ds(0, 40)], idx_m, sem).wait()
        pltpu.sync_copy(vals_c, concg.at[pl.ds(off, 40)])

        def srow(j, _):
            pltpu.async_copy(vals_e.at[j], ext_acc.at[idx_r.at[j]], sem, add=True)
            pltpu.async_copy(ones_v.at[j], cnt_acc.at[idx_r.at[j]], sem, add=True)
            return 0
        lax.fori_loop(0, 40, srow, 0)
        pltpu.make_async_copy(met2d.at[pl.ds(0, 40)], idx_m, sem).wait()
        pltpu.make_async_copy(met2d.at[pl.ds(0, 40)], idx_m, sem).wait()
        return 0
    lax.fori_loop(0, nk, chunk, 0)
    plsc.subcore_barrier()
    dst = c * NR_PAD + s * RPT
    pltpu.sync_copy(ext_acc.at[pl.ds(s * RPT, RPT)], extp.at[pl.ds(dst, RPT)])
    pltpu.sync_copy(cnt_acc.at[pl.ds(s * RPT, RPT)], cntp.at[pl.ds(dst, RPT)])


def _scatter_msg(msgt_hbm, rxn2d, hp,
                 idx_r, msg_tv, zbuf,
                 a0, a1, a2, a3, a4, a5, a6, a7,
                 a8, a9, a10, a11, a12, a13, a14, a15, sem):
    c = lax.axis_index("c")
    s = lax.axis_index("s")
    wid = c * NS + s
    accs = [a0, a1, a2, a3, a4, a5, a6, a7,
            a8, a9, a10, a11, a12, a13, a14, a15]

    _zero_fill(zbuf, RPT // 16)
    for k in range(16):
        pltpu.sync_copy(zbuf, accs[k].at[pl.ds(s * RPT, RPT)])
    plsc.subcore_barrier()

    base = wid * 200
    nk = 25

    def chunk(kk, _):
        off = base + kk * 8
        pltpu.sync_copy(rxn2d.at[pl.ds(off, 8)], idx_r)
        pltpu.sync_copy(msgt_hbm.at[:, pl.ds(off * 128, 1024)], msg_tv)

        def srow(j, _):
            for k in range(16):
                pltpu.async_copy(msg_tv.at[k, pl.ds(j * 128, 128)],
                                 accs[k].at[idx_r.at[j]], sem, add=True)
            return 0
        lax.fori_loop(0, 8, srow, 0)
        pltpu.make_async_copy(msgt_hbm.at[:, pl.ds(0, 1024)], msg_tv, sem).wait()
        return 0
    lax.fori_loop(0, nk, chunk, 0)
    plsc.subcore_barrier()
    for k in range(16):
        pltpu.sync_copy(accs[k].at[pl.ds(s * RPT, RPT)],
                        hp.at[k, pl.ds(c * NR_PAD + s * RPT, RPT)])


def _scatter_flux(v_hbm, rxn2d, met2d, sto2d, dxp,
                  idx_r, idx_m, sto_v, val_v, zbuf, v_sh, dx_acc, sem):
    c = lax.axis_index("c")
    s = lax.axis_index("s")
    wid = c * NS + s

    _zero_fill(zbuf, RPT // 16)
    pltpu.sync_copy(zbuf, dx_acc.at[pl.ds(s * RPT, RPT)])
    pltpu.sync_copy(v_hbm.at[pl.ds(s * RPT, RPT)], v_sh.at[pl.ds(s * RPT, RPT)])
    plsc.subcore_barrier()

    base = wid * 400
    nk = 10

    def chunk(k, _):
        off = base + k * 40
        pltpu.sync_copy(rxn2d.at[pl.ds(off, 40)], idx_r)
        pltpu.sync_copy(met2d.at[pl.ds(off, 40)], idx_m)
        pltpu.sync_copy(sto2d.at[pl.ds(off, 40)], sto_v)

        def grow(j, _):
            pltpu.async_copy(v_sh.at[idx_r.at[j]], val_v.at[j], sem)
            return 0
        lax.fori_loop(0, 40, grow, 0)
        pltpu.make_async_copy(sto2d.at[pl.ds(0, 40)], val_v, sem).wait()

        def fmul(i, _):
            r = i // 8
            l = (i % 8) * 16
            val_v[r, pl.ds(l, 16)] = val_v[r, pl.ds(l, 16)] * sto_v[r, pl.ds(l, 16)]
            return 0
        lax.fori_loop(0, 320, fmul, 0)

        def srow(j, _):
            pltpu.async_copy(val_v.at[j], dx_acc.at[idx_m.at[j]], sem, add=True)
            return 0
        lax.fori_loop(0, 40, srow, 0)
        pltpu.make_async_copy(sto2d.at[pl.ds(0, 40)], val_v, sem).wait()
        return 0
    lax.fori_loop(0, nk, chunk, 0)
    plsc.subcore_barrier()
    pltpu.sync_copy(dx_acc.at[pl.ds(s * RPT, RPT)],
                    dxp.at[pl.ds(c * NM_PAD + s * RPT, RPT)])


def _msg_mlp_block(c_ref, s_ref, wc_ref, ws_ref, b1c_ref, W2_ref, out_ref):
    cr = c_ref[...]
    sr = s_ref[...]
    ones = jnp.ones(cr.shape, _f32)
    z = (jax.lax.dot_general(wc_ref[...], cr, (((1,), (0,)), ((), ())),
                             preferred_element_type=_f32)
         + jax.lax.dot_general(ws_ref[...], sr, (((1,), (0,)), ((), ())),
                               preferred_element_type=_f32)
         + jax.lax.dot_general(b1c_ref[...], ones, (((1,), (0,)), ((), ())),
                               preferred_element_type=_f32))
    h = jnp.tanh(z)
    out_ref[...] = jax.lax.dot_general(W2_ref[...], h, (((1,), (0,)), ((), ())),
                                       preferred_element_type=_f32)


def _rate_block(h0_ref, h1_ref, ee_ref, nn_ref, lk_ref,
                b2c_ref, V1a_ref, V2_ref, c2_ref, v_ref):
    ee = ee_ref[...]
    nn = nn_ref[...]
    n = nn[0:1, :] + nn[1:2, :]
    h = (h0_ref[...] + h1_ref[...]
         + jax.lax.dot_general(b2c_ref[...], n, (((1,), (0,)), ((), ())),
                               preferred_element_type=_f32))
    ones = jnp.ones(n.shape, _f32)
    h_aug = jnp.concatenate([h, ones], axis=0)
    t = jnp.tanh(jax.lax.dot_general(V1a_ref[...], h_aug, (((1,), (0,)), ((), ())),
                                     preferred_element_type=_f32))
    r = jax.lax.dot_general(V2_ref[...], t, (((1,), (0,)), ((), ())),
                            preferred_element_type=_f32) + c2_ref[0, 0]
    base_v = jax.nn.softplus(r)
    ext_mean = (ee[0:1, :] + ee[1:2, :]) / jnp.maximum(n, 1.0)
    k = jnp.exp(lk_ref[...] * jnp.log(10.0).astype(_f32))
    v_ref[...] = k * ext_mean * base_v


def _add_block(p_ref, o_ref):
    p = p_ref[...]
    o_ref[...] = p[0:1, :] + p[1:2, :]


def kernel(x, met_sub, rxn_sub, sto_sub, met_all, rxn_all, sto_all,
           W1, b1, W2, b2, V1, c1, V2, c2, log_k):
    conc = jnp.concatenate([x[:, 3], jnp.zeros((NR_PAD - N_MET,), _f32)])
    ext = jnp.concatenate([x[:, 4], jnp.zeros((NR_PAD - N_MET,), _f32)])

    ps = ES_PAD - E_SUB
    met2d_s = jnp.concatenate([met_sub, jnp.zeros((ps,), jnp.int32)]).reshape(ES_ROWS, 128)
    rxn2d_s = jnp.concatenate([rxn_sub, jnp.full((ps,), N_RXN, jnp.int32)]).reshape(ES_ROWS, 128)
    sto_s = jnp.concatenate([sto_sub, jnp.zeros((ps,), _f32)])
    pa = EA_PAD - E_ALL
    rxn2d_a = jnp.concatenate([rxn_all, jnp.zeros((pa,), jnp.int32)]).reshape(EA_ROWS, 128)
    met2d_a = jnp.concatenate([met_all, jnp.full((pa,), N_MET, jnp.int32)]).reshape(EA_ROWS, 128)
    sto2d_a = jnp.concatenate([sto_all, jnp.zeros((pa,), _f32)]).reshape(EA_ROWS, 128)
    lk_pad = jnp.concatenate([log_k, jnp.zeros((NR_PAD - N_RXN,), _f32)])

    kernel_a = pl.kernel(
        _gather_scatter_sub,
        out_type=(jax.ShapeDtypeStruct((ES_ROWS, 128), _f32),
                  jax.ShapeDtypeStruct((NC * NR_PAD,), _f32),
                  jax.ShapeDtypeStruct((NC * NR_PAD,), _f32)),
        mesh=_MESH,
        scratch_types=[
            pltpu.VMEM((40, 128), jnp.int32),
            pltpu.VMEM((40, 128), jnp.int32),
            pltpu.VMEM((40, 128), _f32),
            pltpu.VMEM((40, 128), _f32),
            pltpu.VMEM((40, 128), _f32),
            pltpu.VMEM((RPT,), _f32),
            pltpu.VMEM_SHARED((NR_PAD,), _f32),
            pltpu.VMEM_SHARED((NR_PAD,), _f32),
            pltpu.VMEM_SHARED((NR_PAD,), _f32),
            pltpu.VMEM_SHARED((NR_PAD,), _f32),
            pltpu.SemaphoreType.DMA,
        ],
    )
    concg2d, extp, cntp = kernel_a(conc, ext, met2d_s, rxn2d_s)
    concg = concg2d.reshape(ES_PAD)

    BE = 16384
    msg_t = pl.pallas_call(
        _msg_mlp_block,
        grid=(ES_PAD // BE,),
        in_specs=[
            pl.BlockSpec((1, BE), lambda i: (0, i)),
            pl.BlockSpec((1, BE), lambda i: (0, i)),
            pl.BlockSpec((32, 1), lambda i: (0, 0)),
            pl.BlockSpec((32, 1), lambda i: (0, 0)),
            pl.BlockSpec((32, 1), lambda i: (0, 0)),
            pl.BlockSpec((16, 32), lambda i: (0, 0)),
        ],
        out_specs=pl.BlockSpec((16, BE), lambda i: (0, i)),
        out_shape=jax.ShapeDtypeStruct((16, ES_PAD), _f32),
    )(concg[None, :], sto_s[None, :], W1[:, 0:1], W1[:, 1:2], b1[:, None], W2)

    kernel_c = pl.kernel(
        _scatter_msg,
        out_type=jax.ShapeDtypeStruct((16, NC * NR_PAD), _f32),
        mesh=_MESH,
        scratch_types=(
            [pltpu.VMEM((8, 128), jnp.int32),
             pltpu.VMEM((16, 1024), _f32),
             pltpu.VMEM((RPT,), _f32)]
            + [pltpu.VMEM_SHARED((NR_PAD,), _f32) for _ in range(16)]
            + [pltpu.SemaphoreType.DMA]
        ),
    )
    hp = kernel_c(msg_t, rxn2d_s)

    V1aug = jnp.concatenate([V1, c1[:, None]], axis=1)
    extp2 = extp.reshape(NC, NR_PAD)
    cntp2 = cntp.reshape(NC, NR_PAD)
    BR = 2048
    v_t = pl.pallas_call(
        _rate_block,
        grid=(NR_PAD // BR,),
        in_specs=[
            pl.BlockSpec((16, BR), lambda i: (0, i)),
            pl.BlockSpec((16, BR), lambda i: (0, i)),
            pl.BlockSpec((2, BR), lambda i: (0, i)),
            pl.BlockSpec((2, BR), lambda i: (0, i)),
            pl.BlockSpec((1, BR), lambda i: (0, i)),
            pl.BlockSpec((16, 1), lambda i: (0, 0)),
            pl.BlockSpec((32, 17), lambda i: (0, 0)),
            pl.BlockSpec((1, 32), lambda i: (0, 0)),
            pl.BlockSpec((1, 1), lambda i: (0, 0)),
        ],
        out_specs=pl.BlockSpec((1, BR), lambda i: (0, i)),
        out_shape=jax.ShapeDtypeStruct((1, NR_PAD), _f32),
    )(hp[:, :NR_PAD], hp[:, NR_PAD:], extp2, cntp2,
      lk_pad[None, :], b2[:, None], V1aug, V2, c2[:, None])

    kernel_e = pl.kernel(
        _scatter_flux,
        out_type=jax.ShapeDtypeStruct((NC * NM_PAD,), _f32),
        mesh=_MESH,
        scratch_types=[
            pltpu.VMEM((40, 128), jnp.int32),
            pltpu.VMEM((40, 128), jnp.int32),
            pltpu.VMEM((40, 128), _f32),
            pltpu.VMEM((40, 128), _f32),
            pltpu.VMEM((RPT,), _f32),
            pltpu.VMEM_SHARED((NR_PAD,), _f32),
            pltpu.VMEM_SHARED((NM_PAD,), _f32),
            pltpu.SemaphoreType.DMA,
        ],
    )
    dxp = kernel_e(v_t.reshape(NR_PAD), rxn2d_a, met2d_a, sto2d_a)

    BN = 2048
    dx = pl.pallas_call(
        _add_block,
        grid=(NM_PAD // BN,),
        in_specs=[pl.BlockSpec((2, BN), lambda i: (0, i))],
        out_specs=pl.BlockSpec((1, BN), lambda i: (0, i)),
        out_shape=jax.ShapeDtypeStruct((1, NM_PAD), _f32),
    )(dxp.reshape(NC, NM_PAD))

    return dx.reshape(NM_PAD)[:N_MET, None]

# --- scband reference (transcript-rebuilt; emitter-appended) ---
"""Pipeline reference for scband-pde-m2-72911364817679 (READ-ONLY COPY).

The authoritative reference and input builder live on the scoring server;
editing this copy changes nothing except your own understanding.
"""

import jax, jax.numpy as jnp
import numpy as np

N_MET = 100000
N_RXN = 100000
E_SUB = 800000
E_ALL = 1600000
HIDDEN = 32
MSG_DIM = 16


def setup_inputs(seed: int = 0) -> dict:
    key = jax.random.key(seed)
    ks = jax.random.split(key, 16)
    # node features: x[:,3]=concentration (positive), x[:,4]=external_input
    x = jax.random.uniform(ks[0], (N_MET, 8), dtype=jnp.float32)
    # stoich_graph['sub'] : substrate (reactant) edges
    met_sub = jax.random.randint(ks[1], (E_SUB,), 0, N_MET, dtype=jnp.int32)
    rxn_sub = jax.random.randint(ks[2], (E_SUB,), 0, N_RXN, dtype=jnp.int32)
    sto_sub = jax.random.uniform(ks[3], (E_SUB,), dtype=jnp.float32) * 2.0 + 0.5  # |stoich| of substrates
    # stoich_graph['all'] : all edges with signed stoichiometry
    met_all = jax.random.randint(ks[4], (E_ALL,), 0, N_MET, dtype=jnp.int32)
    rxn_all = jax.random.randint(ks[5], (E_ALL,), 0, N_RXN, dtype=jnp.int32)
    sto_all = jax.random.normal(ks[6], (E_ALL,), dtype=jnp.float32)
    # msg_mlp: Linear(2->HIDDEN), Tanh, Linear(HIDDEN->MSG_DIM)
    W1 = jax.random.normal(ks[7], (HIDDEN, 2), dtype=jnp.float32) * (1.0 / np.sqrt(2.0))
    b1 = jnp.zeros((HIDDEN,), jnp.float32)
    W2 = jax.random.normal(ks[8], (MSG_DIM, HIDDEN), dtype=jnp.float32) * (1.0 / np.sqrt(HIDDEN))
    b2 = jnp.zeros((MSG_DIM,), jnp.float32)
    # rate_mlp: Linear(MSG_DIM->HIDDEN), Tanh, Linear(HIDDEN->1)
    V1 = jax.random.normal(ks[9], (HIDDEN, MSG_DIM), dtype=jnp.float32) * (1.0 / np.sqrt(MSG_DIM))
    c1 = jnp.zeros((HIDDEN,), jnp.float32)
    V2 = jax.random.normal(ks[10], (1, HIDDEN), dtype=jnp.float32) * (1.0 / np.sqrt(HIDDEN))
    c2 = jnp.zeros((1,), jnp.float32)
    log_k = jax.random.uniform(ks[11], (N_RXN,), dtype=jnp.float32, minval=-2.0, maxval=1.0)
    return {
        'x': x,
        'met_sub': met_sub, 'rxn_sub': rxn_sub, 'sto_sub': sto_sub,
        'met_all': met_all, 'rxn_all': rxn_all, 'sto_all': sto_all,
        'W1': W1, 'b1': b1, 'W2': W2, 'b2': b2,
        'V1': V1, 'c1': c1, 'V2': V2, 'c2': c2,
        'log_k': log_k,
    }


def reference(x, met_sub, rxn_sub, sto_sub, met_all, rxn_all, sto_all,
              W1, b1, W2, b2, V1, c1, V2, c2, log_k):
    # PDE_M2.forward with external_input_mode='multiplicative_substrate'
    concentrations = x[:, 3]
    external_input = x[:, 4]
    # per-substrate-edge message input: [conc_at_src, |stoich|]
    x_src = jnp.take(concentrations, met_sub)[:, None]
    s_abs = sto_sub[:, None]
    msg_in = jnp.concatenate([x_src, s_abs], axis=-1)
    # msg_mlp
    h = jnp.tanh(msg_in @ W1.T + b1)
    msg = h @ W2.T + b2
    # aggregate messages per reaction (index_add_)
    h_rxn = jax.ops.segment_sum(msg, rxn_sub, num_segments=N_RXN)
    # rate constants and base rates
    k = jnp.power(10.0, log_k)
    r = jnp.tanh(h_rxn @ V1.T + c1) @ V2.T + c2
    base_v = jax.nn.softplus(r[:, 0])
    # multiplicative_substrate modulation: mean external input over substrates
    ext_src = jnp.take(external_input, met_sub)
    ext_agg = jax.ops.segment_sum(ext_src, rxn_sub, num_segments=N_RXN)
    n_sub_per_rxn = jnp.clip(
        jax.ops.segment_sum(jnp.ones_like(ext_src), rxn_sub, num_segments=N_RXN), 1.0)
    ext_mean = ext_agg / n_sub_per_rxn
    v = k * ext_mean * base_v
    # dx/dt: scatter signed stoichiometric flux back onto metabolites
    flux = sto_all * jnp.take(v, rxn_all)
    dxdt = jax.ops.segment_sum(flux, met_all, num_segments=N_MET)[:, None]
    return dxdt

if __name__ == "__main__":
    import jax
    _d = setup_inputs()
    print(jax.jit(kernel)(*tuple(_d.values())))

</pallas_src>

<mosaic_0001>
#map = affine_map<(d0, d1) -> (0)>
#map1 = affine_map<(d0, d1) -> (0, 0)>
module attributes {stable_mosaic.version = 14 : i64} {
  func.func @_gather_scatter_sub(%arg0: i32, %arg1: i32, %arg2: memref<100352xf32, #tpu.memory_space<hbm>>, %arg3: memref<100352xf32, #tpu.memory_space<hbm>>, %arg4: memref<6400x128xi32, #tpu.memory_space<hbm>>, %arg5: memref<6400x128xi32, #tpu.memory_space<hbm>>, %arg6: memref<6400x128xf32, #tpu.memory_space<hbm>>, %arg7: memref<200704xf32, #tpu.memory_space<hbm>>, %arg8: memref<200704xf32, #tpu.memory_space<hbm>>, %arg9: memref<40x128xi32, #tpu.memory_space<vmem>>, %arg10: memref<40x128xi32, #tpu.memory_space<vmem>>, %arg11: memref<40x128xf32, #tpu.memory_space<vmem>>, %arg12: memref<40x128xf32, #tpu.memory_space<vmem>>, %arg13: memref<40x128xf32, #tpu.memory_space<vmem>>, %arg14: memref<6272xf32, #tpu.memory_space<vmem>>, %arg15: memref<100352xf32, #tpu.memory_space<vmem_shared>>, %arg16: memref<100352xf32, #tpu.memory_space<vmem_shared>>, %arg17: memref<100352xf32, #tpu.memory_space<vmem_shared>>, %arg18: memref<100352xf32, #tpu.memory_space<vmem_shared>>, %arg19: memref<!tpu.dma_semaphore, #tpu.memory_space<semaphore_mem>>) attributes {dimension_semantics = [#tpu.dimension_semantics<core_parallel>, #tpu.dimension_semantics<subcore_parallel>], iteration_bounds = array<i64: 2, 16>, scalar_prefetch = 0 : i64, scratch_operands = 11 : i64, tpu.core_type = #tpu.core_type<sc_vector_subcore>, window_params = [{transform_indices = #map}, {transform_indices = #map}, {transform_indices = #map1}, {transform_indices = #map1}, {transform_indices = #map1}, {transform_indices = #map}, {transform_indices = #map}]} {
    %mul3A = arith.constant 16 : i32
    %mul3A_0 = arith.muli %arg0, %mul3A : i32
    %add3A = arith.addi %mul3A_0, %arg1 : i32
    %scan3A = arith.constant 0 : i32
    %scan3A_1 = arith.constant 0 : i32
    %scan3A_2 = arith.constant 320 : i32
    %scan3A_3 = arith.addi %scan3A_1, %scan3A_2 : i32
    %scan3A_4 = arith.constant 1 : i32
    %scan3A_5 = scf.for %scan3A_45 = %scan3A_1 to %scan3A_3 step %scan3A_4 iter_args(%scan3A_46 = %scan3A) -> (i32)  : i32 {
      %broadcast_in_dim3A = arith.constant 1.000000e+00 : f32
      %broadcast_in_dim3A_47 = vector.broadcast %broadcast_in_dim3A : f32 to vector<16xf32>
      %jit3A = arith.constant 8 : i32
      %div3A = arith.divsi %scan3A_45, %jit3A : i32
      %sign3A = arith.constant 0 : i32
      %sign3A_48 = arith.cmpi sgt, %scan3A_45, %sign3A : i32
      %sign3A_49 = arith.extui %sign3A_48 : i1 to i32
      %sign3A_50 = arith.constant 0 : i32
      %sign3A_51 = arith.cmpi slt, %scan3A_45, %sign3A_50 : i32
      %sign3A_52 = arith.extui %sign3A_51 : i1 to i32
      %sign3A_53 = arith.subi %sign3A_49, %sign3A_52 : i32
      %sign3A_54 = arith.constant 0 : i32
      %sign3A_55 = arith.cmpi sgt, %jit3A, %sign3A_54 : i32
      %sign3A_56 = arith.extui %sign3A_55 : i1 to i32
      %sign3A_57 = arith.constant 0 : i32
      %sign3A_58 = arith.cmpi slt, %jit3A, %sign3A_57 : i32
      %sign3A_59 = arith.extui %sign3A_58 : i1 to i32
      %sign3A_60 = arith.subi %sign3A_56, %sign3A_59 : i32
      %ne3A = arith.cmpi ne, %sign3A_53, %sign3A_60 : i32
      %rem3A = arith.remsi %scan3A_45, %jit3A : i32
      %ne3A_61 = arith.constant 0 : i32
      %ne3A_62 = arith.cmpi ne, %rem3A, %ne3A_61 : i32
      %and3A = arith.andi %ne3A, %ne3A_62 : i1
      %sub3A = arith.constant 1 : i32
      %sub3A_63 = arith.subi %div3A, %sub3A : i32
      %select_n3A = arith.select %and3A, %sub3A_63, %div3A : i32
      %jit3A_64 = arith.constant 8 : i32
      %eq3A = arith.constant 0 : i32
      %eq3A_65 = arith.cmpi eq, %jit3A_64, %eq3A : i32
      %jit3A_66 = arith.constant 1 : i32
      %select_n3A_67 = arith.select %eq3A_65, %jit3A_66, %jit3A_64 : i32
      %rem3A_68 = arith.remsi %scan3A_45, %select_n3A_67 : i32
      %ne3A_69 = arith.constant 0 : i32
      %ne3A_70 = arith.cmpi ne, %rem3A_68, %ne3A_69 : i32
      %lt3A = arith.constant 0 : i32
      %lt3A_71 = arith.cmpi slt, %rem3A_68, %lt3A : i32
      %lt3A_72 = arith.constant 0 : i32
      %lt3A_73 = arith.cmpi slt, %select_n3A_67, %lt3A_72 : i32
      %ne3A_74 = arith.xori %lt3A_71, %lt3A_73 : i1
      %and3A_75 = arith.andi %ne3A_74, %ne3A_70 : i1
      %add3A_76 = arith.addi %rem3A_68, %select_n3A_67 : i32
      %select_n3A_77 = arith.select %and3A_75, %add3A_76, %rem3A_68 : i32
      %mul3A_78 = arith.constant 16 : i32
      %mul3A_79 = arith.muli %select_n3A_77, %mul3A_78 : i32
      %swap3A = arith.index_cast %select_n3A : i32 to index
      %swap3A_80 = arith.index_cast %mul3A_79 : i32 to index
      %swap3A_81 = tpu.vector_load %arg13[%swap3A, %swap3A_80] {strides = array<i32>} : memref<40x128xf32, #tpu.memory_space<vmem>>, vector<1x16xf32>,
      %swap3A_82 = vector.shape_cast %swap3A_81 : vector<1x16xf32> to vector<16xf32>
      %swap3A_83 = vector.shape_cast %broadcast_in_dim3A_47 : vector<16xf32> to vector<1x16xf32>
      tpu.vector_store %arg13[%swap3A, %swap3A_80], %swap3A_83 {strides = array<i32>} : memref<40x128xf32, #tpu.memory_space<vmem>>, vector<1x16xf32>,
      %scan3A_84 = arith.constant 0 : i32
      scf.yield %scan3A_84 : i32
    }
    %scan3A_6 = arith.constant 320 : i32
    %scan3A_7 = arith.constant 0 : i32
    %scan3A_8 = arith.constant 0 : i32
    %scan3A_9 = arith.constant 392 : i32
    %scan3A_10 = arith.addi %scan3A_8, %scan3A_9 : i32
    %scan3A_11 = arith.constant 1 : i32
    %scan3A_12 = scf.for %scan3A_45 = %scan3A_8 to %scan3A_10 step %scan3A_11 iter_args(%scan3A_46 = %scan3A_7) -> (i32)  : i32 {
      %broadcast_in_dim3A = arith.constant 0.000000e+00 : f32
      %broadcast_in_dim3A_47 = vector.broadcast %broadcast_in_dim3A : f32 to vector<16xf32>
      %mul3A_48 = arith.constant 16 : i32
      %mul3A_49 = arith.muli %scan3A_45, %mul3A_48 : i32
      %swap3A = arith.index_cast %mul3A_49 : i32 to index
      %swap3A_50 = tpu.vector_load %arg14[%swap3A] {strides = array<i32>} : memref<6272xf32, #tpu.memory_space<vmem>>, vector<16xf32>,
      %swap3A_51 = vector.shape_cast %swap3A_50 : vector<16xf32> to vector<16xf32>
      %swap3A_52 = vector.shape_cast %broadcast_in_dim3A_47 : vector<16xf32> to vector<16xf32>
      tpu.vector_store %arg14[%swap3A], %swap3A_52 {strides = array<i32>} : memref<6272xf32, #tpu.memory_space<vmem>>, vector<16xf32>,
      %scan3A_53 = arith.constant 0 : i32
      scf.yield %scan3A_53 : i32
    }
    %scan3A_13 = arith.constant 392 : i32
    %mul3A_14 = arith.constant 6272 : i32
    %mul3A_15 = arith.muli %arg1, %mul3A_14 : i32
    "tpu.region"() ({
      %run_scoped3A = tpu.sem_alloc : memref<!tpu.dma_semaphore, #tpu.memory_space<semaphore_mem>>
      %dma_start3A = tpu.memref_slice %arg17[%mul3A_15] : memref<100352xf32, #tpu.memory_space<vmem_shared>> -> memref<6272xf32, #tpu.memory_space<vmem_shared>>
      %dma_start3A_45 = tpu.memref_slice %arg17[%mul3A_15] : memref<100352xf32, #tpu.memory_space<vmem_shared>> -> memref<6272xf32, #tpu.memory_space<vmem_shared>>
      tpu.enqueue_dma source(%arg14 : memref<6272xf32, #tpu.memory_space<vmem>>) target(%dma_start3A_45 : memref<6272xf32, #tpu.memory_space<vmem_shared>>) target_semaphore(%run_scoped3A : memref<!tpu.dma_semaphore, #tpu.memory_space<semaphore_mem>>)
      %dma_wait3A = tpu.memref_slice %arg17[%mul3A_15] : memref<100352xf32, #tpu.memory_space<vmem_shared>> -> memref<6272xf32, #tpu.memory_space<vmem_shared>>
      %dma_wait3A_46 = tpu.memref_slice %arg17[%mul3A_15] : memref<100352xf32, #tpu.memory_space<vmem_shared>> -> memref<6272xf32, #tpu.memory_space<vmem_shared>>
      tpu.wait_dma2 semaphore(%run_scoped3A : memref<!tpu.dma_semaphore, #tpu.memory_space<semaphore_mem>>) src(%arg14 : memref<6272xf32, #tpu.memory_space<vmem>>) dst(%dma_wait3A_46 : memref<6272xf32, #tpu.memory_space<vmem_shared>>)
      tpu.yield
    }) : () -> ()
    %mul3A_16 = arith.constant 6272 : i32
    %mul3A_17 = arith.muli %arg1, %mul3A_16 : i32
    "tpu.region"() ({
      %run_scoped3A = tpu.sem_alloc : memref<!tpu.dma_semaphore, #tpu.memory_space<semaphore_mem>>
      %dma_start3A = tpu.memref_slice %arg18[%mul3A_17] : memref<100352xf32, #tpu.memory_space<vmem_shared>> -> memref<6272xf32, #tpu.memory_space<vmem_shared>>
      %dma_start3A_45 = tpu.memref_slice %arg18[%mul3A_17] : memref<100352xf32, #tpu.memory_space<vmem_shared>> -> memref<6272xf32, #tpu.memory_space<vmem_shared>>
      tpu.enqueue_dma source(%arg14 : memref<6272xf32, #tpu.memory_space<vmem>>) target(%dma_start3A_45 : memref<6272xf32, #tpu.memory_space<vmem_shared>>) target_semaphore(%run_scoped3A : memref<!tpu.dma_semaphore, #tpu.memory_space<semaphore_mem>>)
      %dma_wait3A = tpu.memref_slice %arg18[%mul3A_17] : memref<100352xf32, #tpu.memory_space<vmem_shared>> -> memref<6272xf32, #tpu.memory_space<vmem_shared>>
      %dma_wait3A_46 = tpu.memref_slice %arg18[%mul3A_17] : memref<100352xf32, #tpu.memory_space<vmem_shared>> -> memref<6272xf32, #tpu.memory_space<vmem_shared>>
      tpu.wait_dma2 semaphore(%run_scoped3A : memref<!tpu.dma_semaphore, #tpu.memory_space<semaphore_mem>>) src(%arg14 : memref<6272xf32, #tpu.memory_space<vmem>>) dst(%dma_wait3A_46 : memref<6272xf32, #tpu.memory_space<vmem_shared>>)
      tpu.yield
    }) : () -> ()
    %mul3A_18 = arith.constant 6272 : i32
    %mul3A_19 = arith.muli %arg1, %mul3A_18 : i32
    %mul3A_20 = arith.constant 6272 : i32
    %mul3A_21 = arith.muli %arg1, %mul3A_20 : i32
    "tpu.region"() ({
      %run_scoped3A = tpu.sem_alloc : memref<!tpu.dma_semaphore, #tpu.memory_space<semaphore_mem>>
      %dma_start3A = tpu.memref_slice %arg15[%mul3A_21] : memref<100352xf32, #tpu.memory_space<vmem_shared>> -> memref<6272xf32, #tpu.memory_space<vmem_shared>>
      %dma_start3A_45 = tpu.memref_slice %arg2[%mul3A_19] : memref<100352xf32, #tpu.memory_space<hbm>> -> memref<6272xf32, #tpu.memory_space<hbm>>
      tpu.enqueue_dma source(%dma_start3A_45 : memref<6272xf32, #tpu.memory_space<hbm>>) target(%dma_start3A : memref<6272xf32, #tpu.memory_space<vmem_shared>>) target_semaphore(%run_scoped3A : memref<!tpu.dma_semaphore, #tpu.memory_space<semaphore_mem>>)
      %dma_wait3A = tpu.memref_slice %arg15[%mul3A_21] : memref<100352xf32, #tpu.memory_space<vmem_shared>> -> memref<6272xf32, #tpu.memory_space<vmem_shared>>
      %dma_wait3A_46 = tpu.memref_slice %arg2[%mul3A_19] : memref<100352xf32, #tpu.memory_space<hbm>> -> memref<6272xf32, #tpu.memory_space<hbm>>
      tpu.wait_dma2 semaphore(%run_scoped3A : memref<!tpu.dma_semaphore, #tpu.memory_space<semaphore_mem>>) src(%dma_wait3A_46 : memref<6272xf32, #tpu.memory_space<hbm>>) dst(%dma_wait3A : memref<6272xf32, #tpu.memory_space<vmem_shared>>)
      tpu.yield
    }) : () -> ()
    %mul3A_22 = arith.constant 6272 : i32
    %mul3A_23 = arith.muli %arg1, %mul3A_22 : i32
    %mul3A_24 = arith.constant 6272 : i32
    %mul3A_25 = arith.muli %arg1, %mul3A_24 : i32
    "tpu.region"() ({
      %run_scoped3A = tpu.sem_alloc : memref<!tpu.dma_semaphore, #tpu.memory_space<semaphore_mem>>
      %dma_start3A = tpu.memref_slice %arg16[%mul3A_25] : memref<100352xf32, #tpu.memory_space<vmem_shared>> -> memref<6272xf32, #tpu.memory_space<vmem_shared>>
      %dma_start3A_45 = tpu.memref_slice %arg3[%mul3A_23] : memref<100352xf32, #tpu.memory_space<hbm>> -> memref<6272xf32, #tpu.memory_space<hbm>>
      tpu.enqueue_dma source(%dma_start3A_45 : memref<6272xf32, #tpu.memory_space<hbm>>) target(%dma_start3A : memref<6272xf32, #tpu.memory_space<vmem_shared>>) target_semaphore(%run_scoped3A : memref<!tpu.dma_semaphore, #tpu.memory_space<semaphore_mem>>)
      %dma_wait3A = tpu.memref_slice %arg16[%mul3A_25] : memref<100352xf32, #tpu.memory_space<vmem_shared>> -> memref<6272xf32, #tpu.memory_space<vmem_shared>>
      %dma_wait3A_46 = tpu.memref_slice %arg3[%mul3A_23] : memref<100352xf32, #tpu.memory_space<hbm>> -> memref<6272xf32, #tpu.memory_space<hbm>>
      tpu.wait_dma2 semaphore(%run_scoped3A : memref<!tpu.dma_semaphore, #tpu.memory_space<semaphore_mem>>) src(%dma_wait3A_46 : memref<6272xf32, #tpu.memory_space<hbm>>) dst(%dma_wait3A : memref<6272xf32, #tpu.memory_space<vmem_shared>>)
      tpu.yield
    }) : () -> ()
    %barrier3A = arith.constant 0 : index
    tpu.barrier barrier_id(%barrier3A)
    %mul3A_26 = arith.constant 200 : i32
    %mul3A_27 = arith.muli %add3A, %mul3A_26 : i32
    %scan3A_28 = arith.constant 0 : i32
    %scan3A_29 = arith.constant 0 : i32
    %scan3A_30 = arith.constant 5 : i32
    %scan3A_31 = arith.addi %scan3A_29, %scan3A_30 : i32
    %scan3A_32 = arith.constant 1 : i32
    %scan3A_33 = scf.for %scan3A_45 = %scan3A_29 to %scan3A_31 step %scan3A_32 iter_args(%scan3A_46 = %scan3A_28) -> (i32)  : i32 {
      %mul3A_47 = arith.constant 40 : i32
      %mul3A_48 = arith.muli %scan3A_45, %mul3A_47 : i32
      %add3A_49 = arith.addi %mul3A_27, %mul3A_48 : i32
      "tpu.region"() ({
        %run_scoped3A = tpu.sem_alloc : memref<!tpu.dma_semaphore, #tpu.memory_space<semaphore_mem>>
        %dma_start3A = arith.constant 0 : i32
        %dma_start3A_88 = tpu.memref_slice %arg4[%add3A_49, %dma_start3A] : memref<6400x128xi32, #tpu.memory_space<hbm>> -> memref<40x128xi32, #tpu.memory_space<hbm>>
        %dma_start3A_89 = arith.constant 0 : i32
        %dma_start3A_90 = tpu.memref_slice %arg4[%add3A_49, %dma_start3A_89] : memref<6400x128xi32, #tpu.memory_space<hbm>> -> memref<40x128xi32, #tpu.memory_space<hbm>>
        tpu.enqueue_dma source(%dma_start3A_90 : memref<40x128xi32, #tpu.memory_space<hbm>>) target(%arg9 : memref<40x128xi32, #tpu.memory_space<vmem>>) target_semaphore(%run_scoped3A : memref<!tpu.dma_semaphore, #tpu.memory_space<semaphore_mem>>)
        %dma_wait3A_91 = arith.constant 0 : i32
        %dma_wait3A_92 = tpu.memref_slice %arg4[%add3A_49, %dma_wait3A_91] : memref<6400x128xi32, #tpu.memory_space<hbm>> -> memref<40x128xi32, #tpu.memory_space<hbm>>
        %dma_wait3A_93 = arith.constant 0 : i32
        %dma_wait3A_94 = tpu.memref_slice %arg4[%add3A_49, %dma_wait3A_93] : memref<6400x128xi32, #tpu.memory_space<hbm>> -> memref<40x128xi32, #tpu.memory_space<hbm>>
        tpu.wait_dma2 semaphore(%run_scoped3A : memref<!tpu.dma_semaphore, #tpu.memory_space<semaphore_mem>>) src(%dma_wait3A_94 : memref<40x128xi32, #tpu.memory_space<hbm>>) dst(%arg9 : memref<40x128xi32, #tpu.memory_space<vmem>>)
        tpu.yield
      }) : () -> ()
      "tpu.region"() ({
        %run_scoped3A = tpu.sem_alloc : memref<!tpu.dma_semaphore, #tpu.memory_space<semaphore_mem>>
        %dma_start3A = arith.constant 0 : i32
        %dma_start3A_88 = tpu.memref_slice %arg5[%add3A_49, %dma_start3A] : memref<6400x128xi32, #tpu.memory_space<hbm>> -> memref<40x128xi32, #tpu.memory_space<hbm>>
        %dma_start3A_89 = arith.constant 0 : i32
        %dma_start3A_90 = tpu.memref_slice %arg5[%add3A_49, %dma_start3A_89] : memref<6400x128xi32, #tpu.memory_space<hbm>> -> memref<40x128xi32, #tpu.memory_space<hbm>>
        tpu.enqueue_dma source(%dma_start3A_90 : memref<40x128xi32, #tpu.memory_space<hbm>>) target(%arg10 : memref<40x128xi32, #tpu.memory_space<vmem>>) target_semaphore(%run_scoped3A : memref<!tpu.dma_semaphore, #tpu.memory_space<semaphore_mem>>)
        %dma_wait3A_91 = arith.constant 0 : i32
        %dma_wait3A_92 = tpu.memref_slice %arg5[%add3A_49, %dma_wait3A_91] : memref<6400x128xi32, #tpu.memory_space<hbm>> -> memref<40x128xi32, #tpu.memory_space<hbm>>
        %dma_wait3A_93 = arith.constant 0 : i32
        %dma_wait3A_94 = tpu.memref_slice %arg5[%add3A_49, %dma_wait3A_93] : memref<6400x128xi32, #tpu.memory_space<hbm>> -> memref<40x128xi32, #tpu.memory_space<hbm>>
        tpu.wait_dma2 semaphore(%run_scoped3A : memref<!tpu.dma_semaphore, #tpu.memory_space<semaphore_mem>>) src(%dma_wait3A_94 : memref<40x128xi32, #tpu.memory_space<hbm>>) dst(%arg10 : memref<40x128xi32, #tpu.memory_space<vmem>>)
        tpu.yield
      }) : () -> ()
      %scan3A_50 = arith.constant 0 : i32
      %scan3A_51 = arith.constant 0 : i32
      %scan3A_52 = arith.constant 40 : i32
      %scan3A_53 = arith.addi %scan3A_51, %scan3A_52 : i32
      %scan3A_54 = arith.constant 1 : i32
      %scan3A_55 = scf.for %scan3A_88 = %scan3A_51 to %scan3A_53 step %scan3A_54 iter_args(%scan3A_89 = %scan3A_50) -> (i32)  : i32 {
        %dma_start3A = arith.constant 0 : i32
        %dma_start3A_90 = tpu.memref_slice %arg11[%scan3A_88, %dma_start3A] : memref<40x128xf32, #tpu.memory_space<vmem>> -> memref<1x128xf32, #tpu.memory_space<vmem>>
        %dma_start3A_91 = tpu.memref_squeeze %dma_start3A_90 : memref<1x128xf32, #tpu.memory_space<vmem>> -> memref<128xf32, #tpu.memory_space<vmem>>
        %dma_start3A_92 = arith.constant 0 : i32
        %dma_start3A_93 = tpu.memref_slice %arg9[%scan3A_88, %dma_start3A_92] : memref<40x128xi32, #tpu.memory_space<vmem>> -> memref<1x128xi32, #tpu.memory_space<vmem>>
        %dma_start3A_94 = tpu.memref_squeeze %dma_start3A_93 : memref<1x128xi32, #tpu.memory_space<vmem>> -> memref<128xi32, #tpu.memory_space<vmem>>
        %dma_start3A_95 = arith.constant 0 : i32
        %dma_start3A_96 = tpu.memref_slice %arg15[%dma_start3A_95] : memref<100352xf32, #tpu.memory_space<vmem_shared>> -> memref<100352xf32, #tpu.memory_space<vmem_shared>>
        tpu.enqueue_indirect_dma source(%dma_start3A_96 : memref<100352xf32, #tpu.memory_space<vmem_shared>>) target(%dma_start3A_91 : memref<128xf32, #tpu.memory_space<vmem>>) offsets(%dma_start3A_94 : memref<128xi32, #tpu.memory_space<vmem>>) semaphore(%arg19 : memref<!tpu.dma_semaphore, #tpu.memory_space<semaphore_mem>>)
        %dma_start3A_97 = arith.constant 0 : i32
        %dma_start3A_98 = tpu.memref_slice %arg12[%scan3A_88, %dma_start3A_97] : memref<40x128xf32, #tpu.memory_space<vmem>> -> memref<1x128xf32, #tpu.memory_space<vmem>>
        %dma_start3A_99 = tpu.memref_squeeze %dma_start3A_98 : memref<1x128xf32, #tpu.memory_space<vmem>> -> memref<128xf32, #tpu.memory_space<vmem>>
        %dma_start3A_100 = arith.constant 0 : i32
        %dma_start3A_101 = tpu.memref_slice %arg9[%scan3A_88, %dma_start3A_100] : memref<40x128xi32, #tpu.memory_space<vmem>> -> memref<1x128xi32, #tpu.memory_space<vmem>>
        %dma_start3A_102 = tpu.memref_squeeze %dma_start3A_101 : memref<1x128xi32, #tpu.memory_space<vmem>> -> memref<128xi32, #tpu.memory_space<vmem>>
        %dma_start3A_103 = arith.constant 0 : i32
        %dma_start3A_104 = tpu.memref_slice %arg16[%dma_start3A_103] : memref<100352xf32, #tpu.memory_space<vmem_shared>> -> memref<100352xf32, #tpu.memory_space<vmem_shared>>
        tpu.enqueue_indirect_dma source(%dma_start3A_104 : memref<100352xf32, #tpu.memory_space<vmem_shared>>) target(%dma_start3A_99 : memref<128xf32, #tpu.memory_space<vmem>>) offsets(%dma_start3A_102 : memref<128xi32, #tpu.memory_space<vmem>>) semaphore(%arg19 : memref<!tpu.dma_semaphore, #tpu.memory_space<semaphore_mem>>)
        %scan3A_105 = arith.constant 0 : i32
        scf.yield %scan3A_105 : i32
      }
      %scan3A_56 = arith.constant 40 : i32
      %dma_wait3A = arith.constant 0 : i32
      %dma_wait3A_57 = arith.constant 0 : i32
      %dma_wait3A_58 = tpu.memref_slice %arg4[%dma_wait3A, %dma_wait3A_57] : memref<6400x128xi32, #tpu.memory_space<hbm>> -> memref<40x128xi32, #tpu.memory_space<hbm>>
      %dma_wait3A_59 = arith.constant 0 : i32
      %dma_wait3A_60 = arith.constant 0 : i32
      %dma_wait3A_61 = tpu.memref_slice %arg4[%dma_wait3A_59, %dma_wait3A_60] : memref<6400x128xi32, #tpu.memory_space<hbm>> -> memref<40x128xi32, #tpu.memory_space<hbm>>
      tpu.wait_dma2 semaphore(%arg19 : memref<!tpu.dma_semaphore, #tpu.memory_space<semaphore_mem>>) src(%dma_wait3A_61 : memref<40x128xi32, #tpu.memory_space<hbm>>) dst(%arg9 : memref<40x128xi32, #tpu.memory_space<vmem>>)
      %dma_wait3A_62 = arith.constant 0 : i32
      %dma_wait3A_63 = arith.constant 0 : i32
      %dma_wait3A_64 = tpu.memref_slice %arg4[%dma_wait3A_62, %dma_wait3A_63] : memref<6400x128xi32, #tpu.memory_space<hbm>> -> memref<40x128xi32, #tpu.memory_space<hbm>>
      %dma_wait3A_65 = arith.constant 0 : i32
      %dma_wait3A_66 = arith.constant 0 : i32
      %dma_wait3A_67 = tpu.memref_slice %arg4[%dma_wait3A_65, %dma_wait3A_66] : memref<6400x128xi32, #tpu.memory_space<hbm>> -> memref<40x128xi32, #tpu.memory_space<hbm>>
      tpu.wait_dma2 semaphore(%arg19 : memref<!tpu.dma_semaphore, #tpu.memory_space<semaphore_mem>>) src(%dma_wait3A_67 : memref<40x128xi32, #tpu.memory_space<hbm>>) dst(%arg9 : memref<40x128xi32, #tpu.memory_space<vmem>>)
      "tpu.region"() ({
        %run_scoped3A = tpu.sem_alloc : memref<!tpu.dma_semaphore, #tpu.memory_space<semaphore_mem>>
        %dma_start3A = arith.constant 0 : i32
        %dma_start3A_88 = tpu.memref_slice %arg6[%add3A_49, %dma_start3A] : memref<6400x128xf32, #tpu.memory_space<hbm>> -> memref<40x128xf32, #tpu.memory_space<hbm>>
        %dma_start3A_89 = arith.constant 0 : i32
        %dma_start3A_90 = tpu.memref_slice %arg6[%add3A_49, %dma_start3A_89] : memref<6400x128xf32, #tpu.memory_space<hbm>> -> memref<40x128xf32, #tpu.memory_space<hbm>>
        tpu.enqueue_dma source(%arg11 : memref<40x128xf32, #tpu.memory_space<vmem>>) target(%dma_start3A_90 : memref<40x128xf32, #tpu.memory_space<hbm>>) target_semaphore(%run_scoped3A : memref<!tpu.dma_semaphore, #tpu.memory_space<semaphore_mem>>)
        %dma_wait3A_91 = arith.constant 0 : i32
        %dma_wait3A_92 = tpu.memref_slice %arg6[%add3A_49, %dma_wait3A_91] : memref<6400x128xf32, #tpu.memory_space<hbm>> -> memref<40x128xf32, #tpu.memory_space<hbm>>
        %dma_wait3A_93 = arith.constant 0 : i32
        %dma_wait3A_94 = tpu.memref_slice %arg6[%add3A_49, %dma_wait3A_93] : memref<6400x128xf32, #tpu.memory_space<hbm>> -> memref<40x128xf32, #tpu.memory_space<hbm>>
        tpu.wait_dma2 semaphore(%run_scoped3A : memref<!tpu.dma_semaphore, #tpu.memory_space<semaphore_mem>>) src(%arg11 : memref<40x128xf32, #tpu.memory_space<vmem>>) dst(%dma_wait3A_94 : memref<40x128xf32, #tpu.memory_space<hbm>>)
        tpu.yield
      }) : () -> ()
      %scan3A_68 = arith.constant 0 : i32
      %scan3A_69 = arith.constant 0 : i32
      %scan3A_70 = arith.constant 40 : i32
      %scan3A_71 = arith.addi %scan3A_69, %scan3A_70 : i32
      %scan3A_72 = arith.constant 1 : i32
      %scan3A_73 = scf.for %scan3A_88 = %scan3A_69 to %scan3A_71 step %scan3A_72 iter_args(%scan3A_89 = %scan3A_68) -> (i32)  : i32 {
        %dma_start3A = arith.constant 0 : i32
        %dma_start3A_90 = tpu.memref_slice %arg12[%scan3A_88, %dma_start3A] : memref<40x128xf32, #tpu.memory_space<vmem>> -> memref<1x128xf32, #tpu.memory_space<vmem>>
        %dma_start3A_91 = tpu.memref_squeeze %dma_start3A_90 : memref<1x128xf32, #tpu.memory_space<vmem>> -> memref<128xf32, #tpu.memory_space<vmem>>
        %dma_start3A_92 = arith.constant 0 : i32
        %dma_start3A_93 = tpu.memref_slice %arg10[%scan3A_88, %dma_start3A_92] : memref<40x128xi32, #tpu.memory_space<vmem>> -> memref<1x128xi32, #tpu.memory_space<vmem>>
        %dma_start3A_94 = tpu.memref_squeeze %dma_start3A_93 : memref<1x128xi32, #tpu.memory_space<vmem>> -> memref<128xi32, #tpu.memory_space<vmem>>
        %dma_start3A_95 = arith.constant 0 : i32
        %dma_start3A_96 = tpu.memref_slice %arg17[%dma_start3A_95] : memref<100352xf32, #tpu.memory_space<vmem_shared>> -> memref<100352xf32, #tpu.memory_space<vmem_shared>>
        tpu.enqueue_indirect_dma source(%dma_start3A_91 : memref<128xf32, #tpu.memory_space<vmem>>) target(%dma_start3A_96 : memref<100352xf32, #tpu.memory_space<vmem_shared>>) offsets(%dma_start3A_94 : memref<128xi32, #tpu.memory_space<vmem>>) semaphore(%arg19 : memref<!tpu.dma_semaphore, #tpu.memory_space<semaphore_mem>>) {add = true}
        %dma_start3A_97 = arith.constant 0 : i32
        %dma_start3A_98 = tpu.memref_slice %arg13[%scan3A_88, %dma_start3A_97] : memref<40x128xf32, #tpu.memory_space<vmem>> -> memref<1x128xf32, #tpu.memory_space<vmem>>
        %dma_start3A_99 = tpu.memref_squeeze %dma_start3A_98 : memref<1x128xf32, #tpu.memory_space<vmem>> -> memref<128xf32, #tpu.memory_space<vmem>>
        %dma_start3A_100 = arith.constant 0 : i32
        %dma_start3A_101 = tpu.memref_slice %arg10[%scan3A_88, %dma_start3A_100] : memref<40x128xi32, #tpu.memory_space<vmem>> -> memref<1x128xi32, #tpu.memory_space<vmem>>
        %dma_start3A_102 = tpu.memref_squeeze %dma_start3A_101 : memref<1x128xi32, #tpu.memory_space<vmem>> -> memref<128xi32, #tpu.memory_space<vmem>>
        %dma_start3A_103 = arith.constant 0 : i32
        %dma_start3A_104 = tpu.memref_slice %arg18[%dma_start3A_103] : memref<100352xf32, #tpu.memory_space<vmem_shared>> -> memref<100352xf32, #tpu.memory_space<vmem_shared>>
        tpu.enqueue_indirect_dma source(%dma_start3A_99 : memref<128xf32, #tpu.memory_space<vmem>>) target(%dma_start3A_104 : memref<100352xf32, #tpu.memory_space<vmem_shared>>) offsets(%dma_start3A_102 : memref<128xi32, #tpu.memory_space<vmem>>) semaphore(%arg19 : memref<!tpu.dma_semaphore, #tpu.memory_space<semaphore_mem>>) {add = true}
        %scan3A_105 = arith.constant 0 : i32
        scf.yield %scan3A_105 : i32
      }
      %scan3A_74 = arith.constant 40 : i32
      %dma_wait3A_75 = arith.constant 0 : i32
      %dma_wait3A_76 = arith.constant 0 : i32
      %dma_wait3A_77 = tpu.memref_slice %arg4[%dma_wait3A_75, %dma_wait3A_76] : memref<6400x128xi32, #tpu.memory_space<hbm>> -> memref<40x128xi32, #tpu.memory_space<hbm>>
      %dma_wait3A_78 = arith.constant 0 : i32
      %dma_wait3A_79 = arith.constant 0 : i32
      %dma_wait3A_80 = tpu.memref_slice %arg4[%dma_wait3A_78, %dma_wait3A_79] : memref<6400x128xi32, #tpu.memory_space<hbm>> -> memref<40x128xi32, #tpu.memory_space<hbm>>
      tpu.wait_dma2 semaphore(%arg19 : memref<!tpu.dma_semaphore, #tpu.memory_space<semaphore_mem>>) src(%dma_wait3A_80 : memref<40x128xi32, #tpu.memory_space<hbm>>) dst(%arg9 : memref<40x128xi32, #tpu.memory_space<vmem>>)
      %dma_wait3A_81 = arith.constant 0 : i32
      %dma_wait3A_82 = arith.constant 0 : i32
      %dma_wait3A_83 = tpu.memref_slice %arg4[%dma_wait3A_81, %dma_wait3A_82] : memref<6400x128xi32, #tpu.memory_space<hbm>> -> memref<40x128xi32, #tpu.memory_space<hbm>>
      %dma_wait3A_84 = arith.constant 0 : i32
      %dma_wait3A_85 = arith.constant 0 : i32
      %dma_wait3A_86 = tpu.memref_slice %arg4[%dma_wait3A_84, %dma_wait3A_85] : memref<6400x128xi32, #tpu.memory_space<hbm>> -> memref<40x128xi32, #tpu.memory_space<hbm>>
      tpu.wait_dma2 semaphore(%arg19 : memref<!tpu.dma_semaphore, #tpu.memory_space<semaphore_mem>>) src(%dma_wait3A_86 : memref<40x128xi32, #tpu.memory_space<hbm>>) dst(%arg9 : memref<40x128xi32, #tpu.memory_space<vmem>>)
      %scan3A_87 = arith.constant 0 : i32
      scf.yield %scan3A_87 : i32
    }
    %scan3A_34 = arith.constant 5 : i32
    %barrier3A_35 = arith.constant 0 : index
    tpu.barrier barrier_id(%barrier3A_35)
    %mul3A_36 = arith.constant 100352 : i32
    %mul3A_37 = arith.muli %arg0, %mul3A_36 : i32
    %mul3A_38 = arith.constant 6272 : i32
    %mul3A_39 = arith.muli %arg1, %mul3A_38 : i32
    %add3A_40 = arith.addi %mul3A_37, %mul3A_39 : i32
    %mul3A_41 = arith.constant 6272 : i32
    %mul3A_42 = arith.muli %arg1, %mul3A_41 : i32
    "tpu.region"() ({
      %run_scoped3A = tpu.sem_alloc : memref<!tpu.dma_semaphore, #tpu.memory_space<semaphore_mem>>
      %dma_start3A = tpu.memref_slice %arg7[%add3A_40] : memref<200704xf32, #tpu.memory_space<hbm>> -> memref<6272xf32, #tpu.memory_space<hbm>>
      %dma_start3A_45 = tpu.memref_slice %arg17[%mul3A_42] : memref<100352xf32, #tpu.memory_space<vmem_shared>> -> memref<6272xf32, #tpu.memory_space<vmem_shared>>
      tpu.enqueue_dma source(%dma_start3A_45 : memref<6272xf32, #tpu.memory_space<vmem_shared>>) target(%dma_start3A : memref<6272xf32, #tpu.memory_space<hbm>>) target_semaphore(%run_scoped3A : memref<!tpu.dma_semaphore, #tpu.memory_space<semaphore_mem>>)
      %dma_wait3A = tpu.memref_slice %arg7[%add3A_40] : memref<200704xf32, #tpu.memory_space<hbm>> -> memref<6272xf32, #tpu.memory_space<hbm>>
      %dma_wait3A_46 = tpu.memref_slice %arg17[%mul3A_42] : memref<100352xf32, #tpu.memory_space<vmem_shared>> -> memref<6272xf32, #tpu.memory_space<vmem_shared>>
      tpu.wait_dma2 semaphore(%run_scoped3A : memref<!tpu.dma_semaphore, #tpu.memory_space<semaphore_mem>>) src(%dma_wait3A_46 : memref<6272xf32, #tpu.memory_space<vmem_shared>>) dst(%dma_wait3A : memref<6272xf32, #tpu.memory_space<hbm>>)
      tpu.yield
    }) : () -> ()
    %mul3A_43 = arith.constant 6272 : i32
    %mul3A_44 = arith.muli %arg1, %mul3A_43 : i32
    "tpu.region"() ({
      %run_scoped3A = tpu.sem_alloc : memref<!tpu.dma_semaphore, #tpu.memory_space<semaphore_mem>>
      %dma_start3A = tpu.memref_slice %arg8[%add3A_40] : memref<200704xf32, #tpu.memory_space<hbm>> -> memref<6272xf32, #tpu.memory_space<hbm>>
      %dma_start3A_45 = tpu.memref_slice %arg18[%mul3A_44] : memref<100352xf32, #tpu.memory_space<vmem_shared>> -> memref<6272xf32, #tpu.memory_space<vmem_shared>>
      tpu.enqueue_dma source(%dma_start3A_45 : memref<6272xf32, #tpu.memory_space<vmem_shared>>) target(%dma_start3A : memref<6272xf32, #tpu.memory_space<hbm>>) target_semaphore(%run_scoped3A : memref<!tpu.dma_semaphore, #tpu.memory_space<semaphore_mem>>)
      %dma_wait3A = tpu.memref_slice %arg8[%add3A_40] : memref<200704xf32, #tpu.memory_space<hbm>> -> memref<6272xf32, #tpu.memory_space<hbm>>
      %dma_wait3A_46 = tpu.memref_slice %arg18[%mul3A_44] : memref<100352xf32, #tpu.memory_space<vmem_shared>> -> memref<6272xf32, #tpu.memory_space<vmem_shared>>
      tpu.wait_dma2 semaphore(%run_scoped3A : memref<!tpu.dma_semaphore, #tpu.memory_space<semaphore_mem>>) src(%dma_wait3A_46 : memref<6272xf32, #tpu.memory_space<vmem_shared>>) dst(%dma_wait3A : memref<6272xf32, #tpu.memory_space<hbm>>)
      tpu.yield
    }) : () -> ()
    return
  }
}

#map = affine_map<(d0, d1) -> (0, 0)>
module attributes {stable_mosaic.version = 14 : i64} {
  func.func @_scatter_msg(%arg0: i32, %arg1: i32, %arg2: memref<16x819200xf32, #tpu.memory_space<hbm>>, %arg3: memref<6400x128xi32, #tpu.memory_space<hbm>>, %arg4: memref<16x200704xf32, #tpu.memory_space<hbm>>, %arg5: memref<8x128xi32, #tpu.memory_space<vmem>>, %arg6: memref<16x1024xf32, #tpu.memory_space<vmem>>, %arg7: memref<6272xf32, #tpu.memory_space<vmem>>, %arg8: memref<100352xf32, #tpu.memory_space<vmem_shared>>, %arg9: memref<100352xf32, #tpu.memory_space<vmem_shared>>, %arg10: memref<100352xf32, #tpu.memory_space<vmem_shared>>, %arg11: memref<100352xf32, #tpu.memory_space<vmem_shared>>, %arg12: memref<100352xf32, #tpu.memory_space<vmem_shared>>, %arg13: memref<100352xf32, #tpu.memory_space<vmem_shared>>, %arg14: memref<100352xf32, #tpu.memory_space<vmem_shared>>, %arg15: memref<100352xf32, #tpu.memory_space<vmem_shared>>, %arg16: memref<100352xf32, #tpu.memory_space<vmem_shared>>, %arg17: memref<100352xf32, #tpu.memory_space<vmem_shared>>, %arg18: memref<100352xf32, #tpu.memory_space<vmem_shared>>, %arg19: memref<100352xf32, #tpu.memory_space<vmem_shared>>, %arg20: memref<100352xf32, #tpu.memory_space<vmem_shared>>, %arg21: memref<100352xf32, #tpu.memory_space<vmem_shared>>, %arg22: memref<100352xf32, #tpu.memory_space<vmem_shared>>, %arg23: memref<100352xf32, #tpu.memory_space<vmem_shared>>, %arg24: memref<!tpu.dma_semaphore, #tpu.memory_space<semaphore_mem>>) attributes {dimension_semantics = [#tpu.dimension_semantics<core_parallel>, #tpu.dimension_semantics<subcore_parallel>], iteration_bounds = array<i64: 2, 16>, scalar_prefetch = 0 : i64, scratch_operands = 20 : i64, tpu.core_type = #tpu.core_type<sc_vector_subcore>, window_params = [{transform_indices = #map}, {transform_indices = #map}, {transform_indices = #map}]} {
    %mul3A = arith.constant 16 : i32
    %mul3A_0 = arith.muli %arg0, %mul3A : i32
    %add3A = arith.addi %mul3A_0, %arg1 : i32
    %scan3A = arith.constant 0 : i32
    %scan3A_1 = arith.constant 0 : i32
    %scan3A_2 = arith.constant 392 : i32
    %scan3A_3 = arith.addi %scan3A_1, %scan3A_2 : i32
    %scan3A_4 = arith.constant 1 : i32
    %scan3A_5 = scf.for %scan3A_176 = %scan3A_1 to %scan3A_3 step %scan3A_4 iter_args(%scan3A_177 = %scan3A) -> (i32)  : i32 {
      %broadcast_in_dim3A = arith.constant 0.000000e+00 : f32
      %broadcast_in_dim3A_178 = vector.broadcast %broadcast_in_dim3A : f32 to vector<16xf32>
      %mul3A_179 = arith.constant 16 : i32
      %mul3A_180 = arith.muli %scan3A_176, %mul3A_179 : i32
      %swap3A = arith.index_cast %mul3A_180 : i32 to index
      %swap3A_181 = tpu.vector_load %arg7[%swap3A] {strides = array<i32>} : memref<6272xf32, #tpu.memory_space<vmem>>, vector<16xf32>,
      %swap3A_182 = vector.shape_cast %swap3A_181 : vector<16xf32> to vector<16xf32>
      %swap3A_183 = vector.shape_cast %broadcast_in_dim3A_178 : vector<16xf32> to vector<16xf32>
      tpu.vector_store %arg7[%swap3A], %swap3A_183 {strides = array<i32>} : memref<6272xf32, #tpu.memory_space<vmem>>, vector<16xf32>,
      %scan3A_184 = arith.constant 0 : i32
      scf.yield %scan3A_184 : i32
    }
    %scan3A_6 = arith.constant 392 : i32
    %mul3A_7 = arith.constant 6272 : i32
    %mul3A_8 = arith.muli %arg1, %mul3A_7 : i32
    "tpu.region"() ({
      %run_scoped3A_176 = tpu.sem_alloc : memref<!tpu.dma_semaphore, #tpu.memory_space<semaphore_mem>>
      %dma_start3A = tpu.memref_slice %arg8[%mul3A_8] : memref<100352xf32, #tpu.memory_space<vmem_shared>> -> memref<6272xf32, #tpu.memory_space<vmem_shared>>
      %dma_start3A_177 = tpu.memref_slice %arg8[%mul3A_8] : memref<100352xf32, #tpu.memory_space<vmem_shared>> -> memref<6272xf32, #tpu.memory_space<vmem_shared>>
      tpu.enqueue_dma source(%arg7 : memref<6272xf32, #tpu.memory_space<vmem>>) target(%dma_start3A_177 : memref<6272xf32, #tpu.memory_space<vmem_shared>>) target_semaphore(%run_scoped3A_176 : memref<!tpu.dma_semaphore, #tpu.memory_space<semaphore_mem>>)
      %dma_wait3A = tpu.memref_slice %arg8[%mul3A_8] : memref<100352xf32, #tpu.memory_space<vmem_shared>> -> memref<6272xf32, #tpu.memory_space<vmem_shared>>
      %dma_wait3A_178 = tpu.memref_slice %arg8[%mul3A_8] : memref<100352xf32, #tpu.memory_space<vmem_shared>> -> memref<6272xf32, #tpu.memory_space<vmem_shared>>
      tpu.wait_dma2 semaphore(%run_scoped3A_176 : memref<!tpu.dma_semaphore, #tpu.memory_space<semaphore_mem>>) src(%arg7 : memref<6272xf32, #tpu.memory_space<vmem>>) dst(%dma_wait3A_178 : memref<6272xf32, #tpu.memory_space<vmem_shared>>)
      tpu.yield
    }) : () -> ()
    %mul3A_9 = arith.constant 6272 : i32
    %mul3A_10 = arith.muli %arg1, %mul3A_9 : i32
    "tpu.region"() ({
      %run_scoped3A_176 = tpu.sem_alloc : memref<!tpu.dma_semaphore, #tpu.memory_space<semaphore_mem>>
      %dma_start3A = tpu.memref_slice %arg9[%mul3A_10] : memref<100352xf32, #tpu.memory_space<vmem_shared>> -> memref<6272xf32, #tpu.memory_space<vmem_shared>>
      %dma_start3A_177 = tpu.memref_slice %arg9[%mul3A_10] : memref<100352xf32, #tpu.memory_space<vmem_shared>> -> memref<6272xf32, #tpu.memory_space<vmem_shared>>
      tpu.enqueue_dma source(%arg7 : memref<6272xf32, #tpu.memory_space<vmem>>) target(%dma_start3A_177 : memref<6272xf32, #tpu.memory_space<vmem_shared>>) target_semaphore(%run_scoped3A_176 : memref<!tpu.dma_semaphore, #tpu.memory_space<semaphore_mem>>)
      %dma_wait3A = tpu.memref_slice %arg9[%mul3A_10] : memref<100352xf32, #tpu.memory_space<vmem_shared>> -> memref<6272xf32, #tpu.memory_space<vmem_shared>>
      %dma_wait3A_178 = tpu.memref_slice %arg9[%mul3A_10] : memref<100352xf32, #tpu.memory_space<vmem_shared>> -> memref<6272xf32, #tpu.memory_space<vmem_shared>>
      tpu.wait_dma2 semaphore(%run_scoped3A_176 : memref<!tpu.dma_semaphore, #tpu.memory_space<semaphore_mem>>) src(%arg7 : memref<6272xf32, #tpu.memory_space<vmem>>) dst(%dma_wait3A_178 : memref<6272xf32, #tpu.memory_space<vmem_shared>>)
      tpu.yield
    }) : () -> ()
    %mul3A_11 = arith.constant 6272 : i32
    %mul3A_12 = arith.muli %arg1, %mul3A_11 : i32
    "tpu.region"() ({
      %run_scoped3A_176 = tpu.sem_alloc : memref<!tpu.dma_semaphore, #tpu.memory_space<semaphore_mem>>
      %dma_start3A = tpu.memref_slice %arg10[%mul3A_12] : memref<100352xf32, #tpu.memory_space<vmem_shared>> -> memref<6272xf32, #tpu.memory_space<vmem_shared>>
      %dma_start3A_177 = tpu.memref_slice %arg10[%mul3A_12] : memref<100352xf32, #tpu.memory_space<vmem_shared>> -> memref<6272xf32, #tpu.memory_space<vmem_shared>>
      tpu.enqueue_dma source(%arg7 : memref<6272xf32, #tpu.memory_space<vmem>>) target(%dma_start3A_177 : memref<6272xf32, #tpu.memory_space<vmem_shared>>) target_semaphore(%run_scoped3A_176 : memref<!tpu.dma_semaphore, #tpu.memory_space<semaphore_mem>>)
      %dma_wait3A = tpu.memref_slice %arg10[%mul3A_12] : memref<100352xf32, #tpu.memory_space<vmem_shared>> -> memref<6272xf32, #tpu.memory_space<vmem_shared>>
      %dma_wait3A_178 = tpu.memref_slice %arg10[%mul3A_12] : memref<100352xf32, #tpu.memory_space<vmem_shared>> -> memref<6272xf32, #tpu.memory_space<vmem_shared>>
      tpu.wait_dma2 semaphore(%run_scoped3A_176 : memref<!tpu.dma_semaphore, #tpu.memory_space<semaphore_mem>>) src(%arg7 : memref<6272xf32, #tpu.memory_space<vmem>>) dst(%dma_wait3A_178 : memref<6272xf32, #tpu.memory_space<vmem_shared>>)
      tpu.yield
    }) : () -> ()
    %mul3A_13 = arith.constant 6272 : i32
    %mul3A_14 = arith.muli %arg1, %mul3A_13 : i32
    "tpu.region"() ({
      %run_scoped3A_176 = tpu.sem_alloc : memref<!tpu.dma_semaphore, #tpu.memory_space<semaphore_mem>>
      %dma_start3A = tpu.memref_slice %arg11[%mul3A_14] : memref<100352xf32, #tpu.memory_space<vmem_shared>> -> memref<6272xf32, #tpu.memory_space<vmem_shared>>
      %dma_start3A_177 = tpu.memref_slice %arg11[%mul3A_14] : memref<100352xf32, #tpu.memory_space<vmem_shared>> -> memref<6272xf32, #tpu.memory_space<vmem_shared>>
      tpu.enqueue_dma source(%arg7 : memref<6272xf32, #tpu.memory_space<vmem>>) target(%dma_start3A_177 : memref<6272xf32, #tpu.memory_space<vmem_shared>>) target_semaphore(%run_scoped3A_176 : memref<!tpu.dma_semaphore, #tpu.memory_space<semaphore_mem>>)
      %dma_wait3A = tpu.memref_slice %arg11[%mul3A_14] : memref<100352xf32, #tpu.memory_space<vmem_shared>> -> memref<6272xf32, #tpu.memory_space<vmem_shared>>
      %dma_wait3A_178 = tpu.memref_slice %arg11[%mul3A_14] : memref<100352xf32, #tpu.memory_space<vmem_shared>> -> memref<6272xf32, #tpu.memory_space<vmem_shared>>
      tpu.wait_dma2 semaphore(%run_scoped3A_176 : memref<!tpu.dma_semaphore, #tpu.memory_space<semaphore_mem>>) src(%arg7 : memref<6272xf32, #tpu.memory_space<vmem>>) dst(%dma_wait3A_178 : memref<6272xf32, #tpu.memory_space<vmem_shared>>)
      tpu.yield
    }) : () -> ()
    %mul3A_15 = arith.constant 6272 : i32
    %mul3A_16 = arith.muli %arg1, %mul3A_15 : i32
    "tpu.region"() ({
      %run_scoped3A_176 = tpu.sem_alloc : memref<!tpu.dma_semaphore, #tpu.memory_space<semaphore_mem>>
      %dma_start3A = tpu.memref_slice %arg12[%mul3A_16] : memref<100352xf32, #tpu.memory_space<vmem_shared>> -> memref<6272xf32, #tpu.memory_space<vmem_shared>>
      %dma_start3A_177 = tpu.memref_slice %arg12[%mul3A_16] : memref<100352xf32, #tpu.memory_space<vmem_shared>> -> memref<6272xf32, #tpu.memory_space<vmem_shared>>
      tpu.enqueue_dma source(%arg7 : memref<6272xf32, #tpu.memory_space<vmem>>) target(%dma_start3A_177 : memref<6272xf32, #tpu.memory_space<vmem_shared>>) target_semaphore(%run_scoped3A_176 : memref<!tpu.dma_semaphore, #tpu.memory_space<semaphore_mem>>)
      %dma_wait3A = tpu.memref_slice %arg12[%mul3A_16] : memref<100352xf32, #tpu.memory_space<vmem_shared>> -> memref<6272xf32, #tpu.memory_space<vmem_shared>>
      %dma_wait3A_178 = tpu.memref_slice %arg12[%mul3A_16] : memref<100352xf32, #tpu.memory_space<vmem_shared>> -> memref<6272xf32, #tpu.memory_space<vmem_shared>>
      tpu.wait_dma2 semaphore(%run_scoped3A_176 : memref<!tpu.dma_semaphore, #tpu.memory_space<semaphore_mem>>) src(%arg7 : memref<6272xf32, #tpu.memory_space<vmem>>) dst(%dma_wait3A_178 : memref<6272xf32, #tpu.memory_space<vmem_shared>>)
      tpu.yield
    }) : () -> ()
    %mul3A_17 = arith.constant 6272 : i32
    %mul3A_18 = arith.muli %arg1, %mul3A_17 : i32
    "tpu.region"() ({
      %run_scoped3A_176 = tpu.sem_alloc : memref<!tpu.dma_semaphore, #tpu.memory_space<semaphore_mem>>
      %dma_start3A = tpu.memref_slice %arg13[%mul3A_18] : memref<100352xf32, #tpu.memory_space<vmem_shared>> -> memref<6272xf32, #tpu.memory_space<vmem_shared>>
      %dma_start3A_177 = tpu.memref_slice %arg13[%mul3A_18] : memref<100352xf32, #tpu.memory_space<vmem_shared>> -> memref<6272xf32, #tpu.memory_space<vmem_shared>>
      tpu.enqueue_dma source(%arg7 : memref<6272xf32, #tpu.memory_space<vmem>>) target(%dma_start3A_177 : memref<6272xf32, #tpu.memory_space<vmem_shared>>) target_semaphore(%run_scoped3A_176 : memref<!tpu.dma_semaphore, #tpu.memory_space<semaphore_mem>>)
      %dma_wait3A = tpu.memref_slice %arg13[%mul3A_18] : memref<100352xf32, #tpu.memory_space<vmem_shared>> -> memref<6272xf32, #tpu.memory_space<vmem_shared>>
      %dma_wait3A_178 = tpu.memref_slice %arg13[%mul3A_18] : memref<100352xf32, #tpu.memory_space<vmem_shared>> -> memref<6272xf32, #tpu.memory_space<vmem_shared>>
      tpu.wait_dma2 semaphore(%run_scoped3A_176 : memref<!tpu.dma_semaphore, #tpu.memory_space<semaphore_mem>>) src(%arg7 : memref<6272xf32, #tpu.memory_space<vmem>>) dst(%dma_wait3A_178 : memref<6272xf32, #tpu.memory_space<vmem_shared>>)
      tpu.yield
    }) : () -> ()
    %mul3A_19 = arith.constant 6272 : i32
    %mul3A_20 = arith.muli %arg1, %mul3A_19 : i32
    "tpu.region"() ({
      %run_scoped3A_176 = tpu.sem_alloc : memref<!tpu.dma_semaphore, #tpu.memory_space<semaphore_mem>>
      %dma_start3A = tpu.memref_slice %arg14[%mul3A_20] : memref<100352xf32, #tpu.memory_space<vmem_shared>> -> memref<6272xf32, #tpu.memory_space<vmem_shared>>
      %dma_start3A_177 = tpu.memref_slice %arg14[%mul3A_20] : memref<100352xf32, #tpu.memory_space<vmem_shared>> -> memref<6272xf32, #tpu.memory_space<vmem_shared>>
      tpu.enqueue_dma source(%arg7 : memref<6272xf32, #tpu.memory_space<vmem>>) target(%dma_start3A_177 : memref<6272xf32, #tpu.memory_space<vmem_shared>>) target_semaphore(%run_scoped3A_176 : memref<!tpu.dma_semaphore, #tpu.memory_space<semaphore_mem>>)
      %dma_wait3A = tpu.memref_slice %arg14[%mul3A_20] : memref<100352xf32, #tpu.memory_space<vmem_shared>> -> memref<6272xf32, #tpu.memory_space<vmem_shared>>
      %dma_wait3A_178 = tpu.memref_slice %arg14[%mul3A_20] : memref<100352xf32, #tpu.memory_space<vmem_shared>> -> memref<6272xf32, #tpu.memory_space<vmem_shared>>
      tpu.wait_dma2 semaphore(%run_scoped3A_176 : memref<!tpu.dma_semaphore, #tpu.memory_space<semaphore_mem>>) src(%arg7 : memref<6272xf32, #tpu.memory_space<vmem>>) dst(%dma_wait3A_178 : memref<6272xf32, #tpu.memory_space<vmem_shared>>)
      tpu.yield
    }) : () -> ()
    %mul3A_21 = arith.constant 6272 : i32
    %mul3A_22 = arith.muli %arg1, %mul3A_21 : i32
    "tpu.region"() ({
      %run_scoped3A_176 = tpu.sem_alloc : memref<!tpu.dma_semaphore, #tpu.memory_space<semaphore_mem>>
      %dma_start3A = tpu.memref_slice %arg15[%mul3A_22] : memref<100352xf32, #tpu.memory_space<vmem_shared>> -> memref<6272xf32, #tpu.memory_space<vmem_shared>>
      %dma_start3A_177 = tpu.memref_slice %arg15[%mul3A_22] : memref<100352xf32, #tpu.memory_space<vmem_shared>> -> memref<6272xf32, #tpu.memory_space<vmem_shared>>
      tpu.enqueue_dma source(%arg7 : memref<6272xf32, #tpu.memory_space<vmem>>) target(%dma_start3A_177 : memref<6272xf32, #tpu.memory_space<vmem_shared>>) target_semaphore(%run_scoped3A_176 : memref<!tpu.dma_semaphore, #tpu.memory_space<semaphore_mem>>)
      %dma_wait3A = tpu.memref_slice %arg15[%mul3A_22] : memref<100352xf32, #tpu.memory_space<vmem_shared>> -> memref<6272xf32, #tpu.memory_space<vmem_shared>>
      %dma_wait3A_178 = tpu.memref_slice %arg15[%mul3A_22] : memref<100352xf32, #tpu.memory_space<vmem_shared>> -> memref<6272xf32, #tpu.memory_space<vmem_shared>>
      tpu.wait_dma2 semaphore(%run_scoped3A_176 : memref<!tpu.dma_semaphore, #tpu.memory_space<semaphore_mem>>) src(%arg7 : memref<6272xf32, #tpu.memory_space<vmem>>) dst(%dma_wait3A_178 : memref<6272xf32, #tpu.memory_space<vmem_shared>>)
      tpu.yield
    }) : () -> ()
    %mul3A_23 = arith.constant 6272 : i32
    %mul3A_24 = arith.muli %arg1, %mul3A_23 : i32
    "tpu.region"() ({
      %run_scoped3A_176 = tpu.sem_alloc : memref<!tpu.dma_semaphore, #tpu.memory_space<semaphore_mem>>
      %dma_start3A = tpu.memref_slice %arg16[%mul3A_24] : memref<100352xf32, #tpu.memory_space<vmem_shared>> -> memref<6272xf32, #tpu.memory_space<vmem_shared>>
      %dma_start3A_177 = tpu.memref_slice %arg16[%mul3A_24] : memref<100352xf32, #tpu.memory_space<vmem_shared>> -> memref<6272xf32, #tpu.memory_space<vmem_shared>>
      tpu.enqueue_dma source(%arg7 : memref<6272xf32, #tpu.memory_space<vmem>>) target(%dma_start3A_177 : memref<6272xf32, #tpu.memory_space<vmem_shared>>) target_semaphore(%run_scoped3A_176 : memref<!tpu.dma_semaphore, #tpu.memory_space<semaphore_mem>>)
      %dma_wait3A = tpu.memref_slice %arg16[%mul3A_24] : memref<100352xf32, #tpu.memory_space<vmem_shared>> -> memref<6272xf32, #tpu.memory_space<vmem_shared>>
      %dma_wait3A_178 = tpu.memref_slice %arg16[%mul3A_24] : memref<100352xf32, #tpu.memory_space<vmem_shared>> -> memref<6272xf32, #tpu.memory_space<vmem_shared>>
      tpu.wait_dma2 semaphore(%run_scoped3A_176 : memref<!tpu.dma_semaphore, #tpu.memory_space<semaphore_mem>>) src(%arg7 : memref<6272xf32, #tpu.memory_space<vmem>>) dst(%dma_wait3A_178 : memref<6272xf32, #tpu.memory_space<vmem_shared>>)
      tpu.yield
    }) : () -> ()
    %mul3A_25 = arith.constant 6272 : i32
    %mul3A_26 = arith.muli %arg1, %mul3A_25 : i32
    "tpu.region"() ({
      %run_scoped3A_176 = tpu.sem_alloc : memref<!tpu.dma_semaphore, #tpu.memory_space<semaphore_mem>>
      %dma_start3A = tpu.memref_slice %arg17[%mul3A_26] : memref<100352xf32, #tpu.memory_space<vmem_shared>> -> memref<6272xf32, #tpu.memory_space<vmem_shared>>
      %dma_start3A_177 = tpu.memref_slice %arg17[%mul3A_26] : memref<100352xf32, #tpu.memory_space<vmem_shared>> -> memref<6272xf32, #tpu.memory_space<vmem_shared>>
      tpu.enqueue_dma source(%arg7 : memref<6272xf32, #tpu.memory_space<vmem>>) target(%dma_start3A_177 : memref<6272xf32, #tpu.memory_space<vmem_shared>>) target_semaphore(%run_scoped3A_176 : memref<!tpu.dma_semaphore, #tpu.memory_space<semaphore_mem>>)
      %dma_wait3A = tpu.memref_slice %arg17[%mul3A_26] : memref<100352xf32, #tpu.memory_space<vmem_shared>> -> memref<6272xf32, #tpu.memory_space<vmem_shared>>
      %dma_wait3A_178 = tpu.memref_slice %arg17[%mul3A_26] : memref<100352xf32, #tpu.memory_space<vmem_shared>> -> memref<6272xf32, #tpu.memory_space<vmem_shared>>
      tpu.wait_dma2 semaphore(%run_scoped3A_176 : memref<!tpu.dma_semaphore, #tpu.memory_space<semaphore_mem>>) src(%arg7 : memref<6272xf32, #tpu.memory_space<vmem>>) dst(%dma_wait3A_178 : memref<6272xf32, #tpu.memory_space<vmem_shared>>)
      tpu.yield
    }) : () -> ()
    %mul3A_27 = arith.constant 6272 : i32
    %mul3A_28 = arith.muli %arg1, %mul3A_27 : i32
    "tpu.region"() ({
      %run_scoped3A_176 = tpu.sem_alloc : memref<!tpu.dma_semaphore, #tpu.memory_space<semaphore_mem>>
      %dma_start3A = tpu.memref_slice %arg18[%mul3A_28] : memref<100352xf32, #tpu.memory_space<vmem_shared>> -> memref<6272xf32, #tpu.memory_space<vmem_shared>>
      %dma_start3A_177 = tpu.memref_slice %arg18[%mul3A_28] : memref<100352xf32, #tpu.memory_space<vmem_shared>> -> memref<6272xf32, #tpu.memory_space<vmem_shared>>
      tpu.enqueue_dma source(%arg7 : memref<6272xf32, #tpu.memory_space<vmem>>) target(%dma_start3A_177 : memref<6272xf32, #tpu.memory_space<vmem_shared>>) target_semaphore(%run_scoped3A_176 : memref<!tpu.dma_semaphore, #tpu.memory_space<semaphore_mem>>)
      %dma_wait3A = tpu.memref_slice %arg18[%mul3A_28] : memref<100352xf32, #tpu.memory_space<vmem_shared>> -> memref<6272xf32, #tpu.memory_space<vmem_shared>>
      %dma_wait3A_178 = tpu.memref_slice %arg18[%mul3A_28] : memref<100352xf32, #tpu.memory_space<vmem_shared>> -> memref<6272xf32, #tpu.memory_space<vmem_shared>>
      tpu.wait_dma2 semaphore(%run_scoped3A_176 : memref<!tpu.dma_semaphore, #tpu.memory_space<semaphore_mem>>) src(%arg7 : memref<6272xf32, #tpu.memory_space<vmem>>) dst(%dma_wait3A_178 : memref<6272xf32, #tpu.memory_space<vmem_shared>>)
      tpu.yield
    }) : () -> ()
    %mul3A_29 = arith.constant 6272 : i32
    %mul3A_30 = arith.muli %arg1, %mul3A_29 : i32
    "tpu.region"() ({
      %run_scoped3A_176 = tpu.sem_alloc : memref<!tpu.dma_semaphore, #tpu.memory_space<semaphore_mem>>
      %dma_start3A = tpu.memref_slice %arg19[%mul3A_30] : memref<100352xf32, #tpu.memory_space<vmem_shared>> -> memref<6272xf32, #tpu.memory_space<vmem_shared>>
      %dma_start3A_177 = tpu.memref_slice %arg19[%mul3A_30] : memref<100352xf32, #tpu.memory_space<vmem_shared>> -> memref<6272xf32, #tpu.memory_space<vmem_shared>>
      tpu.enqueue_dma source(%arg7 : memref<6272xf32, #tpu.memory_space<vmem>>) target(%dma_start3A_177 : memref<6272xf32, #tpu.memory_space<vmem_shared>>) target_semaphore(%run_scoped3A_176 : memref<!tpu.dma_semaphore, #tpu.memory_space<semaphore_mem>>)
      %dma_wait3A = tpu.memref_slice %arg19[%mul3A_30] : memref<100352xf32, #tpu.memory_space<vmem_shared>> -> memref<6272xf32, #tpu.memory_space<vmem_shared>>
      %dma_wait3A_178 = tpu.memref_slice %arg19[%mul3A_30] : memref<100352xf32, #tpu.memory_space<vmem_shared>> -> memref<6272xf32, #tpu.memory_space<vmem_shared>>
      tpu.wait_dma2 semaphore(%run_scoped3A_176 : memref<!tpu.dma_semaphore, #tpu.memory_space<semaphore_mem>>) src(%arg7 : memref<6272xf32, #tpu.memory_space<vmem>>) dst(%dma_wait3A_178 : memref<6272xf32, #tpu.memory_space<vmem_shared>>)
      tpu.yield
    }) : () -> ()
    %mul3A_31 = arith.constant 6272 : i32
    %mul3A_32 = arith.muli %arg1, %mul3A_31 : i32
    "tpu.region"() ({
      %run_scoped3A_176 = tpu.sem_alloc : memref<!tpu.dma_semaphore, #tpu.memory_space<semaphore_mem>>
      %dma_start3A = tpu.memref_slice %arg20[%mul3A_32] : memref<100352xf32, #tpu.memory_space<vmem_shared>> -> memref<6272xf32, #tpu.memory_space<vmem_shared>>
      %dma_start3A_177 = tpu.memref_slice %arg20[%mul3A_32] : memref<100352xf32, #tpu.memory_space<vmem_shared>> -> memref<6272xf32, #tpu.memory_space<vmem_shared>>
      tpu.enqueue_dma source(%arg7 : memref<6272xf32, #tpu.memory_space<vmem>>) target(%dma_start3A_177 : memref<6272xf32, #tpu.memory_space<vmem_shared>>) target_semaphore(%run_scoped3A_176 : memref<!tpu.dma_semaphore, #tpu.memory_space<semaphore_mem>>)
      %dma_wait3A = tpu.memref_slice %arg20[%mul3A_32] : memref<100352xf32, #tpu.memory_space<vmem_shared>> -> memref<6272xf32, #tpu.memory_space<vmem_shared>>
      %dma_wait3A_178 = tpu.memref_slice %arg20[%mul3A_32] : memref<100352xf32, #tpu.memory_space<vmem_shared>> -> memref<6272xf32, #tpu.memory_space<vmem_shared>>
      tpu.wait_dma2 semaphore(%run_scoped3A_176 : memref<!tpu.dma_semaphore, #tpu.memory_space<semaphore_mem>>) src(%arg7 : memref<6272xf32, #tpu.memory_space<vmem>>) dst(%dma_wait3A_178 : memref<6272xf32, #tpu.memory_space<vmem_shared>>)
      tpu.yield
    }) : () -> ()
    %mul3A_33 = arith.constant 6272 : i32
    %mul3A_34 = arith.muli %arg1, %mul3A_33 : i32
    "tpu.region"() ({
      %run_scoped3A_176 = tpu.sem_alloc : memref<!tpu.dma_semaphore, #tpu.memory_space<semaphore_mem>>
      %dma_start3A = tpu.memref_slice %arg21[%mul3A_34] : memref<100352xf32, #tpu.memory_space<vmem_shared>> -> memref<6272xf32, #tpu.memory_space<vmem_shared>>
      %dma_start3A_177 = tpu.memref_slice %arg21[%mul3A_34] : memref<100352xf32, #tpu.memory_space<vmem_shared>> -> memref<6272xf32, #tpu.memory_space<vmem_shared>>
      tpu.enqueue_dma source(%arg7 : memref<6272xf32, #tpu.memory_space<vmem>>) target(%dma_start3A_177 : memref<6272xf32, #tpu.memory_space<vmem_shared>>) target_semaphore(%run_scoped3A_176 : memref<!tpu.dma_semaphore, #tpu.memory_space<semaphore_mem>>)
      %dma_wait3A = tpu.memref_slice %arg21[%mul3A_34] : memref<100352xf32, #tpu.memory_space<vmem_shared>> -> memref<6272xf32, #tpu.memory_space<vmem_shared>>
      %dma_wait3A_178 = tpu.memref_slice %arg21[%mul3A_34] : memref<100352xf32, #tpu.memory_space<vmem_shared>> -> memref<6272xf32, #tpu.memory_space<vmem_shared>>
      tpu.wait_dma2 semaphore(%run_scoped3A_176 : memref<!tpu.dma_semaphore, #tpu.memory_space<semaphore_mem>>) src(%arg7 : memref<6272xf32, #tpu.memory_space<vmem>>) dst(%dma_wait3A_178 : memref<6272xf32, #tpu.memory_space<vmem_shared>>)
      tpu.yield
    }) : () -> ()
    %mul3A_35 = arith.constant 6272 : i32
    %mul3A_36 = arith.muli %arg1, %mul3A_35 : i32
    "tpu.region"() ({
      %run_scoped3A_176 = tpu.sem_alloc : memref<!tpu.dma_semaphore, #tpu.memory_space<semaphore_mem>>
      %dma_start3A = tpu.memref_slice %arg22[%mul3A_36] : memref<100352xf32, #tpu.memory_space<vmem_shared>> -> memref<6272xf32, #tpu.memory_space<vmem_shared>>
      %dma_start3A_177 = tpu.memref_slice %arg22[%mul3A_36] : memref<100352xf32, #tpu.memory_space<vmem_shared>> -> memref<6272xf32, #tpu.memory_space<vmem_shared>>
      tpu.enqueue_dma source(%arg7 : memref<6272xf32, #tpu.memory_space<vmem>>) target(%dma_start3A_177 : memref<6272xf32, #tpu.memory_space<vmem_shared>>) target_semaphore(%run_scoped3A_176 : memref<!tpu.dma_semaphore, #tpu.memory_space<semaphore_mem>>)
      %dma_wait3A = tpu.memref_slice %arg22[%mul3A_36] : memref<100352xf32, #tpu.memory_space<vmem_shared>> -> memref<6272xf32, #tpu.memory_space<vmem_shared>>
      %dma_wait3A_178 = tpu.memref_slice %arg22[%mul3A_36] : memref<100352xf32, #tpu.memory_space<vmem_shared>> -> memref<6272xf32, #tpu.memory_space<vmem_shared>>
      tpu.wait_dma2 semaphore(%run_scoped3A_176 : memref<!tpu.dma_semaphore, #tpu.memory_space<semaphore_mem>>) src(%arg7 : memref<6272xf32, #tpu.memory_space<vmem>>) dst(%dma_wait3A_178 : memref<6272xf32, #tpu.memory_space<vmem_shared>>)
      tpu.yield
    }) : () -> ()
    %mul3A_37 = arith.constant 6272 : i32
    %mul3A_38 = arith.muli %arg1, %mul3A_37 : i32
    "tpu.region"() ({
      %run_scoped3A_176 = tpu.sem_alloc : memref<!tpu.dma_semaphore, #tpu.memory_space<semaphore_mem>>
      %dma_start3A = tpu.memref_slice %arg23[%mul3A_38] : memref<100352xf32, #tpu.memory_space<vmem_shared>> -> memref<6272xf32, #tpu.memory_space<vmem_shared>>
      %dma_start3A_177 = tpu.memref_slice %arg23[%mul3A_38] : memref<100352xf32, #tpu.memory_space<vmem_shared>> -> memref<6272xf32, #tpu.memory_space<vmem_shared>>
      tpu.enqueue_dma source(%arg7 : memref<6272xf32, #tpu.memory_space<vmem>>) target(%dma_start3A_177 : memref<6272xf32, #tpu.memory_space<vmem_shared>>) target_semaphore(%run_scoped3A_176 : memref<!tpu.dma_semaphore, #tpu.memory_space<semaphore_mem>>)
      %dma_wait3A = tpu.memref_slice %arg23[%mul3A_38] : memref<100352xf32, #tpu.memory_space<vmem_shared>> -> memref<6272xf32, #tpu.memory_space<vmem_shared>>
      %dma_wait3A_178 = tpu.memref_slice %arg23[%mul3A_38] : memref<100352xf32, #tpu.memory_space<vmem_shared>> -> memref<6272xf32, #tpu.memory_space<vmem_shared>>
      tpu.wait_dma2 semaphore(%run_scoped3A_176 : memref<!tpu.dma_semaphore, #tpu.memory_space<semaphore_mem>>) src(%arg7 : memref<6272xf32, #tpu.memory_space<vmem>>) dst(%dma_wait3A_178 : memref<6272xf32, #tpu.memory_space<vmem_shared>>)
      tpu.yield
    }) : () -> ()
    %barrier3A = arith.constant 0 : index
    tpu.barrier barrier_id(%barrier3A)
    %mul3A_39 = arith.constant 200 : i32
    %mul3A_40 = arith.muli %add3A, %mul3A_39 : i32
    %scan3A_41 = arith.constant 0 : i32
    %scan3A_42 = arith.constant 0 : i32
    %scan3A_43 = arith.constant 25 : i32
    %scan3A_44 = arith.addi %scan3A_42, %scan3A_43 : i32
    %scan3A_45 = arith.constant 1 : i32
    %scan3A_46 = scf.for %scan3A_176 = %scan3A_42 to %scan3A_44 step %scan3A_45 iter_args(%scan3A_177 = %scan3A_41) -> (i32)  : i32 {
      %mul3A_178 = arith.constant 8 : i32
      %mul3A_179 = arith.muli %scan3A_176, %mul3A_178 : i32
      %add3A_180 = arith.addi %mul3A_40, %mul3A_179 : i32
      "tpu.region"() ({
        %run_scoped3A_196 = tpu.sem_alloc : memref<!tpu.dma_semaphore, #tpu.memory_space<semaphore_mem>>
        %dma_start3A = arith.constant 0 : i32
        %dma_start3A_197 = tpu.memref_slice %arg3[%add3A_180, %dma_start3A] : memref<6400x128xi32, #tpu.memory_space<hbm>> -> memref<8x128xi32, #tpu.memory_space<hbm>>
        %dma_start3A_198 = arith.constant 0 : i32
        %dma_start3A_199 = tpu.memref_slice %arg3[%add3A_180, %dma_start3A_198] : memref<6400x128xi32, #tpu.memory_space<hbm>> -> memref<8x128xi32, #tpu.memory_space<hbm>>
        tpu.enqueue_dma source(%dma_start3A_199 : memref<8x128xi32, #tpu.memory_space<hbm>>) target(%arg5 : memref<8x128xi32, #tpu.memory_space<vmem>>) target_semaphore(%run_scoped3A_196 : memref<!tpu.dma_semaphore, #tpu.memory_space<semaphore_mem>>)
        %dma_wait3A_200 = arith.constant 0 : i32
        %dma_wait3A_201 = tpu.memref_slice %arg3[%add3A_180, %dma_wait3A_200] : memref<6400x128xi32, #tpu.memory_space<hbm>> -> memref<8x128xi32, #tpu.memory_space<hbm>>
        %dma_wait3A_202 = arith.constant 0 : i32
        %dma_wait3A_203 = tpu.memref_slice %arg3[%add3A_180, %dma_wait3A_202] : memref<6400x128xi32, #tpu.memory_space<hbm>> -> memref<8x128xi32, #tpu.memory_space<hbm>>
        tpu.wait_dma2 semaphore(%run_scoped3A_196 : memref<!tpu.dma_semaphore, #tpu.memory_space<semaphore_mem>>) src(%dma_wait3A_203 : memref<8x128xi32, #tpu.memory_space<hbm>>) dst(%arg5 : memref<8x128xi32, #tpu.memory_space<vmem>>)
        tpu.yield
      }) : () -> ()
      %mul3A_181 = arith.constant 128 : i32
      %mul3A_182 = arith.muli %add3A_180, %mul3A_181 : i32
      "tpu.region"() ({
        %run_scoped3A_196 = tpu.sem_alloc : memref<!tpu.dma_semaphore, #tpu.memory_space<semaphore_mem>>
        %dma_start3A = arith.constant 0 : i32
        %dma_start3A_197 = tpu.memref_slice %arg2[%dma_start3A, %mul3A_182] : memref<16x819200xf32, #tpu.memory_space<hbm>> -> memref<16x1024xf32, #tpu.memory_space<hbm>>
        %dma_start3A_198 = arith.constant 0 : i32
        %dma_start3A_199 = tpu.memref_slice %arg2[%dma_start3A_198, %mul3A_182] : memref<16x819200xf32, #tpu.memory_space<hbm>> -> memref<16x1024xf32, #tpu.memory_space<hbm>>
        tpu.enqueue_dma source(%dma_start3A_199 : memref<16x1024xf32, #tpu.memory_space<hbm>>) target(%arg6 : memref<16x1024xf32, #tpu.memory_space<vmem>>) target_semaphore(%run_scoped3A_196 : memref<!tpu.dma_semaphore, #tpu.memory_space<semaphore_mem>>)
        %dma_wait3A_200 = arith.constant 0 : i32
        %dma_wait3A_201 = tpu.memref_slice %arg2[%dma_wait3A_200, %mul3A_182] : memref<16x819200xf32, #tpu.memory_space<hbm>> -> memref<16x1024xf32, #tpu.memory_space<hbm>>
        %dma_wait3A_202 = arith.constant 0 : i32
        %dma_wait3A_203 = tpu.memref_slice %arg2[%dma_wait3A_202, %mul3A_182] : memref<16x819200xf32, #tpu.memory_space<hbm>> -> memref<16x1024xf32, #tpu.memory_space<hbm>>
        tpu.wait_dma2 semaphore(%run_scoped3A_196 : memref<!tpu.dma_semaphore, #tpu.memory_space<semaphore_mem>>) src(%dma_wait3A_203 : memref<16x1024xf32, #tpu.memory_space<hbm>>) dst(%arg6 : memref<16x1024xf32, #tpu.memory_space<vmem>>)
        tpu.yield
      }) : () -> ()
      %scan3A_183 = arith.constant 0 : i32
      %scan3A_184 = arith.constant 0 : i32
      %scan3A_185 = arith.constant 8 : i32
      %scan3A_186 = arith.addi %scan3A_184, %scan3A_185 : i32
      %scan3A_187 = arith.constant 1 : i32
      %scan3A_188 = scf.for %scan3A_196 = %scan3A_184 to %scan3A_186 step %scan3A_187 iter_args(%scan3A_197 = %scan3A_183) -> (i32)  : i32 {
        %mul3A_198 = arith.constant 128 : i32
        %mul3A_199 = arith.muli %scan3A_196, %mul3A_198 : i32
        %dma_start3A = arith.constant 0 : i32
        %dma_start3A_200 = tpu.memref_slice %arg6[%dma_start3A, %mul3A_199] : memref<16x1024xf32, #tpu.memory_space<vmem>> -> memref<1x128xf32, #tpu.memory_space<vmem>>
        %dma_start3A_201 = tpu.memref_squeeze %dma_start3A_200 : memref<1x128xf32, #tpu.memory_space<vmem>> -> memref<128xf32, #tpu.memory_space<vmem>>
        %dma_start3A_202 = arith.constant 0 : i32
        %dma_start3A_203 = tpu.memref_slice %arg5[%scan3A_196, %dma_start3A_202] : memref<8x128xi32, #tpu.memory_space<vmem>> -> memref<1x128xi32, #tpu.memory_space<vmem>>
        %dma_start3A_204 = tpu.memref_squeeze %dma_start3A_203 : memref<1x128xi32, #tpu.memory_space<vmem>> -> memref<128xi32, #tpu.memory_space<vmem>>
        %dma_start3A_205 = arith.constant 0 : i32
        %dma_start3A_206 = tpu.memref_slice %arg8[%dma_start3A_205] : memref<100352xf32, #tpu.memory_space<vmem_shared>> -> memref<100352xf32, #tpu.memory_space<vmem_shared>>
        tpu.enqueue_indirect_dma source(%dma_start3A_201 : memref<128xf32, #tpu.memory_space<vmem>>) target(%dma_start3A_206 : memref<100352xf32, #tpu.memory_space<vmem_shared>>) offsets(%dma_start3A_204 : memref<128xi32, #tpu.memory_space<vmem>>) semaphore(%arg24 : memref<!tpu.dma_semaphore, #tpu.memory_space<semaphore_mem>>) {add = true}
        %mul3A_207 = arith.constant 128 : i32
        %mul3A_208 = arith.muli %scan3A_196, %mul3A_207 : i32
        %dma_start3A_209 = arith.constant 1 : i32
        %dma_start3A_210 = tpu.memref_slice %arg6[%dma_start3A_209, %mul3A_208] : memref<16x1024xf32, #tpu.memory_space<vmem>> -> memref<1x128xf32, #tpu.memory_space<vmem>>
        %dma_start3A_211 = tpu.memref_squeeze %dma_start3A_210 : memref<1x128xf32, #tpu.memory_space<vmem>> -> memref<128xf32, #tpu.memory_space<vmem>>
        %dma_start3A_212 = arith.constant 0 : i32
        %dma_start3A_213 = tpu.memref_slice %arg5[%scan3A_196, %dma_start3A_212] : memref<8x128xi32, #tpu.memory_space<vmem>> -> memref<1x128xi32, #tpu.memory_space<vmem>>
        %dma_start3A_214 = tpu.memref_squeeze %dma_start3A_213 : memref<1x128xi32, #tpu.memory_space<vmem>> -> memref<128xi32, #tpu.memory_space<vmem>>
        %dma_start3A_215 = arith.constant 0 : i32
        %dma_start3A_216 = tpu.memref_slice %arg9[%dma_start3A_215] : memref<100352xf32, #tpu.memory_space<vmem_shared>> -> memref<100352xf32, #tpu.memory_space<vmem_shared>>
        tpu.enqueue_indirect_dma source(%dma_start3A_211 : memref<128xf32, #tpu.memory_space<vmem>>) target(%dma_start3A_216 : memref<100352xf32, #tpu.memory_space<vmem_shared>>) offsets(%dma_start3A_214 : memref<128xi32, #tpu.memory_space<vmem>>) semaphore(%arg24 : memref<!tpu.dma_semaphore, #tpu.memory_space<semaphore_mem>>) {add = true}
        %mul3A_217 = arith.constant 128 : i32
        %mul3A_218 = arith.muli %scan3A_196, %mul3A_217 : i32
        %dma_start3A_219 = arith.constant 2 : i32
        %dma_start3A_220 = tpu.memref_slice %arg6[%dma_start3A_219, %mul3A_218] : memref<16x1024xf32, #tpu.memory_space<vmem>> -> memref<1x128xf32, #tpu.memory_space<vmem>>
        %dma_start3A_221 = tpu.memref_squeeze %dma_start3A_220 : memref<1x128xf32, #tpu.memory_space<vmem>> -> memref<128xf32, #tpu.memory_space<vmem>>
        %dma_start3A_222 = arith.constant 0 : i32
        %dma_start3A_223 = tpu.memref_slice %arg5[%scan3A_196, %dma_start3A_222] : memref<8x128xi32, #tpu.memory_space<vmem>> -> memref<1x128xi32, #tpu.memory_space<vmem>>
        %dma_start3A_224 = tpu.memref_squeeze %dma_start3A_223 : memref<1x128xi32, #tpu.memory_space<vmem>> -> memref<128xi32, #tpu.memory_space<vmem>>
        %dma_start3A_225 = arith.constant 0 : i32
        %dma_start3A_226 = tpu.memref_slice %arg10[%dma_start3A_225] : memref<100352xf32, #tpu.memory_space<vmem_shared>> -> memref<100352xf32, #tpu.memory_space<vmem_shared>>
        tpu.enqueue_indirect_dma source(%dma_start3A_221 : memref<128xf32, #tpu.memory_space<vmem>>) target(%dma_start3A_226 : memref<100352xf32, #tpu.memory_space<vmem_shared>>) offsets(%dma_start3A_224 : memref<128xi32, #tpu.memory_space<vmem>>) semaphore(%arg24 : memref<!tpu.dma_semaphore, #tpu.memory_space<semaphore_mem>>) {add = true}
        %mul3A_227 = arith.constant 128 : i32
        %mul3A_228 = arith.muli %scan3A_196, %mul3A_227 : i32
        %dma_start3A_229 = arith.constant 3 : i32
        %dma_start3A_230 = tpu.memref_slice %arg6[%dma_start3A_229, %mul3A_228] : memref<16x1024xf32, #tpu.memory_space<vmem>> -> memref<1x128xf32, #tpu.memory_space<vmem>>
        %dma_start3A_231 = tpu.memref_squeeze %dma_start3A_230 : memref<1x128xf32, #tpu.memory_space<vmem>> -> memref<128xf32, #tpu.memory_space<vmem>>
        %dma_start3A_232 = arith.constant 0 : i32
        %dma_start3A_233 = tpu.memref_slice %arg5[%scan3A_196, %dma_start3A_232] : memref<8x128xi32, #tpu.memory_space<vmem>> -> memref<1x128xi32, #tpu.memory_space<vmem>>
        %dma_start3A_234 = tpu.memref_squeeze %dma_start3A_233 : memref<1x128xi32, #tpu.memory_space<vmem>> -> memref<128xi32, #tpu.memory_space<vmem>>
        %dma_start3A_235 = arith.constant 0 : i32
        %dma_start3A_236 = tpu.memref_slice %arg11[%dma_start3A_235] : memref<100352xf32, #tpu.memory_space<vmem_shared>> -> memref<100352xf32, #tpu.memory_space<vmem_shared>>
        tpu.enqueue_indirect_dma source(%dma_start3A_231 : memref<128xf32, #tpu.memory_space<vmem>>) target(%dma_start3A_236 : memref<100352xf32, #tpu.memory_space<vmem_shared>>) offsets(%dma_start3A_234 : memref<128xi32, #tpu.memory_space<vmem>>) semaphore(%arg24 : memref<!tpu.dma_semaphore, #tpu.memory_space<semaphore_mem>>) {add = true}
        %mul3A_237 = arith.constant 128 : i32
        %mul3A_238 = arith.muli %scan3A_196, %mul3A_237 : i32
        %dma_start3A_239 = arith.constant 4 : i32
        %dma_start3A_240 = tpu.memref_slice %arg6[%dma_start3A_239, %mul3A_238] : memref<16x1024xf32, #tpu.memory_space<vmem>> -> memref<1x128xf32, #tpu.memory_space<vmem>>
        %dma_start3A_241 = tpu.memref_squeeze %dma_start3A_240 : memref<1x128xf32, #tpu.memory_space<vmem>> -> memref<128xf32, #tpu.memory_space<vmem>>
        %dma_start3A_242 = arith.constant 0 : i32
        %dma_start3A_243 = tpu.memref_slice %arg5[%scan3A_196, %dma_start3A_242] : memref<8x128xi32, #tpu.memory_space<vmem>> -> memref<1x128xi32, #tpu.memory_space<vmem>>
        %dma_start3A_244 = tpu.memref_squeeze %dma_start3A_243 : memref<1x128xi32, #tpu.memory_space<vmem>> -> memref<128xi32, #tpu.memory_space<vmem>>
        %dma_start3A_245 = arith.constant 0 : i32
        %dma_start3A_246 = tpu.memref_slice %arg12[%dma_start3A_245] : memref<100352xf32, #tpu.memory_space<vmem_shared>> -> memref<100352xf32, #tpu.memory_space<vmem_shared>>
        tpu.enqueue_indirect_dma source(%dma_start3A_241 : memref<128xf32, #tpu.memory_space<vmem>>) target(%dma_start3A_246 : memref<100352xf32, #tpu.memory_space<vmem_shared>>) offsets(%dma_start3A_244 : memref<128xi32, #tpu.memory_space<vmem>>) semaphore(%arg24 : memref<!tpu.dma_semaphore, #tpu.memory_space<semaphore_mem>>) {add = true}
        %mul3A_247 = arith.constant 128 : i32
        %mul3A_248 = arith.muli %scan3A_196, %mul3A_247 : i32
        %dma_start3A_249 = arith.constant 5 : i32
        %dma_start3A_250 = tpu.memref_slice %arg6[%dma_start3A_249, %mul3A_248] : memref<16x1024xf32, #tpu.memory_space<vmem>> -> memref<1x128xf32, #tpu.memory_space<vmem>>
        %dma_start3A_251 = tpu.memref_squeeze %dma_start3A_250 : memref<1x128xf32, #tpu.memory_space<vmem>> -> memref<128xf32, #tpu.memory_space<vmem>>
        %dma_start3A_252 = arith.constant 0 : i32
        %dma_start3A_253 = tpu.memref_slice %arg5[%scan3A_196, %dma_start3A_252] : memref<8x128xi32, #tpu.memory_space<vmem>> -> memref<1x128xi32, #tpu.memory_space<vmem>>
        %dma_start3A_254 = tpu.memref_squeeze %dma_start3A_253 : memref<1x128xi32, #tpu.memory_space<vmem>> -> memref<128xi32, #tpu.memory_space<vmem>>
        %dma_start3A_255 = arith.constant 0 : i32
        %dma_start3A_256 = tpu.memref_slice %arg13[%dma_start3A_255] : memref<100352xf32, #tpu.memory_space<vmem_shared>> -> memref<100352xf32, #tpu.memory_space<vmem_shared>>
        tpu.enqueue_indirect_dma source(%dma_start3A_251 : memref<128xf32, #tpu.memory_space<vmem>>) target(%dma_start3A_256 : memref<100352xf32, #tpu.memory_space<vmem_shared>>) offsets(%dma_start3A_254 : memref<128xi32, #tpu.memory_space<vmem>>) semaphore(%arg24 : memref<!tpu.dma_semaphore, #tpu.memory_space<semaphore_mem>>) {add = true}
        %mul3A_257 = arith.constant 128 : i32
        %mul3A_258 = arith.muli %scan3A_196, %mul3A_257 : i32
        %dma_start3A_259 = arith.constant 6 : i32
        %dma_start3A_260 = tpu.memref_slice %arg6[%dma_start3A_259, %mul3A_258] : memref<16x1024xf32, #tpu.memory_space<vmem>> -> memref<1x128xf32, #tpu.memory_space<vmem>>
        %dma_start3A_261 = tpu.memref_squeeze %dma_start3A_260 : memref<1x128xf32, #tpu.memory_space<vmem>> -> memref<128xf32, #tpu.memory_space<vmem>>
        %dma_start3A_262 = arith.constant 0 : i32
        %dma_start3A_263 = tpu.memref_slice %arg5[%scan3A_196, %dma_start3A_262] : memref<8x128xi32, #tpu.memory_space<vmem>> -> memref<1x128xi32, #tpu.memory_space<vmem>>
        %dma_start3A_264 = tpu.memref_squeeze %dma_start3A_263 : memref<1x128xi32, #tpu.memory_space<vmem>> -> memref<128xi32, #tpu.memory_space<vmem>>
        %dma_start3A_265 = arith.constant 0 : i32
        %dma_start3A_266 = tpu.memref_slice %arg14[%dma_start3A_265] : memref<100352xf32, #tpu.memory_space<vmem_shared>> -> memref<100352xf32, #tpu.memory_space<vmem_shared>>
        tpu.enqueue_indirect_dma source(%dma_start3A_261 : memref<128xf32, #tpu.memory_space<vmem>>) target(%dma_start3A_266 : memref<100352xf32, #tpu.memory_space<vmem_shared>>) offsets(%dma_start3A_264 : memref<128xi32, #tpu.memory_space<vmem>>) semaphore(%arg24 : memref<!tpu.dma_semaphore, #tpu.memory_space<semaphore_mem>>) {add = true}
        %mul3A_267 = arith.constant 128 : i32
        %mul3A_268 = arith.muli %scan3A_196, %mul3A_267 : i32
        %dma_start3A_269 = arith.constant 7 : i32
        %dma_start3A_270 = tpu.memref_slice %arg6[%dma_start3A_269, %mul3A_268] : memref<16x1024xf32, #tpu.memory_space<vmem>> -> memref<1x128xf32, #tpu.memory_space<vmem>>
        %dma_start3A_271 = tpu.memref_squeeze %dma_start3A_270 : memref<1x128xf32, #tpu.memory_space<vmem>> -> memref<128xf32, #tpu.memory_space<vmem>>
        %dma_start3A_272 = arith.constant 0 : i32
        %dma_start3A_273 = tpu.memref_slice %arg5[%scan3A_196, %dma_start3A_272] : memref<8x128xi32, #tpu.memory_space<vmem>> -> memref<1x128xi32, #tpu.memory_space<vmem>>
        %dma_start3A_274 = tpu.memref_squeeze %dma_start3A_273 : memref<1x128xi32, #tpu.memory_space<vmem>> -> memref<128xi32, #tpu.memory_space<vmem>>
        %dma_start3A_275 = arith.constant 0 : i32
        %dma_start3A_276 = tpu.memref_slice %arg15[%dma_start3A_275] : memref<100352xf32, #tpu.memory_space<vmem_shared>> -> memref<100352xf32, #tpu.memory_space<vmem_shared>>
        tpu.enqueue_indirect_dma source(%dma_start3A_271 : memref<128xf32, #tpu.memory_space<vmem>>) target(%dma_start3A_276 : memref<100352xf32, #tpu.memory_space<vmem_shared>>) offsets(%dma_start3A_274 : memref<128xi32, #tpu.memory_space<vmem>>) semaphore(%arg24 : memref<!tpu.dma_semaphore, #tpu.memory_space<semaphore_mem>>) {add = true}
        %mul3A_277 = arith.constant 128 : i32
        %mul3A_278 = arith.muli %scan3A_196, %mul3A_277 : i32
        %dma_start3A_279 = arith.constant 8 : i32
        %dma_start3A_280 = tpu.memref_slice %arg6[%dma_start3A_279, %mul3A_278] : memref<16x1024xf32, #tpu.memory_space<vmem>> -> memref<1x128xf32, #tpu.memory_space<vmem>>
        %dma_start3A_281 = tpu.memref_squeeze %dma_start3A_280 : memref<1x128xf32, #tpu.memory_space<vmem>> -> memref<128xf32, #tpu.memory_space<vmem>>
        %dma_start3A_282 = arith.constant 0 : i32
        %dma_start3A_283 = tpu.memref_slice %arg5[%scan3A_196, %dma_start3A_282] : memref<8x128xi32, #tpu.memory_space<vmem>> -> memref<1x128xi32, #tpu.memory_space<vmem>>
        %dma_start3A_284 = tpu.memref_squeeze %dma_start3A_283 : memref<1x128xi32, #tpu.memory_space<vmem>> -> memref<128xi32, #tpu.memory_space<vmem>>
        %dma_start3A_285 = arith.constant 0 : i32
        %dma_start3A_286 = tpu.memref_slice %arg16[%dma_start3A_285] : memref<100352xf32, #tpu.memory_space<vmem_shared>> -> memref<100352xf32, #tpu.memory_space<vmem_shared>>
        tpu.enqueue_indirect_dma source(%dma_start3A_281 : memref<128xf32, #tpu.memory_space<vmem>>) target(%dma_start3A_286 : memref<100352xf32, #tpu.memory_space<vmem_shared>>) offsets(%dma_start3A_284 : memref<128xi32, #tpu.memory_space<vmem>>) semaphore(%arg24 : memref<!tpu.dma_semaphore, #tpu.memory_space<semaphore_mem>>) {add = true}
        %mul3A_287 = arith.constant 128 : i32
        %mul3A_288 = arith.muli %scan3A_196, %mul3A_287 : i32
        %dma_start3A_289 = arith.constant 9 : i32
        %dma_start3A_290 = tpu.memref_slice %arg6[%dma_start3A_289, %mul3A_288] : memref<16x1024xf32, #tpu.memory_space<vmem>> -> memref<1x128xf32, #tpu.memory_space<vmem>>
        %dma_start3A_291 = tpu.memref_squeeze %dma_start3A_290 : memref<1x128xf32, #tpu.memory_space<vmem>> -> memref<128xf32, #tpu.memory_space<vmem>>
        %dma_start3A_292 = arith.constant 0 : i32
        %dma_start3A_293 = tpu.memref_slice %arg5[%scan3A_196, %dma_start3A_292] : memref<8x128xi32, #tpu.memory_space<vmem>> -> memref<1x128xi32, #tpu.memory_space<vmem>>
        %dma_start3A_294 = tpu.memref_squeeze %dma_start3A_293 : memref<1x128xi32, #tpu.memory_space<vmem>> -> memref<128xi32, #tpu.memory_space<vmem>>
        %dma_start3A_295 = arith.constant 0 : i32
        %dma_start3A_296 = tpu.memref_slice %arg17[%dma_start3A_295] : memref<100352xf32, #tpu.memory_space<vmem_shared>> -> memref<100352xf32, #tpu.memory_space<vmem_shared>>
        tpu.enqueue_indirect_dma source(%dma_start3A_291 : memref<128xf32, #tpu.memory_space<vmem>>) target(%dma_start3A_296 : memref<100352xf32, #tpu.memory_space<vmem_shared>>) offsets(%dma_start3A_294 : memref<128xi32, #tpu.memory_space<vmem>>) semaphore(%arg24 : memref<!tpu.dma_semaphore, #tpu.memory_space<semaphore_mem>>) {add = true}
        %mul3A_297 = arith.constant 128 : i32
        %mul3A_298 = arith.muli %scan3A_196, %mul3A_297 : i32
        %dma_start3A_299 = arith.constant 10 : i32
        %dma_start3A_300 = tpu.memref_slice %arg6[%dma_start3A_299, %mul3A_298] : memref<16x1024xf32, #tpu.memory_space<vmem>> -> memref<1x128xf32, #tpu.memory_space<vmem>>
        %dma_start3A_301 = tpu.memref_squeeze %dma_start3A_300 : memref<1x128xf32, #tpu.memory_space<vmem>> -> memref<128xf32, #tpu.memory_space<vmem>>
        %dma_start3A_302 = arith.constant 0 : i32
        %dma_start3A_303 = tpu.memref_slice %arg5[%scan3A_196, %dma_start3A_302] : memref<8x128xi32, #tpu.memory_space<vmem>> -> memref<1x128xi32, #tpu.memory_space<vmem>>
        %dma_start3A_304 = tpu.memref_squeeze %dma_start3A_303 : memref<1x128xi32, #tpu.memory_space<vmem>> -> memref<128xi32, #tpu.memory_space<vmem>>
        %dma_start3A_305 = arith.constant 0 : i32
        %dma_start3A_306 = tpu.memref_slice %arg18[%dma_start3A_305] : memref<100352xf32, #tpu.memory_space<vmem_shared>> -> memref<100352xf32, #tpu.memory_space<vmem_shared>>
        tpu.enqueue_indirect_dma source(%dma_start3A_301 : memref<128xf32, #tpu.memory_space<vmem>>) target(%dma_start3A_306 : memref<100352xf32, #tpu.memory_space<vmem_shared>>) offsets(%dma_start3A_304 : memref<128xi32, #tpu.memory_space<vmem>>) semaphore(%arg24 : memref<!tpu.dma_semaphore, #tpu.memory_space<semaphore_mem>>) {add = true}
        %mul3A_307 = arith.constant 128 : i32
        %mul3A_308 = arith.muli %scan3A_196, %mul3A_307 : i32
        %dma_start3A_309 = arith.constant 11 : i32
        %dma_start3A_310 = tpu.memref_slice %arg6[%dma_start3A_309, %mul3A_308] : memref<16x1024xf32, #tpu.memory_space<vmem>> -> memref<1x128xf32, #tpu.memory_space<vmem>>
        %dma_start3A_311 = tpu.memref_squeeze %dma_start3A_310 : memref<1x128xf32, #tpu.memory_space<vmem>> -> memref<128xf32, #tpu.memory_space<vmem>>
        %dma_start3A_312 = arith.constant 0 : i32
        %dma_start3A_313 = tpu.memref_slice %arg5[%scan3A_196, %dma_start3A_312] : memref<8x128xi32, #tpu.memory_space<vmem>> -> memref<1x128xi32, #tpu.memory_space<vmem>>
        %dma_start3A_314 = tpu.memref_squeeze %dma_start3A_313 : memref<1x128xi32, #tpu.memory_space<vmem>> -> memref<128xi32, #tpu.memory_space<vmem>>
        %dma_start3A_315 = arith.constant 0 : i32
        %dma_start3A_316 = tpu.memref_slice %arg19[%dma_start3A_315] : memref<100352xf32, #tpu.memory_space<vmem_shared>> -> memref<100352xf32, #tpu.memory_space<vmem_shared>>
        tpu.enqueue_indirect_dma source(%dma_start3A_311 : memref<128xf32, #tpu.memory_space<vmem>>) target(%dma_start3A_316 : memref<100352xf32, #tpu.memory_space<vmem_shared>>) offsets(%dma_start3A_314 : memref<128xi32, #tpu.memory_space<vmem>>) semaphore(%arg24 : memref<!tpu.dma_semaphore, #tpu.memory_space<semaphore_mem>>) {add = true}
        %mul3A_317 = arith.constant 128 : i32
        %mul3A_318 = arith.muli %scan3A_196, %mul3A_317 : i32
        %dma_start3A_319 = arith.constant 12 : i32
        %dma_start3A_320 = tpu.memref_slice %arg6[%dma_start3A_319, %mul3A_318] : memref<16x1024xf32, #tpu.memory_space<vmem>> -> memref<1x128xf32, #tpu.memory_space<vmem>>
        %dma_start3A_321 = tpu.memref_squeeze %dma_start3A_320 : memref<1x128xf32, #tpu.memory_space<vmem>> -> memref<128xf32, #tpu.memory_space<vmem>>
        %dma_start3A_322 = arith.constant 0 : i32
        %dma_start3A_323 = tpu.memref_slice %arg5[%scan3A_196, %dma_start3A_322] : memref<8x128xi32, #tpu.memory_space<vmem>> -> memref<1x128xi32, #tpu.memory_space<vmem>>
        %dma_start3A_324 = tpu.memref_squeeze %dma_start3A_323 : memref<1x128xi32, #tpu.memory_space<vmem>> -> memref<128xi32, #tpu.memory_space<vmem>>
        %dma_start3A_325 = arith.constant 0 : i32
        %dma_start3A_326 = tpu.memref_slice %arg20[%dma_start3A_325] : memref<100352xf32, #tpu.memory_space<vmem_shared>> -> memref<100352xf32, #tpu.memory_space<vmem_shared>>
        tpu.enqueue_indirect_dma source(%dma_start3A_321 : memref<128xf32, #tpu.memory_space<vmem>>) target(%dma_start3A_326 : memref<100352xf32, #tpu.memory_space<vmem_shared>>) offsets(%dma_start3A_324 : memref<128xi32, #tpu.memory_space<vmem>>) semaphore(%arg24 : memref<!tpu.dma_semaphore, #tpu.memory_space<semaphore_mem>>) {add = true}
        %mul3A_327 = arith.constant 128 : i32
        %mul3A_328 = arith.muli %scan3A_196, %mul3A_327 : i32
        %dma_start3A_329 = arith.constant 13 : i32
        %dma_start3A_330 = tpu.memref_slice %arg6[%dma_start3A_329, %mul3A_328] : memref<16x1024xf32, #tpu.memory_space<vmem>> -> memref<1x128xf32, #tpu.memory_space<vmem>>
        %dma_start3A_331 = tpu.memref_squeeze %dma_start3A_330 : memref<1x128xf32, #tpu.memory_space<vmem>> -> memref<128xf32, #tpu.memory_space<vmem>>
        %dma_start3A_332 = arith.constant 0 : i32
        %dma_start3A_333 = tpu.memref_slice %arg5[%scan3A_196, %dma_start3A_332] : memref<8x128xi32, #tpu.memory_space<vmem>> -> memref<1x128xi32, #tpu.memory_space<vmem>>
        %dma_start3A_334 = tpu.memref_squeeze %dma_start3A_333 : memref<1x128xi32, #tpu.memory_space<vmem>> -> memref<128xi32, #tpu.memory_space<vmem>>
        %dma_start3A_335 = arith.constant 0 : i32
        %dma_start3A_336 = tpu.memref_slice %arg21[%dma_start3A_335] : memref<100352xf32, #tpu.memory_space<vmem_shared>> -> memref<100352xf32, #tpu.memory_space<vmem_shared>>
        tpu.enqueue_indirect_dma source(%dma_start3A_331 : memref<128xf32, #tpu.memory_space<vmem>>) target(%dma_start3A_336 : memref<100352xf32, #tpu.memory_space<vmem_shared>>) offsets(%dma_start3A_334 : memref<128xi32, #tpu.memory_space<vmem>>) semaphore(%arg24 : memref<!tpu.dma_semaphore, #tpu.memory_space<semaphore_mem>>) {add = true}
        %mul3A_337 = arith.constant 128 : i32
        %mul3A_338 = arith.muli %scan3A_196, %mul3A_337 : i32
        %dma_start3A_339 = arith.constant 14 : i32
        %dma_start3A_340 = tpu.memref_slice %arg6[%dma_start3A_339, %mul3A_338] : memref<16x1024xf32, #tpu.memory_space<vmem>> -> memref<1x128xf32, #tpu.memory_space<vmem>>
        %dma_start3A_341 = tpu.memref_squeeze %dma_start3A_340 : memref<1x128xf32, #tpu.memory_space<vmem>> -> memref<128xf32, #tpu.memory_space<vmem>>
        %dma_start3A_342 = arith.constant 0 : i32
        %dma_start3A_343 = tpu.memref_slice %arg5[%scan3A_196, %dma_start3A_342] : memref<8x128xi32, #tpu.memory_space<vmem>> -> memref<1x128xi32, #tpu.memory_space<vmem>>
        %dma_start3A_344 = tpu.memref_squeeze %dma_start3A_343 : memref<1x128xi32, #tpu.memory_space<vmem>> -> memref<128xi32, #tpu.memory_space<vmem>>
        %dma_start3A_345 = arith.constant 0 : i32
        %dma_start3A_346 = tpu.memref_slice %arg22[%dma_start3A_345] : memref<100352xf32, #tpu.memory_space<vmem_shared>> -> memref<100352xf32, #tpu.memory_space<vmem_shared>>
        tpu.enqueue_indirect_dma source(%dma_start3A_341 : memref<128xf32, #tpu.memory_space<vmem>>) target(%dma_start3A_346 : memref<100352xf32, #tpu.memory_space<vmem_shared>>) offsets(%dma_start3A_344 : memref<128xi32, #tpu.memory_space<vmem>>) semaphore(%arg24 : memref<!tpu.dma_semaphore, #tpu.memory_space<semaphore_mem>>) {add = true}
        %mul3A_347 = arith.constant 128 : i32
        %mul3A_348 = arith.muli %scan3A_196, %mul3A_347 : i32
        %dma_start3A_349 = arith.constant 15 : i32
        %dma_start3A_350 = tpu.memref_slice %arg6[%dma_start3A_349, %mul3A_348] : memref<16x1024xf32, #tpu.memory_space<vmem>> -> memref<1x128xf32, #tpu.memory_space<vmem>>
        %dma_start3A_351 = tpu.memref_squeeze %dma_start3A_350 : memref<1x128xf32, #tpu.memory_space<vmem>> -> memref<128xf32, #tpu.memory_space<vmem>>
        %dma_start3A_352 = arith.constant 0 : i32
        %dma_start3A_353 = tpu.memref_slice %arg5[%scan3A_196, %dma_start3A_352] : memref<8x128xi32, #tpu.memory_space<vmem>> -> memref<1x128xi32, #tpu.memory_space<vmem>>
        %dma_start3A_354 = tpu.memref_squeeze %dma_start3A_353 : memref<1x128xi32, #tpu.memory_space<vmem>> -> memref<128xi32, #tpu.memory_space<vmem>>
        %dma_start3A_355 = arith.constant 0 : i32
        %dma_start3A_356 = tpu.memref_slice %arg23[%dma_start3A_355] : memref<100352xf32, #tpu.memory_space<vmem_shared>> -> memref<100352xf32, #tpu.memory_space<vmem_shared>>
        tpu.enqueue_indirect_dma source(%dma_start3A_351 : memref<128xf32, #tpu.memory_space<vmem>>) target(%dma_start3A_356 : memref<100352xf32, #tpu.memory_space<vmem_shared>>) offsets(%dma_start3A_354 : memref<128xi32, #tpu.memory_space<vmem>>) semaphore(%arg24 : memref<!tpu.dma_semaphore, #tpu.memory_space<semaphore_mem>>) {add = true}
        %scan3A_357 = arith.constant 0 : i32
        scf.yield %scan3A_357 : i32
      }
      %scan3A_189 = arith.constant 8 : i32
      %dma_wait3A = arith.constant 0 : i32
      %dma_wait3A_190 = arith.constant 0 : i32
      %dma_wait3A_191 = tpu.memref_slice %arg2[%dma_wait3A, %dma_wait3A_190] : memref<16x819200xf32, #tpu.memory_space<hbm>> -> memref<16x1024xf32, #tpu.memory_space<hbm>>
      %dma_wait3A_192 = arith.constant 0 : i32
      %dma_wait3A_193 = arith.constant 0 : i32
      %dma_wait3A_194 = tpu.memref_slice %arg2[%dma_wait3A_192, %dma_wait3A_193] : memref<16x819200xf32, #tpu.memory_space<hbm>> -> memref<16x1024xf32, #tpu.memory_space<hbm>>
      tpu.wait_dma2 semaphore(%arg24 : memref<!tpu.dma_semaphore, #tpu.memory_space<semaphore_mem>>) src(%dma_wait3A_194 : memref<16x1024xf32, #tpu.memory_space<hbm>>) dst(%arg6 : memref<16x1024xf32, #tpu.memory_space<vmem>>)
      %scan3A_195 = arith.constant 0 : i32
      scf.yield %scan3A_195 : i32
    }
    %scan3A_47 = arith.constant 25 : i32
    %barrier3A_48 = arith.constant 0 : index
    tpu.barrier barrier_id(%barrier3A_48)
    %mul3A_49 = arith.constant 6272 : i32
    %mul3A_50 = arith.muli %arg1, %mul3A_49 : i32
    %mul3A_51 = arith.constant 100352 : i32
    %mul3A_52 = arith.muli %arg0, %mul3A_51 : i32
    %mul3A_53 = arith.constant 6272 : i32
    %mul3A_54 = arith.muli %arg1, %mul3A_53 : i32
    %add3A_55 = arith.addi %mul3A_52, %mul3A_54 : i32
    %run_scoped3A = arith.constant 0 : i32
    "tpu.region"() ({
      %run_scoped3A_176 = tpu.sem_alloc : memref<!tpu.dma_semaphore, #tpu.memory_space<semaphore_mem>>
      %dma_start3A = tpu.memref_slice %arg4[%run_scoped3A, %add3A_55] : memref<16x200704xf32, #tpu.memory_space<hbm>> -> memref<1x6272xf32, #tpu.memory_space<hbm>>
      %dma_start3A_177 = tpu.memref_squeeze %dma_start3A : memref<1x6272xf32, #tpu.memory_space<hbm>> -> memref<6272xf32, #tpu.memory_space<hbm>>
      %dma_start3A_178 = tpu.memref_slice %arg8[%mul3A_50] : memref<100352xf32, #tpu.memory_space<vmem_shared>> -> memref<6272xf32, #tpu.memory_space<vmem_shared>>
      tpu.enqueue_dma source(%dma_start3A_178 : memref<6272xf32, #tpu.memory_space<vmem_shared>>) target(%dma_start3A_177 : memref<6272xf32, #tpu.memory_space<hbm>>) target_semaphore(%run_scoped3A_176 : memref<!tpu.dma_semaphore, #tpu.memory_space<semaphore_mem>>)
      %dma_wait3A = tpu.memref_slice %arg4[%run_scoped3A, %add3A_55] : memref<16x200704xf32, #tpu.memory_space<hbm>> -> memref<1x6272xf32, #tpu.memory_space<hbm>>
      %dma_wait3A_179 = tpu.memref_squeeze %dma_wait3A : memref<1x6272xf32, #tpu.memory_space<hbm>> -> memref<6272xf32, #tpu.memory_space<hbm>>
      %dma_wait3A_180 = tpu.memref_slice %arg8[%mul3A_50] : memref<100352xf32, #tpu.memory_space<vmem_shared>> -> memref<6272xf32, #tpu.memory_space<vmem_shared>>
      tpu.wait_dma2 semaphore(%run_scoped3A_176 : memref<!tpu.dma_semaphore, #tpu.memory_space<semaphore_mem>>) src(%dma_wait3A_180 : memref<6272xf32, #tpu.memory_space<vmem_shared>>) dst(%dma_wait3A_179 : memref<6272xf32, #tpu.memory_space<hbm>>)
      tpu.yield
    }) : () -> ()
    %mul3A_56 = arith.constant 6272 : i32
    %mul3A_57 = arith.muli %arg1, %mul3A_56 : i32
    %mul3A_58 = arith.constant 100352 : i32
    %mul3A_59 = arith.muli %arg0, %mul3A_58 : i32
    %mul3A_60 = arith.constant 6272 : i32
    %mul3A_61 = arith.muli %arg1, %mul3A_60 : i32
    %add3A_62 = arith.addi %mul3A_59, %mul3A_61 : i32
    %run_scoped3A_63 = arith.constant 1 : i32
    "tpu.region"() ({
      %run_scoped3A_176 = tpu.sem_alloc : memref<!tpu.dma_semaphore, #tpu.memory_space<semaphore_mem>>
      %dma_start3A = tpu.memref_slice %arg4[%run_scoped3A_63, %add3A_62] : memref<16x200704xf32, #tpu.memory_space<hbm>> -> memref<1x6272xf32, #tpu.memory_space<hbm>>
      %dma_start3A_177 = tpu.memref_squeeze %dma_start3A : memref<1x6272xf32, #tpu.memory_space<hbm>> -> memref<6272xf32, #tpu.memory_space<hbm>>
      %dma_start3A_178 = tpu.memref_slice %arg9[%mul3A_57] : memref<100352xf32, #tpu.memory_space<vmem_shared>> -> memref<6272xf32, #tpu.memory_space<vmem_shared>>
      tpu.enqueue_dma source(%dma_start3A_178 : memref<6272xf32, #tpu.memory_space<vmem_shared>>) target(%dma_start3A_177 : memref<6272xf32, #tpu.memory_space<hbm>>) target_semaphore(%run_scoped3A_176 : memref<!tpu.dma_semaphore, #tpu.memory_space<semaphore_mem>>)
      %dma_wait3A = tpu.memref_slice %arg4[%run_scoped3A_63, %add3A_62] : memref<16x200704xf32, #tpu.memory_space<hbm>> -> memref<1x6272xf32, #tpu.memory_space<hbm>>
      %dma_wait3A_179 = tpu.memref_squeeze %dma_wait3A : memref<1x6272xf32, #tpu.memory_space<hbm>> -> memref<6272xf32, #tpu.memory_space<hbm>>
      %dma_wait3A_180 = tpu.memref_slice %arg9[%mul3A_57] : memref<100352xf32, #tpu.memory_space<vmem_shared>> -> memref<6272xf32, #tpu.memory_space<vmem_shared>>
      tpu.wait_dma2 semaphore(%run_scoped3A_176 : memref<!tpu.dma_semaphore, #tpu.memory_space<semaphore_mem>>) src(%dma_wait3A_180 : memref<6272xf32, #tpu.memory_space<vmem_shared>>) dst(%dma_wait3A_179 : memref<6272xf32, #tpu.memory_space<hbm>>)
      tpu.yield
    }) : () -> ()
    %mul3A_64 = arith.constant 6272 : i32
    %mul3A_65 = arith.muli %arg1, %mul3A_64 : i32
    %mul3A_66 = arith.constant 100352 : i32
    %mul3A_67 = arith.muli %arg0, %mul3A_66 : i32
    %mul3A_68 = arith.constant 6272 : i32
    %mul3A_69 = arith.muli %arg1, %mul3A_68 : i32
    %add3A_70 = arith.addi %mul3A_67, %mul3A_69 : i32
    %run_scoped3A_71 = arith.constant 2 : i32
    "tpu.region"() ({
      %run_scoped3A_176 = tpu.sem_alloc : memref<!tpu.dma_semaphore, #tpu.memory_space<semaphore_mem>>
      %dma_start3A = tpu.memref_slice %arg4[%run_scoped3A_71, %add3A_70] : memref<16x200704xf32, #tpu.memory_space<hbm>> -> memref<1x6272xf32, #tpu.memory_space<hbm>>
      %dma_start3A_177 = tpu.memref_squeeze %dma_start3A : memref<1x6272xf32, #tpu.memory_space<hbm>> -> memref<6272xf32, #tpu.memory_space<hbm>>
      %dma_start3A_178 = tpu.memref_slice %arg10[%mul3A_65] : memref<100352xf32, #tpu.memory_space<vmem_shared>> -> memref<6272xf32, #tpu.memory_space<vmem_shared>>
      tpu.enqueue_dma source(%dma_start3A_178 : memref<6272xf32, #tpu.memory_space<vmem_shared>>) target(%dma_start3A_177 : memref<6272xf32, #tpu.memory_space<hbm>>) target_semaphore(%run_scoped3A_176 : memref<!tpu.dma_semaphore, #tpu.memory_space<semaphore_mem>>)
      %dma_wait3A = tpu.memref_slice %arg4[%run_scoped3A_71, %add3A_70] : memref<16x200704xf32, #tpu.memory_space<hbm>> -> memref<1x6272xf32, #tpu.memory_space<hbm>>
      %dma_wait3A_179 = tpu.memref_squeeze %dma_wait3A : memref<1x6272xf32, #tpu.memory_space<hbm>> -> memref<6272xf32, #tpu.memory_space<hbm>>
      %dma_wait3A_180 = tpu.memref_slice %arg10[%mul3A_65] : memref<100352xf32, #tpu.memory_space<vmem_shared>> -> memref<6272xf32, #tpu.memory_space<vmem_shared>>
      tpu.wait_dma2 semaphore(%run_scoped3A_176 : memref<!tpu.dma_semaphore, #tpu.memory_space<semaphore_mem>>) src(%dma_wait3A_180 : memref<6272xf32, #tpu.memory_space<vmem_shared>>) dst(%dma_wait3A_179 : memref<6272xf32, #tpu.memory_space<hbm>>)
      tpu.yield
    }) : () -> ()
    %mul3A_72 = arith.constant 6272 : i32
    %mul3A_73 = arith.muli %arg1, %mul3A_72 : i32
    %mul3A_74 = arith.constant 100352 : i32
    %mul3A_75 = arith.muli %arg0, %mul3A_74 : i32
    %mul3A_76 = arith.constant 6272 : i32
    %mul3A_77 = arith.muli %arg1, %mul3A_76 : i32
    %add3A_78 = arith.addi %mul3A_75, %mul3A_77 : i32
    %run_scoped3A_79 = arith.constant 3 : i32
    "tpu.region"() ({
      %run_scoped3A_176 = tpu.sem_alloc : memref<!tpu.dma_semaphore, #tpu.memory_space<semaphore_mem>>
      %dma_start3A = tpu.memref_slice %arg4[%run_scoped3A_79, %add3A_78] : memref<16x200704xf32, #tpu.memory_space<hbm>> -> memref<1x6272xf32, #tpu.memory_space<hbm>>
      %dma_start3A_177 = tpu.memref_squeeze %dma_start3A : memref<1x6272xf32, #tpu.memory_space<hbm>> -> memref<6272xf32, #tpu.memory_space<hbm>>
      %dma_start3A_178 = tpu.memref_slice %arg11[%mul3A_73] : memref<100352xf32, #tpu.memory_space<vmem_shared>> -> memref<6272xf32, #tpu.memory_space<vmem_shared>>
      tpu.enqueue_dma source(%dma_start3A_178 : memref<6272xf32, #tpu.memory_space<vmem_shared>>) target(%dma_start3A_177 : memref<6272xf32, #tpu.memory_space<hbm>>) target_semaphore(%run_scoped3A_176 : memref<!tpu.dma_semaphore, #tpu.memory_space<semaphore_mem>>)
      %dma_wait3A = tpu.memref_slice %arg4[%run_scoped3A_79, %add3A_78] : memref<16x200704xf32, #tpu.memory_space<hbm>> -> memref<1x6272xf32, #tpu.memory_space<hbm>>
      %dma_wait3A_179 = tpu.memref_squeeze %dma_wait3A : memref<1x6272xf32, #tpu.memory_space<hbm>> -> memref<6272xf32, #tpu.memory_space<hbm>>
      %dma_wait3A_180 = tpu.memref_slice %arg11[%mul3A_73] : memref<100352xf32, #tpu.memory_space<vmem_shared>> -> memref<6272xf32, #tpu.memory_space<vmem_shared>>
      tpu.wait_dma2 semaphore(%run_scoped3A_176 : memref<!tpu.dma_semaphore, #tpu.memory_space<semaphore_mem>>) src(%dma_wait3A_180 : memref<6272xf32, #tpu.memory_space<vmem_shared>>) dst(%dma_wait3A_179 : memref<6272xf32, #tpu.memory_space<hbm>>)
      tpu.yield
    }) : () -> ()
    %mul3A_80 = arith.constant 6272 : i32
    %mul3A_81 = arith.muli %arg1, %mul3A_80 : i32
    %mul3A_82 = arith.constant 100352 : i32
    %mul3A_83 = arith.muli %arg0, %mul3A_82 : i32
    %mul3A_84 = arith.constant 6272 : i32
    %mul3A_85 = arith.muli %arg1, %mul3A_84 : i32
    %add3A_86 = arith.addi %mul3A_83, %mul3A_85 : i32
    %run_scoped3A_87 = arith.constant 4 : i32
    "tpu.region"() ({
      %run_scoped3A_176 = tpu.sem_alloc : memref<!tpu.dma_semaphore, #tpu.memory_space<semaphore_mem>>
      %dma_start3A = tpu.memref_slice %arg4[%run_scoped3A_87, %add3A_86] : memref<16x200704xf32, #tpu.memory_space<hbm>> -> memref<1x6272xf32, #tpu.memory_space<hbm>>
      %dma_start3A_177 = tpu.memref_squeeze %dma_start3A : memref<1x6272xf32, #tpu.memory_space<hbm>> -> memref<6272xf32, #tpu.memory_space<hbm>>
      %dma_start3A_178 = tpu.memref_slice %arg12[%mul3A_81] : memref<100352xf32, #tpu.memory_space<vmem_shared>> -> memref<6272xf32, #tpu.memory_space<vmem_shared>>
      tpu.enqueue_dma source(%dma_start3A_178 : memref<6272xf32, #tpu.memory_space<vmem_shared>>) target(%dma_start3A_177 : memref<6272xf32, #tpu.memory_space<hbm>>) target_semaphore(%run_scoped3A_176 : memref<!tpu.dma_semaphore, #tpu.memory_space<semaphore_mem>>)
      %dma_wait3A = tpu.memref_slice %arg4[%run_scoped3A_87, %add3A_86] : memref<16x200704xf32, #tpu.memory_space<hbm>> -> memref<1x6272xf32, #tpu.memory_space<hbm>>
      %dma_wait3A_179 = tpu.memref_squeeze %dma_wait3A : memref<1x6272xf32, #tpu.memory_space<hbm>> -> memref<6272xf32, #tpu.memory_space<hbm>>
      %dma_wait3A_180 = tpu.memref_slice %arg12[%mul3A_81] : memref<100352xf32, #tpu.memory_space<vmem_shared>> -> memref<6272xf32, #tpu.memory_space<vmem_shared>>
      tpu.wait_dma2 semaphore(%run_scoped3A_176 : memref<!tpu.dma_semaphore, #tpu.memory_space<semaphore_mem>>) src(%dma_wait3A_180 : memref<6272xf32, #tpu.memory_space<vmem_shared>>) dst(%dma_wait3A_179 : memref<6272xf32, #tpu.memory_space<hbm>>)
      tpu.yield
    }) : () -> ()
    %mul3A_88 = arith.constant 6272 : i32
    %mul3A_89 = arith.muli %arg1, %mul3A_88 : i32
    %mul3A_90 = arith.constant 100352 : i32
    %mul3A_91 = arith.muli %arg0, %mul3A_90 : i32
    %mul3A_92 = arith.constant 6272 : i32
    %mul3A_93 = arith.muli %arg1, %mul3A_92 : i32
    %add3A_94 = arith.addi %mul3A_91, %mul3A_93 : i32
    %run_scoped3A_95 = arith.constant 5 : i32
    "tpu.region"() ({
      %run_scoped3A_176 = tpu.sem_alloc : memref<!tpu.dma_semaphore, #tpu.memory_space<semaphore_mem>>
      %dma_start3A = tpu.memref_slice %arg4[%run_scoped3A_95, %add3A_94] : memref<16x200704xf32, #tpu.memory_space<hbm>> -> memref<1x6272xf32, #tpu.memory_space<hbm>>
      %dma_start3A_177 = tpu.memref_squeeze %dma_start3A : memref<1x6272xf32, #tpu.memory_space<hbm>> -> memref<6272xf32, #tpu.memory_space<hbm>>
      %dma_start3A_178 = tpu.memref_slice %arg13[%mul3A_89] : memref<100352xf32, #tpu.memory_space<vmem_shared>> -> memref<6272xf32, #tpu.memory_space<vmem_shared>>
      tpu.enqueue_dma source(%dma_start3A_178 : memref<6272xf32, #tpu.memory_space<vmem_shared>>) target(%dma_start3A_177 : memref<6272xf32, #tpu.memory_space<hbm>>) target_semaphore(%run_scoped3A_176 : memref<!tpu.dma_semaphore, #tpu.memory_space<semaphore_mem>>)
      %dma_wait3A = tpu.memref_slice %arg4[%run_scoped3A_95, %add3A_94] : memref<16x200704xf32, #tpu.memory_space<hbm>> -> memref<1x6272xf32, #tpu.memory_space<hbm>>
      %dma_wait3A_179 = tpu.memref_squeeze %dma_wait3A : memref<1x6272xf32, #tpu.memory_space<hbm>> -> memref<6272xf32, #tpu.memory_space<hbm>>
      %dma_wait3A_180 = tpu.memref_slice %arg13[%mul3A_89] : memref<100352xf32, #tpu.memory_space<vmem_shared>> -> memref<6272xf32, #tpu.memory_space<vmem_shared>>
      tpu.wait_dma2 semaphore(%run_scoped3A_176 : memref<!tpu.dma_semaphore, #tpu.memory_space<semaphore_mem>>) src(%dma_wait3A_180 : memref<6272xf32, #tpu.memory_space<vmem_shared>>) dst(%dma_wait3A_179 : memref<6272xf32, #tpu.memory_space<hbm>>)
      tpu.yield
    }) : () -> ()
    %mul3A_96 = arith.constant 6272 : i32
    %mul3A_97 = arith.muli %arg1, %mul3A_96 : i32
    %mul3A_98 = arith.constant 100352 : i32
    %mul3A_99 = arith.muli %arg0, %mul3A_98 : i32
    %mul3A_100 = arith.constant 6272 : i32
    %mul3A_101 = arith.muli %arg1, %mul3A_100 : i32
    %add3A_102 = arith.addi %mul3A_99, %mul3A_101 : i32
    %run_scoped3A_103 = arith.constant 6 : i32
    "tpu.region"() ({
      %run_scoped3A_176 = tpu.sem_alloc : memref<!tpu.dma_semaphore, #tpu.memory_space<semaphore_mem>>
      %dma_start3A = tpu.memref_slice %arg4[%run_scoped3A_103, %add3A_102] : memref<16x200704xf32, #tpu.memory_space<hbm>> -> memref<1x6272xf32, #tpu.memory_space<hbm>>
      %dma_start3A_177 = tpu.memref_squeeze %dma_start3A : memref<1x6272xf32, #tpu.memory_space<hbm>> -> memref<6272xf32, #tpu.memory_space<hbm>>
      %dma_start3A_178 = tpu.memref_slice %arg14[%mul3A_97] : memref<100352xf32, #tpu.memory_space<vmem_shared>> -> memref<6272xf32, #tpu.memory_space<vmem_shared>>
      tpu.enqueue_dma source(%dma_start3A_178 : memref<6272xf32, #tpu.memory_space<vmem_shared>>) target(%dma_start3A_177 : memref<6272xf32, #tpu.memory_space<hbm>>) target_semaphore(%run_scoped3A_176 : memref<!tpu.dma_semaphore, #tpu.memory_space<semaphore_mem>>)
      %dma_wait3A = tpu.memref_slice %arg4[%run_scoped3A_103, %add3A_102] : memref<16x200704xf32, #tpu.memory_space<hbm>> -> memref<1x6272xf32, #tpu.memory_space<hbm>>
      %dma_wait3A_179 = tpu.memref_squeeze %dma_wait3A : memref<1x6272xf32, #tpu.memory_space<hbm>> -> memref<6272xf32, #tpu.memory_space<hbm>>
      %dma_wait3A_180 = tpu.memref_slice %arg14[%mul3A_97] : memref<100352xf32, #tpu.memory_space<vmem_shared>> -> memref<6272xf32, #tpu.memory_space<vmem_shared>>
      tpu.wait_dma2 semaphore(%run_scoped3A_176 : memref<!tpu.dma_semaphore, #tpu.memory_space<semaphore_mem>>) src(%dma_wait3A_180 : memref<6272xf32, #tpu.memory_space<vmem_shared>>) dst(%dma_wait3A_179 : memref<6272xf32, #tpu.memory_space<hbm>>)
      tpu.yield
    }) : () -> ()
    %mul3A_104 = arith.constant 6272 : i32
    %mul3A_105 = arith.muli %arg1, %mul3A_104 : i32
    %mul3A_106 = arith.constant 100352 : i32
    %mul3A_107 = arith.muli %arg0, %mul3A_106 : i32
    %mul3A_108 = arith.constant 6272 : i32
    %mul3A_109 = arith.muli %arg1, %mul3A_108 : i32
    %add3A_110 = arith.addi %mul3A_107, %mul3A_109 : i32
    %run_scoped3A_111 = arith.constant 7 : i32
    "tpu.region"() ({
      %run_scoped3A_176 = tpu.sem_alloc : memref<!tpu.dma_semaphore, #tpu.memory_space<semaphore_mem>>
      %dma_start3A = tpu.memref_slice %arg4[%run_scoped3A_111, %add3A_110] : memref<16x200704xf32, #tpu.memory_space<hbm>> -> memref<1x6272xf32, #tpu.memory_space<hbm>>
      %dma_start3A_177 = tpu.memref_squeeze %dma_start3A : memref<1x6272xf32, #tpu.memory_space<hbm>> -> memref<6272xf32, #tpu.memory_space<hbm>>
      %dma_start3A_178 = tpu.memref_slice %arg15[%mul3A_105] : memref<100352xf32, #tpu.memory_space<vmem_shared>> -> memref<6272xf32, #tpu.memory_space<vmem_shared>>
      tpu.enqueue_dma source(%dma_start3A_178 : memref<6272xf32, #tpu.memory_space<vmem_shared>>) target(%dma_start3A_177 : memref<6272xf32, #tpu.memory_space<hbm>>) target_semaphore(%run_scoped3A_176 : memref<!tpu.dma_semaphore, #tpu.memory_space<semaphore_mem>>)
      %dma_wait3A = tpu.memref_slice %arg4[%run_scoped3A_111, %add3A_110] : memref<16x200704xf32, #tpu.memory_space<hbm>> -> memref<1x6272xf32, #tpu.memory_space<hbm>>
      %dma_wait3A_179 = tpu.memref_squeeze %dma_wait3A : memref<1x6272xf32, #tpu.memory_space<hbm>> -> memref<6272xf32, #tpu.memory_space<hbm>>
      %dma_wait3A_180 = tpu.memref_slice %arg15[%mul3A_105] : memref<100352xf32, #tpu.memory_space<vmem_shared>> -> memref<6272xf32, #tpu.memory_space<vmem_shared>>
      tpu.wait_dma2 semaphore(%run_scoped3A_176 : memref<!tpu.dma_semaphore, #tpu.memory_space<semaphore_mem>>) src(%dma_wait3A_180 : memref<6272xf32, #tpu.memory_space<vmem_shared>>) dst(%dma_wait3A_179 : memref<6272xf32, #tpu.memory_space<hbm>>)
      tpu.yield
    }) : () -> ()
    %mul3A_112 = arith.constant 6272 : i32
    %mul3A_113 = arith.muli %arg1, %mul3A_112 : i32
    %mul3A_114 = arith.constant 100352 : i32
    %mul3A_115 = arith.muli %arg0, %mul3A_114 : i32
    %mul3A_116 = arith.constant 6272 : i32
    %mul3A_117 = arith.muli %arg1, %mul3A_116 : i32
    %add3A_118 = arith.addi %mul3A_115, %mul3A_117 : i32
    %run_scoped3A_119 = arith.constant 8 : i32
    "tpu.region"() ({
      %run_scoped3A_176 = tpu.sem_alloc : memref<!tpu.dma_semaphore, #tpu.memory_space<semaphore_mem>>
      %dma_start3A = tpu.memref_slice %arg4[%run_scoped3A_119, %add3A_118] : memref<16x200704xf32, #tpu.memory_space<hbm>> -> memref<1x6272xf32, #tpu.memory_space<hbm>>
      %dma_start3A_177 = tpu.memref_squeeze %dma_start3A : memref<1x6272xf32, #tpu.memory_space<hbm>> -> memref<6272xf32, #tpu.memory_space<hbm>>
      %dma_start3A_178 = tpu.memref_slice %arg16[%mul3A_113] : memref<100352xf32, #tpu.memory_space<vmem_shared>> -> memref<6272xf32, #tpu.memory_space<vmem_shared>>
      tpu.enqueue_dma source(%dma_start3A_178 : memref<6272xf32, #tpu.memory_space<vmem_shared>>) target(%dma_start3A_177 : memref<6272xf32, #tpu.memory_space<hbm>>) target_semaphore(%run_scoped3A_176 : memref<!tpu.dma_semaphore, #tpu.memory_space<semaphore_mem>>)
      %dma_wait3A = tpu.memref_slice %arg4[%run_scoped3A_119, %add3A_118] : memref<16x200704xf32, #tpu.memory_space<hbm>> -> memref<1x6272xf32, #tpu.memory_space<hbm>>
      %dma_wait3A_179 = tpu.memref_squeeze %dma_wait3A : memref<1x6272xf32, #tpu.memory_space<hbm>> -> memref<6272xf32, #tpu.memory_space<hbm>>
      %dma_wait3A_180 = tpu.memref_slice %arg16[%mul3A_113] : memref<100352xf32, #tpu.memory_space<vmem_shared>> -> memref<6272xf32, #tpu.memory_space<vmem_shared>>
      tpu.wait_dma2 semaphore(%run_scoped3A_176 : memref<!tpu.dma_semaphore, #tpu.memory_space<semaphore_mem>>) src(%dma_wait3A_180 : memref<6272xf32, #tpu.memory_space<vmem_shared>>) dst(%dma_wait3A_179 : memref<6272xf32, #tpu.memory_space<hbm>>)
      tpu.yield
    }) : () -> ()
    %mul3A_120 = arith.constant 6272 : i32
    %mul3A_121 = arith.muli %arg1, %mul3A_120 : i32
    %mul3A_122 = arith.constant 100352 : i32
    %mul3A_123 = arith.muli %arg0, %mul3A_122 : i32
    %mul3A_124 = arith.constant 6272 : i32
    %mul3A_125 = arith.muli %arg1, %mul3A_124 : i32
    %add3A_126 = arith.addi %mul3A_123, %mul3A_125 : i32
    %run_scoped3A_127 = arith.constant 9 : i32
    "tpu.region"() ({
      %run_scoped3A_176 = tpu.sem_alloc : memref<!tpu.dma_semaphore, #tpu.memory_space<semaphore_mem>>
      %dma_start3A = tpu.memref_slice %arg4[%run_scoped3A_127, %add3A_126] : memref<16x200704xf32, #tpu.memory_space<hbm>> -> memref<1x6272xf32, #tpu.memory_space<hbm>>
      %dma_start3A_177 = tpu.memref_squeeze %dma_start3A : memref<1x6272xf32, #tpu.memory_space<hbm>> -> memref<6272xf32, #tpu.memory_space<hbm>>
      %dma_start3A_178 = tpu.memref_slice %arg17[%mul3A_121] : memref<100352xf32, #tpu.memory_space<vmem_shared>> -> memref<6272xf32, #tpu.memory_space<vmem_shared>>
      tpu.enqueue_dma source(%dma_start3A_178 : memref<6272xf32, #tpu.memory_space<vmem_shared>>) target(%dma_start3A_177 : memref<6272xf32, #tpu.memory_space<hbm>>) target_semaphore(%run_scoped3A_176 : memref<!tpu.dma_semaphore, #tpu.memory_space<semaphore_mem>>)
      %dma_wait3A = tpu.memref_slice %arg4[%run_scoped3A_127, %add3A_126] : memref<16x200704xf32, #tpu.memory_space<hbm>> -> memref<1x6272xf32, #tpu.memory_space<hbm>>
      %dma_wait3A_179 = tpu.memref_squeeze %dma_wait3A : memref<1x6272xf32, #tpu.memory_space<hbm>> -> memref<6272xf32, #tpu.memory_space<hbm>>
      %dma_wait3A_180 = tpu.memref_slice %arg17[%mul3A_121] : memref<100352xf32, #tpu.memory_space<vmem_shared>> -> memref<6272xf32, #tpu.memory_space<vmem_shared>>
      tpu.wait_dma2 semaphore(%run_scoped3A_176 : memref<!tpu.dma_semaphore, #tpu.memory_space<semaphore_mem>>) src(%dma_wait3A_180 : memref<6272xf32, #tpu.memory_space<vmem_shared>>) dst(%dma_wait3A_179 : memref<6272xf32, #tpu.memory_space<hbm>>)
      tpu.yield
    }) : () -> ()
    %mul3A_128 = arith.constant 6272 : i32
    %mul3A_129 = arith.muli %arg1, %mul3A_128 : i32
    %mul3A_130 = arith.constant 100352 : i32
    %mul3A_131 = arith.muli %arg0, %mul3A_130 : i32
    %mul3A_132 = arith.constant 6272 : i32
    %mul3A_133 = arith.muli %arg1, %mul3A_132 : i32
    %add3A_134 = arith.addi %mul3A_131, %mul3A_133 : i32
    %run_scoped3A_135 = arith.constant 10 : i32
    "tpu.region"() ({
      %run_scoped3A_176 = tpu.sem_alloc : memref<!tpu.dma_semaphore, #tpu.memory_space<semaphore_mem>>
      %dma_start3A = tpu.memref_slice %arg4[%run_scoped3A_135, %add3A_134] : memref<16x200704xf32, #tpu.memory_space<hbm>> -> memref<1x6272xf32, #tpu.memory_space<hbm>>
      %dma_start3A_177 = tpu.memref_squeeze %dma_start3A : memref<1x6272xf32, #tpu.memory_space<hbm>> -> memref<6272xf32, #tpu.memory_space<hbm>>
      %dma_start3A_178 = tpu.memref_slice %arg18[%mul3A_129] : memref<100352xf32, #tpu.memory_space<vmem_shared>> -> memref<6272xf32, #tpu.memory_space<vmem_shared>>
      tpu.enqueue_dma source(%dma_start3A_178 : memref<6272xf32, #tpu.memory_space<vmem_shared>>) target(%dma_start3A_177 : memref<6272xf32, #tpu.memory_space<hbm>>) target_semaphore(%run_scoped3A_176 : memref<!tpu.dma_semaphore, #tpu.memory_space<semaphore_mem>>)
      %dma_wait3A = tpu.memref_slice %arg4[%run_scoped3A_135, %add3A_134] : memref<16x200704xf32, #tpu.memory_space<hbm>> -> memref<1x6272xf32, #tpu.memory_space<hbm>>
      %dma_wait3A_179 = tpu.memref_squeeze %dma_wait3A : memref<1x6272xf32, #tpu.memory_space<hbm>> -> memref<6272xf32, #tpu.memory_space<hbm>>
      %dma_wait3A_180 = tpu.memref_slice %arg18[%mul3A_129] : memref<100352xf32, #tpu.memory_space<vmem_shared>> -> memref<6272xf32, #tpu.memory_space<vmem_shared>>
      tpu.wait_dma2 semaphore(%run_scoped3A_176 : memref<!tpu.dma_semaphore, #tpu.memory_space<semaphore_mem>>) src(%dma_wait3A_180 : memref<6272xf32, #tpu.memory_space<vmem_shared>>) dst(%dma_wait3A_179 : memref<6272xf32, #tpu.memory_space<hbm>>)
      tpu.yield
    }) : () -> ()
    %mul3A_136 = arith.constant 6272 : i32
    %mul3A_137 = arith.muli %arg1, %mul3A_136 : i32
    %mul3A_138 = arith.constant 100352 : i32
    %mul3A_139 = arith.muli %arg0, %mul3A_138 : i32
    %mul3A_140 = arith.constant 6272 : i32
    %mul3A_141 = arith.muli %arg1, %mul3A_140 : i32
    %add3A_142 = arith.addi %mul3A_139, %mul3A_141 : i32
    %run_scoped3A_143 = arith.constant 11 : i32
    "tpu.region"() ({
      %run_scoped3A_176 = tpu.sem_alloc : memref<!tpu.dma_semaphore, #tpu.memory_space<semaphore_mem>>
      %dma_start3A = tpu.memref_slice %arg4[%run_scoped3A_143, %add3A_142] : memref<16x200704xf32, #tpu.memory_space<hbm>> -> memref<1x6272xf32, #tpu.memory_space<hbm>>
      %dma_start3A_177 = tpu.memref_squeeze %dma_start3A : memref<1x6272xf32, #tpu.memory_space<hbm>> -> memref<6272xf32, #tpu.memory_space<hbm>>
      %dma_start3A_178 = tpu.memref_slice %arg19[%mul3A_137] : memref<100352xf32, #tpu.memory_space<vmem_shared>> -> memref<6272xf32, #tpu.memory_space<vmem_shared>>
      tpu.enqueue_dma source(%dma_start3A_178 : memref<6272xf32, #tpu.memory_space<vmem_shared>>) target(%dma_start3A_177 : memref<6272xf32, #tpu.memory_space<hbm>>) target_semaphore(%run_scoped3A_176 : memref<!tpu.dma_semaphore, #tpu.memory_space<semaphore_mem>>)
      %dma_wait3A = tpu.memref_slice %arg4[%run_scoped3A_143, %add3A_142] : memref<16x200704xf32, #tpu.memory_space<hbm>> -> memref<1x6272xf32, #tpu.memory_space<hbm>>
      %dma_wait3A_179 = tpu.memref_squeeze %dma_wait3A : memref<1x6272xf32, #tpu.memory_space<hbm>> -> memref<6272xf32, #tpu.memory_space<hbm>>
      %dma_wait3A_180 = tpu.memref_slice %arg19[%mul3A_137] : memref<100352xf32, #tpu.memory_space<vmem_shared>> -> memref<6272xf32, #tpu.memory_space<vmem_shared>>
      tpu.wait_dma2 semaphore(%run_scoped3A_176 : memref<!tpu.dma_semaphore, #tpu.memory_space<semaphore_mem>>) src(%dma_wait3A_180 : memref<6272xf32, #tpu.memory_space<vmem_shared>>) dst(%dma_wait3A_179 : memref<6272xf32, #tpu.memory_space<hbm>>)
      tpu.yield
    }) : () -> ()
    %mul3A_144 = arith.constant 6272 : i32
    %mul3A_145 = arith.muli %arg1, %mul3A_144 : i32
    %mul3A_146 = arith.constant 100352 : i32
    %mul3A_147 = arith.muli %arg0, %mul3A_146 : i32
    %mul3A_148 = arith.constant 6272 : i32
    %mul3A_149 = arith.muli %arg1, %mul3A_148 : i32
    %add3A_150 = arith.addi %mul3A_147, %mul3A_149 : i32
    %run_scoped3A_151 = arith.constant 12 : i32
    "tpu.region"() ({
      %run_scoped3A_176 = tpu.sem_alloc : memref<!tpu.dma_semaphore, #tpu.memory_space<semaphore_mem>>
      %dma_start3A = tpu.memref_slice %arg4[%run_scoped3A_151, %add3A_150] : memref<16x200704xf32, #tpu.memory_space<hbm>> -> memref<1x6272xf32, #tpu.memory_space<hbm>>
      %dma_start3A_177 = tpu.memref_squeeze %dma_start3A : memref<1x6272xf32, #tpu.memory_space<hbm>> -> memref<6272xf32, #tpu.memory_space<hbm>>
      %dma_start3A_178 = tpu.memref_slice %arg20[%mul3A_145] : memref<100352xf32, #tpu.memory_space<vmem_shared>> -> memref<6272xf32, #tpu.memory_space<vmem_shared>>
      tpu.enqueue_dma source(%dma_start3A_178 : memref<6272xf32, #tpu.memory_space<vmem_shared>>) target(%dma_start3A_177 : memref<6272xf32, #tpu.memory_space<hbm>>) target_semaphore(%run_scoped3A_176 : memref<!tpu.dma_semaphore, #tpu.memory_space<semaphore_mem>>)
      %dma_wait3A = tpu.memref_slice %arg4[%run_scoped3A_151, %add3A_150] : memref<16x200704xf32, #tpu.memory_space<hbm>> -> memref<1x6272xf32, #tpu.memory_space<hbm>>
      %dma_wait3A_179 = tpu.memref_squeeze %dma_wait3A : memref<1x6272xf32, #tpu.memory_space<hbm>> -> memref<6272xf32, #tpu.memory_space<hbm>>
      %dma_wait3A_180 = tpu.memref_slice %arg20[%mul3A_145] : memref<100352xf32, #tpu.memory_space<vmem_shared>> -> memref<6272xf32, #tpu.memory_space<vmem_shared>>
      tpu.wait_dma2 semaphore(%run_scoped3A_176 : memref<!tpu.dma_semaphore, #tpu.memory_space<semaphore_mem>>) src(%dma_wait3A_180 : memref<6272xf32, #tpu.memory_space<vmem_shared>>) dst(%dma_wait3A_179 : memref<6272xf32, #tpu.memory_space<hbm>>)
      tpu.yield
    }) : () -> ()
    %mul3A_152 = arith.constant 6272 : i32
    %mul3A_153 = arith.muli %arg1, %mul3A_152 : i32
    %mul3A_154 = arith.constant 100352 : i32
    %mul3A_155 = arith.muli %arg0, %mul3A_154 : i32
    %mul3A_156 = arith.constant 6272 : i32
    %mul3A_157 = arith.muli %arg1, %mul3A_156 : i32
    %add3A_158 = arith.addi %mul3A_155, %mul3A_157 : i32
    %run_scoped3A_159 = arith.constant 13 : i32
    "tpu.region"() ({
      %run_scoped3A_176 = tpu.sem_alloc : memref<!tpu.dma_semaphore, #tpu.memory_space<semaphore_mem>>
      %dma_start3A = tpu.memref_slice %arg4[%run_scoped3A_159, %add3A_158] : memref<16x200704xf32, #tpu.memory_space<hbm>> -> memref<1x6272xf32, #tpu.memory_space<hbm>>
      %dma_start3A_177 = tpu.memref_squeeze %dma_start3A : memref<1x6272xf32, #tpu.memory_space<hbm>> -> memref<6272xf32, #tpu.memory_space<hbm>>
      %dma_start3A_178 = tpu.memref_slice %arg21[%mul3A_153] : memref<100352xf32, #tpu.memory_space<vmem_shared>> -> memref<6272xf32, #tpu.memory_space<vmem_shared>>
      tpu.enqueue_dma source(%dma_start3A_178 : memref<6272xf32, #tpu.memory_space<vmem_shared>>) target(%dma_start3A_177 : memref<6272xf32, #tpu.memory_space<hbm>>) target_semaphore(%run_scoped3A_176 : memref<!tpu.dma_semaphore, #tpu.memory_space<semaphore_mem>>)
      %dma_wait3A = tpu.memref_slice %arg4[%run_scoped3A_159, %add3A_158] : memref<16x200704xf32, #tpu.memory_space<hbm>> -> memref<1x6272xf32, #tpu.memory_space<hbm>>
      %dma_wait3A_179 = tpu.memref_squeeze %dma_wait3A : memref<1x6272xf32, #tpu.memory_space<hbm>> -> memref<6272xf32, #tpu.memory_space<hbm>>
      %dma_wait3A_180 = tpu.memref_slice %arg21[%mul3A_153] : memref<100352xf32, #tpu.memory_space<vmem_shared>> -> memref<6272xf32, #tpu.memory_space<vmem_shared>>
      tpu.wait_dma2 semaphore(%run_scoped3A_176 : memref<!tpu.dma_semaphore, #tpu.memory_space<semaphore_mem>>) src(%dma_wait3A_180 : memref<6272xf32, #tpu.memory_space<vmem_shared>>) dst(%dma_wait3A_179 : memref<6272xf32, #tpu.memory_space<hbm>>)
      tpu.yield
    }) : () -> ()
    %mul3A_160 = arith.constant 6272 : i32
    %mul3A_161 = arith.muli %arg1, %mul3A_160 : i32
    %mul3A_162 = arith.constant 100352 : i32
    %mul3A_163 = arith.muli %arg0, %mul3A_162 : i32
    %mul3A_164 = arith.constant 6272 : i32
    %mul3A_165 = arith.muli %arg1, %mul3A_164 : i32
    %add3A_166 = arith.addi %mul3A_163, %mul3A_165 : i32
    %run_scoped3A_167 = arith.constant 14 : i32
    "tpu.region"() ({
      %run_scoped3A_176 = tpu.sem_alloc : memref<!tpu.dma_semaphore, #tpu.memory_space<semaphore_mem>>
      %dma_start3A = tpu.memref_slice %arg4[%run_scoped3A_167, %add3A_166] : memref<16x200704xf32, #tpu.memory_space<hbm>> -> memref<1x6272xf32, #tpu.memory_space<hbm>>
      %dma_start3A_177 = tpu.memref_squeeze %dma_start3A : memref<1x6272xf32, #tpu.memory_space<hbm>> -> memref<6272xf32, #tpu.memory_space<hbm>>
      %dma_start3A_178 = tpu.memref_slice %arg22[%mul3A_161] : memref<100352xf32, #tpu.memory_space<vmem_shared>> -> memref<6272xf32, #tpu.memory_space<vmem_shared>>
      tpu.enqueue_dma source(%dma_start3A_178 : memref<6272xf32, #tpu.memory_space<vmem_shared>>) target(%dma_start3A_177 : memref<6272xf32, #tpu.memory_space<hbm>>) target_semaphore(%run_scoped3A_176 : memref<!tpu.dma_semaphore, #tpu.memory_space<semaphore_mem>>)
      %dma_wait3A = tpu.memref_slice %arg4[%run_scoped3A_167, %add3A_166] : memref<16x200704xf32, #tpu.memory_space<hbm>> -> memref<1x6272xf32, #tpu.memory_space<hbm>>
      %dma_wait3A_179 = tpu.memref_squeeze %dma_wait3A : memref<1x6272xf32, #tpu.memory_space<hbm>> -> memref<6272xf32, #tpu.memory_space<hbm>>
      %dma_wait3A_180 = tpu.memref_slice %arg22[%mul3A_161] : memref<100352xf32, #tpu.memory_space<vmem_shared>> -> memref<6272xf32, #tpu.memory_space<vmem_shared>>
      tpu.wait_dma2 semaphore(%run_scoped3A_176 : memref<!tpu.dma_semaphore, #tpu.memory_space<semaphore_mem>>) src(%dma_wait3A_180 : memref<6272xf32, #tpu.memory_space<vmem_shared>>) dst(%dma_wait3A_179 : memref<6272xf32, #tpu.memory_space<hbm>>)
      tpu.yield
    }) : () -> ()
    %mul3A_168 = arith.constant 6272 : i32
    %mul3A_169 = arith.muli %arg1, %mul3A_168 : i32
    %mul3A_170 = arith.constant 100352 : i32
    %mul3A_171 = arith.muli %arg0, %mul3A_170 : i32
    %mul3A_172 = arith.constant 6272 : i32
    %mul3A_173 = arith.muli %arg1, %mul3A_172 : i32
    %add3A_174 = arith.addi %mul3A_171, %mul3A_173 : i32
    %run_scoped3A_175 = arith.constant 15 : i32
    "tpu.region"() ({
      %run_scoped3A_176 = tpu.sem_alloc : memref<!tpu.dma_semaphore, #tpu.memory_space<semaphore_mem>>
      %dma_start3A = tpu.memref_slice %arg4[%run_scoped3A_175, %add3A_174] : memref<16x200704xf32, #tpu.memory_space<hbm>> -> memref<1x6272xf32, #tpu.memory_space<hbm>>
      %dma_start3A_177 = tpu.memref_squeeze %dma_start3A : memref<1x6272xf32, #tpu.memory_space<hbm>> -> memref<6272xf32, #tpu.memory_space<hbm>>
      %dma_start3A_178 = tpu.memref_slice %arg23[%mul3A_169] : memref<100352xf32, #tpu.memory_space<vmem_shared>> -> memref<6272xf32, #tpu.memory_space<vmem_shared>>
      tpu.enqueue_dma source(%dma_start3A_178 : memref<6272xf32, #tpu.memory_space<vmem_shared>>) target(%dma_start3A_177 : memref<6272xf32, #tpu.memory_space<hbm>>) target_semaphore(%run_scoped3A_176 : memref<!tpu.dma_semaphore, #tpu.memory_space<semaphore_mem>>)
      %dma_wait3A = tpu.memref_slice %arg4[%run_scoped3A_175, %add3A_174] : memref<16x200704xf32, #tpu.memory_space<hbm>> -> memref<1x6272xf32, #tpu.memory_space<hbm>>
      %dma_wait3A_179 = tpu.memref_squeeze %dma_wait3A : memref<1x6272xf32, #tpu.memory_space<hbm>> -> memref<6272xf32, #tpu.memory_space<hbm>>
      %dma_wait3A_180 = tpu.memref_slice %arg23[%mul3A_169] : memref<100352xf32, #tpu.memory_space<vmem_shared>> -> memref<6272xf32, #tpu.memory_space<vmem_shared>>
      tpu.wait_dma2 semaphore(%run_scoped3A_176 : memref<!tpu.dma_semaphore, #tpu.memory_space<semaphore_mem>>) src(%dma_wait3A_180 : memref<6272xf32, #tpu.memory_space<vmem_shared>>) dst(%dma_wait3A_179 : memref<6272xf32, #tpu.memory_space<hbm>>)
      tpu.yield
    }) : () -> ()
    return
  }
}

#map = affine_map<(d0, d1) -> (0)>
#map1 = affine_map<(d0, d1) -> (0, 0)>
module attributes {stable_mosaic.version = 14 : i64} {
  func.func @_scatter_flux(%arg0: i32, %arg1: i32, %arg2: memref<100352xf32, #tpu.memory_space<hbm>>, %arg3: memref<12800x128xi32, #tpu.memory_space<hbm>>, %arg4: memref<12800x128xi32, #tpu.memory_space<hbm>>, %arg5: memref<12800x128xf32, #tpu.memory_space<hbm>>, %arg6: memref<200704xf32, #tpu.memory_space<hbm>>, %arg7: memref<40x128xi32, #tpu.memory_space<vmem>>, %arg8: memref<40x128xi32, #tpu.memory_space<vmem>>, %arg9: memref<40x128xf32, #tpu.memory_space<vmem>>, %arg10: memref<40x128xf32, #tpu.memory_space<vmem>>, %arg11: memref<6272xf32, #tpu.memory_space<vmem>>, %arg12: memref<100352xf32, #tpu.memory_space<vmem_shared>>, %arg13: memref<100352xf32, #tpu.memory_space<vmem_shared>>, %arg14: memref<!tpu.dma_semaphore, #tpu.memory_space<semaphore_mem>>) attributes {dimension_semantics = [#tpu.dimension_semantics<core_parallel>, #tpu.dimension_semantics<subcore_parallel>], iteration_bounds = array<i64: 2, 16>, scalar_prefetch = 0 : i64, scratch_operands = 8 : i64, tpu.core_type = #tpu.core_type<sc_vector_subcore>, window_params = [{transform_indices = #map}, {transform_indices = #map1}, {transform_indices = #map1}, {transform_indices = #map1}, {transform_indices = #map}]} {
    %mul3A = arith.constant 16 : i32
    %mul3A_0 = arith.muli %arg0, %mul3A : i32
    %add3A = arith.addi %mul3A_0, %arg1 : i32
    %scan3A = arith.constant 0 : i32
    %scan3A_1 = arith.constant 0 : i32
    %scan3A_2 = arith.constant 392 : i32
    %scan3A_3 = arith.addi %scan3A_1, %scan3A_2 : i32
    %scan3A_4 = arith.constant 1 : i32
    %scan3A_5 = scf.for %scan3A_30 = %scan3A_1 to %scan3A_3 step %scan3A_4 iter_args(%scan3A_31 = %scan3A) -> (i32)  : i32 {
      %broadcast_in_dim3A = arith.constant 0.000000e+00 : f32
      %broadcast_in_dim3A_32 = vector.broadcast %broadcast_in_dim3A : f32 to vector<16xf32>
      %mul3A_33 = arith.constant 16 : i32
      %mul3A_34 = arith.muli %scan3A_30, %mul3A_33 : i32
      %swap3A = arith.index_cast %mul3A_34 : i32 to index
      %swap3A_35 = tpu.vector_load %arg11[%swap3A] {strides = array<i32>} : memref<6272xf32, #tpu.memory_space<vmem>>, vector<16xf32>,
      %swap3A_36 = vector.shape_cast %swap3A_35 : vector<16xf32> to vector<16xf32>
      %swap3A_37 = vector.shape_cast %broadcast_in_dim3A_32 : vector<16xf32> to vector<16xf32>
      tpu.vector_store %arg11[%swap3A], %swap3A_37 {strides = array<i32>} : memref<6272xf32, #tpu.memory_space<vmem>>, vector<16xf32>,
      %scan3A_38 = arith.constant 0 : i32
      scf.yield %scan3A_38 : i32
    }
    %scan3A_6 = arith.constant 392 : i32
    %mul3A_7 = arith.constant 6272 : i32
    %mul3A_8 = arith.muli %arg1, %mul3A_7 : i32
    "tpu.region"() ({
      %run_scoped3A = tpu.sem_alloc : memref<!tpu.dma_semaphore, #tpu.memory_space<semaphore_mem>>
      %dma_start3A = tpu.memref_slice %arg13[%mul3A_8] : memref<100352xf32, #tpu.memory_space<vmem_shared>> -> memref<6272xf32, #tpu.memory_space<vmem_shared>>
      %dma_start3A_30 = tpu.memref_slice %arg13[%mul3A_8] : memref<100352xf32, #tpu.memory_space<vmem_shared>> -> memref<6272xf32, #tpu.memory_space<vmem_shared>>
      tpu.enqueue_dma source(%arg11 : memref<6272xf32, #tpu.memory_space<vmem>>) target(%dma_start3A_30 : memref<6272xf32, #tpu.memory_space<vmem_shared>>) target_semaphore(%run_scoped3A : memref<!tpu.dma_semaphore, #tpu.memory_space<semaphore_mem>>)
      %dma_wait3A = tpu.memref_slice %arg13[%mul3A_8] : memref<100352xf32, #tpu.memory_space<vmem_shared>> -> memref<6272xf32, #tpu.memory_space<vmem_shared>>
      %dma_wait3A_31 = tpu.memref_slice %arg13[%mul3A_8] : memref<100352xf32, #tpu.memory_space<vmem_shared>> -> memref<6272xf32, #tpu.memory_space<vmem_shared>>
      tpu.wait_dma2 semaphore(%run_scoped3A : memref<!tpu.dma_semaphore, #tpu.memory_space<semaphore_mem>>) src(%arg11 : memref<6272xf32, #tpu.memory_space<vmem>>) dst(%dma_wait3A_31 : memref<6272xf32, #tpu.memory_space<vmem_shared>>)
      tpu.yield
    }) : () -> ()
    %mul3A_9 = arith.constant 6272 : i32
    %mul3A_10 = arith.muli %arg1, %mul3A_9 : i32
    %mul3A_11 = arith.constant 6272 : i32
    %mul3A_12 = arith.muli %arg1, %mul3A_11 : i32
    "tpu.region"() ({
      %run_scoped3A = tpu.sem_alloc : memref<!tpu.dma_semaphore, #tpu.memory_space<semaphore_mem>>
      %dma_start3A = tpu.memref_slice %arg12[%mul3A_12] : memref<100352xf32, #tpu.memory_space<vmem_shared>> -> memref<6272xf32, #tpu.memory_space<vmem_shared>>
      %dma_start3A_30 = tpu.memref_slice %arg2[%mul3A_10] : memref<100352xf32, #tpu.memory_space<hbm>> -> memref<6272xf32, #tpu.memory_space<hbm>>
      tpu.enqueue_dma source(%dma_start3A_30 : memref<6272xf32, #tpu.memory_space<hbm>>) target(%dma_start3A : memref<6272xf32, #tpu.memory_space<vmem_shared>>) target_semaphore(%run_scoped3A : memref<!tpu.dma_semaphore, #tpu.memory_space<semaphore_mem>>)
      %dma_wait3A = tpu.memref_slice %arg12[%mul3A_12] : memref<100352xf32, #tpu.memory_space<vmem_shared>> -> memref<6272xf32, #tpu.memory_space<vmem_shared>>
      %dma_wait3A_31 = tpu.memref_slice %arg2[%mul3A_10] : memref<100352xf32, #tpu.memory_space<hbm>> -> memref<6272xf32, #tpu.memory_space<hbm>>
      tpu.wait_dma2 semaphore(%run_scoped3A : memref<!tpu.dma_semaphore, #tpu.memory_space<semaphore_mem>>) src(%dma_wait3A_31 : memref<6272xf32, #tpu.memory_space<hbm>>) dst(%dma_wait3A : memref<6272xf32, #tpu.memory_space<vmem_shared>>)
      tpu.yield
    }) : () -> ()
    %barrier3A = arith.constant 0 : index
    tpu.barrier barrier_id(%barrier3A)
    %mul3A_13 = arith.constant 400 : i32
    %mul3A_14 = arith.muli %add3A, %mul3A_13 : i32
    %scan3A_15 = arith.constant 0 : i32
    %scan3A_16 = arith.constant 0 : i32
    %scan3A_17 = arith.constant 10 : i32
    %scan3A_18 = arith.addi %scan3A_16, %scan3A_17 : i32
    %scan3A_19 = arith.constant 1 : i32
    %scan3A_20 = scf.for %scan3A_30 = %scan3A_16 to %scan3A_18 step %scan3A_19 iter_args(%scan3A_31 = %scan3A_15) -> (i32)  : i32 {
      %mul3A_32 = arith.constant 40 : i32
      %mul3A_33 = arith.muli %scan3A_30, %mul3A_32 : i32
      %add3A_34 = arith.addi %mul3A_14, %mul3A_33 : i32
      "tpu.region"() ({
        %run_scoped3A = tpu.sem_alloc : memref<!tpu.dma_semaphore, #tpu.memory_space<semaphore_mem>>
        %dma_start3A = arith.constant 0 : i32
        %dma_start3A_68 = tpu.memref_slice %arg3[%add3A_34, %dma_start3A] : memref<12800x128xi32, #tpu.memory_space<hbm>> -> memref<40x128xi32, #tpu.memory_space<hbm>>
        %dma_start3A_69 = arith.constant 0 : i32
        %dma_start3A_70 = tpu.memref_slice %arg3[%add3A_34, %dma_start3A_69] : memref<12800x128xi32, #tpu.memory_space<hbm>> -> memref<40x128xi32, #tpu.memory_space<hbm>>
        tpu.enqueue_dma source(%dma_start3A_70 : memref<40x128xi32, #tpu.memory_space<hbm>>) target(%arg7 : memref<40x128xi32, #tpu.memory_space<vmem>>) target_semaphore(%run_scoped3A : memref<!tpu.dma_semaphore, #tpu.memory_space<semaphore_mem>>)
        %dma_wait3A_71 = arith.constant 0 : i32
        %dma_wait3A_72 = tpu.memref_slice %arg3[%add3A_34, %dma_wait3A_71] : memref<12800x128xi32, #tpu.memory_space<hbm>> -> memref<40x128xi32, #tpu.memory_space<hbm>>
        %dma_wait3A_73 = arith.constant 0 : i32
        %dma_wait3A_74 = tpu.memref_slice %arg3[%add3A_34, %dma_wait3A_73] : memref<12800x128xi32, #tpu.memory_space<hbm>> -> memref<40x128xi32, #tpu.memory_space<hbm>>
        tpu.wait_dma2 semaphore(%run_scoped3A : memref<!tpu.dma_semaphore, #tpu.memory_space<semaphore_mem>>) src(%dma_wait3A_74 : memref<40x128xi32, #tpu.memory_space<hbm>>) dst(%arg7 : memref<40x128xi32, #tpu.memory_space<vmem>>)
        tpu.yield
      }) : () -> ()
      "tpu.region"() ({
        %run_scoped3A = tpu.sem_alloc : memref<!tpu.dma_semaphore, #tpu.memory_space<semaphore_mem>>
        %dma_start3A = arith.constant 0 : i32
        %dma_start3A_68 = tpu.memref_slice %arg4[%add3A_34, %dma_start3A] : memref<12800x128xi32, #tpu.memory_space<hbm>> -> memref<40x128xi32, #tpu.memory_space<hbm>>
        %dma_start3A_69 = arith.constant 0 : i32
        %dma_start3A_70 = tpu.memref_slice %arg4[%add3A_34, %dma_start3A_69] : memref<12800x128xi32, #tpu.memory_space<hbm>> -> memref<40x128xi32, #tpu.memory_space<hbm>>
        tpu.enqueue_dma source(%dma_start3A_70 : memref<40x128xi32, #tpu.memory_space<hbm>>) target(%arg8 : memref<40x128xi32, #tpu.memory_space<vmem>>) target_semaphore(%run_scoped3A : memref<!tpu.dma_semaphore, #tpu.memory_space<semaphore_mem>>)
        %dma_wait3A_71 = arith.constant 0 : i32
        %dma_wait3A_72 = tpu.memref_slice %arg4[%add3A_34, %dma_wait3A_71] : memref<12800x128xi32, #tpu.memory_space<hbm>> -> memref<40x128xi32, #tpu.memory_space<hbm>>
        %dma_wait3A_73 = arith.constant 0 : i32
        %dma_wait3A_74 = tpu.memref_slice %arg4[%add3A_34, %dma_wait3A_73] : memref<12800x128xi32, #tpu.memory_space<hbm>> -> memref<40x128xi32, #tpu.memory_space<hbm>>
        tpu.wait_dma2 semaphore(%run_scoped3A : memref<!tpu.dma_semaphore, #tpu.memory_space<semaphore_mem>>) src(%dma_wait3A_74 : memref<40x128xi32, #tpu.memory_space<hbm>>) dst(%arg8 : memref<40x128xi32, #tpu.memory_space<vmem>>)
        tpu.yield
      }) : () -> ()
      "tpu.region"() ({
        %run_scoped3A = tpu.sem_alloc : memref<!tpu.dma_semaphore, #tpu.memory_space<semaphore_mem>>
        %dma_start3A = arith.constant 0 : i32
        %dma_start3A_68 = tpu.memref_slice %arg5[%add3A_34, %dma_start3A] : memref<12800x128xf32, #tpu.memory_space<hbm>> -> memref<40x128xf32, #tpu.memory_space<hbm>>
        %dma_start3A_69 = arith.constant 0 : i32
        %dma_start3A_70 = tpu.memref_slice %arg5[%add3A_34, %dma_start3A_69] : memref<12800x128xf32, #tpu.memory_space<hbm>> -> memref<40x128xf32, #tpu.memory_space<hbm>>
        tpu.enqueue_dma source(%dma_start3A_70 : memref<40x128xf32, #tpu.memory_space<hbm>>) target(%arg9 : memref<40x128xf32, #tpu.memory_space<vmem>>) target_semaphore(%run_scoped3A : memref<!tpu.dma_semaphore, #tpu.memory_space<semaphore_mem>>)
        %dma_wait3A_71 = arith.constant 0 : i32
        %dma_wait3A_72 = tpu.memref_slice %arg5[%add3A_34, %dma_wait3A_71] : memref<12800x128xf32, #tpu.memory_space<hbm>> -> memref<40x128xf32, #tpu.memory_space<hbm>>
        %dma_wait3A_73 = arith.constant 0 : i32
        %dma_wait3A_74 = tpu.memref_slice %arg5[%add3A_34, %dma_wait3A_73] : memref<12800x128xf32, #tpu.memory_space<hbm>> -> memref<40x128xf32, #tpu.memory_space<hbm>>
        tpu.wait_dma2 semaphore(%run_scoped3A : memref<!tpu.dma_semaphore, #tpu.memory_space<semaphore_mem>>) src(%dma_wait3A_74 : memref<40x128xf32, #tpu.memory_space<hbm>>) dst(%arg9 : memref<40x128xf32, #tpu.memory_space<vmem>>)
        tpu.yield
      }) : () -> ()
      %scan3A_35 = arith.constant 0 : i32
      %scan3A_36 = arith.constant 0 : i32
      %scan3A_37 = arith.constant 40 : i32
      %scan3A_38 = arith.addi %scan3A_36, %scan3A_37 : i32
      %scan3A_39 = arith.constant 1 : i32
      %scan3A_40 = scf.for %scan3A_68 = %scan3A_36 to %scan3A_38 step %scan3A_39 iter_args(%scan3A_69 = %scan3A_35) -> (i32)  : i32 {
        %dma_start3A = arith.constant 0 : i32
        %dma_start3A_70 = tpu.memref_slice %arg10[%scan3A_68, %dma_start3A] : memref<40x128xf32, #tpu.memory_space<vmem>> -> memref<1x128xf32, #tpu.memory_space<vmem>>
        %dma_start3A_71 = tpu.memref_squeeze %dma_start3A_70 : memref<1x128xf32, #tpu.memory_space<vmem>> -> memref<128xf32, #tpu.memory_space<vmem>>
        %dma_start3A_72 = arith.constant 0 : i32
        %dma_start3A_73 = tpu.memref_slice %arg7[%scan3A_68, %dma_start3A_72] : memref<40x128xi32, #tpu.memory_space<vmem>> -> memref<1x128xi32, #tpu.memory_space<vmem>>
        %dma_start3A_74 = tpu.memref_squeeze %dma_start3A_73 : memref<1x128xi32, #tpu.memory_space<vmem>> -> memref<128xi32, #tpu.memory_space<vmem>>
        %dma_start3A_75 = arith.constant 0 : i32
        %dma_start3A_76 = tpu.memref_slice %arg12[%dma_start3A_75] : memref<100352xf32, #tpu.memory_space<vmem_shared>> -> memref<100352xf32, #tpu.memory_space<vmem_shared>>
        tpu.enqueue_indirect_dma source(%dma_start3A_76 : memref<100352xf32, #tpu.memory_space<vmem_shared>>) target(%dma_start3A_71 : memref<128xf32, #tpu.memory_space<vmem>>) offsets(%dma_start3A_74 : memref<128xi32, #tpu.memory_space<vmem>>) semaphore(%arg14 : memref<!tpu.dma_semaphore, #tpu.memory_space<semaphore_mem>>)
        %scan3A_77 = arith.constant 0 : i32
        scf.yield %scan3A_77 : i32
      }
      %scan3A_41 = arith.constant 40 : i32
      %dma_wait3A = arith.constant 0 : i32
      %dma_wait3A_42 = arith.constant 0 : i32
      %dma_wait3A_43 = tpu.memref_slice %arg5[%dma_wait3A, %dma_wait3A_42] : memref<12800x128xf32, #tpu.memory_space<hbm>> -> memref<40x128xf32, #tpu.memory_space<hbm>>
      %dma_wait3A_44 = arith.constant 0 : i32
      %dma_wait3A_45 = arith.constant 0 : i32
      %dma_wait3A_46 = tpu.memref_slice %arg5[%dma_wait3A_44, %dma_wait3A_45] : memref<12800x128xf32, #tpu.memory_space<hbm>> -> memref<40x128xf32, #tpu.memory_space<hbm>>
      tpu.wait_dma2 semaphore(%arg14 : memref<!tpu.dma_semaphore, #tpu.memory_space<semaphore_mem>>) src(%dma_wait3A_46 : memref<40x128xf32, #tpu.memory_space<hbm>>) dst(%arg10 : memref<40x128xf32, #tpu.memory_space<vmem>>)
      %scan3A_47 = arith.constant 0 : i32
      %scan3A_48 = arith.constant 0 : i32
      %scan3A_49 = arith.constant 320 : i32
      %scan3A_50 = arith.addi %scan3A_48, %scan3A_49 : i32
      %scan3A_51 = arith.constant 1 : i32
      %scan3A_52 = scf.for %scan3A_68 = %scan3A_48 to %scan3A_50 step %scan3A_51 iter_args(%scan3A_69 = %scan3A_47) -> (i32)  : i32 {
        %jit3A = arith.constant 8 : i32
        %div3A = arith.divsi %scan3A_68, %jit3A : i32
        %sign3A = arith.constant 0 : i32
        %sign3A_70 = arith.cmpi sgt, %scan3A_68, %sign3A : i32
        %sign3A_71 = arith.extui %sign3A_70 : i1 to i32
        %sign3A_72 = arith.constant 0 : i32
        %sign3A_73 = arith.cmpi slt, %scan3A_68, %sign3A_72 : i32
        %sign3A_74 = arith.extui %sign3A_73 : i1 to i32
        %sign3A_75 = arith.subi %sign3A_71, %sign3A_74 : i32
        %sign3A_76 = arith.constant 0 : i32
        %sign3A_77 = arith.cmpi sgt, %jit3A, %sign3A_76 : i32
        %sign3A_78 = arith.extui %sign3A_77 : i1 to i32
        %sign3A_79 = arith.constant 0 : i32
        %sign3A_80 = arith.cmpi slt, %jit3A, %sign3A_79 : i32
        %sign3A_81 = arith.extui %sign3A_80 : i1 to i32
        %sign3A_82 = arith.subi %sign3A_78, %sign3A_81 : i32
        %ne3A = arith.cmpi ne, %sign3A_75, %sign3A_82 : i32
        %rem3A = arith.remsi %scan3A_68, %jit3A : i32
        %ne3A_83 = arith.constant 0 : i32
        %ne3A_84 = arith.cmpi ne, %rem3A, %ne3A_83 : i32
        %and3A = arith.andi %ne3A, %ne3A_84 : i1
        %sub3A = arith.constant 1 : i32
        %sub3A_85 = arith.subi %div3A, %sub3A : i32
        %select_n3A = arith.select %and3A, %sub3A_85, %div3A : i32
        %jit3A_86 = arith.constant 8 : i32
        %eq3A = arith.constant 0 : i32
        %eq3A_87 = arith.cmpi eq, %jit3A_86, %eq3A : i32
        %jit3A_88 = arith.constant 1 : i32
        %select_n3A_89 = arith.select %eq3A_87, %jit3A_88, %jit3A_86 : i32
        %rem3A_90 = arith.remsi %scan3A_68, %select_n3A_89 : i32
        %ne3A_91 = arith.constant 0 : i32
        %ne3A_92 = arith.cmpi ne, %rem3A_90, %ne3A_91 : i32
        %lt3A = arith.constant 0 : i32
        %lt3A_93 = arith.cmpi slt, %rem3A_90, %lt3A : i32
        %lt3A_94 = arith.constant 0 : i32
        %lt3A_95 = arith.cmpi slt, %select_n3A_89, %lt3A_94 : i32
        %ne3A_96 = arith.xori %lt3A_93, %lt3A_95 : i1
        %and3A_97 = arith.andi %ne3A_96, %ne3A_92 : i1
        %add3A_98 = arith.addi %rem3A_90, %select_n3A_89 : i32
        %select_n3A_99 = arith.select %and3A_97, %add3A_98, %rem3A_90 : i32
        %mul3A_100 = arith.constant 16 : i32
        %mul3A_101 = arith.muli %select_n3A_99, %mul3A_100 : i32
        %get3A = arith.index_cast %select_n3A : i32 to index
        %get3A_102 = arith.index_cast %mul3A_101 : i32 to index
        %get3A_103 = tpu.vector_load %arg10[%get3A, %get3A_102] {strides = array<i32>} : memref<40x128xf32, #tpu.memory_space<vmem>>, vector<1x16xf32>,
        %get3A_104 = vector.shape_cast %get3A_103 : vector<1x16xf32> to vector<16xf32>
        %get3A_105 = arith.index_cast %select_n3A : i32 to index
        %get3A_106 = arith.index_cast %mul3A_101 : i32 to index
        %get3A_107 = tpu.vector_load %arg9[%get3A_105, %get3A_106] {strides = array<i32>} : memref<40x128xf32, #tpu.memory_space<vmem>>, vector<1x16xf32>,
        %get3A_108 = vector.shape_cast %get3A_107 : vector<1x16xf32> to vector<16xf32>
        %mul3A_109 = arith.mulf %get3A_104, %get3A_108 : vector<16xf32>
        %swap3A = arith.index_cast %select_n3A : i32 to index
        %swap3A_110 = arith.index_cast %mul3A_101 : i32 to index
        %swap3A_111 = tpu.vector_load %arg10[%swap3A, %swap3A_110] {strides = array<i32>} : memref<40x128xf32, #tpu.memory_space<vmem>>, vector<1x16xf32>,
        %swap3A_112 = vector.shape_cast %swap3A_111 : vector<1x16xf32> to vector<16xf32>
        %swap3A_113 = vector.shape_cast %mul3A_109 : vector<16xf32> to vector<1x16xf32>
        tpu.vector_store %arg10[%swap3A, %swap3A_110], %swap3A_113 {strides = array<i32>} : memref<40x128xf32, #tpu.memory_space<vmem>>, vector<1x16xf32>,
        %scan3A_114 = arith.constant 0 : i32
        scf.yield %scan3A_114 : i32
      }
      %scan3A_53 = arith.constant 320 : i32
      %scan3A_54 = arith.constant 0 : i32
      %scan3A_55 = arith.constant 0 : i32
      %scan3A_56 = arith.constant 40 : i32
      %scan3A_57 = arith.addi %scan3A_55, %scan3A_56 : i32
      %scan3A_58 = arith.constant 1 : i32
      %scan3A_59 = scf.for %scan3A_68 = %scan3A_55 to %scan3A_57 step %scan3A_58 iter_args(%scan3A_69 = %scan3A_54) -> (i32)  : i32 {
        %dma_start3A = arith.constant 0 : i32
        %dma_start3A_70 = tpu.memref_slice %arg10[%scan3A_68, %dma_start3A] : memref<40x128xf32, #tpu.memory_space<vmem>> -> memref<1x128xf32, #tpu.memory_space<vmem>>
        %dma_start3A_71 = tpu.memref_squeeze %dma_start3A_70 : memref<1x128xf32, #tpu.memory_space<vmem>> -> memref<128xf32, #tpu.memory_space<vmem>>
        %dma_start3A_72 = arith.constant 0 : i32
        %dma_start3A_73 = tpu.memref_slice %arg8[%scan3A_68, %dma_start3A_72] : memref<40x128xi32, #tpu.memory_space<vmem>> -> memref<1x128xi32, #tpu.memory_space<vmem>>
        %dma_start3A_74 = tpu.memref_squeeze %dma_start3A_73 : memref<1x128xi32, #tpu.memory_space<vmem>> -> memref<128xi32, #tpu.memory_space<vmem>>
        %dma_start3A_75 = arith.constant 0 : i32
        %dma_start3A_76 = tpu.memref_slice %arg13[%dma_start3A_75] : memref<100352xf32, #tpu.memory_space<vmem_shared>> -> memref<100352xf32, #tpu.memory_space<vmem_shared>>
        tpu.enqueue_indirect_dma source(%dma_start3A_71 : memref<128xf32, #tpu.memory_space<vmem>>) target(%dma_start3A_76 : memref<100352xf32, #tpu.memory_space<vmem_shared>>) offsets(%dma_start3A_74 : memref<128xi32, #tpu.memory_space<vmem>>) semaphore(%arg14 : memref<!tpu.dma_semaphore, #tpu.memory_space<semaphore_mem>>) {add = true}
        %scan3A_77 = arith.constant 0 : i32
        scf.yield %scan3A_77 : i32
      }
      %scan3A_60 = arith.constant 40 : i32
      %dma_wait3A_61 = arith.constant 0 : i32
      %dma_wait3A_62 = arith.constant 0 : i32
      %dma_wait3A_63 = tpu.memref_slice %arg5[%dma_wait3A_61, %dma_wait3A_62] : memref<12800x128xf32, #tpu.memory_space<hbm>> -> memref<40x128xf32, #tpu.memory_space<hbm>>
      %dma_wait3A_64 = arith.constant 0 : i32
      %dma_wait3A_65 = arith.constant 0 : i32
      %dma_wait3A_66 = tpu.memref_slice %arg5[%dma_wait3A_64, %dma_wait3A_65] : memref<12800x128xf32, #tpu.memory_space<hbm>> -> memref<40x128xf32, #tpu.memory_space<hbm>>
      tpu.wait_dma2 semaphore(%arg14 : memref<!tpu.dma_semaphore, #tpu.memory_space<semaphore_mem>>) src(%dma_wait3A_66 : memref<40x128xf32, #tpu.memory_space<hbm>>) dst(%arg10 : memref<40x128xf32, #tpu.memory_space<vmem>>)
      %scan3A_67 = arith.constant 0 : i32
      scf.yield %scan3A_67 : i32
    }
    %scan3A_21 = arith.constant 10 : i32
    %barrier3A_22 = arith.constant 0 : index
    tpu.barrier barrier_id(%barrier3A_22)
    %mul3A_23 = arith.constant 6272 : i32
    %mul3A_24 = arith.muli %arg1, %mul3A_23 : i32
    %mul3A_25 = arith.constant 100352 : i32
    %mul3A_26 = arith.muli %arg0, %mul3A_25 : i32
    %mul3A_27 = arith.constant 6272 : i32
    %mul3A_28 = arith.muli %arg1, %mul3A_27 : i32
    %add3A_29 = arith.addi %mul3A_26, %mul3A_28 : i32
    "tpu.region"() ({
      %run_scoped3A = tpu.sem_alloc : memref<!tpu.dma_semaphore, #tpu.memory_space<semaphore_mem>>
      %dma_start3A = tpu.memref_slice %arg6[%add3A_29] : memref<200704xf32, #tpu.memory_space<hbm>> -> memref<6272xf32, #tpu.memory_space<hbm>>
      %dma_start3A_30 = tpu.memref_slice %arg13[%mul3A_24] : memref<100352xf32, #tpu.memory_space<vmem_shared>> -> memref<6272xf32, #tpu.memory_space<vmem_shared>>
      tpu.enqueue_dma source(%dma_start3A_30 : memref<6272xf32, #tpu.memory_space<vmem_shared>>) target(%dma_start3A : memref<6272xf32, #tpu.memory_space<hbm>>) target_semaphore(%run_scoped3A : memref<!tpu.dma_semaphore, #tpu.memory_space<semaphore_mem>>)
      %dma_wait3A = tpu.memref_slice %arg6[%add3A_29] : memref<200704xf32, #tpu.memory_space<hbm>> -> memref<6272xf32, #tpu.memory_space<hbm>>
      %dma_wait3A_31 = tpu.memref_slice %arg13[%mul3A_24] : memref<100352xf32, #tpu.memory_space<vmem_shared>> -> memref<6272xf32, #tpu.memory_space<vmem_shared>>
      tpu.wait_dma2 semaphore(%run_scoped3A : memref<!tpu.dma_semaphore, #tpu.memory_space<semaphore_mem>>) src(%dma_wait3A_31 : memref<6272xf32, #tpu.memory_space<vmem_shared>>) dst(%dma_wait3A : memref<6272xf32, #tpu.memory_space<hbm>>)
      tpu.yield
    }) : () -> ()
    return
  }
}

module attributes {stable_mosaic.version = 14 : i64} {
  func.func @_msg_mlp_block(%arg0: i32, %arg1: memref<1x16384xf32, #tpu.memory_space<vmem>>, %arg2: memref<1x16384xf32, #tpu.memory_space<vmem>>, %arg3: memref<32x1xf32, #tpu.memory_space<vmem>>, %arg4: memref<32x1xf32, #tpu.memory_space<vmem>>, %arg5: memref<32x1xf32, #tpu.memory_space<vmem>>, %arg6: memref<16x32xf32, #tpu.memory_space<vmem>>, %arg7: memref<16x16384xf32, #tpu.memory_space<vmem>>) attributes {dimension_semantics = [#tpu.dimension_semantics<arbitrary>], iteration_bounds = array<i64: 50>, scalar_prefetch = 0 : i64, scratch_operands = 0 : i64, tpu.core_type = #tpu.core_type<tc>, window_params = [{transform_indices = @transform_0, window_bounds = array<i64: 1, 16384>}, {transform_indices = @transform_1, window_bounds = array<i64: 1, 16384>}, {pipeline_mode = #tpu.pipeline_mode<synchronous>, transform_indices = @transform_2, window_bounds = array<i64: 32, 1>}, {pipeline_mode = #tpu.pipeline_mode<synchronous>, transform_indices = @transform_3, window_bounds = array<i64: 32, 1>}, {pipeline_mode = #tpu.pipeline_mode<synchronous>, transform_indices = @transform_4, window_bounds = array<i64: 32, 1>}, {pipeline_mode = #tpu.pipeline_mode<synchronous>, transform_indices = @transform_5, window_bounds = array<i64: 16, 32>}, {transform_indices = @transform_6, window_bounds = array<i64: 16, 16384>}]} {
    %get3A = arith.constant 0 : index
    %get3A_0 = arith.constant 0 : index
    %get3A_1 = vector.load %arg1[%get3A, %get3A_0] : memref<1x16384xf32, #tpu.memory_space<vmem>>, vector<1x16384xf32>
    %get3A_2 = arith.constant 0 : index
    %get3A_3 = arith.constant 0 : index
    %get3A_4 = vector.load %arg2[%get3A_2, %get3A_3] : memref<1x16384xf32, #tpu.memory_space<vmem>>, vector<1x16384xf32>
    %broadcast_in_dim3A = arith.constant 1.000000e+00 : f32
    %broadcast_in_dim3A_5 = vector.broadcast %broadcast_in_dim3A : f32 to vector<1x16384xf32>
    %get3A_6 = arith.constant 0 : index
    %get3A_7 = arith.constant 0 : index
    %get3A_8 = vector.load %arg3[%get3A_6, %get3A_7] : memref<32x1xf32, #tpu.memory_space<vmem>>, vector<32x1xf32>
    %dot_general3A = arith.constant dense<0.000000e+00> : vector<32x16384xf32>
    %dot_general3A_9 = tpu.matmul %get3A_8, %get3A_1, %dot_general3A {dimension_numbers = #tpu.dot_dimension_numbers<[1], [0], [0], [1], [0, 0, 1, 1], [], []>, transpose_lhs_hint = false} : vector<32x1xf32>, vector<1x16384xf32>, vector<32x16384xf32> -> vector<32x16384xf32>
    %get3A_10 = arith.constant 0 : index
    %get3A_11 = arith.constant 0 : index
    %get3A_12 = vector.load %arg4[%get3A_10, %get3A_11] : memref<32x1xf32, #tpu.memory_space<vmem>>, vector<32x1xf32>
    %dot_general3A_13 = arith.constant dense<0.000000e+00> : vector<32x16384xf32>
    %dot_general3A_14 = tpu.matmul %get3A_12, %get3A_4, %dot_general3A_13 {dimension_numbers = #tpu.dot_dimension_numbers<[1], [0], [0], [1], [0, 0, 1, 1], [], []>, transpose_lhs_hint = false} : vector<32x1xf32>, vector<1x16384xf32>, vector<32x16384xf32> -> vector<32x16384xf32>
    %add3A = arith.addf %dot_general3A_9, %dot_general3A_14 : vector<32x16384xf32>
    %get3A_15 = arith.constant 0 : index
    %get3A_16 = arith.constant 0 : index
    %get3A_17 = vector.load %arg5[%get3A_15, %get3A_16] : memref<32x1xf32, #tpu.memory_space<vmem>>, vector<32x1xf32>
    %dot_general3A_18 = arith.constant dense<0.000000e+00> : vector<32x16384xf32>
    %dot_general3A_19 = tpu.matmul %get3A_17, %broadcast_in_dim3A_5, %dot_general3A_18 {dimension_numbers = #tpu.dot_dimension_numbers<[1], [0], [0], [1], [0, 0, 1, 1], [], []>, transpose_lhs_hint = false} : vector<32x1xf32>, vector<1x16384xf32>, vector<32x16384xf32> -> vector<32x16384xf32>
    %add3A_20 = arith.addf %add3A, %dot_general3A_19 : vector<32x16384xf32>
    %tanh3A = math.tanh %add3A_20 : vector<32x16384xf32>
    %get3A_21 = arith.constant 0 : index
    %get3A_22 = arith.constant 0 : index
    %get3A_23 = vector.load %arg6[%get3A_21, %get3A_22] : memref<16x32xf32, #tpu.memory_space<vmem>>, vector<16x32xf32>
    %dot_general3A_24 = arith.constant dense<0.000000e+00> : vector<16x16384xf32>
    %dot_general3A_25 = tpu.matmul %get3A_23, %tanh3A, %dot_general3A_24 {dimension_numbers = #tpu.dot_dimension_numbers<[1], [0], [0], [1], [0, 0, 1, 1], [], []>, transpose_lhs_hint = false} : vector<16x32xf32>, vector<32x16384xf32>, vector<16x16384xf32> -> vector<16x16384xf32>
    %swap3A = arith.constant 0 : index
    %swap3A_26 = arith.constant 0 : index
    %swap3A_27 = vector.load %arg7[%swap3A, %swap3A_26] : memref<16x16384xf32, #tpu.memory_space<vmem>>, vector<16x16384xf32>
    tpu.vector_store %arg7[%swap3A, %swap3A_26], %dot_general3A_25 {strides = array<i32>} : memref<16x16384xf32, #tpu.memory_space<vmem>>, vector<16x16384xf32>,
    return
  }
  func.func @transform_0(%arg0: i32) -> (i32, i32) {
    %c0_i32 = arith.constant 0 : i32
    %c0_i32_0 = arith.constant 0 : i32
    return %c0_i32, %arg0 : i32, i32
  }
  func.func @transform_1(%arg0: i32) -> (i32, i32) {
    %c0_i32 = arith.constant 0 : i32
    %c0_i32_0 = arith.constant 0 : i32
    return %c0_i32, %arg0 : i32, i32
  }
  func.func @transform_2(%arg0: i32) -> (i32, i32) {
    %c0_i32 = arith.constant 0 : i32
    %c0_i32_0 = arith.constant 0 : i32
    %c0_i32_1 = arith.constant 0 : i32
    return %c0_i32, %c0_i32_0 : i32, i32
  }
  func.func @transform_3(%arg0: i32) -> (i32, i32) {
    %c0_i32 = arith.constant 0 : i32
    %c0_i32_0 = arith.constant 0 : i32
    %c0_i32_1 = arith.constant 0 : i32
    return %c0_i32, %c0_i32_0 : i32, i32
  }
  func.func @transform_4(%arg0: i32) -> (i32, i32) {
    %c0_i32 = arith.constant 0 : i32
    %c0_i32_0 = arith.constant 0 : i32
    %c0_i32_1 = arith.constant 0 : i32
    return %c0_i32, %c0_i32_0 : i32, i32
  }
  func.func @transform_5(%arg0: i32) -> (i32, i32) {
    %c0_i32 = arith.constant 0 : i32
    %c0_i32_0 = arith.constant 0 : i32
    %c0_i32_1 = arith.constant 0 : i32
    return %c0_i32, %c0_i32_0 : i32, i32
  }
  func.func @transform_6(%arg0: i32) -> (i32, i32) {
    %c0_i32 = arith.constant 0 : i32
    %c0_i32_0 = arith.constant 0 : i32
    return %c0_i32, %arg0 : i32, i32
  }
}

module attributes {stable_mosaic.version = 14 : i64} {
  func.func @_rate_block(%arg0: i32, %arg1: memref<16x2048xf32, #tpu.memory_space<vmem>>, %arg2: memref<16x2048xf32, #tpu.memory_space<vmem>>, %arg3: memref<2x2048xf32, #tpu.memory_space<vmem>>, %arg4: memref<2x2048xf32, #tpu.memory_space<vmem>>, %arg5: memref<1x2048xf32, #tpu.memory_space<vmem>>, %arg6: memref<16x1xf32, #tpu.memory_space<vmem>>, %arg7: memref<32x17xf32, #tpu.memory_space<vmem>>, %arg8: memref<1x32xf32, #tpu.memory_space<vmem>>, %arg9: memref<1x1xf32, #tpu.memory_space<vmem>>, %arg10: memref<1x2048xf32, #tpu.memory_space<vmem>>) attributes {dimension_semantics = [#tpu.dimension_semantics<arbitrary>], iteration_bounds = array<i64: 49>, scalar_prefetch = 0 : i64, scratch_operands = 0 : i64, tpu.core_type = #tpu.core_type<tc>, window_params = [{transform_indices = @transform_0, window_bounds = array<i64: 16, 2048>}, {transform_indices = @transform_1, window_bounds = array<i64: 16, 2048>}, {transform_indices = @transform_2, window_bounds = array<i64: 2, 2048>}, {transform_indices = @transform_3, window_bounds = array<i64: 2, 2048>}, {transform_indices = @transform_4, window_bounds = array<i64: 1, 2048>}, {pipeline_mode = #tpu.pipeline_mode<synchronous>, transform_indices = @transform_5, window_bounds = array<i64: 16, 1>}, {pipeline_mode = #tpu.pipeline_mode<synchronous>, transform_indices = @transform_6, window_bounds = array<i64: 32, 17>}, {pipeline_mode = #tpu.pipeline_mode<synchronous>, transform_indices = @transform_7, window_bounds = array<i64: 1, 32>}, {pipeline_mode = #tpu.pipeline_mode<synchronous>, transform_indices = @transform_8, window_bounds = array<i64: 1, 1>}, {transform_indices = @transform_9, window_bounds = array<i64: 1, 2048>}]} {
    %get3A = arith.constant 0 : index
    %get3A_0 = arith.constant 0 : index
    %get3A_1 = vector.load %arg3[%get3A, %get3A_0] : memref<2x2048xf32, #tpu.memory_space<vmem>>, vector<2x2048xf32>
    %get3A_2 = arith.constant 0 : index
    %get3A_3 = arith.constant 0 : index
    %get3A_4 = vector.load %arg4[%get3A_2, %get3A_3] : memref<2x2048xf32, #tpu.memory_space<vmem>>, vector<2x2048xf32>
    %slice3A = vector.extract_strided_slice %get3A_4 {offsets = [0, 0], sizes = [1, 2048], strides = [1, 1]} : vector<2x2048xf32> to vector<1x2048xf32>
    %slice3A_5 = vector.extract_strided_slice %get3A_4 {offsets = [1, 0], sizes = [1, 2048], strides = [1, 1]} : vector<2x2048xf32> to vector<1x2048xf32>
    %add3A = arith.addf %slice3A, %slice3A_5 : vector<1x2048xf32>
    %get3A_6 = arith.constant 0 : index
    %get3A_7 = arith.constant 0 : index
    %get3A_8 = vector.load %arg1[%get3A_6, %get3A_7] : memref<16x2048xf32, #tpu.memory_space<vmem>>, vector<16x2048xf32>
    %get3A_9 = arith.constant 0 : index
    %get3A_10 = arith.constant 0 : index
    %get3A_11 = vector.load %arg2[%get3A_9, %get3A_10] : memref<16x2048xf32, #tpu.memory_space<vmem>>, vector<16x2048xf32>
    %add3A_12 = arith.addf %get3A_8, %get3A_11 : vector<16x2048xf32>
    %get3A_13 = arith.constant 0 : index
    %get3A_14 = arith.constant 0 : index
    %get3A_15 = vector.load %arg6[%get3A_13, %get3A_14] : memref<16x1xf32, #tpu.memory_space<vmem>>, vector<16x1xf32>
    %dot_general3A = arith.constant dense<0.000000e+00> : vector<16x2048xf32>
    %dot_general3A_16 = tpu.matmul %get3A_15, %add3A, %dot_general3A {dimension_numbers = #tpu.dot_dimension_numbers<[1], [0], [0], [1], [0, 0, 1, 1], [], []>, transpose_lhs_hint = false} : vector<16x1xf32>, vector<1x2048xf32>, vector<16x2048xf32> -> vector<16x2048xf32>
    %add3A_17 = arith.addf %add3A_12, %dot_general3A_16 : vector<16x2048xf32>
    %broadcast_in_dim3A = arith.constant 1.000000e+00 : f32
    %broadcast_in_dim3A_18 = vector.broadcast %broadcast_in_dim3A : f32 to vector<1x2048xf32>
    %concatenate3A = tpu.concatenate %add3A_17, %broadcast_in_dim3A_18 in 0 : vector<16x2048xf32>, vector<1x2048xf32> -> vector<17x2048xf32>
    %get3A_19 = arith.constant 0 : index
    %get3A_20 = arith.constant 0 : index
    %get3A_21 = vector.load %arg7[%get3A_19, %get3A_20] : memref<32x17xf32, #tpu.memory_space<vmem>>, vector<32x17xf32>
    %dot_general3A_22 = arith.constant dense<0.000000e+00> : vector<32x2048xf32>
    %dot_general3A_23 = tpu.matmul %get3A_21, %concatenate3A, %dot_general3A_22 {dimension_numbers = #tpu.dot_dimension_numbers<[1], [0], [0], [1], [0, 0, 1, 1], [], []>, transpose_lhs_hint = false} : vector<32x17xf32>, vector<17x2048xf32>, vector<32x2048xf32> -> vector<32x2048xf32>
    %tanh3A = math.tanh %dot_general3A_23 : vector<32x2048xf32>
    %get3A_24 = arith.constant 0 : index
    %get3A_25 = arith.constant 0 : index
    %get3A_26 = vector.load %arg8[%get3A_24, %get3A_25] : memref<1x32xf32, #tpu.memory_space<vmem>>, vector<1x32xf32>
    %dot_general3A_27 = arith.constant dense<0.000000e+00> : vector<1x2048xf32>
    %dot_general3A_28 = tpu.matmul %get3A_26, %tanh3A, %dot_general3A_27 {dimension_numbers = #tpu.dot_dimension_numbers<[1], [0], [0], [1], [0, 0, 1, 1], [], []>, transpose_lhs_hint = false} : vector<1x32xf32>, vector<32x2048xf32>, vector<1x2048xf32> -> vector<1x2048xf32>
    %get3A_29 = arith.constant 0 : index
    %get3A_30 = arith.constant 0 : index
    %get3A_31 = vector.load %arg9[%get3A_29, %get3A_30] : memref<1x1xf32, #tpu.memory_space<vmem>>, vector<1x1xf32>
    %get3A_32 = vector.extract %get3A_31[0, 0] : f32 from vector<1x1xf32>
    %add3A_33 = vector.broadcast %get3A_32 : f32 to vector<1x2048xf32>
    %add3A_34 = arith.addf %dot_general3A_28, %add3A_33 : vector<1x2048xf32>
    %custom_jvp_call3A = arith.constant 0.000000e+00 : f32
    %max3A = vector.broadcast %custom_jvp_call3A : f32 to vector<1x2048xf32>
    %max3A_35 = arith.maximumf %add3A_34, %max3A : vector<1x2048xf32>
    %sub3A = vector.broadcast %custom_jvp_call3A : f32 to vector<1x2048xf32>
    %sub3A_36 = arith.subf %add3A_34, %sub3A : vector<1x2048xf32>
    %ne3A = arith.cmpf one, %sub3A_36, %sub3A_36 : vector<1x2048xf32>
    %add3A_37 = vector.broadcast %custom_jvp_call3A : f32 to vector<1x2048xf32>
    %add3A_38 = arith.addf %add3A_34, %add3A_37 : vector<1x2048xf32>
    %abs3A = math.absf %sub3A_36 : vector<1x2048xf32>
    %neg3A = arith.constant 0.000000e+00 : f32
    %neg3A_39 = vector.broadcast %neg3A : f32 to vector<1x2048xf32>
    %neg3A_40 = arith.subf %neg3A_39, %abs3A : vector<1x2048xf32>
    %exp3A = math.exp %neg3A_40 : vector<1x2048xf32>
    %log1p3A = math.log1p %exp3A : vector<1x2048xf32>
    %add3A_41 = arith.addf %max3A_35, %log1p3A : vector<1x2048xf32>
    %select_n3A = arith.select %ne3A, %add3A_38, %add3A_41 : vector<1x2048xi1>, vector<1x2048xf32>
    %slice3A_42 = vector.extract_strided_slice %get3A_1 {offsets = [0, 0], sizes = [1, 2048], strides = [1, 1]} : vector<2x2048xf32> to vector<1x2048xf32>
    %slice3A_43 = vector.extract_strided_slice %get3A_1 {offsets = [1, 0], sizes = [1, 2048], strides = [1, 1]} : vector<2x2048xf32> to vector<1x2048xf32>
    %add3A_44 = arith.addf %slice3A_42, %slice3A_43 : vector<1x2048xf32>
    %max3A_45 = arith.constant 1.000000e+00 : f32
    %max3A_46 = vector.broadcast %max3A_45 : f32 to vector<1x2048xf32>
    %max3A_47 = arith.maximumf %add3A, %max3A_46 : vector<1x2048xf32>
    %div3A = arith.divf %add3A_44, %max3A_47 : vector<1x2048xf32>
    %get3A_48 = arith.constant 0 : index
    %get3A_49 = arith.constant 0 : index
    %get3A_50 = vector.load %arg5[%get3A_48, %get3A_49] : memref<1x2048xf32, #tpu.memory_space<vmem>>, vector<1x2048xf32>
    %log3A = arith.constant 1.000000e+01 : f32
    %log3A_51 = math.log %log3A : f32
    %mul3A = vector.broadcast %log3A_51 : f32 to vector<1x2048xf32>
    %mul3A_52 = arith.mulf %get3A_50, %mul3A : vector<1x2048xf32>
    %exp3A_53 = math.exp %mul3A_52 : vector<1x2048xf32>
    %mul3A_54 = arith.mulf %exp3A_53, %div3A : vector<1x2048xf32>
    %mul3A_55 = arith.mulf %mul3A_54, %select_n3A : vector<1x2048xf32>
    %swap3A = arith.constant 0 : index
    %swap3A_56 = arith.constant 0 : index
    %swap3A_57 = vector.load %arg10[%swap3A, %swap3A_56] : memref<1x2048xf32, #tpu.memory_space<vmem>>, vector<1x2048xf32>
    tpu.vector_store %arg10[%swap3A, %swap3A_56], %mul3A_55 {strides = array<i32>} : memref<1x2048xf32, #tpu.memory_space<vmem>>, vector<1x2048xf32>,
    return
  }
  func.func @transform_0(%arg0: i32) -> (i32, i32) {
    %c0_i32 = arith.constant 0 : i32
    %c0_i32_0 = arith.constant 0 : i32
    return %c0_i32, %arg0 : i32, i32
  }
  func.func @transform_1(%arg0: i32) -> (i32, i32) {
    %c0_i32 = arith.constant 0 : i32
    %c0_i32_0 = arith.constant 0 : i32
    return %c0_i32, %arg0 : i32, i32
  }
  func.func @transform_2(%arg0: i32) -> (i32, i32) {
    %c0_i32 = arith.constant 0 : i32
    %c0_i32_0 = arith.constant 0 : i32
    return %c0_i32, %arg0 : i32, i32
  }
  func.func @transform_3(%arg0: i32) -> (i32, i32) {
    %c0_i32 = arith.constant 0 : i32
    %c0_i32_0 = arith.constant 0 : i32
    return %c0_i32, %arg0 : i32, i32
  }
  func.func @transform_4(%arg0: i32) -> (i32, i32) {
    %c0_i32 = arith.constant 0 : i32
    %c0_i32_0 = arith.constant 0 : i32
    return %c0_i32, %arg0 : i32, i32
  }
  func.func @transform_5(%arg0: i32) -> (i32, i32) {
    %c0_i32 = arith.constant 0 : i32
    %c0_i32_0 = arith.constant 0 : i32
    %c0_i32_1 = arith.constant 0 : i32
    return %c0_i32, %c0_i32_0 : i32, i32
  }
  func.func @transform_6(%arg0: i32) -> (i32, i32) {
    %c0_i32 = arith.constant 0 : i32
    %c0_i32_0 = arith.constant 0 : i32
    %c0_i32_1 = arith.constant 0 : i32
    return %c0_i32, %c0_i32_0 : i32, i32
  }
  func.func @transform_7(%arg0: i32) -> (i32, i32) {
    %c0_i32 = arith.constant 0 : i32
    %c0_i32_0 = arith.constant 0 : i32
    %c0_i32_1 = arith.constant 0 : i32
    return %c0_i32, %c0_i32_0 : i32, i32
  }
  func.func @transform_8(%arg0: i32) -> (i32, i32) {
    %c0_i32 = arith.constant 0 : i32
    %c0_i32_0 = arith.constant 0 : i32
    %c0_i32_1 = arith.constant 0 : i32
    return %c0_i32, %c0_i32_0 : i32, i32
  }
  func.func @transform_9(%arg0: i32) -> (i32, i32) {
    %c0_i32 = arith.constant 0 : i32
    %c0_i32_0 = arith.constant 0 : i32
    return %c0_i32, %arg0 : i32, i32
  }
}

module attributes {stable_mosaic.version = 14 : i64} {
  func.func @_add_block(%arg0: i32, %arg1: memref<2x2048xf32, #tpu.memory_space<vmem>>, %arg2: memref<1x2048xf32, #tpu.memory_space<vmem>>) attributes {dimension_semantics = [#tpu.dimension_semantics<arbitrary>], iteration_bounds = array<i64: 49>, scalar_prefetch = 0 : i64, scratch_operands = 0 : i64, tpu.core_type = #tpu.core_type<tc>, window_params = [{transform_indices = @transform_0, window_bounds = array<i64: 2, 2048>}, {transform_indices = @transform_1, window_bounds = array<i64: 1, 2048>}]} {
    %get3A = arith.constant 0 : index
    %get3A_0 = arith.constant 0 : index
    %get3A_1 = vector.load %arg1[%get3A, %get3A_0] : memref<2x2048xf32, #tpu.memory_space<vmem>>, vector<2x2048xf32>
    %slice3A = vector.extract_strided_slice %get3A_1 {offsets = [0, 0], sizes = [1, 2048], strides = [1, 1]} : vector<2x2048xf32> to vector<1x2048xf32>
    %slice3A_2 = vector.extract_strided_slice %get3A_1 {offsets = [1, 0], sizes = [1, 2048], strides = [1, 1]} : vector<2x2048xf32> to vector<1x2048xf32>
    %add3A = arith.addf %slice3A, %slice3A_2 : vector<1x2048xf32>
    %swap3A = arith.constant 0 : index
    %swap3A_3 = arith.constant 0 : index
    %swap3A_4 = vector.load %arg2[%swap3A, %swap3A_3] : memref<1x2048xf32, #tpu.memory_space<vmem>>, vector<1x2048xf32>
    tpu.vector_store %arg2[%swap3A, %swap3A_3], %add3A {strides = array<i32>} : memref<1x2048xf32, #tpu.memory_space<vmem>>, vector<1x2048xf32>,
    return
  }
  func.func @transform_0(%arg0: i32) -> (i32, i32) {
    %c0_i32 = arith.constant 0 : i32
    %c0_i32_0 = arith.constant 0 : i32
    return %c0_i32, %arg0 : i32, i32
  }
  func.func @transform_1(%arg0: i32) -> (i32, i32) {
    %c0_i32 = arith.constant 0 : i32
    %c0_i32_0 = arith.constant 0 : i32
    return %c0_i32, %arg0 : i32, i32
  }
}

</mosaic_0001>

<sc_bundles>
// kernel: kernel.11.cloned.1.call-start
scs
__scs_entry_jumppad:
0x0: {  	(pc) =	sbr.rel $0x88, $3  }
0x1: {  	(tag) =	ssettag $0x0;
	lr =	simm.s32 $0x1  }
0x2: {  	[smem:$0x3F91] =	sst lr;
	_ =	strace $0xD0000000  }
0x3: {  	_ = 	snop  }
0x4: {  	_ = 	snop  }
0x5: {  	_ = 	snop  }
0x6: {  	_ = 	snop  }
0x7: {  	_ = 	snop  }
__scs_overlays_trampoline_lowered:
0x8: {  	[smem:$0x3FA0] =	sst s0  }
0x9: {  	[smem:$0x3FA1] =	sst s1  }
0xa: {  	[smem:$0x3FA2] =	sst s2  }
0xb: {  	[smem:$0x3FA3] =	sst s3  }
0xc: {  	[smem:$0x3FA4] =	sst s4  }
0xd: {  	[smem:$0x3FA5] =	sst s5  }
0xe: {  	[smem:$0x3FA6] =	sst s6  }
0xf: {  	[smem:$0x3FA7] =	sst s7  }
0x10: {  	[smem:$0x3FA8] =	sst s8  }
0x11: {  	[smem:$0x3FA9] =	sst s9;
	s0 =	simm.s32 @!p0 $0x0  }
0x12: {  	s1 =	sld [smem:$0x3F8F];
	s0 =	simm.s32 @p0 $0x1  }
0x13: {  	[smem:$0x3FAA] =	sst s0;
	s0 =	simm.s32 @!p1 $0x0  }
0x14: {  	s2 =	sld [smem:$0x3F8E];
	s0 =	simm.s32 @p1 $0x1  }
0x15: {  	[smem:$0x3FAB] =	sst s0;
	s0 =	simm.s32 @!p2 $0x0  }
0x16: {  	s3 =	sld [smem:$0x3FDB];
	s0 =	simm.s32 @p2 $0x1  }
0x17: {  	s4 =	simm.s32 $0x1BF5;
	[smem:$0x3FAD] =	sst s0  }
0x18: {  	s0 =	sld [smem:$0x3F90];
	_ =	swait.ge [sflag:s4], $0x0  }
0x19: {  	s7 =	sld [smem:$0x3F91]  }
0x1a: {  	s8 =	sadd.s32 $0xFFFFE003, lr  }
0x1b: {  	s9 =	sadd.s32 $0xFFFFFEF7, lr;
	s5 =	simm.s32 $0xFFFFFFFF;
	p2 =	slt.u32 s8, $0xFFFFF086  }
0x1c: {  	p1 =	slt.u32 s9, $0xF7A;
	s5 =	simm.s32 @!p2 $0x0  }
0x1d: {  	s5 =	simm.s32 @p1 $0x1;
	p0 =	seq.s32 s7, s2  }
0x1e: {  	s7 =	smul.u32 @!p0 $0xF7A, s2;
	p2 =	seq.s32 @!p0 s5, $0x0  }
0x1f: {  	s9 =	smul.u32 $0xF7A, s1;
	s8 =	simm.s32 @!p0 $0x1BF5;
	p2 =	por !p2, p0  }
0x20: {  	[sflag:s8] =	ssyncset.s32 @!p0 $0xFFFFF086;
	s6 =	sadd.s32 @!p0 s3, s7;
	s7 =	simm.s32 @!p0 $0x108  }
0x21: {  	s3 =	sadd.s32 s3, s9;
	s6 =	sadd.s32 @!p0 $0x88, s6;
	s7 =	simm.s32 @p2 $0x1082  }
0x22: {  	[simem:s7], [sflag:s8] =	dma.local @!p0 [hbm:s6], $0xF7A  }
0x23: {  	s9 =	sor.u32 $0xD0000000, s2;
	s6 =	simm.s32 $0x108;
	_ =	swait.ge @!p0 [sflag:s8], $0x0  }
0x24: {  	s3 =	sadd.s32 $0x88, s3;
	s6 =	simm.s32 @!p1 $0x1082;
	[sflag:s4] =	ssyncset.s32 $0xFFFFF086  }
0x25: {  	[simem:s6], [sflag:s4] =	dma.local [hbm:s3], $0xF7A  }
0x26: {  	[smem:$0x3F91] =	sst s1;
	(tag) =	ssettag s2;
	_ =	strace s9  }
0x27: {  	s1 =	sld [smem:$0x3FA1]  }
0x28: {  	s2 =	sld [smem:$0x3FA2]  }
0x29: {  	s4 =	sld [smem:$0x3FA4]  }
0x2a: {  	p0 =	seq.s32 s5, $0x0;
	s5 =	sld [smem:$0x3FA5]  }
0x2b: {  	s6 =	sld [smem:$0x3FA6]  }
0x2c: {  	s7 =	sld [smem:$0x3FA7]  }
0x2d: {  	s3 =	simm.s32 $0x108;
	s8 =	sld [smem:$0x3FA8]  }
0x2e: {  	s3 =	simm.s32 @!p0 $0x1082;
	s9 =	sld [smem:$0x3FA9]  }
0x2f: {  	lr =	sadd.s32 s0, s3;
	s0 =	sld [smem:$0x3FA0]  }
0x30: {  	s3 =	sld [smem:$0x3FA3]  }
0x31: {  	[smem:$0x3FAC] =	sst s10  }
0x32: {  	s10 =	sld [smem:$0x3FAA];
	_ =	sdelay $0x3  }
0x33: {  	p0 =	seq.s32 s10, $0x1;
	s10 =	sld [smem:$0x3FAC];
	_ =	sdelay $0x3  }
0x34: {  	[smem:$0x3FAC] =	sst s10  }
0x35: {  	s10 =	sld [smem:$0x3FAB];
	_ =	sdelay $0x3  }
0x36: {  	p1 =	seq.s32 s10, $0x1;
	s10 =	sld [smem:$0x3FAC];
	_ =	sdelay $0x3  }
0x37: {  	[smem:$0x3FAC] =	sst s10  }
0x38: {  	s10 =	sld [smem:$0x3FAD]  }
0x39: {  	_ = 	snop;
	(pc) =	sbr.ind lr, $3  }
0x3a: {  	_ = 	snop  }
0x3b: {  	_ = 	snop  }
0x3c: {  	p2 =	seq.s32 s10, $0x1;
	s10 =	sld [smem:$0x3FAC]  }
0x3d: {  	_ =	shalt  }
0x3e: {  	_ =	shalt  }
0x3f: {  	_ =	shalt  }
0x40: {  	_ =	shalt  }
0x41: {  	_ =	shalt  }
0x42: {  	_ =	shalt  }
0x43: {  	_ =	shalt  }
0x44: {  	_ =	shalt  }
0x45: {  	_ =	shalt  }
0x46: {  	_ =	shalt  }
0x47: {  	_ =	shalt  }
0x48: {  	_ =	shalt  }
0x49: {  	_ =	shalt  }
0x4a: {  	_ =	shalt  }
0x4b: {  	_ =	shalt  }
0x4c: {  	_ =	shalt  }
0x4d: {  	_ =	shalt  }
0x4e: {  	_ =	shalt  }
0x4f: {  	_ =	shalt  }
0x50: {  	_ =	shalt  }
0x51: {  	_ =	shalt  }
0x52: {  	_ =	shalt  }
0x53: {  	_ =	shalt  }
0x54: {  	_ =	shalt  }
0x55: {  	_ =	shalt  }
0x56: {  	_ =	shalt  }
0x57: {  	_ =	shalt  }
0x58: {  	_ =	shalt  }
0x59: {  	_ =	shalt  }
0x5a: {  	_ =	shalt  }
0x5b: {  	_ =	shalt  }
0x5c: {  	_ =	shalt  }
0x5d: {  	_ =	shalt  }
0x5e: {  	_ =	shalt  }
0x5f: {  	_ =	shalt  }
0x60: {  	_ =	shalt  }
0x61: {  	_ =	shalt  }
0x62: {  	_ =	shalt  }
0x63: {  	_ =	shalt  }
0x64: {  	_ =	shalt  }
0x65: {  	_ =	shalt  }
0x66: {  	_ =	shalt  }
0x67: {  	_ =	shalt  }
0x68: {  	_ =	shalt  }
0x69: {  	_ =	shalt  }
0x6a: {  	_ =	shalt  }
0x6b: {  	_ =	shalt  }
0x6c: {  	_ =	shalt  }
0x6d: {  	_ =	shalt  }
0x6e: {  	_ =	shalt  }
0x6f: {  	_ =	shalt  }
0x70: {  	_ =	shalt  }
0x71: {  	_ =	shalt  }
0x72: {  	_ =	shalt  }
0x73: {  	_ =	shalt  }
0x74: {  	_ =	shalt  }
0x75: {  	_ =	shalt  }
0x76: {  	_ =	shalt  }
0x77: {  	_ =	shalt  }
0x78: {  	_ =	shalt  }
0x79: {  	_ =	shalt  }
0x7a: {  	_ =	shalt  }
0x7b: {  	_ =	shalt  }
0x7c: {  	_ =	shalt  }
0x7d: {  	_ =	shalt  }
0x7e: {  	_ =	shalt  }
0x7f: {  	_ =	shalt  }
0x80: {  	_ =	shalt  }
0x81: {  	_ =	shalt  }
0x82: {  	_ =	shalt  }
0x83: {  	_ =	shalt  }
0x84: {  	_ =	shalt  }
0x85: {  	_ =	shalt  }
0x86: {  	_ =	shalt  }
0x87: {  	_ =	shalt  }
.Lfunc_end0:
.L_simem_size_0:
called_computation.1_lowered:
.L_overlay_start_0:
0x88: {  	s2 =	sld [smem:$0x3FD9]  }
0x89: {  	s3 =	sld [smem:$0x3FFE];
	_ =	sdelay $0x1  }
0x8a: {  	s1 =	srdreg.scid  }
0x8b: {  	s0 =	sand.u32 $0x1, s1  }
0x8c: {  	s11 =	sshll.u32 s0, $0xA;
	s2 =	sadd.s32 s3, s2  }
0x8d: {  	s2 =	sadd.s32 s2, s11  }
0x8e: {  	[smem:$0x3FB8] =	sst s2  }
0x8f: {  	_ = 	snop  }
0x90: {  	(tm) =	ssettm $0x1  }
0x91: {  	s12 =	sld [smem:$0x3FFB];
	_ =	sdelay $0x3  }
0x92: {  	_ =	strace s12  }
0x93: {  	s2 =	sld [smem:$0x3FFC];
	_ =	sdelay $0x3  }
0x94: {  	_ =	strace s2  }
0x95: {  	s2 =	sld [smem:$0x3FFD];
	_ =	sdelay $0x3  }
0x96: {  	_ =	strace s2  }
0x97: {  	_ =	strace $0x8FFFFFFF  }
0x98: {  	s13 =	sld [smem:$0x3FDB];
	_ =	sdelay $0x1  }
0x99: {  	s14 =	simm.s32 $_scs_section_size  }
0x9a: {  	s4 =	simm.s32 $_size__tile_task_arg_handler_lowered;
	s5 =	simm.s32 $_tile_task_arg_handler_lowered  }
0x9b: {  	s17 =	simm.s32 $0x1BFF;
	s16 =	sshll.u32 s5, $0x1;
	s3 =	sadd.s32 s14, s13  }
0x9c: {  	s6 =	simm.s32 $0x60;
	s15 =	sshll.u32 s4, $0x1;
	s4 =	sadd.s32 s16, s3  }
0x9d: {  	[timem:s6], [sflag:s17] =	dma.local [hbm:s4], s15  }
0x9e: {  	_ =	swait.ge [sflag:s17], s15  }
0x9f: {  	s18 =	simm.s32 $_tile_overlayer_lowered;
	s2 =	ssub.s32 $0x0, s15;
	[sflag:s17] =	ssyncset.done $0x0  }
0xa0: {  	s19 =	simm.s32 $_size__tile_overlayer_lowered;
	s4 =	sshll.u32 s18, $0x1;
	[sflag:s17] =	ssyncadd.s32 s2  }
0xa1: {  	s21 =	simm.s32 $0x0;
	s20 =	sshll.u32 s19, $0x1;
	s4 =	sadd.s32 s4, s3  }
0xa2: {  	[timem:s21], [sflag:s17] =	dma.local [hbm:s4], s20  }
0xa3: {  	_ =	swait.ge [sflag:s17], s20  }
0xa4: {  	s22 =	ssub.s32 $0x0, s20;
	[sflag:s17] =	ssyncset.done $0x0  }
0xa5: {  	[sflag:s17] =	ssyncadd.s32 s22;
	_ =	sdelay $0x1  }
0xa6: {  	s23 =	simm.s32 $0x1B8B  }
0xa7: {  	_ =	swait.ge [sflag:s23], $0x1  }
0xa8: {  	[sflag:s23] =	ssyncset.done $0x0  }
0xa9: {  	s25 =	simm.s32 $0x1B8E;
	s24 =	sld [smem:$0x3FFE];
	[sflag:s23] =	ssyncadd.s32 $0xFFFFFFFF  }
0xaa: {  	s26 =	simm.s32 $execute0_lowered;
	[smem:$0x3FD2] =	sst s25  }
0xab: {  	s5 =	sshll.u32 s26, $0x1;
	_ =	strace $0x80000049;
	[dreg:$0x1] =	wrdreg $0xFFFFFFFF  }
0xac: {  	s28 =	simm.s32 $_size_execute0_lowered;
	s3 =	sadd.s32 s3, s5;
	[dreg:$0x0] =	wrdreg $0x0  }
0xad: {  	s5 =	sshll.u32 s28, $0x1;
	[dreg:$0x2] =	wrdreg s3  }
0xae: {  	[dreg:$0x3] =	wrdreg s5  }
0xaf: {  	[dreg:$0x4] =	wrdreg $0xC0  }
0xb0: {  	_ =	task [dreg:s21], $0x5FFFF  }
0xb1: {  	[dreg:$0x1] =	wrdreg $0xFFFFFFFF  }
0xb2: {  	[dreg:$0x0] =	wrdreg $0x30  }
0xb3: {  	[dreg:$0x2] =	wrdreg $0x0  }
0xb4: {  	[dreg:$0x3] =	wrdreg $0x19B000  }
0xb5: {  	[dreg:$0x4] =	wrdreg $0x1B3800  }
0xb6: {  	[dreg:$0x5] =	wrdreg $0x1CC000  }
0xb7: {  	[dreg:$0x6] =	wrdreg $0x9  }
0xb8: {  	_ =	task [dreg:s21], $0x7FFFF  }
0xb9: {  	[dreg:$0x1] =	wrdreg $0xFFFFFFFF  }
0xba: {  	[dreg:$0x0] =	wrdreg $0x60  }
0xbb: {  	[dreg:$0x2] =	wrdreg s24  }
0xbc: {  	[dreg:$0x3] =	wrdreg $0x5C800  }
0xbd: {  	[dreg:$0x4] =	wrdreg $0x75000  }
0xbe: {  	[dreg:$0x5] =	wrdreg $0x8D800  }
0xbf: {  	[dreg:$0x6] =	wrdreg $0xA6000  }
0xc0: {  	[dreg:$0x7] =	wrdreg $0xBE800  }
0xc1: {  	[dreg:$0x8] =	wrdreg $0xD7000  }
0xc2: {  	[dreg:$0x9] =	wrdreg $0xEF800  }
0xc3: {  	[dreg:$0xa] =	wrdreg $0x108000  }
0xc4: {  	[dreg:$0xb] =	wrdreg $0x120800  }
0xc5: {  	[dreg:$0xc] =	wrdreg $0x139000  }
0xc6: {  	[dreg:$0xd] =	wrdreg $0x151800  }
0xc7: {  	[dreg:$0xe] =	wrdreg $0x16A000  }
0xc8: {  	[dreg:$0xf] =	wrdreg $0x182800  }
0xc9: {  	_ =	task.clear_ibuf [dreg:s21], $0x10FFFF;
	_ =	strace $0x90000049  }
0xca: {  	s29 =	simm.s32 $0x9;
	_ =	strace $0x8000004B  }
0xcb: {  	_ =	swait.ge [sflag:s29], $0x1  }
0xcc: {  	[sflag:s29] =	ssyncadd.s32 $0xFFFFFFFF  }
0xcd: {  	_ =	strace $0x9000004B  }
0xce: {  	_ =	sfence  }
0xcf: {  	s30 =	sld [smem:$0x0];
	_ =	sdelay $0x2  }
0xd0: {  	s31 =	sshll.u32 s1, $0xD;
	s1 =	sshrl.u32 s1, $0x2  }
0xd1: {  	s4 =	sand.u32 $0x4000, s31;
	s1 =	sadd.s32 s1, s30  }
0xd2: {  	s0 =	sor.u32 s4, s0;
	s1 =	sshll.u32 s1, $0x11  }
0xd3: {  	s0 =	sor.u32 s1, s0  }
0xd4: {  	s0 =	sadd.s32 $0x8F2B, s0  }
0xd5: {  	[sflag:s0] =	ssyncadd.remote.s32 $0x1  }
0xd6: {  	_ =	sfence.sel $0xFFFF  }
0xd7: {  	[dreg:$0x0] =	wrdreg $0xFFFFFFFF;
	(pc) =	sbr.abs _section_cstart, $3  }
0xd8: {  	[dreg:$0x1] =	wrdreg $0xFFFFFFFF  }
0xd9: {  	_ =	task.clear_ibuf [dreg:s21], $0x2FFFF;
	_ =	strace $0x9FFFFFFF  }
0xda: {  	(tm) =	ssettm $0x7FFFFFFF  }
0xdb: {  	_ =	shalt  }
tec
_tile_task_arg_handler_lowered:
.L_overlay_start_1:
0x0: {  	(tag) =	ssettag $0x1  }
0x1: {  	s0 =	rddreg [dreg:$0x0]  }
0x2: {  	s1 =	rddreg [dreg:$0x1]  }
0x3: {  	s2 =	rddreg [dreg:$0x2]  }
0x4: {  	s3 =	rddreg [dreg:$0x3]  }
0x5: {  	s4 =	rddreg [dreg:$0x4]  }
0x6: {  	s5 =	rddreg [dreg:$0x5]  }
0x7: {  	s6 =	rddreg [dreg:$0x6]  }
0x8: {  	s7 =	rddreg [dreg:$0x7]  }
0x9: {  	s8 =	rddreg [dreg:$0x8]  }
0xa: {  	s9 =	rddreg [dreg:$0x9]  }
0xb: {  	s10 =	rddreg [dreg:$0xa]  }
0xc: {  	s11 =	rddreg [dreg:$0xb]  }
0xd: {  	s12 =	rddreg [dreg:$0xc]  }
0xe: {  	s13 =	rddreg [dreg:$0xd]  }
0xf: {  	[smem:s0] =	sst s1  }
0x10: {  	[smem:s0+$0x1] =	sst s2  }
0x11: {  	[smem:s0+$0x2] =	sst s3  }
0x12: {  	[smem:s0+$0x3] =	sst s4  }
0x13: {  	[smem:s0+$0x4] =	sst s5  }
0x14: {  	[smem:s0+$0x5] =	sst s6  }
0x15: {  	[smem:s0+$0x6] =	sst s7  }
0x16: {  	[smem:s0+$0x7] =	sst s8  }
0x17: {  	[smem:s0+$0x8] =	sst s9  }
0x18: {  	[smem:s0+$0x9] =	sst s10  }
0x19: {  	[smem:s0+$0xA] =	sst s11  }
0x1a: {  	[smem:s0+$0xB] =	sst s12  }
0x1b: {  	[smem:s0+$0xC] =	sst s13;
	_ =	shalt  }
.Lfunc_end2:
execute0_lowered:
.L_overlay_start_2:
0x1c: {  	(tag) =	ssettag $0x2  }
0x1d: {  	s14 =	rddreg [dreg:$0x0]  }
0x1e: {  	s0 =	rddreg [dreg:$0x1]  }
0x1f: {  	s1 =	rddreg [dreg:$0x2]  }
0x20: {  	s2 =	rddreg [dreg:$0x3]  }
0x21: {  	s3 =	rddreg [dreg:$0x4]  }
0x22: {  	s4 =	rddreg [dreg:$0x5]  }
0x23: {  	s5 =	rddreg [dreg:$0x6]  }
0x24: {  	s6 =	rddreg [dreg:$0x7]  }
0x25: {  	s7 =	rddreg [dreg:$0x8]  }
0x26: {  	s8 =	rddreg [dreg:$0x9]  }
0x27: {  	s9 =	rddreg [dreg:$0xa]  }
0x28: {  	s10 =	rddreg [dreg:$0xb]  }
0x29: {  	s11 =	rddreg [dreg:$0xc]  }
0x2a: {  	s12 =	rddreg [dreg:$0xd];
	s13 =	simm.s32 $0x0  }
0x2b: {  	[smem:$0x7FF] =	sst s13  }
0x2c: {  	s15 =	sld [smem:$0x0]  }
0x2d: {  	s16 =	srdreg.scid;
	s21 =	sld [smem:$0x3]  }
0x2e: {  	s23 =	stileid.u32;
	s17 =	sld [smem:$0x1]  }
0x2f: {  	s24 =	simm.s32 $0x640000;
	s16 =	sand.u32 $0x1, s16;
	s18 =	sld [smem:$0x2]  }
0x30: {  	s25 =	simm.s32 $0x480;
	s19 =	smul.u32 $0xC800, s16;
	[smem:$0x76D] =	sst s21  }
0x31: {  	s20 =	smul.u32 $0xC80, s23;
	_ =	strace $0x8000004A;
	[dreg:$0xf] =	wrdreg s24  }
0x32: {  	s26 =	simm.s32 $0x500;
	s19 =	sadd.s32 s19, s14;
	[dreg:$0x10] =	wrdreg s25  }
0x33: {  	s19 =	sadd.s32 s20, s19;
	s20 =	simm.s32 $0x580;
	[dreg:$0x11] =	wrdreg s26  }
0x34: {  	s21 =	simm.s32 $0x600;
	[dreg:$0x12] =	wrdreg s20  }
0x35: {  	s22 =	simm.s32 $0x680;
	[dreg:$0x13] =	wrdreg s21  }
0x36: {  	s19 =	sadd.s32 $0x23600, s19;
	[dreg:$0x14] =	wrdreg s22  }
0x37: {  	s24 =	simm.s32 $0x700;
	[dreg:$0xe] =	wrdreg s19  }
0x38: {  	s25 =	simm.s32 $0x780;
	[dreg:$0x15] =	wrdreg s24  }
0x39: {  	s26 =	simm.s32 $0x2400;
	[dreg:$0x16] =	wrdreg s25  }
0x3a: {  	s20 =	simm.s32 $0x2480;
	[dreg:$0x17] =	wrdreg s26  }
0x3b: {  	s21 =	simm.s32 $0x2500;
	[dreg:$0x18] =	wrdreg s20  }
0x3c: {  	s22 =	simm.s32 $0x2580;
	[dreg:$0x19] =	wrdreg s21  }
0x3d: {  	[dreg:$0x1a] =	wrdreg s22;
	s24 =	simm.s32 $0x2600  }
0x3e: {  	s25 =	simm.s32 $0x2680;
	[dreg:$0x1b] =	wrdreg s24  }
0x3f: {  	s26 =	simm.s32 $0x2700;
	[dreg:$0x1c] =	wrdreg s25  }
0x40: {  	s20 =	simm.s32 $0x2780;
	[dreg:$0x1d] =	wrdreg s26  }
0x41: {  	s21 =	simm.s32 $0x800;
	[dreg:$0x1e] =	wrdreg s20  }
0x42: {  	s22 =	simm.s32 $0x880;
	[dreg:$0x1f] =	wrdreg s21  }
0x43: {  	[smem:$0x76E] =	sst s22;
	s24 =	simm.s32 $0x900  }
0x44: {  	s25 =	simm.s32 $0x980;
	[smem:$0x76F] =	sst s24  }
0x45: {  	s26 =	simm.s32 $0xA00;
	[smem:$0x770] =	sst s25  }
0x46: {  	s20 =	simm.s32 $0xA80;
	[smem:$0x771] =	sst s26  }
0x47: {  	s21 =	simm.s32 $0xB00;
	[smem:$0x772] =	sst s20  }
0x48: {  	s22 =	simm.s32 $0xB80;
	[smem:$0x773] =	sst s21  }
0x49: {  	[smem:$0x774] =	sst s22;
	s24 =	simm.s32 $0x2800  }
0x4a: {  	s25 =	simm.s32 $0x2880;
	[smem:$0x775] =	sst s24  }
0x4b: {  	s26 =	simm.s32 $0x2900;
	[smem:$0x776] =	sst s25  }
0x4c: {  	s20 =	simm.s32 $0x2980;
	[smem:$0x777] =	sst s26  }
0x4d: {  	s21 =	simm.s32 $0x2A00;
	[smem:$0x778] =	sst s20  }
0x4e: {  	s22 =	simm.s32 $0x2A80;
	[smem:$0x779] =	sst s21  }
0x4f: {  	[smem:$0x77A] =	sst s22;
	s24 =	simm.s32 $0x2B00  }
0x50: {  	s25 =	simm.s32 $0x2B80;
	[smem:$0x77B] =	sst s24  }
0x51: {  	s26 =	simm.s32 $0xC00;
	[smem:$0x77C] =	sst s25  }
0x52: {  	s20 =	simm.s32 $0xC80;
	[smem:$0x77D] =	sst s26  }
0x53: {  	s21 =	simm.s32 $0xD00;
	[smem:$0x77E] =	sst s20  }
0x54: {  	s22 =	simm.s32 $0xD80;
	[smem:$0x77F] =	sst s21  }
0x55: {  	[smem:$0x780] =	sst s22;
	s24 =	simm.s32 $0xE00  }
0x56: {  	s25 =	simm.s32 $0xE80;
	[smem:$0x781] =	sst s24  }
0x57: {  	s26 =	simm.s32 $0xF00;
	[smem:$0x782] =	sst s25  }
0x58: {  	s20 =	simm.s32 $0xF80;
	[smem:$0x783] =	sst s26  }
0x59: {  	s21 =	simm.s32 $0x2C00;
	[smem:$0x784] =	sst s20  }
0x5a: {  	s22 =	simm.s32 $0x2C80;
	[smem:$0x785] =	sst s21  }
0x5b: {  	[smem:$0x786] =	sst s22;
	s24 =	simm.s32 $0x2D00  }
0x5c: {  	s25 =	simm.s32 $0x2D80;
	[smem:$0x787] =	sst s24  }
0x5d: {  	s26 =	simm.s32 $0x2E00;
	[smem:$0x788] =	sst s25  }
0x5e: {  	s20 =	simm.s32 $0x2E80;
	[smem:$0x789] =	sst s26  }
0x5f: {  	s21 =	simm.s32 $0x2F00;
	[smem:$0x78A] =	sst s20  }
0x60: {  	s22 =	simm.s32 $0x2F80;
	[smem:$0x78B] =	sst s21  }
0x61: {  	[smem:$0x78C] =	sst s22;
	s24 =	simm.s32 $0x1000  }
0x62: {  	s25 =	simm.s32 $0x1080;
	[smem:$0x78D] =	sst s24  }
0x63: {  	s26 =	simm.s32 $0x1100;
	[smem:$0x78E] =	sst s25  }
0x64: {  	s20 =	simm.s32 $0x1180;
	[smem:$0x78F] =	sst s26  }
0x65: {  	s21 =	simm.s32 $0x1200;
	[smem:$0x790] =	sst s20  }
0x66: {  	s22 =	simm.s32 $0x1280;
	[smem:$0x791] =	sst s21  }
0x67: {  	[smem:$0x792] =	sst s22;
	s24 =	simm.s32 $0x1300  }
0x68: {  	s25 =	simm.s32 $0x1380;
	[smem:$0x793] =	sst s24  }
0x69: {  	s26 =	simm.s32 $0x3000;
	[smem:$0x794] =	sst s25  }
0x6a: {  	s20 =	simm.s32 $0x3080;
	[smem:$0x795] =	sst s26  }
0x6b: {  	s21 =	simm.s32 $0x3100;
	[smem:$0x796] =	sst s20  }
0x6c: {  	s22 =	simm.s32 $0x3180;
	[smem:$0x797] =	sst s21  }
0x6d: {  	[smem:$0x798] =	sst s22;
	s24 =	simm.s32 $0x3200  }
0x6e: {  	s25 =	simm.s32 $0x3280;
	[smem:$0x799] =	sst s24  }
0x6f: {  	s26 =	simm.s32 $0x3300;
	[smem:$0x79A] =	sst s25  }
0x70: {  	s20 =	simm.s32 $0x3380;
	[smem:$0x79B] =	sst s26  }
0x71: {  	s21 =	simm.s32 $0x1400;
	[smem:$0x79C] =	sst s20  }
0x72: {  	s22 =	simm.s32 $0x1480;
	[smem:$0x79D] =	sst s21  }
0x73: {  	[smem:$0x79E] =	sst s22;
	s24 =	simm.s32 $0x1500  }
0x74: {  	s25 =	simm.s32 $0x1580;
	[smem:$0x79F] =	sst s24  }
0x75: {  	s26 =	simm.s32 $0x1600;
	[smem:$0x7A0] =	sst s25  }
0x76: {  	s20 =	simm.s32 $0x1680;
	[smem:$0x7A1] =	sst s26  }
0x77: {  	s21 =	simm.s32 $0x1700;
	[smem:$0x7A2] =	sst s20  }
0x78: {  	s22 =	simm.s32 $0x1780;
	[smem:$0x7A3] =	sst s21  }
0x79: {  	[smem:$0x7A4] =	sst s22;
	s24 =	simm.s32 $0x3400  }
0x7a: {  	s25 =	simm.s32 $0x3480;
	[smem:$0x7A5] =	sst s24  }
0x7b: {  	s26 =	simm.s32 $0x3500;
	[smem:$0x7A6] =	sst s25  }
0x7c: {  	s20 =	simm.s32 $0x3580;
	[smem:$0x7A7] =	sst s26  }
0x7d: {  	s21 =	simm.s32 $0x3600;
	[smem:$0x7A8] =	sst s20  }
0x7e: {  	s22 =	simm.s32 $0x3680;
	[smem:$0x7A9] =	sst s21  }
0x7f: {  	[smem:$0x7AA] =	sst s22;
	s24 =	simm.s32 $0x3700  }
0x80: {  	s25 =	simm.s32 $0x3780;
	[smem:$0x7AB] =	sst s24  }
0x81: {  	s26 =	simm.s32 $0x1800;
	[smem:$0x7AC] =	sst s25  }
0x82: {  	s20 =	simm.s32 $0x1880;
	[smem:$0x7AD] =	sst s26  }
0x83: {  	s21 =	simm.s32 $0x1900;
	[smem:$0x7AE] =	sst s20  }
0x84: {  	s22 =	simm.s32 $0x1980;
	[smem:$0x7AF] =	sst s21  }
0x85: {  	[smem:$0x7B0] =	sst s22;
	s24 =	simm.s32 $0x1A00  }
0x86: {  	s25 =	simm.s32 $0x1A80;
	[smem:$0x7B1] =	sst s24  }
0x87: {  	s26 =	simm.s32 $0x1B00;
	[smem:$0x7B2] =	sst s25  }
0x88: {  	s20 =	simm.s32 $0x1B80;
	[smem:$0x7B3] =	sst s26  }
0x89: {  	s21 =	simm.s32 $0x3800;
	[smem:$0x7B4] =	sst s20  }
0x8a: {  	s22 =	simm.s32 $0x3880;
	[smem:$0x7B5] =	sst s21  }
0x8b: {  	[smem:$0x7B6] =	sst s22;
	s24 =	simm.s32 $0x3900  }
0x8c: {  	s25 =	simm.s32 $0x3980;
	[smem:$0x7B7] =	sst s24  }
0x8d: {  	s26 =	simm.s32 $0x3A00;
	[smem:$0x7B8] =	sst s25  }
0x8e: {  	s20 =	simm.s32 $0x3A80;
	[smem:$0x7B9] =	sst s26  }
0x8f: {  	s21 =	simm.s32 $0x3B00;
	[smem:$0x7BA] =	sst s20  }
0x90: {  	s22 =	simm.s32 $0x3B80;
	[smem:$0x7BB] =	sst s21  }
0x91: {  	[smem:$0x7BC] =	sst s22;
	s24 =	simm.s32 $0x1C00  }
0x92: {  	s25 =	simm.s32 $0x1C80;
	[smem:$0x7BD] =	sst s24  }
0x93: {  	s26 =	simm.s32 $0x1D00;
	[smem:$0x7BE] =	sst s25  }
0x94: {  	s20 =	simm.s32 $0x1D80;
	[smem:$0x7BF] =	sst s26  }
0x95: {  	s21 =	simm.s32 $0x1E00;
	[smem:$0x7C0] =	sst s20  }
0x96: {  	s22 =	simm.s32 $0x1E80;
	[smem:$0x7C1] =	sst s21  }
0x97: {  	[smem:$0x7C2] =	sst s22;
	s24 =	simm.s32 $0x1F00  }
0x98: {  	s25 =	simm.s32 $0x1F80;
	[smem:$0x7C3] =	sst s24  }
0x99: {  	s26 =	simm.s32 $0x3C00;
	[smem:$0x7C4] =	sst s25  }
0x9a: {  	s20 =	simm.s32 $0x3C80;
	[smem:$0x7C5] =	sst s26  }
0x9b: {  	s21 =	simm.s32 $0x3D00;
	[smem:$0x7C6] =	sst s20  }
0x9c: {  	s22 =	simm.s32 $0x3D80;
	[smem:$0x7C7] =	sst s21  }
0x9d: {  	[smem:$0x7C8] =	sst s22;
	s24 =	simm.s32 $0x3E00  }
0x9e: {  	s25 =	simm.s32 $0x3E80;
	[smem:$0x7C9] =	sst s24  }
0x9f: {  	s26 =	simm.s32 $0x3F00;
	[smem:$0x7CA] =	sst s25  }
0xa0: {  	s20 =	simm.s32 $0x3F80;
	[smem:$0x7CB] =	sst s26  }
0xa1: {  	s21 =	simm.s32 $0x2080;
	[smem:$0x7CC] =	sst s20  }
0xa2: {  	s22 =	simm.s32 $0x2100;
	[smem:$0x7CD] =	sst s21  }
0xa3: {  	[smem:$0x7CE] =	sst s22;
	s24 =	simm.s32 $0x2180  }
0xa4: {  	s25 =	simm.s32 $0x2200;
	[smem:$0x7CF] =	sst s24  }
0xa5: {  	s26 =	simm.s32 $0x2280;
	[smem:$0x7D0] =	sst s25  }
0xa6: {  	s20 =	smul.u32 $0x64000, s16;
	[smem:$0x7D1] =	sst s26;
	s24 =	simm.s32 $0x2300  }
0xa7: {  	s21 =	smul.u32 $0x1880, s23;
	s25 =	simm.s32 $0x2380;
	[smem:$0x7D2] =	sst s24  }
0xa8: {  	s22 =	smul.u32 $0x18800, s16;
	s26 =	simm.s32 $0x4000;
	[smem:$0x7D3] =	sst s25  }
0xa9: {  	s20 =	sadd.s32 s20, s14;
	[smem:$0x7D4] =	sst s26;
	s24 =	simm.s32 $0x4100  }
0xaa: {  	s22 =	sadd.s32 s21, s22;
	s26 =	simm.s32 $0x4180;
	[smem:$0x7D6] =	sst s24  }
0xab: {  	s14 =	sadd.s32 s22, s14;
	s22 =	simm.s32 $0x4080;
	[smem:$0x7D7] =	sst s26  }
0xac: {  	s16 =	ssub.s32 $0x2, s16;
	s24 =	simm.s32 $0x4200;
	[smem:$0x7D5] =	sst s22  }
0xad: {  	s25 =	sshrl.u32 s16, $0x1;
	s26 =	sadd.s32 s21, s0;
	[smem:$0x7D8] =	sst s24  }
0xae: {  	s16 =	ssub.s32 s16, s25;
	s25 =	simm.s32 $0x4280;
	[smem:$0x7D9] =	sst s26  }
0xaf: {  	[smem:$0x7DA] =	sst s25;
	s24 =	simm.s32 $0x4300  }
0xb0: {  	s26 =	sadd.s32 s21, s1;
	[smem:$0x7DB] =	sst s24  }
0xb1: {  	s25 =	simm.s32 $0x4380;
	[smem:$0x7DC] =	sst s26  }
0xb2: {  	s22 =	smul.u32 $0x6400, s23;
	s23 =	sadd.s32 s21, s3;
	[smem:$0x7DD] =	sst s25  }
0xb3: {  	[smem:$0x7DF] =	sst s23;
	s24 =	sadd.s32 s21, s4  }
0xb4: {  	s25 =	sadd.s32 s21, s5;
	[smem:$0x7E0] =	sst s24  }
0xb5: {  	s26 =	sadd.s32 s21, s6;
	[smem:$0x7E1] =	sst s25  }
0xb6: {  	s23 =	sadd.s32 s21, s8;
	[smem:$0x7E2] =	sst s26  }
0xb7: {  	s20 =	sadd.s32 s22, s20;
	s22 =	sadd.s32 s21, s2;
	[smem:$0x7E4] =	sst s23  }
0xb8: {  	s24 =	sadd.s32 s21, s9;
	[smem:$0x7DE] =	sst s22  }
0xb9: {  	s25 =	sadd.s32 $0x1F1A00, s14;
	[smem:$0x7E5] =	sst s24  }
0xba: {  	s26 =	sadd.s32 $0x1F1A10, s14;
	[smem:$0x7E6] =	sst s25  }
0xbb: {  	s23 =	sadd.s32 $0x1F1A20, s14;
	[smem:$0x7E7] =	sst s26  }
0xbc: {  	s22 =	sadd.s32 s21, s7;
	[smem:$0x7E9] =	sst s23  }
0xbd: {  	s24 =	sadd.s32 $0x1F1A30, s14;
	[smem:$0x7E3] =	sst s22  }
0xbe: {  	s25 =	sadd.s32 s21, s11;
	[smem:$0x7EA] =	sst s24  }
0xbf: {  	s26 =	sadd.s32 $0x1F1A40, s14;
	[smem:$0x7EB] =	sst s25  }
0xc0: {  	s23 =	sadd.s32 s21, s12;
	[smem:$0x7EC] =	sst s26  }
0xc1: {  	s22 =	sadd.s32 s21, s10;
	[smem:$0x7EE] =	sst s23  }
0xc2: {  	s24 =	sadd.s32 $0x1F1A60, s14;
	[smem:$0x7E8] =	sst s22  }
0xc3: {  	s25 =	sadd.s32 $0x1F1A70, s14;
	[smem:$0x7EF] =	sst s24  }
0xc4: {  	s26 =	sadd.s32 s21, s15;
	[smem:$0x7F0] =	sst s25  }
0xc5: {  	s23 =	sadd.s32 $0x222A10, s14;
	[smem:$0x7F1] =	sst s26  }
0xc6: {  	s22 =	sadd.s32 $0x1F1A50, s14;
	[smem:$0x7F3] =	sst s23  }
0xc7: {  	s24 =	sadd.s32 s21, s17;
	[smem:$0x7ED] =	sst s22  }
0xc8: {  	s25 =	sadd.s32 $0x222A20, s14;
	[smem:$0x7F4] =	sst s24  }
0xc9: {  	s26 =	sadd.s32 $0x222A30, s14;
	[smem:$0x7F5] =	sst s25  }
0xca: {  	s28 =	simm.s32 $0x100;
	s23 =	sadd.s32 $0x222A50, s14;
	[smem:$0x7F6] =	sst s26  }
0xcb: {  	s29 =	simm.s32 $0x180;
	s22 =	sadd.s32 $0x222A00, s14;
	[smem:$0x7F8] =	sst s23  }
0xcc: {  	s31 =	simm.s32 $0x280;
	s24 =	sadd.s32 $0x222A60, s14;
	[smem:$0x7F2] =	sst s22  }
0xcd: {  	s30 =	simm.s32 $0x380;
	s25 =	smax.u32 s16, $0x1;
	[smem:$0x7F9] =	sst s24  }
0xce: {  	s19 =	simm.s32 $0x0;
	s26 =	sadd.s32 $0x61A00, s20;
	[smem:$0x7FB] =	sst s25  }
0xcf: {  	s22 =	sadd.s32 s21, s18;
	s21 =	sadd.s32 $0x222A40, s14;
	[smem:$0x7FC] =	sst s26  }
0xd0: {  	s23 =	simm.s32 $0x2;
	s14 =	sadd.s32 $0x222A70, s14;
	[smem:$0x7F7] =	sst s21  }
0xd1: {  	s16 =	simm.s32 $0x200;
	s26 =	simm.s32 $0x80;
	[smem:$0x7FA] =	sst s14  }
0xd2: {  	v0 =	vimm.f32 $0.0e+00;
	s25 =	simm.s32 $0x1;
	s14 =	simm.s32 $0x300;
	[smem:$0x7FD] =	sst s22  }
.LBB3_1:
0xd3: {  	[smem:$0x76C] =	sst s19;
	s20 =	simm.s32 $0x40;
	s21 =	simm.s32 $0x0  }
.LBB3_2:
0xd4: {  	p0 =	sne.s32 s20, $0x61C0;
	[tilespmem:s21+$0x4400] =	vst v0;
	s21 =	smov.u32 s20;
	s20 =	sadd.s32 $0x40, s20  }
.Ltmp0:
0xd5: {  	(pc) =	sbr.rel @p0 .LBB3_2-.Ltmp0, $2  }
0xd6: {  	_ =	sdelay $0x2  }
0xd7: {  	s21 =	sshra.s32 s21, $0x2  }
0xd8: {  	s19 =	sld [smem:$0x7D9];
	_ =	sdelay $0x1  }
0xd9: {  	[tilespmem:s21+$0x4400] =	vst v0;
	s21 =	simm.s32 $0x4400  }
0xda: {  	[spmem:s19] =	stream.linear.scatter [tilespmem:s21], [sflag:$0x2], $0x1880, $0x38;
	[tilespmem:$0x1E480] =	vst v63  }
0xdb: {  	_ =	swait.ge [sflag:s23], $0x1880  }
0xdc: {  	s20 =	sld [smem:$0x7DC]  }
0xdd: {  	[sflag:s23] =	ssyncset.done $0x0  }
0xde: {  	[sflag:s23] =	ssyncadd.s32 $0xFFFFE780  }
0xdf: {  	[spmem:s20] =	stream.linear.scatter [tilespmem:s21], [sflag:$0x2], $0x1880, $0x38;
	[tilespmem:$0x1E480] =	vst v63  }
0xe0: {  	_ =	swait.ge [sflag:s23], $0x1880  }
0xe1: {  	s24 =	sld [smem:$0x7DE]  }
0xe2: {  	[sflag:s23] =	ssyncset.done $0x0  }
0xe3: {  	[sflag:s23] =	ssyncadd.s32 $0xFFFFE780  }
0xe4: {  	[spmem:s24] =	stream.linear.scatter [tilespmem:s21], [sflag:$0x2], $0x1880, $0x38;
	[tilespmem:$0x1E480] =	vst v63  }
0xe5: {  	_ =	swait.ge [sflag:s23], $0x1880  }
0xe6: {  	s20 =	sld [smem:$0x7DF]  }
0xe7: {  	[sflag:s23] =	ssyncset.done $0x0  }
0xe8: {  	[sflag:s23] =	ssyncadd.s32 $0xFFFFE780  }
0xe9: {  	[spmem:s20] =	stream.linear.scatter [tilespmem:s21], [sflag:$0x2], $0x1880, $0x38;
	[tilespmem:$0x1E480] =	vst v63  }
0xea: {  	_ =	swait.ge [sflag:s23], $0x1880  }
0xeb: {  	s19 =	sld [smem:$0x7E0]  }
0xec: {  	[sflag:s23] =	ssyncset.done $0x0  }
0xed: {  	[sflag:s23] =	ssyncadd.s32 $0xFFFFE780  }
0xee: {  	[spmem:s19] =	stream.linear.scatter [tilespmem:s21], [sflag:$0x2], $0x1880, $0x38;
	[tilespmem:$0x1E480] =	vst v63  }
0xef: {  	_ =	swait.ge [sflag:s23], $0x1880  }
0xf0: {  	s24 =	sld [smem:$0x7E1]  }
0xf1: {  	[sflag:s23] =	ssyncset.done $0x0  }
0xf2: {  	[sflag:s23] =	ssyncadd.s32 $0xFFFFE780  }
0xf3: {  	[spmem:s24] =	stream.linear.scatter [tilespmem:s21], [sflag:$0x2], $0x1880, $0x38;
	[tilespmem:$0x1E480] =	vst v63  }
0xf4: {  	_ =	swait.ge [sflag:s23], $0x1880  }
0xf5: {  	s19 =	sld [smem:$0x7E2]  }
0xf6: {  	[sflag:s23] =	ssyncset.done $0x0  }
0xf7: {  	[sflag:s23] =	ssyncadd.s32 $0xFFFFE780  }
0xf8: {  	[spmem:s19] =	stream.linear.scatter [tilespmem:s21], [sflag:$0x2], $0x1880, $0x38;
	[tilespmem:$0x1E480] =	vst v63  }
0xf9: {  	_ =	swait.ge [sflag:s23], $0x1880  }
0xfa: {  	s24 =	sld [smem:$0x7E3]  }
0xfb: {  	[sflag:s23] =	ssyncset.done $0x0  }
0xfc: {  	[sflag:s23] =	ssyncadd.s32 $0xFFFFE780  }
0xfd: {  	[spmem:s24] =	stream.linear.scatter [tilespmem:s21], [sflag:$0x2], $0x1880, $0x38;
	[tilespmem:$0x1E480] =	vst v63  }
0xfe: {  	_ =	swait.ge [sflag:s23], $0x1880  }
0xff: {  	s19 =	sld [smem:$0x7E4]  }
0x100: {  	[sflag:s23] =	ssyncset.done $0x0  }
0x101: {  	[sflag:s23] =	ssyncadd.s32 $0xFFFFE780  }
0x102: {  	[spmem:s19] =	stream.linear.scatter [tilespmem:s21], [sflag:$0x2], $0x1880, $0x38;
	[tilespmem:$0x1E480] =	vst v63  }
0x103: {  	_ =	swait.ge [sflag:s23], $0x1880  }
0x104: {  	s24 =	sld [smem:$0x7E5]  }
0x105: {  	[sflag:s23] =	ssyncset.done $0x0  }
0x106: {  	[sflag:s23] =	ssyncadd.s32 $0xFFFFE780  }
0x107: {  	[spmem:s24] =	stream.linear.scatter [tilespmem:s21], [sflag:$0x2], $0x1880, $0x38;
	[tilespmem:$0x1E480] =	vst v63  }
0x108: {  	_ =	swait.ge [sflag:s23], $0x1880  }
0x109: {  	s19 =	sld [smem:$0x7E8]  }
0x10a: {  	[sflag:s23] =	ssyncset.done $0x0  }
0x10b: {  	[sflag:s23] =	ssyncadd.s32 $0xFFFFE780  }
0x10c: {  	[spmem:s19] =	stream.linear.scatter [tilespmem:s21], [sflag:$0x2], $0x1880, $0x38;
	[tilespmem:$0x1E480] =	vst v63  }
0x10d: {  	_ =	swait.ge [sflag:s23], $0x1880  }
0x10e: {  	s24 =	sld [smem:$0x7EB]  }
0x10f: {  	[sflag:s23] =	ssyncset.done $0x0  }
0x110: {  	[sflag:s23] =	ssyncadd.s32 $0xFFFFE780  }
0x111: {  	[spmem:s24] =	stream.linear.scatter [tilespmem:s21], [sflag:$0x2], $0x1880, $0x38;
	[tilespmem:$0x1E480] =	vst v63  }
0x112: {  	_ =	swait.ge [sflag:s23], $0x1880  }
0x113: {  	s19 =	sld [smem:$0x7EE]  }
0x114: {  	[sflag:s23] =	ssyncset.done $0x0  }
0x115: {  	[sflag:s23] =	ssyncadd.s32 $0xFFFFE780  }
0x116: {  	[spmem:s19] =	stream.linear.scatter [tilespmem:s21], [sflag:$0x2], $0x1880, $0x38;
	[tilespmem:$0x1E480] =	vst v63  }
0x117: {  	_ =	swait.ge [sflag:s23], $0x1880  }
0x118: {  	s24 =	sld [smem:$0x7F1]  }
0x119: {  	[sflag:s23] =	ssyncset.done $0x0  }
0x11a: {  	[sflag:s23] =	ssyncadd.s32 $0xFFFFE780  }
0x11b: {  	[spmem:s24] =	stream.linear.scatter [tilespmem:s21], [sflag:$0x2], $0x1880, $0x38;
	[tilespmem:$0x1E480] =	vst v63  }
0x11c: {  	_ =	swait.ge [sflag:s23], $0x1880  }
0x11d: {  	s19 =	sld [smem:$0x7F4]  }
0x11e: {  	[sflag:s23] =	ssyncset.done $0x0  }
0x11f: {  	[sflag:s23] =	ssyncadd.s32 $0xFFFFE780  }
0x120: {  	[spmem:s19] =	stream.linear.scatter [tilespmem:s21], [sflag:$0x2], $0x1880, $0x38;
	[tilespmem:$0x1E480] =	vst v63  }
0x121: {  	_ =	swait.ge [sflag:s23], $0x1880  }
0x122: {  	[sflag:s23] =	ssyncset.done $0x0  }
0x123: {  	[sflag:s23] =	ssyncadd.s32 $0xFFFFE780  }
0x124: {  	[spmem:s22] =	stream.linear.scatter [tilespmem:s21], [sflag:$0x2], $0x1880, $0x38;
	[tilespmem:$0x1E480] =	vst v63  }
0x125: {  	_ =	swait.ge [sflag:s23], $0x1880  }
0x126: {  	[sflag:s23] =	ssyncset.done $0x0  }
0x127: {  	[sflag:s23] =	ssyncadd.s32 $0xFFFFE780  }
0x128: {  	[bflag:$0x0] =	sbarrier.arrive $0xFFFF  }
0x129: {  	s21 =	rddreg [dreg:$0xe]  }
0x12a: {  	s20 =	sadd.s32 $0x0, s21  }
0x12b: {  	[tilespmem:s13], [sflag:$0x2] =	stream.linear.gather [hbm4b:s20+s13], $0x400, $0x38;
	[tilespmem:$0x1E480] =	vst v63  }
0x12c: {  	_ =	swait.ge [sflag:s23], $0x400  }
0x12d: {  	s24 =	sld [smem:$0x7FC]  }
0x12e: {  	s19 =	simm.s32 $0x2000;
	[sflag:s23] =	ssyncset.done $0x0  }
0x12f: {  	s21 =	simm.s32 $0x400;
	s22 =	rddreg [dreg:$0xf];
	[sflag:s23] =	ssyncadd.s32 $0xFFFFFC00  }
0x130: {  	[tilespmem:s21], [sflag:$0x2] =	stream.strided.gather [hbm4b:s24+s19], $0x4000, s22, s19, $0x38;
	[tilespmem:$0x1E480] =	vst v63  }
0x131: {  	_ =	swait.ge [sflag:s23], $0x4000  }
0x132: {  	[sflag:s23] =	ssyncset.done $0x0  }
0x133: {  	s22 =	rddreg [dreg:$0x10];
	[sflag:s23] =	ssyncadd.s32 $0xFFFFC000  }
0x134: {  	[spmem:s0] =	stream.indirect.scatter.add.f32 [tilespmem:s21], [sflag:$0x1], $0x1, s13, s26, $0xb8;
	[tilespmem:$0x1E480] =	vst v63  }
0x135: {  	s21 =	rddreg [dreg:$0x11]  }
0x136: {  	[spmem:s1] =	stream.indirect.scatter.add.f32 [tilespmem:s22], [sflag:$0x1], $0x1, s13, s26, $0xb8;
	[tilespmem:$0x1E480] =	vst v63  }
0x137: {  	s22 =	rddreg [dreg:$0x12]  }
0x138: {  	[spmem:s2] =	stream.indirect.scatter.add.f32 [tilespmem:s21], [sflag:$0x1], $0x1, s13, s26, $0xb8;
	[tilespmem:$0x1E480] =	vst v63  }
0x139: {  	s21 =	rddreg [dreg:$0x13]  }
0x13a: {  	[spmem:s3] =	stream.indirect.scatter.add.f32 [tilespmem:s22], [sflag:$0x1], $0x1, s13, s26, $0xb8;
	[tilespmem:$0x1E480] =	vst v63  }
0x13b: {  	s22 =	rddreg [dreg:$0x14]  }
0x13c: {  	[spmem:s4] =	stream.indirect.scatter.add.f32 [tilespmem:s21], [sflag:$0x1], $0x1, s13, s26, $0xb8;
	[tilespmem:$0x1E480] =	vst v63  }
0x13d: {  	s21 =	rddreg [dreg:$0x15]  }
0x13e: {  	[spmem:s5] =	stream.indirect.scatter.add.f32 [tilespmem:s22], [sflag:$0x1], $0x1, s13, s26, $0xb8;
	[tilespmem:$0x1E480] =	vst v63  }
0x13f: {  	s22 =	rddreg [dreg:$0x16]  }
0x140: {  	[spmem:s6] =	stream.indirect.scatter.add.f32 [tilespmem:s21], [sflag:$0x1], $0x1, s13, s26, $0xb8;
	[tilespmem:$0x1E480] =	vst v63  }
0x141: {  	s21 =	rddreg [dreg:$0x17]  }
0x142: {  	[spmem:s7] =	stream.indirect.scatter.add.f32 [tilespmem:s22], [sflag:$0x1], $0x1, s13, s26, $0xb8;
	[tilespmem:$0x1E480] =	vst v63  }
0x143: {  	s22 =	rddreg [dreg:$0x18]  }
0x144: {  	[spmem:s8] =	stream.indirect.scatter.add.f32 [tilespmem:s21], [sflag:$0x1], $0x1, s13, s26, $0xb8;
	[tilespmem:$0x1E480] =	vst v63  }
0x145: {  	s21 =	rddreg [dreg:$0x19]  }
0x146: {  	[spmem:s9] =	stream.indirect.scatter.add.f32 [tilespmem:s22], [sflag:$0x1], $0x1, s13, s26, $0xb8;
	[tilespmem:$0x1E480] =	vst v63  }
0x147: {  	s22 =	rddreg [dreg:$0x1a]  }
0x148: {  	[spmem:s10] =	stream.indirect.scatter.add.f32 [tilespmem:s21], [sflag:$0x1], $0x1, s13, s26, $0xb8;
	[tilespmem:$0x1E480] =	vst v63  }
0x149: {  	s21 =	rddreg [dreg:$0x1b]  }
0x14a: {  	[spmem:s11] =	stream.indirect.scatter.add.f32 [tilespmem:s22], [sflag:$0x1], $0x1, s13, s26, $0xb8;
	[tilespmem:$0x1E480] =	vst v63  }
0x14b: {  	s22 =	rddreg [dreg:$0x1c]  }
0x14c: {  	[spmem:s12] =	stream.indirect.scatter.add.f32 [tilespmem:s21], [sflag:$0x1], $0x1, s13, s26, $0xb8;
	[tilespmem:$0x1E480] =	vst v63  }
0x14d: {  	s21 =	rddreg [dreg:$0x1d]  }
0x14e: {  	[spmem:s15] =	stream.indirect.scatter.add.f32 [tilespmem:s22], [sflag:$0x1], $0x1, s13, s26, $0xb8;
	[tilespmem:$0x1E480] =	vst v63  }
0x14f: {  	s22 =	rddreg [dreg:$0x1e]  }
0x150: {  	[spmem:s17] =	stream.indirect.scatter.add.f32 [tilespmem:s21], [sflag:$0x1], $0x1, s13, s26, $0xb8;
	[tilespmem:$0x1E480] =	vst v63  }
0x151: {  	s21 =	rddreg [dreg:$0x1f]  }
0x152: {  	[spmem:s18] =	stream.indirect.scatter.add.f32 [tilespmem:s22], [sflag:$0x1], $0x1, s13, s26, $0xb8;
	[tilespmem:$0x1E480] =	vst v63  }
0x153: {  	s22 =	sld [smem:$0x76E]  }
0x154: {  	[spmem:s0] =	stream.indirect.scatter.add.f32 [tilespmem:s21], [sflag:$0x1], $0x1, s26, s26, $0xb8;
	[tilespmem:$0x1E480] =	vst v63  }
0x155: {  	s21 =	sld [smem:$0x76F]  }
0x156: {  	[spmem:s1] =	stream.indirect.scatter.add.f32 [tilespmem:s22], [sflag:$0x1], $0x1, s26, s26, $0xb8;
	[tilespmem:$0x1E480] =	vst v63  }
0x157: {  	s22 =	sld [smem:$0x770]  }
0x158: {  	[spmem:s2] =	stream.indirect.scatter.add.f32 [tilespmem:s21], [sflag:$0x1], $0x1, s26, s26, $0xb8;
	[tilespmem:$0x1E480] =	vst v63  }
0x159: {  	s21 =	sld [smem:$0x771]  }
0x15a: {  	[spmem:s3] =	stream.indirect.scatter.add.f32 [tilespmem:s22], [sflag:$0x1], $0x1, s26, s26, $0xb8;
	[tilespmem:$0x1E480] =	vst v63  }
0x15b: {  	s22 =	sld [smem:$0x772]  }
0x15c: {  	[spmem:s4] =	stream.indirect.scatter.add.f32 [tilespmem:s21], [sflag:$0x1], $0x1, s26, s26, $0xb8;
	[tilespmem:$0x1E480] =	vst v63  }
0x15d: {  	s21 =	sld [smem:$0x773]  }
0x15e: {  	[spmem:s5] =	stream.indirect.scatter.add.f32 [tilespmem:s22], [sflag:$0x1], $0x1, s26, s26, $0xb8;
	[tilespmem:$0x1E480] =	vst v63  }
0x15f: {  	s22 =	sld [smem:$0x774]  }
0x160: {  	[spmem:s6] =	stream.indirect.scatter.add.f32 [tilespmem:s21], [sflag:$0x1], $0x1, s26, s26, $0xb8;
	[tilespmem:$0x1E480] =	vst v63  }
0x161: {  	s21 =	sld [smem:$0x775]  }
0x162: {  	[spmem:s7] =	stream.indirect.scatter.add.f32 [tilespmem:s22], [sflag:$0x1], $0x1, s26, s26, $0xb8;
	[tilespmem:$0x1E480] =	vst v63  }
0x163: {  	s22 =	sld [smem:$0x776]  }
0x164: {  	[spmem:s8] =	stream.indirect.scatter.add.f32 [tilespmem:s21], [sflag:$0x1], $0x1, s26, s26, $0xb8;
	[tilespmem:$0x1E480] =	vst v63  }
0x165: {  	s21 =	sld [smem:$0x777]  }
0x166: {  	[spmem:s9] =	stream.indirect.scatter.add.f32 [tilespmem:s22], [sflag:$0x1], $0x1, s26, s26, $0xb8;
	[tilespmem:$0x1E480] =	vst v63  }
0x167: {  	s22 =	sld [smem:$0x778]  }
0x168: {  	[spmem:s10] =	stream.indirect.scatter.add.f32 [tilespmem:s21], [sflag:$0x1], $0x1, s26, s26, $0xb8;
	[tilespmem:$0x1E480] =	vst v63  }
0x169: {  	s21 =	sld [smem:$0x779]  }
0x16a: {  	[spmem:s11] =	stream.indirect.scatter.add.f32 [tilespmem:s22], [sflag:$0x1], $0x1, s26, s26, $0xb8;
	[tilespmem:$0x1E480] =	vst v63  }
0x16b: {  	s22 =	sld [smem:$0x77A]  }
0x16c: {  	[spmem:s12] =	stream.indirect.scatter.add.f32 [tilespmem:s21], [sflag:$0x1], $0x1, s26, s26, $0xb8;
	[tilespmem:$0x1E480] =	vst v63  }
0x16d: {  	s21 =	sld [smem:$0x77B]  }
0x16e: {  	[spmem:s15] =	stream.indirect.scatter.add.f32 [tilespmem:s22], [sflag:$0x1], $0x1, s26, s26, $0xb8;
	[tilespmem:$0x1E480] =	vst v63  }
0x16f: {  	s22 =	sld [smem:$0x77C]  }
0x170: {  	[spmem:s17] =	stream.indirect.scatter.add.f32 [tilespmem:s21], [sflag:$0x1], $0x1, s26, s26, $0xb8;
	[tilespmem:$0x1E480] =	vst v63  }
0x171: {  	s21 =	sld [smem:$0x77D]  }
0x172: {  	[spmem:s18] =	stream.indirect.scatter.add.f32 [tilespmem:s22], [sflag:$0x1], $0x1, s26, s26, $0xb8;
	[tilespmem:$0x1E480] =	vst v63  }
0x173: {  	s22 =	sld [smem:$0x77E]  }
0x174: {  	[spmem:s0] =	stream.indirect.scatter.add.f32 [tilespmem:s21], [sflag:$0x1], $0x1, s28, s26, $0xb8;
	[tilespmem:$0x1E480] =	vst v63  }
0x175: {  	s21 =	sld [smem:$0x77F]  }
0x176: {  	[spmem:s1] =	stream.indirect.scatter.add.f32 [tilespmem:s22], [sflag:$0x1], $0x1, s28, s26, $0xb8;
	[tilespmem:$0x1E480] =	vst v63  }
0x177: {  	s22 =	sld [smem:$0x780]  }
0x178: {  	[spmem:s2] =	stream.indirect.scatter.add.f32 [tilespmem:s21], [sflag:$0x1], $0x1, s28, s26, $0xb8;
	[tilespmem:$0x1E480] =	vst v63  }
0x179: {  	s21 =	sld [smem:$0x781]  }
0x17a: {  	[spmem:s3] =	stream.indirect.scatter.add.f32 [tilespmem:s22], [sflag:$0x1], $0x1, s28, s26, $0xb8;
	[tilespmem:$0x1E480] =	vst v63  }
0x17b: {  	s22 =	sld [smem:$0x782]  }
0x17c: {  	[spmem:s4] =	stream.indirect.scatter.add.f32 [tilespmem:s21], [sflag:$0x1], $0x1, s28, s26, $0xb8;
	[tilespmem:$0x1E480] =	vst v63  }
0x17d: {  	s21 =	sld [smem:$0x783]  }
0x17e: {  	[spmem:s5] =	stream.indirect.scatter.add.f32 [tilespmem:s22], [sflag:$0x1], $0x1, s28, s26, $0xb8;
	[tilespmem:$0x1E480] =	vst v63  }
0x17f: {  	s22 =	sld [smem:$0x784]  }
0x180: {  	[spmem:s6] =	stream.indirect.scatter.add.f32 [tilespmem:s21], [sflag:$0x1], $0x1, s28, s26, $0xb8;
	[tilespmem:$0x1E480] =	vst v63  }
0x181: {  	s21 =	sld [smem:$0x785]  }
0x182: {  	[spmem:s7] =	stream.indirect.scatter.add.f32 [tilespmem:s22], [sflag:$0x1], $0x1, s28, s26, $0xb8;
	[tilespmem:$0x1E480] =	vst v63  }
0x183: {  	s22 =	sld [smem:$0x786]  }
0x184: {  	[spmem:s8] =	stream.indirect.scatter.add.f32 [tilespmem:s21], [sflag:$0x1], $0x1, s28, s26, $0xb8;
	[tilespmem:$0x1E480] =	vst v63  }
0x185: {  	s21 =	sld [smem:$0x787]  }
0x186: {  	[spmem:s9] =	stream.indirect.scatter.add.f32 [tilespmem:s22], [sflag:$0x1], $0x1, s28, s26, $0xb8;
	[tilespmem:$0x1E480] =	vst v63  }
0x187: {  	s22 =	sld [smem:$0x788]  }
0x188: {  	[spmem:s10] =	stream.indirect.scatter.add.f32 [tilespmem:s21], [sflag:$0x1], $0x1, s28, s26, $0xb8;
	[tilespmem:$0x1E480] =	vst v63  }
0x189: {  	s21 =	sld [smem:$0x789]  }
0x18a: {  	[spmem:s11] =	stream.indirect.scatter.add.f32 [tilespmem:s22], [sflag:$0x1], $0x1, s28, s26, $0xb8;
	[tilespmem:$0x1E480] =	vst v63  }
0x18b: {  	s22 =	sld [smem:$0x78A]  }
0x18c: {  	[spmem:s12] =	stream.indirect.scatter.add.f32 [tilespmem:s21], [sflag:$0x1], $0x1, s28, s26, $0xb8;
	[tilespmem:$0x1E480] =	vst v63  }
0x18d: {  	s21 =	sld [smem:$0x78B]  }
0x18e: {  	[spmem:s15] =	stream.indirect.scatter.add.f32 [tilespmem:s22], [sflag:$0x1], $0x1, s28, s26, $0xb8;
	[tilespmem:$0x1E480] =	vst v63  }
0x18f: {  	s22 =	sld [smem:$0x78C]  }
0x190: {  	[spmem:s17] =	stream.indirect.scatter.add.f32 [tilespmem:s21], [sflag:$0x1], $0x1, s28, s26, $0xb8;
	[tilespmem:$0x1E480] =	vst v63  }
0x191: {  	s21 =	sld [smem:$0x78D]  }
0x192: {  	[spmem:s18] =	stream.indirect.scatter.add.f32 [tilespmem:s22], [sflag:$0x1], $0x1, s28, s26, $0xb8;
	[tilespmem:$0x1E480] =	vst v63  }
0x193: {  	s22 =	sld [smem:$0x78E]  }
0x194: {  	[spmem:s0] =	stream.indirect.scatter.add.f32 [tilespmem:s21], [sflag:$0x1], $0x1, s29, s26, $0xb8;
	[tilespmem:$0x1E480] =	vst v63  }
0x195: {  	s21 =	sld [smem:$0x78F]  }
0x196: {  	[spmem:s1] =	stream.indirect.scatter.add.f32 [tilespmem:s22], [sflag:$0x1], $0x1, s29, s26, $0xb8;
	[tilespmem:$0x1E480] =	vst v63  }
0x197: {  	s22 =	sld [smem:$0x790]  }
0x198: {  	[spmem:s2] =	stream.indirect.scatter.add.f32 [tilespmem:s21], [sflag:$0x1], $0x1, s29, s26, $0xb8;
	[tilespmem:$0x1E480] =	vst v63  }
0x199: {  	s21 =	sld [smem:$0x791]  }
0x19a: {  	[spmem:s3] =	stream.indirect.scatter.add.f32 [tilespmem:s22], [sflag:$0x1], $0x1, s29, s26, $0xb8;
	[tilespmem:$0x1E480] =	vst v63  }
0x19b: {  	s22 =	sld [smem:$0x792]  }
0x19c: {  	[spmem:s4] =	stream.indirect.scatter.add.f32 [tilespmem:s21], [sflag:$0x1], $0x1, s29, s26, $0xb8;
	[tilespmem:$0x1E480] =	vst v63  }
0x19d: {  	s21 =	sld [smem:$0x793]  }
0x19e: {  	[spmem:s5] =	stream.indirect.scatter.add.f32 [tilespmem:s22], [sflag:$0x1], $0x1, s29, s26, $0xb8;
	[tilespmem:$0x1E480] =	vst v63  }
0x19f: {  	s22 =	sld [smem:$0x794]  }
0x1a0: {  	[spmem:s6] =	stream.indirect.scatter.add.f32 [tilespmem:s21], [sflag:$0x1], $0x1, s29, s26, $0xb8;
	[tilespmem:$0x1E480] =	vst v63  }
0x1a1: {  	s21 =	sld [smem:$0x795]  }
0x1a2: {  	[spmem:s7] =	stream.indirect.scatter.add.f32 [tilespmem:s22], [sflag:$0x1], $0x1, s29, s26, $0xb8;
	[tilespmem:$0x1E480] =	vst v63  }
0x1a3: {  	s22 =	sld [smem:$0x796]  }
0x1a4: {  	[spmem:s8] =	stream.indirect.scatter.add.f32 [tilespmem:s21], [sflag:$0x1], $0x1, s29, s26, $0xb8;
	[tilespmem:$0x1E480] =	vst v63  }
0x1a5: {  	s21 =	sld [smem:$0x797]  }
0x1a6: {  	[spmem:s9] =	stream.indirect.scatter.add.f32 [tilespmem:s22], [sflag:$0x1], $0x1, s29, s26, $0xb8;
	[tilespmem:$0x1E480] =	vst v63  }
0x1a7: {  	s22 =	sld [smem:$0x798]  }
0x1a8: {  	[spmem:s10] =	stream.indirect.scatter.add.f32 [tilespmem:s21], [sflag:$0x1], $0x1, s29, s26, $0xb8;
	[tilespmem:$0x1E480] =	vst v63  }
0x1a9: {  	s21 =	sld [smem:$0x799]  }
0x1aa: {  	[spmem:s11] =	stream.indirect.scatter.add.f32 [tilespmem:s22], [sflag:$0x1], $0x1, s29, s26, $0xb8;
	[tilespmem:$0x1E480] =	vst v63  }
0x1ab: {  	s22 =	sld [smem:$0x79A]  }
0x1ac: {  	[spmem:s12] =	stream.indirect.scatter.add.f32 [tilespmem:s21], [sflag:$0x1], $0x1, s29, s26, $0xb8;
	[tilespmem:$0x1E480] =	vst v63  }
0x1ad: {  	s21 =	sld [smem:$0x79B]  }
0x1ae: {  	[spmem:s15] =	stream.indirect.scatter.add.f32 [tilespmem:s22], [sflag:$0x1], $0x1, s29, s26, $0xb8;
	[tilespmem:$0x1E480] =	vst v63  }
0x1af: {  	s22 =	sld [smem:$0x79C]  }
0x1b0: {  	[spmem:s17] =	stream.indirect.scatter.add.f32 [tilespmem:s21], [sflag:$0x1], $0x1, s29, s26, $0xb8;
	[tilespmem:$0x1E480] =	vst v63  }
0x1b1: {  	s21 =	sld [smem:$0x79D]  }
0x1b2: {  	[spmem:s18] =	stream.indirect.scatter.add.f32 [tilespmem:s22], [sflag:$0x1], $0x1, s29, s26, $0xb8;
	[tilespmem:$0x1E480] =	vst v63  }
0x1b3: {  	s22 =	sld [smem:$0x79E]  }
0x1b4: {  	[spmem:s0] =	stream.indirect.scatter.add.f32 [tilespmem:s21], [sflag:$0x1], $0x1, s16, s26, $0xb8;
	[tilespmem:$0x1E480] =	vst v63  }
0x1b5: {  	s21 =	sld [smem:$0x79F]  }
0x1b6: {  	[spmem:s1] =	stream.indirect.scatter.add.f32 [tilespmem:s22], [sflag:$0x1], $0x1, s16, s26, $0xb8;
	[tilespmem:$0x1E480] =	vst v63  }
0x1b7: {  	s22 =	sld [smem:$0x7A0]  }
0x1b8: {  	[spmem:s2] =	stream.indirect.scatter.add.f32 [tilespmem:s21], [sflag:$0x1], $0x1, s16, s26, $0xb8;
	[tilespmem:$0x1E480] =	vst v63  }
0x1b9: {  	s21 =	sld [smem:$0x7A1]  }
0x1ba: {  	[spmem:s3] =	stream.indirect.scatter.add.f32 [tilespmem:s22], [sflag:$0x1], $0x1, s16, s26, $0xb8;
	[tilespmem:$0x1E480] =	vst v63  }
0x1bb: {  	s22 =	sld [smem:$0x7A2]  }
0x1bc: {  	[spmem:s4] =	stream.indirect.scatter.add.f32 [tilespmem:s21], [sflag:$0x1], $0x1, s16, s26, $0xb8;
	[tilespmem:$0x1E480] =	vst v63  }
0x1bd: {  	s21 =	sld [smem:$0x7A3]  }
0x1be: {  	[spmem:s5] =	stream.indirect.scatter.add.f32 [tilespmem:s22], [sflag:$0x1], $0x1, s16, s26, $0xb8;
	[tilespmem:$0x1E480] =	vst v63  }
0x1bf: {  	s22 =	sld [smem:$0x7A4]  }
0x1c0: {  	[spmem:s6] =	stream.indirect.scatter.add.f32 [tilespmem:s21], [sflag:$0x1], $0x1, s16, s26, $0xb8;
	[tilespmem:$0x1E480] =	vst v63  }
0x1c1: {  	s21 =	sld [smem:$0x7A5]  }
0x1c2: {  	[spmem:s7] =	stream.indirect.scatter.add.f32 [tilespmem:s22], [sflag:$0x1], $0x1, s16, s26, $0xb8;
	[tilespmem:$0x1E480] =	vst v63  }
0x1c3: {  	s22 =	sld [smem:$0x7A6]  }
0x1c4: {  	[spmem:s8] =	stream.indirect.scatter.add.f32 [tilespmem:s21], [sflag:$0x1], $0x1, s16, s26, $0xb8;
	[tilespmem:$0x1E480] =	vst v63  }
0x1c5: {  	s21 =	sld [smem:$0x7A7]  }
0x1c6: {  	[spmem:s9] =	stream.indirect.scatter.add.f32 [tilespmem:s22], [sflag:$0x1], $0x1, s16, s26, $0xb8;
	[tilespmem:$0x1E480] =	vst v63  }
0x1c7: {  	s22 =	sld [smem:$0x7A8]  }
0x1c8: {  	[spmem:s10] =	stream.indirect.scatter.add.f32 [tilespmem:s21], [sflag:$0x1], $0x1, s16, s26, $0xb8;
	[tilespmem:$0x1E480] =	vst v63  }
0x1c9: {  	s21 =	sld [smem:$0x7A9]  }
0x1ca: {  	[spmem:s11] =	stream.indirect.scatter.add.f32 [tilespmem:s22], [sflag:$0x1], $0x1, s16, s26, $0xb8;
	[tilespmem:$0x1E480] =	vst v63  }
0x1cb: {  	s22 =	sld [smem:$0x7AA]  }
0x1cc: {  	[spmem:s12] =	stream.indirect.scatter.add.f32 [tilespmem:s21], [sflag:$0x1], $0x1, s16, s26, $0xb8;
	[tilespmem:$0x1E480] =	vst v63  }
0x1cd: {  	s21 =	sld [smem:$0x7AB]  }
0x1ce: {  	[spmem:s15] =	stream.indirect.scatter.add.f32 [tilespmem:s22], [sflag:$0x1], $0x1, s16, s26, $0xb8;
	[tilespmem:$0x1E480] =	vst v63  }
0x1cf: {  	s22 =	sld [smem:$0x7AC]  }
0x1d0: {  	[spmem:s17] =	stream.indirect.scatter.add.f32 [tilespmem:s21], [sflag:$0x1], $0x1, s16, s26, $0xb8;
	[tilespmem:$0x1E480] =	vst v63  }
0x1d1: {  	s21 =	sld [smem:$0x7AD]  }
0x1d2: {  	[spmem:s18] =	stream.indirect.scatter.add.f32 [tilespmem:s22], [sflag:$0x1], $0x1, s16, s26, $0xb8;
	[tilespmem:$0x1E480] =	vst v63  }
0x1d3: {  	s22 =	sld [smem:$0x7AE]  }
0x1d4: {  	[spmem:s0] =	stream.indirect.scatter.add.f32 [tilespmem:s21], [sflag:$0x1], $0x1, s31, s26, $0xb8;
	[tilespmem:$0x1E480] =	vst v63  }
0x1d5: {  	s21 =	sld [smem:$0x7AF]  }
0x1d6: {  	[spmem:s1] =	stream.indirect.scatter.add.f32 [tilespmem:s22], [sflag:$0x1], $0x1, s31, s26, $0xb8;
	[tilespmem:$0x1E480] =	vst v63  }
0x1d7: {  	s22 =	sld [smem:$0x7B0]  }
0x1d8: {  	[spmem:s2] =	stream.indirect.scatter.add.f32 [tilespmem:s21], [sflag:$0x1], $0x1, s31, s26, $0xb8;
	[tilespmem:$0x1E480] =	vst v63  }
0x1d9: {  	s21 =	sld [smem:$0x7B1]  }
0x1da: {  	[spmem:s3] =	stream.indirect.scatter.add.f32 [tilespmem:s22], [sflag:$0x1], $0x1, s31, s26, $0xb8;
	[tilespmem:$0x1E480] =	vst v63  }
0x1db: {  	s22 =	sld [smem:$0x7B2]  }
0x1dc: {  	[spmem:s4] =	stream.indirect.scatter.add.f32 [tilespmem:s21], [sflag:$0x1], $0x1, s31, s26, $0xb8;
	[tilespmem:$0x1E480] =	vst v63  }
0x1dd: {  	s21 =	sld [smem:$0x7B3]  }
0x1de: {  	[spmem:s5] =	stream.indirect.scatter.add.f32 [tilespmem:s22], [sflag:$0x1], $0x1, s31, s26, $0xb8;
	[tilespmem:$0x1E480] =	vst v63  }
0x1df: {  	s22 =	sld [smem:$0x7B4]  }
0x1e0: {  	[spmem:s6] =	stream.indirect.scatter.add.f32 [tilespmem:s21], [sflag:$0x1], $0x1, s31, s26, $0xb8;
	[tilespmem:$0x1E480] =	vst v63  }
0x1e1: {  	s21 =	sld [smem:$0x7B5]  }
0x1e2: {  	[spmem:s7] =	stream.indirect.scatter.add.f32 [tilespmem:s22], [sflag:$0x1], $0x1, s31, s26, $0xb8;
	[tilespmem:$0x1E480] =	vst v63  }
0x1e3: {  	s22 =	sld [smem:$0x7B6]  }
0x1e4: {  	[spmem:s8] =	stream.indirect.scatter.add.f32 [tilespmem:s21], [sflag:$0x1], $0x1, s31, s26, $0xb8;
	[tilespmem:$0x1E480] =	vst v63  }
0x1e5: {  	s21 =	sld [smem:$0x7B7]  }
0x1e6: {  	[spmem:s9] =	stream.indirect.scatter.add.f32 [tilespmem:s22], [sflag:$0x1], $0x1, s31, s26, $0xb8;
	[tilespmem:$0x1E480] =	vst v63  }
0x1e7: {  	s22 =	sld [smem:$0x7B8]  }
0x1e8: {  	[spmem:s10] =	stream.indirect.scatter.add.f32 [tilespmem:s21], [sflag:$0x1], $0x1, s31, s26, $0xb8;
	[tilespmem:$0x1E480] =	vst v63  }
0x1e9: {  	s21 =	sld [smem:$0x7B9]  }
0x1ea: {  	[spmem:s11] =	stream.indirect.scatter.add.f32 [tilespmem:s22], [sflag:$0x1], $0x1, s31, s26, $0xb8;
	[tilespmem:$0x1E480] =	vst v63  }
0x1eb: {  	s22 =	sld [smem:$0x7BA]  }
0x1ec: {  	[spmem:s12] =	stream.indirect.scatter.add.f32 [tilespmem:s21], [sflag:$0x1], $0x1, s31, s26, $0xb8;
	[tilespmem:$0x1E480] =	vst v63  }
0x1ed: {  	s21 =	sld [smem:$0x7BB]  }
0x1ee: {  	[spmem:s15] =	stream.indirect.scatter.add.f32 [tilespmem:s22], [sflag:$0x1], $0x1, s31, s26, $0xb8;
	[tilespmem:$0x1E480] =	vst v63  }
0x1ef: {  	s22 =	sld [smem:$0x7BC]  }
0x1f0: {  	[spmem:s17] =	stream.indirect.scatter.add.f32 [tilespmem:s21], [sflag:$0x1], $0x1, s31, s26, $0xb8;
	[tilespmem:$0x1E480] =	vst v63  }
0x1f1: {  	s21 =	sld [smem:$0x7BD]  }
0x1f2: {  	[spmem:s18] =	stream.indirect.scatter.add.f32 [tilespmem:s22], [sflag:$0x1], $0x1, s31, s26, $0xb8;
	[tilespmem:$0x1E480] =	vst v63  }
0x1f3: {  	s22 =	sld [smem:$0x7BE]  }
0x1f4: {  	[spmem:s0] =	stream.indirect.scatter.add.f32 [tilespmem:s21], [sflag:$0x1], $0x1, s14, s26, $0xb8;
	[tilespmem:$0x1E480] =	vst v63  }
0x1f5: {  	s21 =	sld [smem:$0x7BF]  }
0x1f6: {  	[spmem:s1] =	stream.indirect.scatter.add.f32 [tilespmem:s22], [sflag:$0x1], $0x1, s14, s26, $0xb8;
	[tilespmem:$0x1E480] =	vst v63  }
0x1f7: {  	s22 =	sld [smem:$0x7C0]  }
0x1f8: {  	[spmem:s2] =	stream.indirect.scatter.add.f32 [tilespmem:s21], [sflag:$0x1], $0x1, s14, s26, $0xb8;
	[tilespmem:$0x1E480] =	vst v63  }
0x1f9: {  	s21 =	sld [smem:$0x7C1]  }
0x1fa: {  	[spmem:s3] =	stream.indirect.scatter.add.f32 [tilespmem:s22], [sflag:$0x1], $0x1, s14, s26, $0xb8;
	[tilespmem:$0x1E480] =	vst v63  }
0x1fb: {  	s22 =	sld [smem:$0x7C2]  }
0x1fc: {  	[spmem:s4] =	stream.indirect.scatter.add.f32 [tilespmem:s21], [sflag:$0x1], $0x1, s14, s26, $0xb8;
	[tilespmem:$0x1E480] =	vst v63  }
0x1fd: {  	s21 =	sld [smem:$0x7C3]  }
0x1fe: {  	[spmem:s5] =	stream.indirect.scatter.add.f32 [tilespmem:s22], [sflag:$0x1], $0x1, s14, s26, $0xb8;
	[tilespmem:$0x1E480] =	vst v63  }
0x1ff: {  	s22 =	sld [smem:$0x7C4]  }
0x200: {  	[spmem:s6] =	stream.indirect.scatter.add.f32 [tilespmem:s21], [sflag:$0x1], $0x1, s14, s26, $0xb8;
	[tilespmem:$0x1E480] =	vst v63  }
0x201: {  	s21 =	sld [smem:$0x7C5]  }
0x202: {  	[spmem:s7] =	stream.indirect.scatter.add.f32 [tilespmem:s22], [sflag:$0x1], $0x1, s14, s26, $0xb8;
	[tilespmem:$0x1E480] =	vst v63  }
0x203: {  	s22 =	sld [smem:$0x7C6]  }
0x204: {  	[spmem:s8] =	stream.indirect.scatter.add.f32 [tilespmem:s21], [sflag:$0x1], $0x1, s14, s26, $0xb8;
	[tilespmem:$0x1E480] =	vst v63  }
0x205: {  	s21 =	sld [smem:$0x7C7]  }
0x206: {  	[spmem:s9] =	stream.indirect.scatter.add.f32 [tilespmem:s22], [sflag:$0x1], $0x1, s14, s26, $0xb8;
	[tilespmem:$0x1E480] =	vst v63  }
0x207: {  	s22 =	sld [smem:$0x7C8]  }
0x208: {  	[spmem:s10] =	stream.indirect.scatter.add.f32 [tilespmem:s21], [sflag:$0x1], $0x1, s14, s26, $0xb8;
	[tilespmem:$0x1E480] =	vst v63  }
0x209: {  	s21 =	sld [smem:$0x7C9]  }
0x20a: {  	[spmem:s11] =	stream.indirect.scatter.add.f32 [tilespmem:s22], [sflag:$0x1], $0x1, s14, s26, $0xb8;
	[tilespmem:$0x1E480] =	vst v63  }
0x20b: {  	s22 =	sld [smem:$0x7CA]  }
0x20c: {  	[spmem:s12] =	stream.indirect.scatter.add.f32 [tilespmem:s21], [sflag:$0x1], $0x1, s14, s26, $0xb8;
	[tilespmem:$0x1E480] =	vst v63  }
0x20d: {  	s21 =	sld [smem:$0x7CB]  }
0x20e: {  	[spmem:s15] =	stream.indirect.scatter.add.f32 [tilespmem:s22], [sflag:$0x1], $0x1, s14, s26, $0xb8;
	[tilespmem:$0x1E480] =	vst v63  }
0x20f: {  	s22 =	sld [smem:$0x7CC]  }
0x210: {  	[spmem:s17] =	stream.indirect.scatter.add.f32 [tilespmem:s21], [sflag:$0x1], $0x1, s14, s26, $0xb8;
	[tilespmem:$0x1E480] =	vst v63  }
0x211: {  	_ = 	snop  }
0x212: {  	[spmem:s18] =	stream.indirect.scatter.add.f32 [tilespmem:s22], [sflag:$0x1], $0x1, s14, s26, $0xb8;
	[tilespmem:$0x1E480] =	vst v63  }
0x213: {  	s22 =	sld [smem:$0x7CD]  }
0x214: {  	[spmem:s0] =	stream.indirect.scatter.add.f32 [tilespmem:s19], [sflag:$0x1], $0x1, s30, s26, $0xb8;
	[tilespmem:$0x1E480] =	vst v63  }
0x215: {  	s19 =	sld [smem:$0x7CE]  }
0x216: {  	[spmem:s1] =	stream.indirect.scatter.add.f32 [tilespmem:s22], [sflag:$0x1], $0x1, s30, s26, $0xb8;
	[tilespmem:$0x1E480] =	vst v63  }
0x217: {  	s22 =	sld [smem:$0x7CF]  }
0x218: {  	[spmem:s2] =	stream.indirect.scatter.add.f32 [tilespmem:s19], [sflag:$0x1], $0x1, s30, s26, $0xb8;
	[tilespmem:$0x1E480] =	vst v63  }
0x219: {  	s19 =	sld [smem:$0x7D0]  }
0x21a: {  	[spmem:s3] =	stream.indirect.scatter.add.f32 [tilespmem:s22], [sflag:$0x1], $0x1, s30, s26, $0xb8;
	[tilespmem:$0x1E480] =	vst v63  }
0x21b: {  	s22 =	sld [smem:$0x7D1]  }
0x21c: {  	[spmem:s4] =	stream.indirect.scatter.add.f32 [tilespmem:s19], [sflag:$0x1], $0x1, s30, s26, $0xb8;
	[tilespmem:$0x1E480] =	vst v63  }
0x21d: {  	s19 =	sld [smem:$0x7D2]  }
0x21e: {  	[spmem:s5] =	stream.indirect.scatter.add.f32 [tilespmem:s22], [sflag:$0x1], $0x1, s30, s26, $0xb8;
	[tilespmem:$0x1E480] =	vst v63  }
0x21f: {  	s22 =	sld [smem:$0x7D3]  }
0x220: {  	[spmem:s6] =	stream.indirect.scatter.add.f32 [tilespmem:s19], [sflag:$0x1], $0x1, s30, s26, $0xb8;
	[tilespmem:$0x1E480] =	vst v63  }
0x221: {  	s19 =	sld [smem:$0x7D4]  }
0x222: {  	[spmem:s7] =	stream.indirect.scatter.add.f32 [tilespmem:s22], [sflag:$0x1], $0x1, s30, s26, $0xb8;
	[tilespmem:$0x1E480] =	vst v63  }
0x223: {  	s22 =	sld [smem:$0x7D5]  }
0x224: {  	[spmem:s8] =	stream.indirect.scatter.add.f32 [tilespmem:s19], [sflag:$0x1], $0x1, s30, s26, $0xb8;
	[tilespmem:$0x1E480] =	vst v63  }
0x225: {  	s19 =	sld [smem:$0x7D6]  }
0x226: {  	[spmem:s9] =	stream.indirect.scatter.add.f32 [tilespmem:s22], [sflag:$0x1], $0x1, s30, s26, $0xb8;
	[tilespmem:$0x1E480] =	vst v63  }
0x227: {  	s22 =	sld [smem:$0x7D7]  }
0x228: {  	[spmem:s10] =	stream.indirect.scatter.add.f32 [tilespmem:s19], [sflag:$0x1], $0x1, s30, s26, $0xb8;
	[tilespmem:$0x1E480] =	vst v63  }
0x229: {  	s19 =	sld [smem:$0x7D8]  }
0x22a: {  	[spmem:s11] =	stream.indirect.scatter.add.f32 [tilespmem:s22], [sflag:$0x1], $0x1, s30, s26, $0xb8;
	[tilespmem:$0x1E480] =	vst v63  }
0x22b: {  	s22 =	sld [smem:$0x7DA]  }
0x22c: {  	[spmem:s12] =	stream.indirect.scatter.add.f32 [tilespmem:s19], [sflag:$0x1], $0x1, s30, s26, $0xb8;
	[tilespmem:$0x1E480] =	vst v63  }
0x22d: {  	s19 =	sld [smem:$0x7DB]  }
0x22e: {  	[spmem:s15] =	stream.indirect.scatter.add.f32 [tilespmem:s22], [sflag:$0x1], $0x1, s30, s26, $0xb8;
	[tilespmem:$0x1E480] =	vst v63  }
0x22f: {  	s22 =	sld [smem:$0x7DD]  }
0x230: {  	[spmem:s17] =	stream.indirect.scatter.add.f32 [tilespmem:s19], [sflag:$0x1], $0x1, s30, s26, $0xb8;
	[tilespmem:$0x1E480] =	vst v63  }
0x231: {  	_ = 	snop  }
0x232: {  	[spmem:s18] =	stream.indirect.scatter.add.f32 [tilespmem:s22], [sflag:$0x1], $0x1, s30, s26, $0xb8;
	[tilespmem:$0x1E480] =	vst v63  }
0x233: {  	s20 =	simm.s32 $0x100;
	_ =	swait.ge [sflag:s25], $0x4000  }
0x234: {  	s21 =	smov.u32 s24;
	s22 =	simm.s32 $0x80;
	[sflag:s25] =	ssyncset.done $0x0  }
.LBB3_4:
0x235: {  	s24 =	rddreg [dreg:$0xe]  }
0x236: {  	[sflag:s25] =	ssyncadd.s32 $0xFFFFC000;
	s24 =	sadd.s32 s22, s24  }
0x237: {  	[tilespmem:s13], [sflag:$0x2] =	stream.linear.gather [hbm4b:s24+s13], $0x400, $0x38;
	[tilespmem:$0x1E480] =	vst v63  }
0x238: {  	s21 =	sadd.s32 $0x400, s21;
	s19 =	smov.u32 s20;
	_ =	swait.ge [sflag:s23], $0x400  }
0x239: {  	s25 =	simm.s32 $0x400;
	s22 =	smov.u32 s19;
	[sflag:s23] =	ssyncset.done $0x0  }
0x23a: {  	s19 =	simm.s32 $0x2000;
	s24 =	rddreg [dreg:$0xf];
	[sflag:s23] =	ssyncadd.s32 $0xFFFFFC00  }
0x23b: {  	[tilespmem:s25], [sflag:$0x2] =	stream.strided.gather [hbm4b:s21+s19], $0x4000, s24, s19, $0x38;
	[tilespmem:$0x1E480] =	vst v63  }
0x23c: {  	_ =	swait.ge [sflag:s23], $0x4000  }
0x23d: {  	[sflag:s23] =	ssyncset.done $0x0  }
0x23e: {  	s24 =	rddreg [dreg:$0x10];
	[sflag:s23] =	ssyncadd.s32 $0xFFFFC000  }
0x23f: {  	[spmem:s0] =	stream.indirect.scatter.add.f32 [tilespmem:s25], [sflag:$0x1], $0x1, s13, s26, $0xb8;
	[tilespmem:$0x1E480] =	vst v63  }
0x240: {  	s25 =	rddreg [dreg:$0x11]  }
0x241: {  	[spmem:s1] =	stream.indirect.scatter.add.f32 [tilespmem:s24], [sflag:$0x1], $0x1, s13, s26, $0xb8;
	[tilespmem:$0x1E480] =	vst v63  }
0x242: {  	s24 =	rddreg [dreg:$0x12]  }
0x243: {  	[spmem:s2] =	stream.indirect.scatter.add.f32 [tilespmem:s25], [sflag:$0x1], $0x1, s13, s26, $0xb8;
	[tilespmem:$0x1E480] =	vst v63  }
0x244: {  	s25 =	rddreg [dreg:$0x13]  }
0x245: {  	[spmem:s3] =	stream.indirect.scatter.add.f32 [tilespmem:s24], [sflag:$0x1], $0x1, s13, s26, $0xb8;
	[tilespmem:$0x1E480] =	vst v63  }
0x246: {  	s24 =	rddreg [dreg:$0x14]  }
0x247: {  	[spmem:s4] =	stream.indirect.scatter.add.f32 [tilespmem:s25], [sflag:$0x1], $0x1, s13, s26, $0xb8;
	[tilespmem:$0x1E480] =	vst v63  }
0x248: {  	s25 =	rddreg [dreg:$0x15]  }
0x249: {  	[spmem:s5] =	stream.indirect.scatter.add.f32 [tilespmem:s24], [sflag:$0x1], $0x1, s13, s26, $0xb8;
	[tilespmem:$0x1E480] =	vst v63  }
0x24a: {  	s24 =	rddreg [dreg:$0x16]  }
0x24b: {  	[spmem:s6] =	stream.indirect.scatter.add.f32 [tilespmem:s25], [sflag:$0x1], $0x1, s13, s26, $0xb8;
	[tilespmem:$0x1E480] =	vst v63  }
0x24c: {  	s25 =	rddreg [dreg:$0x17]  }
0x24d: {  	[spmem:s7] =	stream.indirect.scatter.add.f32 [tilespmem:s24], [sflag:$0x1], $0x1, s13, s26, $0xb8;
	[tilespmem:$0x1E480] =	vst v63  }
0x24e: {  	s24 =	rddreg [dreg:$0x18]  }
0x24f: {  	[spmem:s8] =	stream.indirect.scatter.add.f32 [tilespmem:s25], [sflag:$0x1], $0x1, s13, s26, $0xb8;
	[tilespmem:$0x1E480] =	vst v63  }
0x250: {  	s25 =	rddreg [dreg:$0x19]  }
0x251: {  	[spmem:s9] =	stream.indirect.scatter.add.f32 [tilespmem:s24], [sflag:$0x1], $0x1, s13, s26, $0xb8;
	[tilespmem:$0x1E480] =	vst v63  }
0x252: {  	s24 =	rddreg [dreg:$0x1a]  }
0x253: {  	[spmem:s10] =	stream.indirect.scatter.add.f32 [tilespmem:s25], [sflag:$0x1], $0x1, s13, s26, $0xb8;
	[tilespmem:$0x1E480] =	vst v63  }
0x254: {  	s25 =	rddreg [dreg:$0x1b]  }
0x255: {  	[spmem:s11] =	stream.indirect.scatter.add.f32 [tilespmem:s24], [sflag:$0x1], $0x1, s13, s26, $0xb8;
	[tilespmem:$0x1E480] =	vst v63  }
0x256: {  	s24 =	rddreg [dreg:$0x1c]  }
0x257: {  	[spmem:s12] =	stream.indirect.scatter.add.f32 [tilespmem:s25], [sflag:$0x1], $0x1, s13, s26, $0xb8;
	[tilespmem:$0x1E480] =	vst v63  }
0x258: {  	s25 =	rddreg [dreg:$0x1d]  }
0x259: {  	[spmem:s15] =	stream.indirect.scatter.add.f32 [tilespmem:s24], [sflag:$0x1], $0x1, s13, s26, $0xb8;
	[tilespmem:$0x1E480] =	vst v63  }
0x25a: {  	s24 =	rddreg [dreg:$0x1e]  }
0x25b: {  	[spmem:s17] =	stream.indirect.scatter.add.f32 [tilespmem:s25], [sflag:$0x1], $0x1, s13, s26, $0xb8;
	[tilespmem:$0x1E480] =	vst v63  }
0x25c: {  	s25 =	rddreg [dreg:$0x1f]  }
0x25d: {  	[spmem:s18] =	stream.indirect.scatter.add.f32 [tilespmem:s24], [sflag:$0x1], $0x1, s13, s26, $0xb8;
	[tilespmem:$0x1E480] =	vst v63  }
0x25e: {  	s24 =	sld [smem:$0x76E]  }
0x25f: {  	[spmem:s0] =	stream.indirect.scatter.add.f32 [tilespmem:s25], [sflag:$0x1], $0x1, s26, s26, $0xb8;
	[tilespmem:$0x1E480] =	vst v63  }
0x260: {  	s25 =	sld [smem:$0x76F]  }
0x261: {  	[spmem:s1] =	stream.indirect.scatter.add.f32 [tilespmem:s24], [sflag:$0x1], $0x1, s26, s26, $0xb8;
	[tilespmem:$0x1E480] =	vst v63  }
0x262: {  	s24 =	sld [smem:$0x770]  }
0x263: {  	[spmem:s2] =	stream.indirect.scatter.add.f32 [tilespmem:s25], [sflag:$0x1], $0x1, s26, s26, $0xb8;
	[tilespmem:$0x1E480] =	vst v63  }
0x264: {  	s25 =	sld [smem:$0x771]  }
0x265: {  	[spmem:s3] =	stream.indirect.scatter.add.f32 [tilespmem:s24], [sflag:$0x1], $0x1, s26, s26, $0xb8;
	[tilespmem:$0x1E480] =	vst v63  }
0x266: {  	s24 =	sld [smem:$0x772]  }
0x267: {  	[spmem:s4] =	stream.indirect.scatter.add.f32 [tilespmem:s25], [sflag:$0x1], $0x1, s26, s26, $0xb8;
	[tilespmem:$0x1E480] =	vst v63  }
0x268: {  	s25 =	sld [smem:$0x773]  }
0x269: {  	[spmem:s5] =	stream.indirect.scatter.add.f32 [tilespmem:s24], [sflag:$0x1], $0x1, s26, s26, $0xb8;
	[tilespmem:$0x1E480] =	vst v63  }
0x26a: {  	s24 =	sld [smem:$0x774]  }
0x26b: {  	[spmem:s6] =	stream.indirect.scatter.add.f32 [tilespmem:s25], [sflag:$0x1], $0x1, s26, s26, $0xb8;
	[tilespmem:$0x1E480] =	vst v63  }
0x26c: {  	s25 =	sld [smem:$0x775]  }
0x26d: {  	[spmem:s7] =	stream.indirect.scatter.add.f32 [tilespmem:s24], [sflag:$0x1], $0x1, s26, s26, $0xb8;
	[tilespmem:$0x1E480] =	vst v63  }
0x26e: {  	s24 =	sld [smem:$0x776]  }
0x26f: {  	[spmem:s8] =	stream.indirect.scatter.add.f32 [tilespmem:s25], [sflag:$0x1], $0x1, s26, s26, $0xb8;
	[tilespmem:$0x1E480] =	vst v63  }
0x270: {  	s25 =	sld [smem:$0x777]  }
0x271: {  	[spmem:s9] =	stream.indirect.scatter.add.f32 [tilespmem:s24], [sflag:$0x1], $0x1, s26, s26, $0xb8;
	[tilespmem:$0x1E480] =	vst v63  }
0x272: {  	s24 =	sld [smem:$0x778]  }
0x273: {  	[spmem:s10] =	stream.indirect.scatter.add.f32 [tilespmem:s25], [sflag:$0x1], $0x1, s26, s26, $0xb8;
	[tilespmem:$0x1E480] =	vst v63  }
0x274: {  	s25 =	sld [smem:$0x779]  }
0x275: {  	[spmem:s11] =	stream.indirect.scatter.add.f32 [tilespmem:s24], [sflag:$0x1], $0x1, s26, s26, $0xb8;
	[tilespmem:$0x1E480] =	vst v63  }
0x276: {  	s24 =	sld [smem:$0x77A]  }
0x277: {  	[spmem:s12] =	stream.indirect.scatter.add.f32 [tilespmem:s25], [sflag:$0x1], $0x1, s26, s26, $0xb8;
	[tilespmem:$0x1E480] =	vst v63  }
0x278: {  	s25 =	sld [smem:$0x77B]  }
0x279: {  	[spmem:s15] =	stream.indirect.scatter.add.f32 [tilespmem:s24], [sflag:$0x1], $0x1, s26, s26, $0xb8;
	[tilespmem:$0x1E480] =	vst v63  }
0x27a: {  	s24 =	sld [smem:$0x77C]  }
0x27b: {  	[spmem:s17] =	stream.indirect.scatter.add.f32 [tilespmem:s25], [sflag:$0x1], $0x1, s26, s26, $0xb8;
	[tilespmem:$0x1E480] =	vst v63  }
0x27c: {  	s25 =	sld [smem:$0x77D]  }
0x27d: {  	[spmem:s18] =	stream.indirect.scatter.add.f32 [tilespmem:s24], [sflag:$0x1], $0x1, s26, s26, $0xb8;
	[tilespmem:$0x1E480] =	vst v63  }
0x27e: {  	s24 =	sld [smem:$0x77E]  }
0x27f: {  	[spmem:s0] =	stream.indirect.scatter.add.f32 [tilespmem:s25], [sflag:$0x1], $0x1, s28, s26, $0xb8;
	[tilespmem:$0x1E480] =	vst v63  }
0x280: {  	s25 =	sld [smem:$0x77F]  }
0x281: {  	[spmem:s1] =	stream.indirect.scatter.add.f32 [tilespmem:s24], [sflag:$0x1], $0x1, s28, s26, $0xb8;
	[tilespmem:$0x1E480] =	vst v63  }
0x282: {  	s24 =	sld [smem:$0x780]  }
0x283: {  	[spmem:s2] =	stream.indirect.scatter.add.f32 [tilespmem:s25], [sflag:$0x1], $0x1, s28, s26, $0xb8;
	[tilespmem:$0x1E480] =	vst v63  }
0x284: {  	s25 =	sld [smem:$0x781]  }
0x285: {  	[spmem:s3] =	stream.indirect.scatter.add.f32 [tilespmem:s24], [sflag:$0x1], $0x1, s28, s26, $0xb8;
	[tilespmem:$0x1E480] =	vst v63  }
0x286: {  	s24 =	sld [smem:$0x782]  }
0x287: {  	[spmem:s4] =	stream.indirect.scatter.add.f32 [tilespmem:s25], [sflag:$0x1], $0x1, s28, s26, $0xb8;
	[tilespmem:$0x1E480] =	vst v63  }
0x288: {  	s25 =	sld [smem:$0x783]  }
0x289: {  	[spmem:s5] =	stream.indirect.scatter.add.f32 [tilespmem:s24], [sflag:$0x1], $0x1, s28, s26, $0xb8;
	[tilespmem:$0x1E480] =	vst v63  }
0x28a: {  	s24 =	sld [smem:$0x784]  }
0x28b: {  	[spmem:s6] =	stream.indirect.scatter.add.f32 [tilespmem:s25], [sflag:$0x1], $0x1, s28, s26, $0xb8;
	[tilespmem:$0x1E480] =	vst v63  }
0x28c: {  	s25 =	sld [smem:$0x785]  }
0x28d: {  	[spmem:s7] =	stream.indirect.scatter.add.f32 [tilespmem:s24], [sflag:$0x1], $0x1, s28, s26, $0xb8;
	[tilespmem:$0x1E480] =	vst v63  }
0x28e: {  	s24 =	sld [smem:$0x786]  }
0x28f: {  	[spmem:s8] =	stream.indirect.scatter.add.f32 [tilespmem:s25], [sflag:$0x1], $0x1, s28, s26, $0xb8;
	[tilespmem:$0x1E480] =	vst v63  }
0x290: {  	s25 =	sld [smem:$0x787]  }
0x291: {  	[spmem:s9] =	stream.indirect.scatter.add.f32 [tilespmem:s24], [sflag:$0x1], $0x1, s28, s26, $0xb8;
	[tilespmem:$0x1E480] =	vst v63  }
0x292: {  	s24 =	sld [smem:$0x788]  }
0x293: {  	[spmem:s10] =	stream.indirect.scatter.add.f32 [tilespmem:s25], [sflag:$0x1], $0x1, s28, s26, $0xb8;
	[tilespmem:$0x1E480] =	vst v63  }
0x294: {  	s25 =	sld [smem:$0x789]  }
0x295: {  	[spmem:s11] =	stream.indirect.scatter.add.f32 [tilespmem:s24], [sflag:$0x1], $0x1, s28, s26, $0xb8;
	[tilespmem:$0x1E480] =	vst v63  }
0x296: {  	s24 =	sld [smem:$0x78A]  }
0x297: {  	[spmem:s12] =	stream.indirect.scatter.add.f32 [tilespmem:s25], [sflag:$0x1], $0x1, s28, s26, $0xb8;
	[tilespmem:$0x1E480] =	vst v63  }
0x298: {  	s25 =	sld [smem:$0x78B]  }
0x299: {  	[spmem:s15] =	stream.indirect.scatter.add.f32 [tilespmem:s24], [sflag:$0x1], $0x1, s28, s26, $0xb8;
	[tilespmem:$0x1E480] =	vst v63  }
0x29a: {  	s24 =	sld [smem:$0x78C]  }
0x29b: {  	[spmem:s17] =	stream.indirect.scatter.add.f32 [tilespmem:s25], [sflag:$0x1], $0x1, s28, s26, $0xb8;
	[tilespmem:$0x1E480] =	vst v63  }
0x29c: {  	s25 =	sld [smem:$0x78D]  }
0x29d: {  	[spmem:s18] =	stream.indirect.scatter.add.f32 [tilespmem:s24], [sflag:$0x1], $0x1, s28, s26, $0xb8;
	[tilespmem:$0x1E480] =	vst v63  }
0x29e: {  	s24 =	sld [smem:$0x78E]  }
0x29f: {  	[spmem:s0] =	stream.indirect.scatter.add.f32 [tilespmem:s25], [sflag:$0x1], $0x1, s29, s26, $0xb8;
	[tilespmem:$0x1E480] =	vst v63  }
0x2a0: {  	s25 =	sld [smem:$0x78F]  }
0x2a1: {  	[spmem:s1] =	stream.indirect.scatter.add.f32 [tilespmem:s24], [sflag:$0x1], $0x1, s29, s26, $0xb8;
	[tilespmem:$0x1E480] =	vst v63  }
0x2a2: {  	s24 =	sld [smem:$0x790]  }
0x2a3: {  	[spmem:s2] =	stream.indirect.scatter.add.f32 [tilespmem:s25], [sflag:$0x1], $0x1, s29, s26, $0xb8;
	[tilespmem:$0x1E480] =	vst v63  }
0x2a4: {  	s25 =	sld [smem:$0x791]  }
0x2a5: {  	[spmem:s3] =	stream.indirect.scatter.add.f32 [tilespmem:s24], [sflag:$0x1], $0x1, s29, s26, $0xb8;
	[tilespmem:$0x1E480] =	vst v63  }
0x2a6: {  	s24 =	sld [smem:$0x792]  }
0x2a7: {  	[spmem:s4] =	stream.indirect.scatter.add.f32 [tilespmem:s25], [sflag:$0x1], $0x1, s29, s26, $0xb8;
	[tilespmem:$0x1E480] =	vst v63  }
0x2a8: {  	s25 =	sld [smem:$0x793]  }
0x2a9: {  	[spmem:s5] =	stream.indirect.scatter.add.f32 [tilespmem:s24], [sflag:$0x1], $0x1, s29, s26, $0xb8;
	[tilespmem:$0x1E480] =	vst v63  }
0x2aa: {  	s24 =	sld [smem:$0x794]  }
0x2ab: {  	[spmem:s6] =	stream.indirect.scatter.add.f32 [tilespmem:s25], [sflag:$0x1], $0x1, s29, s26, $0xb8;
	[tilespmem:$0x1E480] =	vst v63  }
0x2ac: {  	s25 =	sld [smem:$0x795]  }
0x2ad: {  	[spmem:s7] =	stream.indirect.scatter.add.f32 [tilespmem:s24], [sflag:$0x1], $0x1, s29, s26, $0xb8;
	[tilespmem:$0x1E480] =	vst v63  }
0x2ae: {  	s24 =	sld [smem:$0x796]  }
0x2af: {  	[spmem:s8] =	stream.indirect.scatter.add.f32 [tilespmem:s25], [sflag:$0x1], $0x1, s29, s26, $0xb8;
	[tilespmem:$0x1E480] =	vst v63  }
0x2b0: {  	s25 =	sld [smem:$0x797]  }
0x2b1: {  	[spmem:s9] =	stream.indirect.scatter.add.f32 [tilespmem:s24], [sflag:$0x1], $0x1, s29, s26, $0xb8;
	[tilespmem:$0x1E480] =	vst v63  }
0x2b2: {  	s24 =	sld [smem:$0x798]  }
0x2b3: {  	[spmem:s10] =	stream.indirect.scatter.add.f32 [tilespmem:s25], [sflag:$0x1], $0x1, s29, s26, $0xb8;
	[tilespmem:$0x1E480] =	vst v63  }
0x2b4: {  	s25 =	sld [smem:$0x799]  }
0x2b5: {  	[spmem:s11] =	stream.indirect.scatter.add.f32 [tilespmem:s24], [sflag:$0x1], $0x1, s29, s26, $0xb8;
	[tilespmem:$0x1E480] =	vst v63  }
0x2b6: {  	s24 =	sld [smem:$0x79A]  }
0x2b7: {  	[spmem:s12] =	stream.indirect.scatter.add.f32 [tilespmem:s25], [sflag:$0x1], $0x1, s29, s26, $0xb8;
	[tilespmem:$0x1E480] =	vst v63  }
0x2b8: {  	s25 =	sld [smem:$0x79B]  }
0x2b9: {  	[spmem:s15] =	stream.indirect.scatter.add.f32 [tilespmem:s24], [sflag:$0x1], $0x1, s29, s26, $0xb8;
	[tilespmem:$0x1E480] =	vst v63  }
0x2ba: {  	s24 =	sld [smem:$0x79C]  }
0x2bb: {  	[spmem:s17] =	stream.indirect.scatter.add.f32 [tilespmem:s25], [sflag:$0x1], $0x1, s29, s26, $0xb8;
	[tilespmem:$0x1E480] =	vst v63  }
0x2bc: {  	s25 =	sld [smem:$0x79D]  }
0x2bd: {  	[spmem:s18] =	stream.indirect.scatter.add.f32 [tilespmem:s24], [sflag:$0x1], $0x1, s29, s26, $0xb8;
	[tilespmem:$0x1E480] =	vst v63  }
0x2be: {  	s24 =	sld [smem:$0x79E]  }
0x2bf: {  	[spmem:s0] =	stream.indirect.scatter.add.f32 [tilespmem:s25], [sflag:$0x1], $0x1, s16, s26, $0xb8;
	[tilespmem:$0x1E480] =	vst v63  }
0x2c0: {  	s25 =	sld [smem:$0x79F]  }
0x2c1: {  	[spmem:s1] =	stream.indirect.scatter.add.f32 [tilespmem:s24], [sflag:$0x1], $0x1, s16, s26, $0xb8;
	[tilespmem:$0x1E480] =	vst v63  }
0x2c2: {  	s24 =	sld [smem:$0x7A0]  }
0x2c3: {  	[spmem:s2] =	stream.indirect.scatter.add.f32 [tilespmem:s25], [sflag:$0x1], $0x1, s16, s26, $0xb8;
	[tilespmem:$0x1E480] =	vst v63  }
0x2c4: {  	s25 =	sld [smem:$0x7A1]  }
0x2c5: {  	[spmem:s3] =	stream.indirect.scatter.add.f32 [tilespmem:s24], [sflag:$0x1], $0x1, s16, s26, $0xb8;
	[tilespmem:$0x1E480] =	vst v63  }
0x2c6: {  	s24 =	sld [smem:$0x7A2]  }
0x2c7: {  	[spmem:s4] =	stream.indirect.scatter.add.f32 [tilespmem:s25], [sflag:$0x1], $0x1, s16, s26, $0xb8;
	[tilespmem:$0x1E480] =	vst v63  }
0x2c8: {  	s25 =	sld [smem:$0x7A3]  }
0x2c9: {  	[spmem:s5] =	stream.indirect.scatter.add.f32 [tilespmem:s24], [sflag:$0x1], $0x1, s16, s26, $0xb8;
	[tilespmem:$0x1E480] =	vst v63  }
0x2ca: {  	s24 =	sld [smem:$0x7A4]  }
0x2cb: {  	[spmem:s6] =	stream.indirect.scatter.add.f32 [tilespmem:s25], [sflag:$0x1], $0x1, s16, s26, $0xb8;
	[tilespmem:$0x1E480] =	vst v63  }
0x2cc: {  	s25 =	sld [smem:$0x7A5]  }
0x2cd: {  	[spmem:s7] =	stream.indirect.scatter.add.f32 [tilespmem:s24], [sflag:$0x1], $0x1, s16, s26, $0xb8;
	[tilespmem:$0x1E480] =	vst v63  }
0x2ce: {  	s24 =	sld [smem:$0x7A6]  }
0x2cf: {  	[spmem:s8] =	stream.indirect.scatter.add.f32 [tilespmem:s25], [sflag:$0x1], $0x1, s16, s26, $0xb8;
	[tilespmem:$0x1E480] =	vst v63  }
0x2d0: {  	s25 =	sld [smem:$0x7A7]  }
0x2d1: {  	[spmem:s9] =	stream.indirect.scatter.add.f32 [tilespmem:s24], [sflag:$0x1], $0x1, s16, s26, $0xb8;
	[tilespmem:$0x1E480] =	vst v63  }
0x2d2: {  	s24 =	sld [smem:$0x7A8]  }
0x2d3: {  	[spmem:s10] =	stream.indirect.scatter.add.f32 [tilespmem:s25], [sflag:$0x1], $0x1, s16, s26, $0xb8;
	[tilespmem:$0x1E480] =	vst v63  }
0x2d4: {  	s25 =	sld [smem:$0x7A9]  }
0x2d5: {  	[spmem:s11] =	stream.indirect.scatter.add.f32 [tilespmem:s24], [sflag:$0x1], $0x1, s16, s26, $0xb8;
	[tilespmem:$0x1E480] =	vst v63  }
0x2d6: {  	s24 =	sld [smem:$0x7AA]  }
0x2d7: {  	[spmem:s12] =	stream.indirect.scatter.add.f32 [tilespmem:s25], [sflag:$0x1], $0x1, s16, s26, $0xb8;
	[tilespmem:$0x1E480] =	vst v63  }
0x2d8: {  	s25 =	sld [smem:$0x7AB]  }
0x2d9: {  	[spmem:s15] =	stream.indirect.scatter.add.f32 [tilespmem:s24], [sflag:$0x1], $0x1, s16, s26, $0xb8;
	[tilespmem:$0x1E480] =	vst v63  }
0x2da: {  	s24 =	sld [smem:$0x7AC]  }
0x2db: {  	[spmem:s17] =	stream.indirect.scatter.add.f32 [tilespmem:s25], [sflag:$0x1], $0x1, s16, s26, $0xb8;
	[tilespmem:$0x1E480] =	vst v63  }
0x2dc: {  	s25 =	sld [smem:$0x7AD]  }
0x2dd: {  	[spmem:s18] =	stream.indirect.scatter.add.f32 [tilespmem:s24], [sflag:$0x1], $0x1, s16, s26, $0xb8;
	[tilespmem:$0x1E480] =	vst v63  }
0x2de: {  	s24 =	sld [smem:$0x7AE]  }
0x2df: {  	[spmem:s0] =	stream.indirect.scatter.add.f32 [tilespmem:s25], [sflag:$0x1], $0x1, s31, s26, $0xb8;
	[tilespmem:$0x1E480] =	vst v63  }
0x2e0: {  	s25 =	sld [smem:$0x7AF]  }
0x2e1: {  	[spmem:s1] =	stream.indirect.scatter.add.f32 [tilespmem:s24], [sflag:$0x1], $0x1, s31, s26, $0xb8;
	[tilespmem:$0x1E480] =	vst v63  }
0x2e2: {  	s24 =	sld [smem:$0x7B0]  }
0x2e3: {  	[spmem:s2] =	stream.indirect.scatter.add.f32 [tilespmem:s25], [sflag:$0x1], $0x1, s31, s26, $0xb8;
	[tilespmem:$0x1E480] =	vst v63  }
0x2e4: {  	s25 =	sld [smem:$0x7B1]  }
0x2e5: {  	[spmem:s3] =	stream.indirect.scatter.add.f32 [tilespmem:s24], [sflag:$0x1], $0x1, s31, s26, $0xb8;
	[tilespmem:$0x1E480] =	vst v63  }
0x2e6: {  	s24 =	sld [smem:$0x7B2]  }
0x2e7: {  	[spmem:s4] =	stream.indirect.scatter.add.f32 [tilespmem:s25], [sflag:$0x1], $0x1, s31, s26, $0xb8;
	[tilespmem:$0x1E480] =	vst v63  }
0x2e8: {  	s25 =	sld [smem:$0x7B3]  }
0x2e9: {  	[spmem:s5] =	stream.indirect.scatter.add.f32 [tilespmem:s24], [sflag:$0x1], $0x1, s31, s26, $0xb8;
	[tilespmem:$0x1E480] =	vst v63  }
0x2ea: {  	s24 =	sld [smem:$0x7B4]  }
0x2eb: {  	[spmem:s6] =	stream.indirect.scatter.add.f32 [tilespmem:s25], [sflag:$0x1], $0x1, s31, s26, $0xb8;
	[tilespmem:$0x1E480] =	vst v63  }
0x2ec: {  	s25 =	sld [smem:$0x7B5]  }
0x2ed: {  	[spmem:s7] =	stream.indirect.scatter.add.f32 [tilespmem:s24], [sflag:$0x1], $0x1, s31, s26, $0xb8;
	[tilespmem:$0x1E480] =	vst v63  }
0x2ee: {  	s24 =	sld [smem:$0x7B6]  }
0x2ef: {  	[spmem:s8] =	stream.indirect.scatter.add.f32 [tilespmem:s25], [sflag:$0x1], $0x1, s31, s26, $0xb8;
	[tilespmem:$0x1E480] =	vst v63  }
0x2f0: {  	s25 =	sld [smem:$0x7B7]  }
0x2f1: {  	[spmem:s9] =	stream.indirect.scatter.add.f32 [tilespmem:s24], [sflag:$0x1], $0x1, s31, s26, $0xb8;
	[tilespmem:$0x1E480] =	vst v63  }
0x2f2: {  	s24 =	sld [smem:$0x7B8]  }
0x2f3: {  	[spmem:s10] =	stream.indirect.scatter.add.f32 [tilespmem:s25], [sflag:$0x1], $0x1, s31, s26, $0xb8;
	[tilespmem:$0x1E480] =	vst v63  }
0x2f4: {  	s25 =	sld [smem:$0x7B9]  }
0x2f5: {  	[spmem:s11] =	stream.indirect.scatter.add.f32 [tilespmem:s24], [sflag:$0x1], $0x1, s31, s26, $0xb8;
	[tilespmem:$0x1E480] =	vst v63  }
0x2f6: {  	s24 =	sld [smem:$0x7BA]  }
0x2f7: {  	[spmem:s12] =	stream.indirect.scatter.add.f32 [tilespmem:s25], [sflag:$0x1], $0x1, s31, s26, $0xb8;
	[tilespmem:$0x1E480] =	vst v63  }
0x2f8: {  	s25 =	sld [smem:$0x7BB]  }
0x2f9: {  	[spmem:s15] =	stream.indirect.scatter.add.f32 [tilespmem:s24], [sflag:$0x1], $0x1, s31, s26, $0xb8;
	[tilespmem:$0x1E480] =	vst v63  }
0x2fa: {  	s24 =	sld [smem:$0x7BC]  }
0x2fb: {  	[spmem:s17] =	stream.indirect.scatter.add.f32 [tilespmem:s25], [sflag:$0x1], $0x1, s31, s26, $0xb8;
	[tilespmem:$0x1E480] =	vst v63  }
0x2fc: {  	s25 =	sld [smem:$0x7BD]  }
0x2fd: {  	[spmem:s18] =	stream.indirect.scatter.add.f32 [tilespmem:s24], [sflag:$0x1], $0x1, s31, s26, $0xb8;
	[tilespmem:$0x1E480] =	vst v63  }
0x2fe: {  	s24 =	sld [smem:$0x7BE]  }
0x2ff: {  	[spmem:s0] =	stream.indirect.scatter.add.f32 [tilespmem:s25], [sflag:$0x1], $0x1, s14, s26, $0xb8;
	[tilespmem:$0x1E480] =	vst v63  }
0x300: {  	s25 =	sld [smem:$0x7BF]  }
0x301: {  	[spmem:s1] =	stream.indirect.scatter.add.f32 [tilespmem:s24], [sflag:$0x1], $0x1, s14, s26, $0xb8;
	[tilespmem:$0x1E480] =	vst v63  }
0x302: {  	s24 =	sld [smem:$0x7C0]  }
0x303: {  	[spmem:s2] =	stream.indirect.scatter.add.f32 [tilespmem:s25], [sflag:$0x1], $0x1, s14, s26, $0xb8;
	[tilespmem:$0x1E480] =	vst v63  }
0x304: {  	s25 =	sld [smem:$0x7C1]  }
0x305: {  	[spmem:s3] =	stream.indirect.scatter.add.f32 [tilespmem:s24], [sflag:$0x1], $0x1, s14, s26, $0xb8;
	[tilespmem:$0x1E480] =	vst v63  }
0x306: {  	s24 =	sld [smem:$0x7C2]  }
0x307: {  	[spmem:s4] =	stream.indirect.scatter.add.f32 [tilespmem:s25], [sflag:$0x1], $0x1, s14, s26, $0xb8;
	[tilespmem:$0x1E480] =	vst v63  }
0x308: {  	s25 =	sld [smem:$0x7C3]  }
0x309: {  	[spmem:s5] =	stream.indirect.scatter.add.f32 [tilespmem:s24], [sflag:$0x1], $0x1, s14, s26, $0xb8;
	[tilespmem:$0x1E480] =	vst v63  }
0x30a: {  	s24 =	sld [smem:$0x7C4]  }
0x30b: {  	[spmem:s6] =	stream.indirect.scatter.add.f32 [tilespmem:s25], [sflag:$0x1], $0x1, s14, s26, $0xb8;
	[tilespmem:$0x1E480] =	vst v63  }
0x30c: {  	s25 =	sld [smem:$0x7C5]  }
0x30d: {  	[spmem:s7] =	stream.indirect.scatter.add.f32 [tilespmem:s24], [sflag:$0x1], $0x1, s14, s26, $0xb8;
	[tilespmem:$0x1E480] =	vst v63  }
0x30e: {  	s24 =	sld [smem:$0x7C6]  }
0x30f: {  	[spmem:s8] =	stream.indirect.scatter.add.f32 [tilespmem:s25], [sflag:$0x1], $0x1, s14, s26, $0xb8;
	[tilespmem:$0x1E480] =	vst v63  }
0x310: {  	s25 =	sld [smem:$0x7C7]  }
0x311: {  	[spmem:s9] =	stream.indirect.scatter.add.f32 [tilespmem:s24], [sflag:$0x1], $0x1, s14, s26, $0xb8;
	[tilespmem:$0x1E480] =	vst v63  }
0x312: {  	s24 =	sld [smem:$0x7C8]  }
0x313: {  	[spmem:s10] =	stream.indirect.scatter.add.f32 [tilespmem:s25], [sflag:$0x1], $0x1, s14, s26, $0xb8;
	[tilespmem:$0x1E480] =	vst v63  }
0x314: {  	s25 =	sld [smem:$0x7C9]  }
0x315: {  	[spmem:s11] =	stream.indirect.scatter.add.f32 [tilespmem:s24], [sflag:$0x1], $0x1, s14, s26, $0xb8;
	[tilespmem:$0x1E480] =	vst v63  }
0x316: {  	s24 =	sld [smem:$0x7CA]  }
0x317: {  	[spmem:s12] =	stream.indirect.scatter.add.f32 [tilespmem:s25], [sflag:$0x1], $0x1, s14, s26, $0xb8;
	[tilespmem:$0x1E480] =	vst v63  }
0x318: {  	s25 =	sld [smem:$0x7CB]  }
0x319: {  	[spmem:s15] =	stream.indirect.scatter.add.f32 [tilespmem:s24], [sflag:$0x1], $0x1, s14, s26, $0xb8;
	[tilespmem:$0x1E480] =	vst v63  }
0x31a: {  	s24 =	sld [smem:$0x7CC]  }
0x31b: {  	[spmem:s17] =	stream.indirect.scatter.add.f32 [tilespmem:s25], [sflag:$0x1], $0x1, s14, s26, $0xb8;
	[tilespmem:$0x1E480] =	vst v63  }
0x31c: {  	_ = 	snop  }
0x31d: {  	[spmem:s18] =	stream.indirect.scatter.add.f32 [tilespmem:s24], [sflag:$0x1], $0x1, s14, s26, $0xb8;
	[tilespmem:$0x1E480] =	vst v63  }
0x31e: {  	s24 =	sld [smem:$0x7CD]  }
0x31f: {  	[spmem:s0] =	stream.indirect.scatter.add.f32 [tilespmem:s19], [sflag:$0x1], $0x1, s30, s26, $0xb8;
	[tilespmem:$0x1E480] =	vst v63  }
0x320: {  	s25 =	sld [smem:$0x7CE]  }
0x321: {  	[spmem:s1] =	stream.indirect.scatter.add.f32 [tilespmem:s24], [sflag:$0x1], $0x1, s30, s26, $0xb8;
	[tilespmem:$0x1E480] =	vst v63  }
0x322: {  	s19 =	sld [smem:$0x7CF]  }
0x323: {  	[spmem:s2] =	stream.indirect.scatter.add.f32 [tilespmem:s25], [sflag:$0x1], $0x1, s30, s26, $0xb8;
	[tilespmem:$0x1E480] =	vst v63  }
0x324: {  	s25 =	sld [smem:$0x7D0]  }
0x325: {  	[spmem:s3] =	stream.indirect.scatter.add.f32 [tilespmem:s19], [sflag:$0x1], $0x1, s30, s26, $0xb8;
	[tilespmem:$0x1E480] =	vst v63  }
0x326: {  	s19 =	sld [smem:$0x7D1]  }
0x327: {  	[spmem:s4] =	stream.indirect.scatter.add.f32 [tilespmem:s25], [sflag:$0x1], $0x1, s30, s26, $0xb8;
	[tilespmem:$0x1E480] =	vst v63  }
0x328: {  	s25 =	sld [smem:$0x7D2]  }
0x329: {  	[spmem:s5] =	stream.indirect.scatter.add.f32 [tilespmem:s19], [sflag:$0x1], $0x1, s30, s26, $0xb8;
	[tilespmem:$0x1E480] =	vst v63  }
0x32a: {  	s19 =	sld [smem:$0x7D3]  }
0x32b: {  	[spmem:s6] =	stream.indirect.scatter.add.f32 [tilespmem:s25], [sflag:$0x1], $0x1, s30, s26, $0xb8;
	[tilespmem:$0x1E480] =	vst v63  }
0x32c: {  	s25 =	sld [smem:$0x7D4]  }
0x32d: {  	[spmem:s7] =	stream.indirect.scatter.add.f32 [tilespmem:s19], [sflag:$0x1], $0x1, s30, s26, $0xb8;
	[tilespmem:$0x1E480] =	vst v63  }
0x32e: {  	s19 =	sld [smem:$0x7D5]  }
0x32f: {  	[spmem:s8] =	stream.indirect.scatter.add.f32 [tilespmem:s25], [sflag:$0x1], $0x1, s30, s26, $0xb8;
	[tilespmem:$0x1E480] =	vst v63  }
0x330: {  	s25 =	sld [smem:$0x7D6]  }
0x331: {  	[spmem:s9] =	stream.indirect.scatter.add.f32 [tilespmem:s19], [sflag:$0x1], $0x1, s30, s26, $0xb8;
	[tilespmem:$0x1E480] =	vst v63  }
0x332: {  	s19 =	sld [smem:$0x7D7]  }
0x333: {  	[spmem:s10] =	stream.indirect.scatter.add.f32 [tilespmem:s25], [sflag:$0x1], $0x1, s30, s26, $0xb8;
	[tilespmem:$0x1E480] =	vst v63  }
0x334: {  	s25 =	sld [smem:$0x7D8]  }
0x335: {  	[spmem:s11] =	stream.indirect.scatter.add.f32 [tilespmem:s19], [sflag:$0x1], $0x1, s30, s26, $0xb8;
	[tilespmem:$0x1E480] =	vst v63  }
0x336: {  	s19 =	sld [smem:$0x7DA]  }
0x337: {  	[spmem:s12] =	stream.indirect.scatter.add.f32 [tilespmem:s25], [sflag:$0x1], $0x1, s30, s26, $0xb8;
	[tilespmem:$0x1E480] =	vst v63  }
0x338: {  	s25 =	sld [smem:$0x7DB]  }
0x339: {  	[spmem:s15] =	stream.indirect.scatter.add.f32 [tilespmem:s19], [sflag:$0x1], $0x1, s30, s26, $0xb8;
	[tilespmem:$0x1E480] =	vst v63  }
0x33a: {  	p0 =	sne.s32 s20, $0xC00;
	s19 =	sld [smem:$0x7DD]  }
0x33b: {  	[spmem:s17] =	stream.indirect.scatter.add.f32 [tilespmem:s25], [sflag:$0x1], $0x1, s30, s26, $0xb8;
	[tilespmem:$0x1E480] =	vst v63  }
.Ltmp1:
0x33c: {  	_ = 	snop;
	(pc) =	sbr.rel @p0 .LBB3_4-.Ltmp1, $4  }
0x33d: {  	s25 =	simm.s32 $0x1  }
0x33e: {  	[spmem:s18] =	stream.indirect.scatter.add.f32 [tilespmem:s19], [sflag:$0x1], $0x1, s30, s26, $0xb8;
	[tilespmem:$0x1E480] =	vst v63  }
0x33f: {  	_ =	swait.ge [sflag:s25], $0x4000  }
0x340: {  	s20 =	sadd.s32 $0x80, s20;
	[sflag:s25] =	ssyncset.done $0x0  }
0x341: {  	s20 =	rddreg [dreg:$0xe]  }
0x342: {  	[sflag:s25] =	ssyncadd.s32 $0xFFFFC000;
	s20 =	sadd.s32 s22, s20  }
0x343: {  	[tilespmem:s13], [sflag:$0x2] =	stream.linear.gather [hbm4b:s20+s13], $0x400, $0x38;
	[tilespmem:$0x1E480] =	vst v63  }
0x344: {  	_ =	swait.ge [sflag:s23], $0x400  }
0x345: {  	s21 =	sadd.s32 $0x400, s21;
	s19 =	simm.s32 $0x2000;
	[sflag:s23] =	ssyncset.done $0x0  }
0x346: {  	s24 =	simm.s32 $0x400;
	s22 =	rddreg [dreg:$0xf];
	[sflag:s23] =	ssyncadd.s32 $0xFFFFFC00  }
0x347: {  	[tilespmem:s24], [sflag:$0x2] =	stream.strided.gather [hbm4b:s21+s19], $0x4000, s22, s19, $0x38;
	[tilespmem:$0x1E480] =	vst v63  }
0x348: {  	_ =	swait.ge [sflag:s23], $0x4000  }
0x349: {  	[sflag:s23] =	ssyncset.done $0x0  }
0x34a: {  	s21 =	rddreg [dreg:$0x10];
	[sflag:s23] =	ssyncadd.s32 $0xFFFFC000  }
0x34b: {  	[spmem:s0] =	stream.indirect.scatter.add.f32 [tilespmem:s24], [sflag:$0x1], $0x1, s13, s26, $0xb8;
	[tilespmem:$0x1E480] =	vst v63  }
0x34c: {  	s22 =	rddreg [dreg:$0x11]  }
0x34d: {  	[spmem:s1] =	stream.indirect.scatter.add.f32 [tilespmem:s21], [sflag:$0x1], $0x1, s13, s26, $0xb8;
	[tilespmem:$0x1E480] =	vst v63  }
0x34e: {  	s24 =	rddreg [dreg:$0x12]  }
0x34f: {  	[spmem:s2] =	stream.indirect.scatter.add.f32 [tilespmem:s22], [sflag:$0x1], $0x1, s13, s26, $0xb8;
	[tilespmem:$0x1E480] =	vst v63  }
0x350: {  	s22 =	rddreg [dreg:$0x13]  }
0x351: {  	[spmem:s3] =	stream.indirect.scatter.add.f32 [tilespmem:s24], [sflag:$0x1], $0x1, s13, s26, $0xb8;
	[tilespmem:$0x1E480] =	vst v63  }
0x352: {  	s24 =	rddreg [dreg:$0x14]  }
0x353: {  	[spmem:s4] =	stream.indirect.scatter.add.f32 [tilespmem:s22], [sflag:$0x1], $0x1, s13, s26, $0xb8;
	[tilespmem:$0x1E480] =	vst v63  }
0x354: {  	s22 =	rddreg [dreg:$0x15]  }
0x355: {  	[spmem:s5] =	stream.indirect.scatter.add.f32 [tilespmem:s24], [sflag:$0x1], $0x1, s13, s26, $0xb8;
	[tilespmem:$0x1E480] =	vst v63  }
0x356: {  	s24 =	rddreg [dreg:$0x16]  }
0x357: {  	[spmem:s6] =	stream.indirect.scatter.add.f32 [tilespmem:s22], [sflag:$0x1], $0x1, s13, s26, $0xb8;
	[tilespmem:$0x1E480] =	vst v63  }
0x358: {  	s22 =	rddreg [dreg:$0x17]  }
0x359: {  	[spmem:s7] =	stream.indirect.scatter.add.f32 [tilespmem:s24], [sflag:$0x1], $0x1, s13, s26, $0xb8;
	[tilespmem:$0x1E480] =	vst v63  }
0x35a: {  	s24 =	rddreg [dreg:$0x18]  }
0x35b: {  	[spmem:s8] =	stream.indirect.scatter.add.f32 [tilespmem:s22], [sflag:$0x1], $0x1, s13, s26, $0xb8;
	[tilespmem:$0x1E480] =	vst v63  }
0x35c: {  	s22 =	rddreg [dreg:$0x19]  }
0x35d: {  	[spmem:s9] =	stream.indirect.scatter.add.f32 [tilespmem:s24], [sflag:$0x1], $0x1, s13, s26, $0xb8;
	[tilespmem:$0x1E480] =	vst v63  }
0x35e: {  	s24 =	rddreg [dreg:$0x1a]  }
0x35f: {  	[spmem:s10] =	stream.indirect.scatter.add.f32 [tilespmem:s22], [sflag:$0x1], $0x1, s13, s26, $0xb8;
	[tilespmem:$0x1E480] =	vst v63  }
0x360: {  	s22 =	rddreg [dreg:$0x1b]  }
0x361: {  	[spmem:s11] =	stream.indirect.scatter.add.f32 [tilespmem:s24], [sflag:$0x1], $0x1, s13, s26, $0xb8;
	[tilespmem:$0x1E480] =	vst v63  }
0x362: {  	s24 =	rddreg [dreg:$0x1c]  }
0x363: {  	[spmem:s12] =	stream.indirect.scatter.add.f32 [tilespmem:s22], [sflag:$0x1], $0x1, s13, s26, $0xb8;
	[tilespmem:$0x1E480] =	vst v63  }
0x364: {  	s22 =	rddreg [dreg:$0x1d]  }
0x365: {  	[spmem:s15] =	stream.indirect.scatter.add.f32 [tilespmem:s24], [sflag:$0x1], $0x1, s13, s26, $0xb8;
	[tilespmem:$0x1E480] =	vst v63  }
0x366: {  	s24 =	rddreg [dreg:$0x1e]  }
0x367: {  	[spmem:s17] =	stream.indirect.scatter.add.f32 [tilespmem:s22], [sflag:$0x1], $0x1, s13, s26, $0xb8;
	[tilespmem:$0x1E480] =	vst v63  }
0x368: {  	s22 =	rddreg [dreg:$0x1f]  }
0x369: {  	[spmem:s18] =	stream.indirect.scatter.add.f32 [tilespmem:s24], [sflag:$0x1], $0x1, s13, s26, $0xb8;
	[tilespmem:$0x1E480] =	vst v63  }
0x36a: {  	s24 =	sld [smem:$0x76E]  }
0x36b: {  	[spmem:s0] =	stream.indirect.scatter.add.f32 [tilespmem:s22], [sflag:$0x1], $0x1, s26, s26, $0xb8;
	[tilespmem:$0x1E480] =	vst v63  }
0x36c: {  	s22 =	sld [smem:$0x76F]  }
0x36d: {  	[spmem:s1] =	stream.indirect.scatter.add.f32 [tilespmem:s24], [sflag:$0x1], $0x1, s26, s26, $0xb8;
	[tilespmem:$0x1E480] =	vst v63  }
0x36e: {  	s24 =	sld [smem:$0x770]  }
0x36f: {  	[spmem:s2] =	stream.indirect.scatter.add.f32 [tilespmem:s22], [sflag:$0x1], $0x1, s26, s26, $0xb8;
	[tilespmem:$0x1E480] =	vst v63  }
0x370: {  	s22 =	sld [smem:$0x771]  }
0x371: {  	[spmem:s3] =	stream.indirect.scatter.add.f32 [tilespmem:s24], [sflag:$0x1], $0x1, s26, s26, $0xb8;
	[tilespmem:$0x1E480] =	vst v63  }
0x372: {  	s24 =	sld [smem:$0x772]  }
0x373: {  	[spmem:s4] =	stream.indirect.scatter.add.f32 [tilespmem:s22], [sflag:$0x1], $0x1, s26, s26, $0xb8;
	[tilespmem:$0x1E480] =	vst v63  }
0x374: {  	s22 =	sld [smem:$0x773]  }
0x375: {  	[spmem:s5] =	stream.indirect.scatter.add.f32 [tilespmem:s24], [sflag:$0x1], $0x1, s26, s26, $0xb8;
	[tilespmem:$0x1E480] =	vst v63  }
0x376: {  	s24 =	sld [smem:$0x774]  }
0x377: {  	[spmem:s6] =	stream.indirect.scatter.add.f32 [tilespmem:s22], [sflag:$0x1], $0x1, s26, s26, $0xb8;
	[tilespmem:$0x1E480] =	vst v63  }
0x378: {  	s22 =	sld [smem:$0x775]  }
0x379: {  	[spmem:s7] =	stream.indirect.scatter.add.f32 [tilespmem:s24], [sflag:$0x1], $0x1, s26, s26, $0xb8;
	[tilespmem:$0x1E480] =	vst v63  }
0x37a: {  	s24 =	sld [smem:$0x776]  }
0x37b: {  	[spmem:s8] =	stream.indirect.scatter.add.f32 [tilespmem:s22], [sflag:$0x1], $0x1, s26, s26, $0xb8;
	[tilespmem:$0x1E480] =	vst v63  }
0x37c: {  	s22 =	sld [smem:$0x777]  }
0x37d: {  	[spmem:s9] =	stream.indirect.scatter.add.f32 [tilespmem:s24], [sflag:$0x1], $0x1, s26, s26, $0xb8;
	[tilespmem:$0x1E480] =	vst v63  }
0x37e: {  	s24 =	sld [smem:$0x778]  }
0x37f: {  	[spmem:s10] =	stream.indirect.scatter.add.f32 [tilespmem:s22], [sflag:$0x1], $0x1, s26, s26, $0xb8;
	[tilespmem:$0x1E480] =	vst v63  }
0x380: {  	s22 =	sld [smem:$0x779]  }
0x381: {  	[spmem:s11] =	stream.indirect.scatter.add.f32 [tilespmem:s24], [sflag:$0x1], $0x1, s26, s26, $0xb8;
	[tilespmem:$0x1E480] =	vst v63  }
0x382: {  	s24 =	sld [smem:$0x77A]  }
0x383: {  	[spmem:s12] =	stream.indirect.scatter.add.f32 [tilespmem:s22], [sflag:$0x1], $0x1, s26, s26, $0xb8;
	[tilespmem:$0x1E480] =	vst v63  }
0x384: {  	s22 =	sld [smem:$0x77B]  }
0x385: {  	[spmem:s15] =	stream.indirect.scatter.add.f32 [tilespmem:s24], [sflag:$0x1], $0x1, s26, s26, $0xb8;
	[tilespmem:$0x1E480] =	vst v63  }
0x386: {  	s24 =	sld [smem:$0x77C]  }
0x387: {  	[spmem:s17] =	stream.indirect.scatter.add.f32 [tilespmem:s22], [sflag:$0x1], $0x1, s26, s26, $0xb8;
	[tilespmem:$0x1E480] =	vst v63  }
0x388: {  	s22 =	sld [smem:$0x77D]  }
0x389: {  	[spmem:s18] =	stream.indirect.scatter.add.f32 [tilespmem:s24], [sflag:$0x1], $0x1, s26, s26, $0xb8;
	[tilespmem:$0x1E480] =	vst v63  }
0x38a: {  	s24 =	sld [smem:$0x77E]  }
0x38b: {  	[spmem:s0] =	stream.indirect.scatter.add.f32 [tilespmem:s22], [sflag:$0x1], $0x1, s28, s26, $0xb8;
	[tilespmem:$0x1E480] =	vst v63  }
0x38c: {  	s22 =	sld [smem:$0x77F]  }
0x38d: {  	[spmem:s1] =	stream.indirect.scatter.add.f32 [tilespmem:s24], [sflag:$0x1], $0x1, s28, s26, $0xb8;
	[tilespmem:$0x1E480] =	vst v63  }
0x38e: {  	s24 =	sld [smem:$0x780]  }
0x38f: {  	[spmem:s2] =	stream.indirect.scatter.add.f32 [tilespmem:s22], [sflag:$0x1], $0x1, s28, s26, $0xb8;
	[tilespmem:$0x1E480] =	vst v63  }
0x390: {  	s22 =	sld [smem:$0x781]  }
0x391: {  	[spmem:s3] =	stream.indirect.scatter.add.f32 [tilespmem:s24], [sflag:$0x1], $0x1, s28, s26, $0xb8;
	[tilespmem:$0x1E480] =	vst v63  }
0x392: {  	s24 =	sld [smem:$0x782]  }
0x393: {  	[spmem:s4] =	stream.indirect.scatter.add.f32 [tilespmem:s22], [sflag:$0x1], $0x1, s28, s26, $0xb8;
	[tilespmem:$0x1E480] =	vst v63  }
0x394: {  	s22 =	sld [smem:$0x783]  }
0x395: {  	[spmem:s5] =	stream.indirect.scatter.add.f32 [tilespmem:s24], [sflag:$0x1], $0x1, s28, s26, $0xb8;
	[tilespmem:$0x1E480] =	vst v63  }
0x396: {  	s24 =	sld [smem:$0x784]  }
0x397: {  	[spmem:s6] =	stream.indirect.scatter.add.f32 [tilespmem:s22], [sflag:$0x1], $0x1, s28, s26, $0xb8;
	[tilespmem:$0x1E480] =	vst v63  }
0x398: {  	s22 =	sld [smem:$0x785]  }
0x399: {  	[spmem:s7] =	stream.indirect.scatter.add.f32 [tilespmem:s24], [sflag:$0x1], $0x1, s28, s26, $0xb8;
	[tilespmem:$0x1E480] =	vst v63  }
0x39a: {  	s24 =	sld [smem:$0x786]  }
0x39b: {  	[spmem:s8] =	stream.indirect.scatter.add.f32 [tilespmem:s22], [sflag:$0x1], $0x1, s28, s26, $0xb8;
	[tilespmem:$0x1E480] =	vst v63  }
0x39c: {  	s22 =	sld [smem:$0x787]  }
0x39d: {  	[spmem:s9] =	stream.indirect.scatter.add.f32 [tilespmem:s24], [sflag:$0x1], $0x1, s28, s26, $0xb8;
	[tilespmem:$0x1E480] =	vst v63  }
0x39e: {  	s24 =	sld [smem:$0x788]  }
0x39f: {  	[spmem:s10] =	stream.indirect.scatter.add.f32 [tilespmem:s22], [sflag:$0x1], $0x1, s28, s26, $0xb8;
	[tilespmem:$0x1E480] =	vst v63  }
0x3a0: {  	s22 =	sld [smem:$0x789]  }
0x3a1: {  	[spmem:s11] =	stream.indirect.scatter.add.f32 [tilespmem:s24], [sflag:$0x1], $0x1, s28, s26, $0xb8;
	[tilespmem:$0x1E480] =	vst v63  }
0x3a2: {  	s24 =	sld [smem:$0x78A]  }
0x3a3: {  	[spmem:s12] =	stream.indirect.scatter.add.f32 [tilespmem:s22], [sflag:$0x1], $0x1, s28, s26, $0xb8;
	[tilespmem:$0x1E480] =	vst v63  }
0x3a4: {  	s22 =	sld [smem:$0x78B]  }
0x3a5: {  	[spmem:s15] =	stream.indirect.scatter.add.f32 [tilespmem:s24], [sflag:$0x1], $0x1, s28, s26, $0xb8;
	[tilespmem:$0x1E480] =	vst v63  }
0x3a6: {  	s24 =	sld [smem:$0x78C]  }
0x3a7: {  	[spmem:s17] =	stream.indirect.scatter.add.f32 [tilespmem:s22], [sflag:$0x1], $0x1, s28, s26, $0xb8;
	[tilespmem:$0x1E480] =	vst v63  }
0x3a8: {  	s22 =	sld [smem:$0x78D]  }
0x3a9: {  	[spmem:s18] =	stream.indirect.scatter.add.f32 [tilespmem:s24], [sflag:$0x1], $0x1, s28, s26, $0xb8;
	[tilespmem:$0x1E480] =	vst v63  }
0x3aa: {  	s24 =	sld [smem:$0x78E]  }
0x3ab: {  	[spmem:s0] =	stream.indirect.scatter.add.f32 [tilespmem:s22], [sflag:$0x1], $0x1, s29, s26, $0xb8;
	[tilespmem:$0x1E480] =	vst v63  }
0x3ac: {  	s22 =	sld [smem:$0x78F]  }
0x3ad: {  	[spmem:s1] =	stream.indirect.scatter.add.f32 [tilespmem:s24], [sflag:$0x1], $0x1, s29, s26, $0xb8;
	[tilespmem:$0x1E480] =	vst v63  }
0x3ae: {  	s24 =	sld [smem:$0x790]  }
0x3af: {  	[spmem:s2] =	stream.indirect.scatter.add.f32 [tilespmem:s22], [sflag:$0x1], $0x1, s29, s26, $0xb8;
	[tilespmem:$0x1E480] =	vst v63  }
0x3b0: {  	s22 =	sld [smem:$0x791]  }
0x3b1: {  	[spmem:s3] =	stream.indirect.scatter.add.f32 [tilespmem:s24], [sflag:$0x1], $0x1, s29, s26, $0xb8;
	[tilespmem:$0x1E480] =	vst v63  }
0x3b2: {  	s24 =	sld [smem:$0x792]  }
0x3b3: {  	[spmem:s4] =	stream.indirect.scatter.add.f32 [tilespmem:s22], [sflag:$0x1], $0x1, s29, s26, $0xb8;
	[tilespmem:$0x1E480] =	vst v63  }
0x3b4: {  	s22 =	sld [smem:$0x793]  }
0x3b5: {  	[spmem:s5] =	stream.indirect.scatter.add.f32 [tilespmem:s24], [sflag:$0x1], $0x1, s29, s26, $0xb8;
	[tilespmem:$0x1E480] =	vst v63  }
0x3b6: {  	s24 =	sld [smem:$0x794]  }
0x3b7: {  	[spmem:s6] =	stream.indirect.scatter.add.f32 [tilespmem:s22], [sflag:$0x1], $0x1, s29, s26, $0xb8;
	[tilespmem:$0x1E480] =	vst v63  }
0x3b8: {  	s22 =	sld [smem:$0x795]  }
0x3b9: {  	[spmem:s7] =	stream.indirect.scatter.add.f32 [tilespmem:s24], [sflag:$0x1], $0x1, s29, s26, $0xb8;
	[tilespmem:$0x1E480] =	vst v63  }
0x3ba: {  	s24 =	sld [smem:$0x796]  }
0x3bb: {  	[spmem:s8] =	stream.indirect.scatter.add.f32 [tilespmem:s22], [sflag:$0x1], $0x1, s29, s26, $0xb8;
	[tilespmem:$0x1E480] =	vst v63  }
0x3bc: {  	s22 =	sld [smem:$0x797]  }
0x3bd: {  	[spmem:s9] =	stream.indirect.scatter.add.f32 [tilespmem:s24], [sflag:$0x1], $0x1, s29, s26, $0xb8;
	[tilespmem:$0x1E480] =	vst v63  }
0x3be: {  	s24 =	sld [smem:$0x798]  }
0x3bf: {  	[spmem:s10] =	stream.indirect.scatter.add.f32 [tilespmem:s22], [sflag:$0x1], $0x1, s29, s26, $0xb8;
	[tilespmem:$0x1E480] =	vst v63  }
0x3c0: {  	s22 =	sld [smem:$0x799]  }
0x3c1: {  	[spmem:s11] =	stream.indirect.scatter.add.f32 [tilespmem:s24], [sflag:$0x1], $0x1, s29, s26, $0xb8;
	[tilespmem:$0x1E480] =	vst v63  }
0x3c2: {  	s24 =	sld [smem:$0x79A]  }
0x3c3: {  	[spmem:s12] =	stream.indirect.scatter.add.f32 [tilespmem:s22], [sflag:$0x1], $0x1, s29, s26, $0xb8;
	[tilespmem:$0x1E480] =	vst v63  }
0x3c4: {  	s22 =	sld [smem:$0x79B]  }
0x3c5: {  	[spmem:s15] =	stream.indirect.scatter.add.f32 [tilespmem:s24], [sflag:$0x1], $0x1, s29, s26, $0xb8;
	[tilespmem:$0x1E480] =	vst v63  }
0x3c6: {  	s24 =	sld [smem:$0x79C]  }
0x3c7: {  	[spmem:s17] =	stream.indirect.scatter.add.f32 [tilespmem:s22], [sflag:$0x1], $0x1, s29, s26, $0xb8;
	[tilespmem:$0x1E480] =	vst v63  }
0x3c8: {  	s22 =	sld [smem:$0x79D]  }
0x3c9: {  	[spmem:s18] =	stream.indirect.scatter.add.f32 [tilespmem:s24], [sflag:$0x1], $0x1, s29, s26, $0xb8;
	[tilespmem:$0x1E480] =	vst v63  }
0x3ca: {  	s24 =	sld [smem:$0x79E]  }
0x3cb: {  	[spmem:s0] =	stream.indirect.scatter.add.f32 [tilespmem:s22], [sflag:$0x1], $0x1, s16, s26, $0xb8;
	[tilespmem:$0x1E480] =	vst v63  }
0x3cc: {  	s22 =	sld [smem:$0x79F]  }
0x3cd: {  	[spmem:s1] =	stream.indirect.scatter.add.f32 [tilespmem:s24], [sflag:$0x1], $0x1, s16, s26, $0xb8;
	[tilespmem:$0x1E480] =	vst v63  }
0x3ce: {  	s24 =	sld [smem:$0x7A0]  }
0x3cf: {  	[spmem:s2] =	stream.indirect.scatter.add.f32 [tilespmem:s22], [sflag:$0x1], $0x1, s16, s26, $0xb8;
	[tilespmem:$0x1E480] =	vst v63  }
0x3d0: {  	s22 =	sld [smem:$0x7A1]  }
0x3d1: {  	[spmem:s3] =	stream.indirect.scatter.add.f32 [tilespmem:s24], [sflag:$0x1], $0x1, s16, s26, $0xb8;
	[tilespmem:$0x1E480] =	vst v63  }
0x3d2: {  	s24 =	sld [smem:$0x7A2]  }
0x3d3: {  	[spmem:s4] =	stream.indirect.scatter.add.f32 [tilespmem:s22], [sflag:$0x1], $0x1, s16, s26, $0xb8;
	[tilespmem:$0x1E480] =	vst v63  }
0x3d4: {  	s22 =	sld [smem:$0x7A3]  }
0x3d5: {  	[spmem:s5] =	stream.indirect.scatter.add.f32 [tilespmem:s24], [sflag:$0x1], $0x1, s16, s26, $0xb8;
	[tilespmem:$0x1E480] =	vst v63  }
0x3d6: {  	s24 =	sld [smem:$0x7A4]  }
0x3d7: {  	[spmem:s6] =	stream.indirect.scatter.add.f32 [tilespmem:s22], [sflag:$0x1], $0x1, s16, s26, $0xb8;
	[tilespmem:$0x1E480] =	vst v63  }
0x3d8: {  	s22 =	sld [smem:$0x7A5]  }
0x3d9: {  	[spmem:s7] =	stream.indirect.scatter.add.f32 [tilespmem:s24], [sflag:$0x1], $0x1, s16, s26, $0xb8;
	[tilespmem:$0x1E480] =	vst v63  }
0x3da: {  	s24 =	sld [smem:$0x7A6]  }
0x3db: {  	[spmem:s8] =	stream.indirect.scatter.add.f32 [tilespmem:s22], [sflag:$0x1], $0x1, s16, s26, $0xb8;
	[tilespmem:$0x1E480] =	vst v63  }
0x3dc: {  	s22 =	sld [smem:$0x7A7]  }
0x3dd: {  	[spmem:s9] =	stream.indirect.scatter.add.f32 [tilespmem:s24], [sflag:$0x1], $0x1, s16, s26, $0xb8;
	[tilespmem:$0x1E480] =	vst v63  }
0x3de: {  	s24 =	sld [smem:$0x7A8]  }
0x3df: {  	[spmem:s10] =	stream.indirect.scatter.add.f32 [tilespmem:s22], [sflag:$0x1], $0x1, s16, s26, $0xb8;
	[tilespmem:$0x1E480] =	vst v63  }
0x3e0: {  	s22 =	sld [smem:$0x7A9]  }
0x3e1: {  	[spmem:s11] =	stream.indirect.scatter.add.f32 [tilespmem:s24], [sflag:$0x1], $0x1, s16, s26, $0xb8;
	[tilespmem:$0x1E480] =	vst v63  }
0x3e2: {  	s24 =	sld [smem:$0x7AA]  }
0x3e3: {  	[spmem:s12] =	stream.indirect.scatter.add.f32 [tilespmem:s22], [sflag:$0x1], $0x1, s16, s26, $0xb8;
	[tilespmem:$0x1E480] =	vst v63  }
0x3e4: {  	s22 =	sld [smem:$0x7AB]  }
0x3e5: {  	[spmem:s15] =	stream.indirect.scatter.add.f32 [tilespmem:s24], [sflag:$0x1], $0x1, s16, s26, $0xb8;
	[tilespmem:$0x1E480] =	vst v63  }
0x3e6: {  	s24 =	sld [smem:$0x7AC]  }
0x3e7: {  	[spmem:s17] =	stream.indirect.scatter.add.f32 [tilespmem:s22], [sflag:$0x1], $0x1, s16, s26, $0xb8;
	[tilespmem:$0x1E480] =	vst v63  }
0x3e8: {  	s22 =	sld [smem:$0x7AD]  }
0x3e9: {  	[spmem:s18] =	stream.indirect.scatter.add.f32 [tilespmem:s24], [sflag:$0x1], $0x1, s16, s26, $0xb8;
	[tilespmem:$0x1E480] =	vst v63  }
0x3ea: {  	s24 =	sld [smem:$0x7AE]  }
0x3eb: {  	[spmem:s0] =	stream.indirect.scatter.add.f32 [tilespmem:s22], [sflag:$0x1], $0x1, s31, s26, $0xb8;
	[tilespmem:$0x1E480] =	vst v63  }
0x3ec: {  	s22 =	sld [smem:$0x7AF]  }
0x3ed: {  	[spmem:s1] =	stream.indirect.scatter.add.f32 [tilespmem:s24], [sflag:$0x1], $0x1, s31, s26, $0xb8;
	[tilespmem:$0x1E480] =	vst v63  }
0x3ee: {  	s24 =	sld [smem:$0x7B0]  }
0x3ef: {  	[spmem:s2] =	stream.indirect.scatter.add.f32 [tilespmem:s22], [sflag:$0x1], $0x1, s31, s26, $0xb8;
	[tilespmem:$0x1E480] =	vst v63  }
0x3f0: {  	s22 =	sld [smem:$0x7B1]  }
0x3f1: {  	[spmem:s3] =	stream.indirect.scatter.add.f32 [tilespmem:s24], [sflag:$0x1], $0x1, s31, s26, $0xb8;
	[tilespmem:$0x1E480] =	vst v63  }
0x3f2: {  	s24 =	sld [smem:$0x7B2]  }
0x3f3: {  	[spmem:s4] =	stream.indirect.scatter.add.f32 [tilespmem:s22], [sflag:$0x1], $0x1, s31, s26, $0xb8;
	[tilespmem:$0x1E480] =	vst v63  }
0x3f4: {  	s22 =	sld [smem:$0x7B3]  }
0x3f5: {  	[spmem:s5] =	stream.indirect.scatter.add.f32 [tilespmem:s24], [sflag:$0x1], $0x1, s31, s26, $0xb8;
	[tilespmem:$0x1E480] =	vst v63  }
0x3f6: {  	s24 =	sld [smem:$0x7B4]  }
0x3f7: {  	[spmem:s6] =	stream.indirect.scatter.add.f32 [tilespmem:s22], [sflag:$0x1], $0x1, s31, s26, $0xb8;
	[tilespmem:$0x1E480] =	vst v63  }
0x3f8: {  	s22 =	sld [smem:$0x7B5]  }
0x3f9: {  	[spmem:s7] =	stream.indirect.scatter.add.f32 [tilespmem:s24], [sflag:$0x1], $0x1, s31, s26, $0xb8;
	[tilespmem:$0x1E480] =	vst v63  }
0x3fa: {  	s24 =	sld [smem:$0x7B6]  }
0x3fb: {  	[spmem:s8] =	stream.indirect.scatter.add.f32 [tilespmem:s22], [sflag:$0x1], $0x1, s31, s26, $0xb8;
	[tilespmem:$0x1E480] =	vst v63  }
0x3fc: {  	s22 =	sld [smem:$0x7B7]  }
0x3fd: {  	[spmem:s9] =	stream.indirect.scatter.add.f32 [tilespmem:s24], [sflag:$0x1], $0x1, s31, s26, $0xb8;
	[tilespmem:$0x1E480] =	vst v63  }
0x3fe: {  	s24 =	sld [smem:$0x7B8]  }
0x3ff: {  	[spmem:s10] =	stream.indirect.scatter.add.f32 [tilespmem:s22], [sflag:$0x1], $0x1, s31, s26, $0xb8;
	[tilespmem:$0x1E480] =	vst v63  }
0x400: {  	s22 =	sld [smem:$0x7B9]  }
0x401: {  	[spmem:s11] =	stream.indirect.scatter.add.f32 [tilespmem:s24], [sflag:$0x1], $0x1, s31, s26, $0xb8;
	[tilespmem:$0x1E480] =	vst v63  }
0x402: {  	s24 =	sld [smem:$0x7BA]  }
0x403: {  	[spmem:s12] =	stream.indirect.scatter.add.f32 [tilespmem:s22], [sflag:$0x1], $0x1, s31, s26, $0xb8;
	[tilespmem:$0x1E480] =	vst v63  }
0x404: {  	s22 =	sld [smem:$0x7BB]  }
0x405: {  	[spmem:s15] =	stream.indirect.scatter.add.f32 [tilespmem:s24], [sflag:$0x1], $0x1, s31, s26, $0xb8;
	[tilespmem:$0x1E480] =	vst v63  }
0x406: {  	s24 =	sld [smem:$0x7BC]  }
0x407: {  	[spmem:s17] =	stream.indirect.scatter.add.f32 [tilespmem:s22], [sflag:$0x1], $0x1, s31, s26, $0xb8;
	[tilespmem:$0x1E480] =	vst v63  }
0x408: {  	s22 =	sld [smem:$0x7BD]  }
0x409: {  	[spmem:s18] =	stream.indirect.scatter.add.f32 [tilespmem:s24], [sflag:$0x1], $0x1, s31, s26, $0xb8;
	[tilespmem:$0x1E480] =	vst v63  }
0x40a: {  	s24 =	sld [smem:$0x7BE]  }
0x40b: {  	[spmem:s0] =	stream.indirect.scatter.add.f32 [tilespmem:s22], [sflag:$0x1], $0x1, s14, s26, $0xb8;
	[tilespmem:$0x1E480] =	vst v63  }
0x40c: {  	s22 =	sld [smem:$0x7BF]  }
0x40d: {  	[spmem:s1] =	stream.indirect.scatter.add.f32 [tilespmem:s24], [sflag:$0x1], $0x1, s14, s26, $0xb8;
	[tilespmem:$0x1E480] =	vst v63  }
0x40e: {  	s24 =	sld [smem:$0x7C0]  }
0x40f: {  	[spmem:s2] =	stream.indirect.scatter.add.f32 [tilespmem:s22], [sflag:$0x1], $0x1, s14, s26, $0xb8;
	[tilespmem:$0x1E480] =	vst v63  }
0x410: {  	s22 =	sld [smem:$0x7C1]  }
0x411: {  	[spmem:s3] =	stream.indirect.scatter.add.f32 [tilespmem:s24], [sflag:$0x1], $0x1, s14, s26, $0xb8;
	[tilespmem:$0x1E480] =	vst v63  }
0x412: {  	s24 =	sld [smem:$0x7C2]  }
0x413: {  	[spmem:s4] =	stream.indirect.scatter.add.f32 [tilespmem:s22], [sflag:$0x1], $0x1, s14, s26, $0xb8;
	[tilespmem:$0x1E480] =	vst v63  }
0x414: {  	s22 =	sld [smem:$0x7C3]  }
0x415: {  	[spmem:s5] =	stream.indirect.scatter.add.f32 [tilespmem:s24], [sflag:$0x1], $0x1, s14, s26, $0xb8;
	[tilespmem:$0x1E480] =	vst v63  }
0x416: {  	s24 =	sld [smem:$0x7C4]  }
0x417: {  	[spmem:s6] =	stream.indirect.scatter.add.f32 [tilespmem:s22], [sflag:$0x1], $0x1, s14, s26, $0xb8;
	[tilespmem:$0x1E480] =	vst v63  }
0x418: {  	s22 =	sld [smem:$0x7C5]  }
0x419: {  	[spmem:s7] =	stream.indirect.scatter.add.f32 [tilespmem:s24], [sflag:$0x1], $0x1, s14, s26, $0xb8;
	[tilespmem:$0x1E480] =	vst v63  }
0x41a: {  	s24 =	sld [smem:$0x7C6]  }
0x41b: {  	[spmem:s8] =	stream.indirect.scatter.add.f32 [tilespmem:s22], [sflag:$0x1], $0x1, s14, s26, $0xb8;
	[tilespmem:$0x1E480] =	vst v63  }
0x41c: {  	s22 =	sld [smem:$0x7C7]  }
0x41d: {  	[spmem:s9] =	stream.indirect.scatter.add.f32 [tilespmem:s24], [sflag:$0x1], $0x1, s14, s26, $0xb8;
	[tilespmem:$0x1E480] =	vst v63  }
0x41e: {  	s24 =	sld [smem:$0x7C8]  }
0x41f: {  	[spmem:s10] =	stream.indirect.scatter.add.f32 [tilespmem:s22], [sflag:$0x1], $0x1, s14, s26, $0xb8;
	[tilespmem:$0x1E480] =	vst v63  }
0x420: {  	s22 =	sld [smem:$0x7C9]  }
0x421: {  	[spmem:s11] =	stream.indirect.scatter.add.f32 [tilespmem:s24], [sflag:$0x1], $0x1, s14, s26, $0xb8;
	[tilespmem:$0x1E480] =	vst v63  }
0x422: {  	s24 =	sld [smem:$0x7CA]  }
0x423: {  	[spmem:s12] =	stream.indirect.scatter.add.f32 [tilespmem:s22], [sflag:$0x1], $0x1, s14, s26, $0xb8;
	[tilespmem:$0x1E480] =	vst v63  }
0x424: {  	s22 =	sld [smem:$0x7CB]  }
0x425: {  	[spmem:s15] =	stream.indirect.scatter.add.f32 [tilespmem:s24], [sflag:$0x1], $0x1, s14, s26, $0xb8;
	[tilespmem:$0x1E480] =	vst v63  }
0x426: {  	s24 =	sld [smem:$0x7CC]  }
0x427: {  	[spmem:s17] =	stream.indirect.scatter.add.f32 [tilespmem:s22], [sflag:$0x1], $0x1, s14, s26, $0xb8;
	[tilespmem:$0x1E480] =	vst v63  }
0x428: {  	_ = 	snop  }
0x429: {  	[spmem:s18] =	stream.indirect.scatter.add.f32 [tilespmem:s24], [sflag:$0x1], $0x1, s14, s26, $0xb8;
	[tilespmem:$0x1E480] =	vst v63  }
0x42a: {  	s21 =	sld [smem:$0x7CD]  }
0x42b: {  	[spmem:s0] =	stream.indirect.scatter.add.f32 [tilespmem:s19], [sflag:$0x1], $0x1, s30, s26, $0xb8;
	[tilespmem:$0x1E480] =	vst v63  }
0x42c: {  	s22 =	sld [smem:$0x7CE]  }
0x42d: {  	[spmem:s1] =	stream.indirect.scatter.add.f32 [tilespmem:s21], [sflag:$0x1], $0x1, s30, s26, $0xb8;
	[tilespmem:$0x1E480] =	vst v63  }
0x42e: {  	s24 =	sld [smem:$0x7CF]  }
0x42f: {  	[spmem:s2] =	stream.indirect.scatter.add.f32 [tilespmem:s22], [sflag:$0x1], $0x1, s30, s26, $0xb8;
	[tilespmem:$0x1E480] =	vst v63  }
0x430: {  	s19 =	sld [smem:$0x7D0]  }
0x431: {  	[spmem:s3] =	stream.indirect.scatter.add.f32 [tilespmem:s24], [sflag:$0x1], $0x1, s30, s26, $0xb8;
	[tilespmem:$0x1E480] =	vst v63  }
0x432: {  	s22 =	sld [smem:$0x7D1]  }
0x433: {  	[spmem:s4] =	stream.indirect.scatter.add.f32 [tilespmem:s19], [sflag:$0x1], $0x1, s30, s26, $0xb8;
	[tilespmem:$0x1E480] =	vst v63  }
0x434: {  	s24 =	sld [smem:$0x7D2]  }
0x435: {  	[spmem:s5] =	stream.indirect.scatter.add.f32 [tilespmem:s22], [sflag:$0x1], $0x1, s30, s26, $0xb8;
	[tilespmem:$0x1E480] =	vst v63  }
0x436: {  	s19 =	sld [smem:$0x7D3]  }
0x437: {  	[spmem:s6] =	stream.indirect.scatter.add.f32 [tilespmem:s24], [sflag:$0x1], $0x1, s30, s26, $0xb8;
	[tilespmem:$0x1E480] =	vst v63  }
0x438: {  	s22 =	sld [smem:$0x7D4]  }
0x439: {  	[spmem:s7] =	stream.indirect.scatter.add.f32 [tilespmem:s19], [sflag:$0x1], $0x1, s30, s26, $0xb8;
	[tilespmem:$0x1E480] =	vst v63  }
0x43a: {  	s24 =	sld [smem:$0x7D5]  }
0x43b: {  	[spmem:s8] =	stream.indirect.scatter.add.f32 [tilespmem:s22], [sflag:$0x1], $0x1, s30, s26, $0xb8;
	[tilespmem:$0x1E480] =	vst v63  }
0x43c: {  	s19 =	sld [smem:$0x7D6]  }
0x43d: {  	[spmem:s9] =	stream.indirect.scatter.add.f32 [tilespmem:s24], [sflag:$0x1], $0x1, s30, s26, $0xb8;
	[tilespmem:$0x1E480] =	vst v63  }
0x43e: {  	s22 =	sld [smem:$0x7D7]  }
0x43f: {  	[spmem:s10] =	stream.indirect.scatter.add.f32 [tilespmem:s19], [sflag:$0x1], $0x1, s30, s26, $0xb8;
	[tilespmem:$0x1E480] =	vst v63  }
0x440: {  	s24 =	sld [smem:$0x7D8]  }
0x441: {  	[spmem:s11] =	stream.indirect.scatter.add.f32 [tilespmem:s22], [sflag:$0x1], $0x1, s30, s26, $0xb8;
	[tilespmem:$0x1E480] =	vst v63  }
0x442: {  	s19 =	sld [smem:$0x7DA]  }
0x443: {  	[spmem:s12] =	stream.indirect.scatter.add.f32 [tilespmem:s24], [sflag:$0x1], $0x1, s30, s26, $0xb8;
	[tilespmem:$0x1E480] =	vst v63  }
0x444: {  	s22 =	sld [smem:$0x7DB]  }
0x445: {  	[spmem:s15] =	stream.indirect.scatter.add.f32 [tilespmem:s19], [sflag:$0x1], $0x1, s30, s26, $0xb8;
	[tilespmem:$0x1E480] =	vst v63  }
0x446: {  	s24 =	sld [smem:$0x7DD]  }
0x447: {  	[spmem:s17] =	stream.indirect.scatter.add.f32 [tilespmem:s22], [sflag:$0x1], $0x1, s30, s26, $0xb8;
	[tilespmem:$0x1E480] =	vst v63  }
0x448: {  	_ = 	snop  }
0x449: {  	[spmem:s18] =	stream.indirect.scatter.add.f32 [tilespmem:s24], [sflag:$0x1], $0x1, s30, s26, $0xb8;
	[tilespmem:$0x1E480] =	vst v63  }
0x44a: {  	_ =	swait.ge [sflag:s25], $0x4000  }
0x44b: {  	[sflag:s25] =	ssyncset.done $0x0  }
0x44c: {  	[sflag:s25] =	ssyncadd.s32 $0xFFFFC000  }
0x44d: {  	[bflag:$0x0] =	sbarrier.arrive $0xFFFF  }
0x44e: {  	s21 =	sld [smem:$0x7D9]  }
0x44f: {  	s19 =	stileid.u32;
	s24 =	sld [smem:$0x7E6]  }
0x450: {  	s20 =	sshll.u32 s19, $0x6  }
0x451: {  	s19 =	simm.s32 $0x10;
	s20 =	sor.u32 $0x1C02, s20;
	s22 =	sshrl.u32 s21, $0x3  }
0x452: {  	[hbm:s24@s26], [sflag:s20] =	dma.strided [spmem:s22@s19], $0x310, s25, $0x10   }
0x453: {  	_ =	swait.ge [sflag:s23], $0x310  }
0x454: {  	s25 =	sld [smem:$0x7DC]  }
0x455: {  	s22 =	sld [smem:$0x7E7]  }
0x456: {  	[sflag:s23] =	ssyncset.done $0x0  }
0x457: {  	s24 =	simm.s32 $0x1;
	[sflag:s23] =	ssyncadd.s32 $0xFFFFFCF0;
	s21 =	sshrl.u32 s25, $0x3  }
0x458: {  	[hbm:s22@s26], [sflag:s20] =	dma.strided [spmem:s21@s19], $0x310, s24, $0x10   }
0x459: {  	_ =	swait.ge [sflag:s23], $0x310  }
0x45a: {  	s24 =	sld [smem:$0x7DE];
	_ =	sdelay $0x2  }
0x45b: {  	s21 =	sshrl.u32 s24, $0x3;
	s24 =	sld [smem:$0x7E9]  }
0x45c: {  	[sflag:s23] =	ssyncset.done $0x0  }
0x45d: {  	s25 =	simm.s32 $0x1;
	[sflag:s23] =	ssyncadd.s32 $0xFFFFFCF0  }
0x45e: {  	[hbm:s24@s26], [sflag:s20] =	dma.strided [spmem:s21@s19], $0x310, s25, $0x10   }
0x45f: {  	_ =	swait.ge [sflag:s23], $0x310  }
0x460: {  	s25 =	sld [smem:$0x7DF]  }
0x461: {  	s22 =	sld [smem:$0x7EA]  }
0x462: {  	[sflag:s23] =	ssyncset.done $0x0  }
0x463: {  	[sflag:s23] =	ssyncadd.s32 $0xFFFFFCF0;
	s21 =	sshrl.u32 s25, $0x3;
	s25 =	simm.s32 $0x1  }
0x464: {  	[hbm:s22@s26], [sflag:s20] =	dma.strided [spmem:s21@s19], $0x310, s25, $0x10   }
0x465: {  	_ =	swait.ge [sflag:s23], $0x310  }
0x466: {  	s25 =	sld [smem:$0x7E0]  }
0x467: {  	s22 =	sld [smem:$0x7EC]  }
0x468: {  	[sflag:s23] =	ssyncset.done $0x0  }
0x469: {  	[sflag:s23] =	ssyncadd.s32 $0xFFFFFCF0;
	s21 =	sshrl.u32 s25, $0x3;
	s25 =	simm.s32 $0x1  }
0x46a: {  	[hbm:s22@s26], [sflag:s20] =	dma.strided [spmem:s21@s19], $0x310, s25, $0x10   }
0x46b: {  	_ =	swait.ge [sflag:s23], $0x310  }
0x46c: {  	s25 =	sld [smem:$0x7E1]  }
0x46d: {  	s22 =	sld [smem:$0x7ED]  }
0x46e: {  	[sflag:s23] =	ssyncset.done $0x0  }
0x46f: {  	[sflag:s23] =	ssyncadd.s32 $0xFFFFFCF0;
	s21 =	sshrl.u32 s25, $0x3;
	s25 =	simm.s32 $0x1  }
0x470: {  	[hbm:s22@s26], [sflag:s20] =	dma.strided [spmem:s21@s19], $0x310, s25, $0x10   }
0x471: {  	_ =	swait.ge [sflag:s23], $0x310  }
0x472: {  	s25 =	sld [smem:$0x7E2]  }
0x473: {  	s22 =	sld [smem:$0x7EF]  }
0x474: {  	[sflag:s23] =	ssyncset.done $0x0  }
0x475: {  	[sflag:s23] =	ssyncadd.s32 $0xFFFFFCF0;
	s21 =	sshrl.u32 s25, $0x3;
	s25 =	simm.s32 $0x1  }
0x476: {  	[hbm:s22@s26], [sflag:s20] =	dma.strided [spmem:s21@s19], $0x310, s25, $0x10   }
0x477: {  	_ =	swait.ge [sflag:s23], $0x310  }
0x478: {  	s25 =	sld [smem:$0x7E3]  }
0x479: {  	s22 =	sld [smem:$0x7F0]  }
0x47a: {  	[sflag:s23] =	ssyncset.done $0x0  }
0x47b: {  	[sflag:s23] =	ssyncadd.s32 $0xFFFFFCF0;
	s21 =	sshrl.u32 s25, $0x3;
	s25 =	simm.s32 $0x1  }
0x47c: {  	[hbm:s22@s26], [sflag:s20] =	dma.strided [spmem:s21@s19], $0x310, s25, $0x10   }
0x47d: {  	_ =	swait.ge [sflag:s23], $0x310  }
0x47e: {  	s25 =	sld [smem:$0x7E4]  }
0x47f: {  	s22 =	sld [smem:$0x7F2]  }
0x480: {  	[sflag:s23] =	ssyncset.done $0x0  }
0x481: {  	[sflag:s23] =	ssyncadd.s32 $0xFFFFFCF0;
	s21 =	sshrl.u32 s25, $0x3;
	s25 =	simm.s32 $0x1  }
0x482: {  	[hbm:s22@s26], [sflag:s20] =	dma.strided [spmem:s21@s19], $0x310, s25, $0x10   }
0x483: {  	_ =	swait.ge [sflag:s23], $0x310  }
0x484: {  	s25 =	sld [smem:$0x7E5]  }
0x485: {  	s22 =	sld [smem:$0x7F3]  }
0x486: {  	[sflag:s23] =	ssyncset.done $0x0  }
0x487: {  	[sflag:s23] =	ssyncadd.s32 $0xFFFFFCF0;
	s21 =	sshrl.u32 s25, $0x3;
	s25 =	simm.s32 $0x1  }
0x488: {  	[hbm:s22@s26], [sflag:s20] =	dma.strided [spmem:s21@s19], $0x310, s25, $0x10   }
0x489: {  	_ =	swait.ge [sflag:s23], $0x310  }
0x48a: {  	s25 =	sld [smem:$0x7E8]  }
0x48b: {  	s22 =	sld [smem:$0x7F5]  }
0x48c: {  	[sflag:s23] =	ssyncset.done $0x0  }
0x48d: {  	[sflag:s23] =	ssyncadd.s32 $0xFFFFFCF0;
	s21 =	sshrl.u32 s25, $0x3;
	s25 =	simm.s32 $0x1  }
0x48e: {  	[hbm:s22@s26], [sflag:s20] =	dma.strided [spmem:s21@s19], $0x310, s25, $0x10   }
0x48f: {  	_ =	swait.ge [sflag:s23], $0x310  }
0x490: {  	s22 =	sld [smem:$0x7EB]  }
0x491: {  	s24 =	sld [smem:$0x7F6]  }
0x492: {  	[sflag:s23] =	ssyncset.done $0x0  }
0x493: {  	s25 =	simm.s32 $0x1;
	[sflag:s23] =	ssyncadd.s32 $0xFFFFFCF0;
	s21 =	sshrl.u32 s22, $0x3  }
0x494: {  	[hbm:s24@s26], [sflag:s20] =	dma.strided [spmem:s21@s19], $0x310, s25, $0x10   }
0x495: {  	_ =	swait.ge [sflag:s23], $0x310  }
0x496: {  	s22 =	sld [smem:$0x7EE]  }
0x497: {  	s24 =	sld [smem:$0x7F7]  }
0x498: {  	[sflag:s23] =	ssyncset.done $0x0  }
0x499: {  	s25 =	simm.s32 $0x1;
	[sflag:s23] =	ssyncadd.s32 $0xFFFFFCF0;
	s21 =	sshrl.u32 s22, $0x3  }
0x49a: {  	[hbm:s24@s26], [sflag:s20] =	dma.strided [spmem:s21@s19], $0x310, s25, $0x10   }
0x49b: {  	_ =	swait.ge [sflag:s23], $0x310  }
0x49c: {  	s22 =	sld [smem:$0x7F1]  }
0x49d: {  	s24 =	sld [smem:$0x7F8]  }
0x49e: {  	[sflag:s23] =	ssyncset.done $0x0  }
0x49f: {  	s25 =	simm.s32 $0x1;
	[sflag:s23] =	ssyncadd.s32 $0xFFFFFCF0;
	s21 =	sshrl.u32 s22, $0x3  }
0x4a0: {  	[hbm:s24@s26], [sflag:s20] =	dma.strided [spmem:s21@s19], $0x310, s25, $0x10   }
0x4a1: {  	_ =	swait.ge [sflag:s23], $0x310  }
0x4a2: {  	s22 =	sld [smem:$0x7F4]  }
0x4a3: {  	s24 =	sld [smem:$0x7F9]  }
0x4a4: {  	[sflag:s23] =	ssyncset.done $0x0  }
0x4a5: {  	s25 =	simm.s32 $0x1;
	[sflag:s23] =	ssyncadd.s32 $0xFFFFFCF0;
	s21 =	sshrl.u32 s22, $0x3  }
0x4a6: {  	[hbm:s24@s26], [sflag:s20] =	dma.strided [spmem:s21@s19], $0x310, s25, $0x10   }
0x4a7: {  	_ =	swait.ge [sflag:s23], $0x310  }
0x4a8: {  	s22 =	sld [smem:$0x7FD]  }
0x4a9: {  	s25 =	sld [smem:$0x7FA]  }
0x4aa: {  	[sflag:s23] =	ssyncset.done $0x0  }
0x4ab: {  	s24 =	simm.s32 $0x1;
	[sflag:s23] =	ssyncadd.s32 $0xFFFFFCF0;
	s21 =	sshrl.u32 s22, $0x3  }
0x4ac: {  	[hbm:s25@s26], [sflag:s20] =	dma.strided [spmem:s21@s19], $0x310, s24, $0x10   }
0x4ad: {  	_ =	swait.ge [sflag:s23], $0x310  }
0x4ae: {  	s21 =	sld [smem:$0x76C]  }
0x4af: {  	s24 =	sld [smem:$0x7FB];
	_ =	sdelay $0x1  }
0x4b0: {  	s19 =	sadd.s32 $0x1, s21  }
0x4b1: {  	p0 =	sne.s32 s19, s24  }
.Ltmp2:
0x4b2: {  	_ = 	snop;
	(pc) =	sbr.rel @p0 .LBB3_1-.Ltmp2, $3  }
0x4b3: {  	_ =	sdelay $0x1  }
0x4b4: {  	[sflag:s23] =	ssyncset.done $0x0  }
0x4b5: {  	s25 =	simm.s32 $0x1;
	[sflag:s23] =	ssyncadd.s32 $0xFFFFFCF0  }
0x4b6: {  	_ =	sfence.sel $0x180000  }
0x4b7: {  	[bflag:$0x0] =	sbarrier.arrive $0xFFFF  }
0x4b8: {  	_ =	strace $0x9000004A  }
0x4b9: {  	s0 =	stileid.u32;
	[bflag:$0x2] =	sbarrier.arrive $0xFFFF  }
0x4ba: {  	p0 =	sne.s32 s0, $0x0;
	s0 =	sld [smem:$0x76D];
	_ =	sdelay $0x2  }
0x4bb: {  	s0 =	sadd.s32 @!p0 $0x100000, s0  }
0x4bc: {  	[sflag:s0] =	ssyncadd.tile.s32 @!p0 $0x1;
	_ =	shalt  }
.Lfunc_end3:
_tile_overlayer_lowered:
.L_overlay_start_3:
0x4bd: {  	(tag) =	ssettag $0x3  }
0x4be: {  	s0 =	rddreg [dreg:$0x0];
	s2 =	stileid.u32  }
0x4bf: {  	s1 =	rddreg [dreg:$0x1];
	p0 =	sne.s32 s2, $0x0  }
0x4c0: {  	s3 =	rddreg [dreg:$0x2];
	[bflag:$0x3] =	sbarrier.arrive $0xFFFF;
	s2 =	simm.s32 @!p0 $0x1C02  }
0x4c1: {  	[timem:s3], [sflag:s2] =	dma.local @!p0 [hbm:s0], s1  }
0x4c2: {  	s0 =	simm.s32 @!p0 $0x2  }
0x4c3: {  	_ =	swait.ge @!p0 [sflag:s0], s1  }
0x4c4: {  	s1 =	ssub.s32 @!p0 $0x0, s1;
	[sflag:s0] =	ssyncset.done @!p0 $0x0  }
0x4c5: {  	[sflag:s0] =	ssyncadd.s32 @!p0 s1  }
0x4c6: {  	[bflag:$0x3] =	sbarrier.arrive $0xFFFF  }
0x4c7: {  	_ =	shalt  }

// kernel: kernel.14.cloned.1.call-start
scs
__scs_entry_jumppad:
0x0: {  	(pc) =	sbr.rel $0x88, $3  }
0x1: {  	(tag) =	ssettag $0x0;
	lr =	simm.s32 $0x1  }
0x2: {  	[smem:$0x3F91] =	sst lr;
	_ =	strace $0xD0000000  }
0x3: {  	_ = 	snop  }
0x4: {  	_ = 	snop  }
0x5: {  	_ = 	snop  }
0x6: {  	_ = 	snop  }
0x7: {  	_ = 	snop  }
__scs_overlays_trampoline_lowered:
0x8: {  	[smem:$0x3FA0] =	sst s0  }
0x9: {  	[smem:$0x3FA1] =	sst s1  }
0xa: {  	[smem:$0x3FA2] =	sst s2  }
0xb: {  	[smem:$0x3FA3] =	sst s3  }
0xc: {  	[smem:$0x3FA4] =	sst s4  }
0xd: {  	[smem:$0x3FA5] =	sst s5  }
0xe: {  	[smem:$0x3FA6] =	sst s6  }
0xf: {  	[smem:$0x3FA7] =	sst s7  }
0x10: {  	[smem:$0x3FA8] =	sst s8  }
0x11: {  	[smem:$0x3FA9] =	sst s9;
	s0 =	simm.s32 @!p0 $0x0  }
0x12: {  	s1 =	sld [smem:$0x3F8F];
	s0 =	simm.s32 @p0 $0x1  }
0x13: {  	[smem:$0x3FAA] =	sst s0;
	s0 =	simm.s32 @!p1 $0x0  }
0x14: {  	s2 =	sld [smem:$0x3F8E];
	s0 =	simm.s32 @p1 $0x1  }
0x15: {  	[smem:$0x3FAB] =	sst s0;
	s0 =	simm.s32 @!p2 $0x0  }
0x16: {  	s3 =	sld [smem:$0x3FDB];
	s0 =	simm.s32 @p2 $0x1  }
0x17: {  	s4 =	simm.s32 $0x1BF5;
	[smem:$0x3FAD] =	sst s0  }
0x18: {  	s0 =	sld [smem:$0x3F90];
	_ =	swait.ge [sflag:s4], $0x0  }
0x19: {  	s7 =	sld [smem:$0x3F91]  }
0x1a: {  	s8 =	sadd.s32 $0xFFFFE003, lr  }
0x1b: {  	s9 =	sadd.s32 $0xFFFFFEF7, lr;
	s5 =	simm.s32 $0xFFFFFFFF;
	p2 =	slt.u32 s8, $0xFFFFF086  }
0x1c: {  	p1 =	slt.u32 s9, $0xF7A;
	s5 =	simm.s32 @!p2 $0x0  }
0x1d: {  	s5 =	simm.s32 @p1 $0x1;
	p0 =	seq.s32 s7, s2  }
0x1e: {  	s7 =	smul.u32 @!p0 $0xF7A, s2;
	p2 =	seq.s32 @!p0 s5, $0x0  }
0x1f: {  	s9 =	smul.u32 $0xF7A, s1;
	s8 =	simm.s32 @!p0 $0x1BF5;
	p2 =	por !p2, p0  }
0x20: {  	[sflag:s8] =	ssyncset.s32 @!p0 $0xFFFFF086;
	s6 =	sadd.s32 @!p0 s3, s7;
	s7 =	simm.s32 @!p0 $0x108  }
0x21: {  	s3 =	sadd.s32 s3, s9;
	s6 =	sadd.s32 @!p0 $0x88, s6;
	s7 =	simm.s32 @p2 $0x1082  }
0x22: {  	[simem:s7], [sflag:s8] =	dma.local @!p0 [hbm:s6], $0xF7A  }
0x23: {  	s9 =	sor.u32 $0xD0000000, s2;
	s6 =	simm.s32 $0x108;
	_ =	swait.ge @!p0 [sflag:s8], $0x0  }
0x24: {  	s3 =	sadd.s32 $0x88, s3;
	s6 =	simm.s32 @!p1 $0x1082;
	[sflag:s4] =	ssyncset.s32 $0xFFFFF086  }
0x25: {  	[simem:s6], [sflag:s4] =	dma.local [hbm:s3], $0xF7A  }
0x26: {  	[smem:$0x3F91] =	sst s1;
	(tag) =	ssettag s2;
	_ =	strace s9  }
0x27: {  	s1 =	sld [smem:$0x3FA1]  }
0x28: {  	s2 =	sld [smem:$0x3FA2]  }
0x29: {  	s4 =	sld [smem:$0x3FA4]  }
0x2a: {  	p0 =	seq.s32 s5, $0x0;
	s5 =	sld [smem:$0x3FA5]  }
0x2b: {  	s6 =	sld [smem:$0x3FA6]  }
0x2c: {  	s7 =	sld [smem:$0x3FA7]  }
0x2d: {  	s3 =	simm.s32 $0x108;
	s8 =	sld [smem:$0x3FA8]  }
0x2e: {  	s3 =	simm.s32 @!p0 $0x1082;
	s9 =	sld [smem:$0x3FA9]  }
0x2f: {  	lr =	sadd.s32 s0, s3;
	s0 =	sld [smem:$0x3FA0]  }
0x30: {  	s3 =	sld [smem:$0x3FA3]  }
0x31: {  	[smem:$0x3FAC] =	sst s10  }
0x32: {  	s10 =	sld [smem:$0x3FAA];
	_ =	sdelay $0x3  }
0x33: {  	p0 =	seq.s32 s10, $0x1;
	s10 =	sld [smem:$0x3FAC];
	_ =	sdelay $0x3  }
0x34: {  	[smem:$0x3FAC] =	sst s10  }
0x35: {  	s10 =	sld [smem:$0x3FAB];
	_ =	sdelay $0x3  }
0x36: {  	p1 =	seq.s32 s10, $0x1;
	s10 =	sld [smem:$0x3FAC];
	_ =	sdelay $0x3  }
0x37: {  	[smem:$0x3FAC] =	sst s10  }
0x38: {  	s10 =	sld [smem:$0x3FAD]  }
0x39: {  	_ = 	snop;
	(pc) =	sbr.ind lr, $3  }
0x3a: {  	_ = 	snop  }
0x3b: {  	_ = 	snop  }
0x3c: {  	p2 =	seq.s32 s10, $0x1;
	s10 =	sld [smem:$0x3FAC]  }
0x3d: {  	_ =	shalt  }
0x3e: {  	_ =	shalt  }
0x3f: {  	_ =	shalt  }
0x40: {  	_ =	shalt  }
0x41: {  	_ =	shalt  }
0x42: {  	_ =	shalt  }
0x43: {  	_ =	shalt  }
0x44: {  	_ =	shalt  }
0x45: {  	_ =	shalt  }
0x46: {  	_ =	shalt  }
0x47: {  	_ =	shalt  }
0x48: {  	_ =	shalt  }
0x49: {  	_ =	shalt  }
0x4a: {  	_ =	shalt  }
0x4b: {  	_ =	shalt  }
0x4c: {  	_ =	shalt  }
0x4d: {  	_ =	shalt  }
0x4e: {  	_ =	shalt  }
0x4f: {  	_ =	shalt  }
0x50: {  	_ =	shalt  }
0x51: {  	_ =	shalt  }
0x52: {  	_ =	shalt  }
0x53: {  	_ =	shalt  }
0x54: {  	_ =	shalt  }
0x55: {  	_ =	shalt  }
0x56: {  	_ =	shalt  }
0x57: {  	_ =	shalt  }
0x58: {  	_ =	shalt  }
0x59: {  	_ =	shalt  }
0x5a: {  	_ =	shalt  }
0x5b: {  	_ =	shalt  }
0x5c: {  	_ =	shalt  }
0x5d: {  	_ =	shalt  }
0x5e: {  	_ =	shalt  }
0x5f: {  	_ =	shalt  }
0x60: {  	_ =	shalt  }
0x61: {  	_ =	shalt  }
0x62: {  	_ =	shalt  }
0x63: {  	_ =	shalt  }
0x64: {  	_ =	shalt  }
0x65: {  	_ =	shalt  }
0x66: {  	_ =	shalt  }
0x67: {  	_ =	shalt  }
0x68: {  	_ =	shalt  }
0x69: {  	_ =	shalt  }
0x6a: {  	_ =	shalt  }
0x6b: {  	_ =	shalt  }
0x6c: {  	_ =	shalt  }
0x6d: {  	_ =	shalt  }
0x6e: {  	_ =	shalt  }
0x6f: {  	_ =	shalt  }
0x70: {  	_ =	shalt  }
0x71: {  	_ =	shalt  }
0x72: {  	_ =	shalt  }
0x73: {  	_ =	shalt  }
0x74: {  	_ =	shalt  }
0x75: {  	_ =	shalt  }
0x76: {  	_ =	shalt  }
0x77: {  	_ =	shalt  }
0x78: {  	_ =	shalt  }
0x79: {  	_ =	shalt  }
0x7a: {  	_ =	shalt  }
0x7b: {  	_ =	shalt  }
0x7c: {  	_ =	shalt  }
0x7d: {  	_ =	shalt  }
0x7e: {  	_ =	shalt  }
0x7f: {  	_ =	shalt  }
0x80: {  	_ =	shalt  }
0x81: {  	_ =	shalt  }
0x82: {  	_ =	shalt  }
0x83: {  	_ =	shalt  }
0x84: {  	_ =	shalt  }
0x85: {  	_ =	shalt  }
0x86: {  	_ =	shalt  }
0x87: {  	_ =	shalt  }
.Lfunc_end0:
.L_simem_size_0:
called_computation.2_lowered:
.L_overlay_start_0:
0x88: {  	s2 =	sld [smem:$0x3FD9]  }
0x89: {  	s3 =	sld [smem:$0x3FFE];
	_ =	sdelay $0x1  }
0x8a: {  	s1 =	srdreg.scid  }
0x8b: {  	s0 =	sand.u32 $0x1, s1  }
0x8c: {  	s16 =	sshll.u32 s0, $0xA;
	s2 =	sadd.s32 s3, s2  }
0x8d: {  	s2 =	sadd.s32 s2, s16  }
0x8e: {  	[smem:$0x3FB8] =	sst s2  }
0x8f: {  	_ = 	snop  }
0x90: {  	(tm) =	ssettm $0x1  }
0x91: {  	s17 =	sld [smem:$0x3FFB];
	_ =	sdelay $0x3  }
0x92: {  	_ =	strace s17  }
0x93: {  	s2 =	sld [smem:$0x3FFC];
	_ =	sdelay $0x3  }
0x94: {  	_ =	strace s2  }
0x95: {  	s2 =	sld [smem:$0x3FFD];
	_ =	sdelay $0x3  }
0x96: {  	_ =	strace s2  }
0x97: {  	_ =	strace $0x8FFFFFFF  }
0x98: {  	s18 =	sld [smem:$0x3FDB];
	_ =	sdelay $0x1  }
0x99: {  	s19 =	simm.s32 $_scs_section_size  }
0x9a: {  	s4 =	simm.s32 $_size__tile_overlayer_lowered;
	s5 =	simm.s32 $_tile_overlayer_lowered  }
0x9b: {  	s22 =	simm.s32 $0x1BFF;
	s21 =	sshll.u32 s5, $0x1;
	s2 =	sadd.s32 s19, s18  }
0x9c: {  	s6 =	simm.s32 $0x0;
	s20 =	sshll.u32 s4, $0x1;
	s4 =	sadd.s32 s21, s2  }
0x9d: {  	[timem:s6], [sflag:s22] =	dma.local [hbm:s4], s20  }
0x9e: {  	_ =	swait.ge [sflag:s22], s20  }
0x9f: {  	s3 =	ssub.s32 $0x0, s20;
	[sflag:s22] =	ssyncset.done $0x0  }
0xa0: {  	[sflag:s22] =	ssyncadd.s32 s3;
	_ =	sdelay $0x1  }
0xa1: {  	s23 =	simm.s32 $0x1B8B  }
0xa2: {  	_ =	swait.ge [sflag:s23], $0x1  }
0xa3: {  	[sflag:s23] =	ssyncset.done $0x0  }
0xa4: {  	s25 =	simm.s32 $0x1B8E;
	s24 =	sld [smem:$0x3FFE];
	[sflag:s23] =	ssyncadd.s32 $0xFFFFFFFF  }
0xa5: {  	s26 =	simm.s32 $execute0_lowered;
	[smem:$0x3FD2] =	sst s25  }
0xa6: {  	s4 =	sshll.u32 s26, $0x1;
	_ =	strace $0x8000004C;
	[dreg:$0x1] =	wrdreg $0xFFFFFFFF  }
0xa7: {  	s28 =	simm.s32 $_size_execute0_lowered;
	s2 =	sadd.s32 s2, s4;
	[dreg:$0x0] =	wrdreg $0x0  }
0xa8: {  	s4 =	sshll.u32 s28, $0x1;
	[dreg:$0x2] =	wrdreg s2  }
0xa9: {  	[dreg:$0x3] =	wrdreg s4  }
0xaa: {  	[dreg:$0x4] =	wrdreg $0xC0  }
0xab: {  	_ =	task [dreg:s6], $0x5FFFF  }
0xac: {  	[dreg:$0x1] =	wrdreg $0xFFFFFFFF  }
0xad: {  	[dreg:$0x0] =	wrdreg $0x60  }
0xae: {  	[dreg:$0x2] =	wrdreg s24  }
0xaf: {  	[dreg:$0x3] =	wrdreg $0x81000  }
0xb0: {  	[dreg:$0x4] =	wrdreg $0x68800  }
0xb1: {  	[dreg:$0x5] =	wrdreg $0x9  }
0xb2: {  	_ =	task.clear_ibuf [dreg:s6], $0x6FFFF;
	_ =	strace $0x9000004C  }
0xb3: {  	s29 =	simm.s32 $0x9;
	_ =	strace $0x8000004E  }
0xb4: {  	_ =	swait.ge [sflag:s29], $0x1  }
0xb5: {  	[sflag:s29] =	ssyncadd.s32 $0xFFFFFFFF  }
0xb6: {  	_ =	strace $0x9000004E  }
0xb7: {  	_ =	sfence  }
0xb8: {  	s30 =	sld [smem:$0x0];
	_ =	sdelay $0x2  }
0xb9: {  	s31 =	sshll.u32 s1, $0xD;
	s1 =	sshrl.u32 s1, $0x2  }
0xba: {  	s3 =	sand.u32 $0x4000, s31;
	s1 =	sadd.s32 s1, s30  }
0xbb: {  	s0 =	sor.u32 s3, s0;
	s1 =	sshll.u32 s1, $0x11  }
0xbc: {  	s0 =	sor.u32 s1, s0  }
0xbd: {  	s0 =	sadd.s32 $0x8F2B, s0  }
0xbe: {  	[sflag:s0] =	ssyncadd.remote.s32 $0x1  }
0xbf: {  	_ =	sfence.sel $0xFFFF  }
0xc0: {  	[dreg:$0x0] =	wrdreg $0xFFFFFFFF;
	(pc) =	sbr.abs _section_cstart, $3  }
0xc1: {  	[dreg:$0x1] =	wrdreg $0xFFFFFFFF  }
0xc2: {  	_ =	task.clear_ibuf [dreg:s6], $0x2FFFF;
	_ =	strace $0x9FFFFFFF  }
0xc3: {  	(tm) =	ssettm $0x7FFFFFFF  }
tec
execute0_lowered:
.L_overlay_start_1:
0x0: {  	(tag) =	ssettag $0x1  }
0x1: {  	s8 =	rddreg [dreg:$0x0]  }
0x2: {  	s2 =	rddreg [dreg:$0x1]  }
0x3: {  	s3 =	rddreg [dreg:$0x2]  }
0x4: {  	s0 =	rddreg [dreg:$0x3]  }
0x5: {  	s1 =	stileid.u32;
	s4 =	simm.s32 $0x0;
	s5 =	srdreg.scid  }
0x6: {  	s17 =	simm.s32 $0x1400;
	s18 =	simm.s32 $0x2800;
	s19 =	simm.s32 $0x80  }
0x7: {  	s20 =	simm.s32 $0x1;
	s9 =	smul.u32 $0x1880, s1;
	[smem:$0x7FF] =	sst s4  }
0x8: {  	s10 =	sand.u32 $0x1, s5;
	s5 =	sadd.s32 $0x2B7A00, s8;
	s6 =	sadd.s32 $0x285A00, s8  }
0x9: {  	s7 =	sadd.s32 $0x253A00, s8;
	s15 =	sshll.u32 s1, $0x6;
	_ =	strace $0x8000004D  }
0xa: {  	s11 =	smul.u32 $0x18800, s10;
	s13 =	ssub.s32 $0x2, s10;
	s10 =	sshll.u32 s10, $0x4  }
0xb: {  	s15 =	sor.u32 $0x1C02, s15;
	s31 =	sshrl.u32 s9, $0x3;
	s14 =	sshrl.u32 s13, $0x1  }
0xc: {  	s10 =	sor.u32 s1, s10;
	s16 =	sadd.s32 s9, s3;
	s12 =	sadd.s32 s31, s8  }
0xd: {  	s11 =	sadd.s32 s9, s11;
	s13 =	ssub.s32 s13, s14;
	s10 =	smul.u32 $0x190, s10  }
0xe: {  	s14 =	simm.s32 $0x2;
	s16 =	sshrl.u32 s16, $0x3;
	s11 =	sshrl.u32 s11, $0x3  }
0xf: {  	s11 =	sadd.s32 s11, s8;
	s8 =	sadd.s32 s9, s2;
	s9 =	sadd.s32 $0x4200, s12  }
0x10: {  	v0 =	vimm.f32 $0.0e+00;
	s12 =	smax.u32 s13, $0x1;
	s13 =	simm.s32 $0x5000;
	s11 =	sadd.s32 $0x7400, s11  }
.LBB2_1:
0x11: {  	s21 =	simm.s32 $0x40;
	s22 =	simm.s32 $0x0  }
.LBB2_2:
0x12: {  	p0 =	sne.s32 s21, $0x61C0;
	[tilespmem:s22+$0x5000] =	vst v0;
	s22 =	smov.u32 s21;
	s21 =	sadd.s32 $0x40, s21  }
.Ltmp0:
0x13: {  	(pc) =	sbr.rel @p0 .LBB2_2-.Ltmp0, $2  }
0x14: {  	_ =	sdelay $0x2  }
0x15: {  	s22 =	sshra.s32 s22, $0x2  }
0x16: {  	[tilespmem:s22+$0x5000] =	vst v0  }
0x17: {  	[spmem:s8] =	stream.linear.scatter [tilespmem:s13], [sflag:$0x2], $0x1880, $0x38;
	[tilespmem:$0x9980] =	vst v63  }
0x18: {  	_ =	swait.ge [sflag:s14], $0x1880  }
0x19: {  	[sflag:s14] =	ssyncset.done $0x0  }
0x1a: {  	[sflag:s14] =	ssyncadd.s32 $0xFFFFE780  }
0x1b: {  	[spmem:s16], [sflag:s15] =	dma.local [hbm:s9], $0x310  }
0x1c: {  	_ =	swait.ge [sflag:s14], $0x310  }
0x1d: {  	[sflag:s14] =	ssyncset.done $0x0  }
0x1e: {  	[sflag:s14] =	ssyncadd.s32 $0xFFFFFCF0  }
0x1f: {  	s21 =	simm.s32 $0x0;
	s22 =	simm.s32 $0x0;
	[bflag:$0x0] =	sbarrier.arrive $0xFFFF  }
.LBB2_4:
0x20: {  	s23 =	smul.u32 $0x28, s22;
	_ =	sdelay $0x1  }
0x21: {  	s23 =	sadd.s32 s10, s23  }
0x22: {  	s23 =	sshll.u32 s23, $0x4  }
0x23: {  	s24 =	sadd.s32 s5, s23  }
0x24: {  	[tilespmem:s21], [sflag:$0x2] =	stream.linear.gather [hbm4b:s24+s21], $0x1400, $0x38;
	[tilespmem:$0x9980] =	vst v63  }
0x25: {  	_ =	swait.ge [sflag:s14], $0x1400  }
0x26: {  	[sflag:s14] =	ssyncset.done $0x0  }
0x27: {  	s31 =	sadd.s32 s6, s23;
	[sflag:s14] =	ssyncadd.s32 $0xFFFFEC00  }
0x28: {  	[tilespmem:s17], [sflag:$0x2] =	stream.linear.gather [hbm4b:s31+s21], $0x1400, $0x38;
	[tilespmem:$0x9980] =	vst v63  }
0x29: {  	_ =	swait.ge [sflag:s14], $0x1400  }
0x2a: {  	[sflag:s14] =	ssyncset.done $0x0  }
0x2b: {  	s23 =	sadd.s32 s7, s23;
	[sflag:s14] =	ssyncadd.s32 $0xFFFFEC00  }
0x2c: {  	[tilespmem:s18], [sflag:$0x2] =	stream.linear.gather [hbm4b:s23+s21], $0x1400, $0x38;
	[tilespmem:$0x9980] =	vst v63  }
0x2d: {  	_ =	swait.ge [sflag:s14], $0x1400  }
0x2e: {  	s25 =	simm.s32 $0x3C00;
	[sflag:s14] =	ssyncset.done $0x0  }
0x2f: {  	s24 =	simm.s32 $0x0;
	s23 =	simm.s32 $0x200;
	[sflag:s14] =	ssyncadd.s32 $0xFFFFEC00  }
.LBB2_5:
0x30: {  	[tilespmem:s25], [sflag:$0x1] =	stream.indirect.gather [spmem:s3], $0x1, s24, s19, $0xb8;
	[tilespmem:$0x9980] =	vst v63  }
0x31: {  	s24 =	smov.u32 s23;
	p0 =	sne.s32 s23, $0x4E00  }
.Ltmp1:
0x32: {  	s23 =	sadd.s32 $0x200, s23;
	(pc) =	sbr.rel @p0 .LBB2_5-.Ltmp1, $3  }
0x33: {  	_ =	sdelay $0x1  }
0x34: {  	s24 =	sshra.s32 s24, $0x2  }
0x35: {  	s25 =	sadd.s32 $0x3C00, s24  }
0x36: {  	[tilespmem:s25], [sflag:$0x1] =	stream.indirect.gather [spmem:s3], $0x1, s24, s19, $0xb8;
	[tilespmem:$0x9980] =	vst v63  }
0x37: {  	_ =	swait.ge [sflag:s20], $0x1400  }
0x38: {  	[sflag:s20] =	ssyncset.done $0x0  }
0x39: {  	s23 =	simm.s32 $0x0;
	[sflag:s20] =	ssyncadd.s32 $0xFFFFEC00  }
0x3a: {  	s24 =	simm.s32 $0x40;
	v1 =	vld [tilespmem:s23+$0x2800]  }
.LBB2_7:
0x3b: {  	p0 =	sne.s32 s24, $0x4FC0;
	v2 =	vld [tilespmem:s23+$0x3C00];
	_ =	sdelay $0x2  }
.Ltmp2:
0x3c: {  	(pc) =	sbr.rel @p0 .LBB2_7-.Ltmp2, $4  }
0x3d: {  	_ = 	snop  }
0x3e: {  	v2 =	vmul.f32 v1, v2  }
0x3f: {  	s25 =	sshra.s32 s24, $0x2  }
0x40: {  	s24 =	sadd.s32 $0x40, s24;
	v1 =	vld [tilespmem:s25+$0x2800];
	[tilespmem:s23+$0x3C00] =	vst v2;
	s23 =	smov.u32 s25  }
0x41: {  	v2 =	vld [tilespmem:s23+$0x3C00];
	_ =	sdelay $0x4  }
0x42: {  	v1 =	vmul.f32 v1, v2;
	_ =	sdelay $0x1  }
0x43: {  	s24 =	simm.s32 $0x3C00;
	s25 =	simm.s32 $0x1400;
	[tilespmem:s23+$0x3C00] =	vst v1;
	s23 =	simm.s32 $0x200  }
.LBB2_9:
0x44: {  	[spmem:s2] =	stream.indirect.scatter.add.f32 [tilespmem:s24], [sflag:$0x1], $0x1, s25, s19, $0xb8;
	[tilespmem:$0x9980] =	vst v63  }
0x45: {  	s24 =	smov.u32 s23;
	p0 =	sne.s32 s23, $0x4E00  }
.Ltmp3:
0x46: {  	s23 =	sadd.s32 $0x200, s23;
	(pc) =	sbr.rel @p0 .LBB2_9-.Ltmp3, $3  }
0x47: {  	_ =	sdelay $0x1  }
0x48: {  	s25 =	sshra.s32 s24, $0x2  }
0x49: {  	s24 =	sadd.s32 $0x3C00, s25;
	s25 =	sadd.s32 $0x1400, s25  }
0x4a: {  	s22 =	sadd.s32 $0x1, s22  }
0x4b: {  	p0 =	sne.s32 s22, $0xA  }
.Ltmp4:
0x4c: {  	_ = 	snop;
	(pc) =	sbr.rel @p0 .LBB2_4-.Ltmp4, $4  }
0x4d: {  	[spmem:s2] =	stream.indirect.scatter.add.f32 [tilespmem:s24], [sflag:$0x1], $0x1, s25, s19, $0xb8;
	[tilespmem:$0x9980] =	vst v63  }
0x4e: {  	_ =	swait.ge [sflag:s20], $0x1400  }
0x4f: {  	[sflag:s20] =	ssyncset.done $0x0  }
0x50: {  	[sflag:s20] =	ssyncadd.s32 $0xFFFFEC00  }
0x51: {  	s4 =	sadd.s32 $0x1, s4  }
0x52: {  	p0 =	sne.s32 s4, s12  }
.Ltmp5:
0x53: {  	[bflag:$0x0] =	sbarrier.arrive $0xFFFF;
	s21 =	sshrl.u32 s8, $0x3;
	(pc) =	sbr.rel @p0 .LBB2_1-.Ltmp5, $4  }
0x54: {  	[hbm:s11], [sflag:s15] =	dma.local [spmem:s21], $0x310  }
0x55: {  	_ =	swait.ge [sflag:s14], $0x310  }
0x56: {  	[sflag:s14] =	ssyncset.done $0x0  }
0x57: {  	[sflag:s14] =	ssyncadd.s32 $0xFFFFFCF0  }
0x58: {  	_ =	sfence.sel $0x180000  }
0x59: {  	[bflag:$0x0] =	sbarrier.arrive $0xFFFF  }
0x5a: {  	p0 =	sne.s32 s1, $0x0;
	_ =	strace $0x9000004D  }
0x5b: {  	s0 =	sadd.s32 @!p0 $0x100000, s0;
	[bflag:$0x2] =	sbarrier.arrive $0xFFFF  }
0x5c: {  	[sflag:s0] =	ssyncadd.tile.s32 @!p0 $0x1;
	_ =	shalt  }
.Lfunc_end2:
_tile_overlayer_lowered:
.L_overlay_start_2:
0x5d: {  	(tag) =	ssettag $0x2  }
0x5e: {  	s0 =	rddreg [dreg:$0x0];
	s2 =	stileid.u32  }
0x5f: {  	s1 =	rddreg [dreg:$0x1];
	p0 =	sne.s32 s2, $0x0  }
0x60: {  	s3 =	rddreg [dreg:$0x2];
	[bflag:$0x3] =	sbarrier.arrive $0xFFFF;
	s2 =	simm.s32 @!p0 $0x1C02  }
0x61: {  	[timem:s3], [sflag:s2] =	dma.local @!p0 [hbm:s0], s1  }
0x62: {  	s0 =	simm.s32 @!p0 $0x2  }
0x63: {  	_ =	swait.ge @!p0 [sflag:s0], s1  }
0x64: {  	s1 =	ssub.s32 @!p0 $0x0, s1;
	[sflag:s0] =	ssyncset.done @!p0 $0x0  }
0x65: {  	[sflag:s0] =	ssyncadd.s32 @!p0 s1  }
0x66: {  	[bflag:$0x3] =	sbarrier.arrive $0xFFFF  }
0x67: {  	_ =	shalt  }

// kernel: kernel.8.cloned.1.call-start
scs
__scs_entry_jumppad:
0x0: {  	(pc) =	sbr.rel $0x88, $3  }
0x1: {  	(tag) =	ssettag $0x0;
	lr =	simm.s32 $0x1  }
0x2: {  	[smem:$0x3F91] =	sst lr;
	_ =	strace $0xD0000000  }
0x3: {  	_ = 	snop  }
0x4: {  	_ = 	snop  }
0x5: {  	_ = 	snop  }
0x6: {  	_ = 	snop  }
0x7: {  	_ = 	snop  }
__scs_overlays_trampoline_lowered:
0x8: {  	[smem:$0x3FA0] =	sst s0  }
0x9: {  	[smem:$0x3FA1] =	sst s1  }
0xa: {  	[smem:$0x3FA2] =	sst s2  }
0xb: {  	[smem:$0x3FA3] =	sst s3  }
0xc: {  	[smem:$0x3FA4] =	sst s4  }
0xd: {  	[smem:$0x3FA5] =	sst s5  }
0xe: {  	[smem:$0x3FA6] =	sst s6  }
0xf: {  	[smem:$0x3FA7] =	sst s7  }
0x10: {  	[smem:$0x3FA8] =	sst s8  }
0x11: {  	[smem:$0x3FA9] =	sst s9;
	s0 =	simm.s32 @!p0 $0x0  }
0x12: {  	s1 =	sld [smem:$0x3F8F];
	s0 =	simm.s32 @p0 $0x1  }
0x13: {  	[smem:$0x3FAA] =	sst s0;
	s0 =	simm.s32 @!p1 $0x0  }
0x14: {  	s2 =	sld [smem:$0x3F8E];
	s0 =	simm.s32 @p1 $0x1  }
0x15: {  	[smem:$0x3FAB] =	sst s0;
	s0 =	simm.s32 @!p2 $0x0  }
0x16: {  	s3 =	sld [smem:$0x3FDB];
	s0 =	simm.s32 @p2 $0x1  }
0x17: {  	s4 =	simm.s32 $0x1BF5;
	[smem:$0x3FAD] =	sst s0  }
0x18: {  	s0 =	sld [smem:$0x3F90];
	_ =	swait.ge [sflag:s4], $0x0  }
0x19: {  	s7 =	sld [smem:$0x3F91]  }
0x1a: {  	s8 =	sadd.s32 $0xFFFFE003, lr  }
0x1b: {  	s9 =	sadd.s32 $0xFFFFFEF7, lr;
	s5 =	simm.s32 $0xFFFFFFFF;
	p2 =	slt.u32 s8, $0xFFFFF086  }
0x1c: {  	p1 =	slt.u32 s9, $0xF7A;
	s5 =	simm.s32 @!p2 $0x0  }
0x1d: {  	s5 =	simm.s32 @p1 $0x1;
	p0 =	seq.s32 s7, s2  }
0x1e: {  	s7 =	smul.u32 @!p0 $0xF7A, s2;
	p2 =	seq.s32 @!p0 s5, $0x0  }
0x1f: {  	s9 =	smul.u32 $0xF7A, s1;
	s8 =	simm.s32 @!p0 $0x1BF5;
	p2 =	por !p2, p0  }
0x20: {  	[sflag:s8] =	ssyncset.s32 @!p0 $0xFFFFF086;
	s6 =	sadd.s32 @!p0 s3, s7;
	s7 =	simm.s32 @!p0 $0x108  }
0x21: {  	s3 =	sadd.s32 s3, s9;
	s6 =	sadd.s32 @!p0 $0x88, s6;
	s7 =	simm.s32 @p2 $0x1082  }
0x22: {  	[simem:s7], [sflag:s8] =	dma.local @!p0 [hbm:s6], $0xF7A  }
0x23: {  	s9 =	sor.u32 $0xD0000000, s2;
	s6 =	simm.s32 $0x108;
	_ =	swait.ge @!p0 [sflag:s8], $0x0  }
0x24: {  	s3 =	sadd.s32 $0x88, s3;
	s6 =	simm.s32 @!p1 $0x1082;
	[sflag:s4] =	ssyncset.s32 $0xFFFFF086  }
0x25: {  	[simem:s6], [sflag:s4] =	dma.local [hbm:s3], $0xF7A  }
0x26: {  	[smem:$0x3F91] =	sst s1;
	(tag) =	ssettag s2;
	_ =	strace s9  }
0x27: {  	s1 =	sld [smem:$0x3FA1]  }
0x28: {  	s2 =	sld [smem:$0x3FA2]  }
0x29: {  	s4 =	sld [smem:$0x3FA4]  }
0x2a: {  	p0 =	seq.s32 s5, $0x0;
	s5 =	sld [smem:$0x3FA5]  }
0x2b: {  	s6 =	sld [smem:$0x3FA6]  }
0x2c: {  	s7 =	sld [smem:$0x3FA7]  }
0x2d: {  	s3 =	simm.s32 $0x108;
	s8 =	sld [smem:$0x3FA8]  }
0x2e: {  	s3 =	simm.s32 @!p0 $0x1082;
	s9 =	sld [smem:$0x3FA9]  }
0x2f: {  	lr =	sadd.s32 s0, s3;
	s0 =	sld [smem:$0x3FA0]  }
0x30: {  	s3 =	sld [smem:$0x3FA3]  }
0x31: {  	[smem:$0x3FAC] =	sst s10  }
0x32: {  	s10 =	sld [smem:$0x3FAA];
	_ =	sdelay $0x3  }
0x33: {  	p0 =	seq.s32 s10, $0x1;
	s10 =	sld [smem:$0x3FAC];
	_ =	sdelay $0x3  }
0x34: {  	[smem:$0x3FAC] =	sst s10  }
0x35: {  	s10 =	sld [smem:$0x3FAB];
	_ =	sdelay $0x3  }
0x36: {  	p1 =	seq.s32 s10, $0x1;
	s10 =	sld [smem:$0x3FAC];
	_ =	sdelay $0x3  }
0x37: {  	[smem:$0x3FAC] =	sst s10  }
0x38: {  	s10 =	sld [smem:$0x3FAD]  }
0x39: {  	_ = 	snop;
	(pc) =	sbr.ind lr, $3  }
0x3a: {  	_ = 	snop  }
0x3b: {  	_ = 	snop  }
0x3c: {  	p2 =	seq.s32 s10, $0x1;
	s10 =	sld [smem:$0x3FAC]  }
0x3d: {  	_ =	shalt  }
0x3e: {  	_ =	shalt  }
0x3f: {  	_ =	shalt  }
0x40: {  	_ =	shalt  }
0x41: {  	_ =	shalt  }
0x42: {  	_ =	shalt  }
0x43: {  	_ =	shalt  }
0x44: {  	_ =	shalt  }
0x45: {  	_ =	shalt  }
0x46: {  	_ =	shalt  }
0x47: {  	_ =	shalt  }
0x48: {  	_ =	shalt  }
0x49: {  	_ =	shalt  }
0x4a: {  	_ =	shalt  }
0x4b: {  	_ =	shalt  }
0x4c: {  	_ =	shalt  }
0x4d: {  	_ =	shalt  }
0x4e: {  	_ =	shalt  }
0x4f: {  	_ =	shalt  }
0x50: {  	_ =	shalt  }
0x51: {  	_ =	shalt  }
0x52: {  	_ =	shalt  }
0x53: {  	_ =	shalt  }
0x54: {  	_ =	shalt  }
0x55: {  	_ =	shalt  }
0x56: {  	_ =	shalt  }
0x57: {  	_ =	shalt  }
0x58: {  	_ =	shalt  }
0x59: {  	_ =	shalt  }
0x5a: {  	_ =	shalt  }
0x5b: {  	_ =	shalt  }
0x5c: {  	_ =	shalt  }
0x5d: {  	_ =	shalt  }
0x5e: {  	_ =	shalt  }
0x5f: {  	_ =	shalt  }
0x60: {  	_ =	shalt  }
0x61: {  	_ =	shalt  }
0x62: {  	_ =	shalt  }
0x63: {  	_ =	shalt  }
0x64: {  	_ =	shalt  }
0x65: {  	_ =	shalt  }
0x66: {  	_ =	shalt  }
0x67: {  	_ =	shalt  }
0x68: {  	_ =	shalt  }
0x69: {  	_ =	shalt  }
0x6a: {  	_ =	shalt  }
0x6b: {  	_ =	shalt  }
0x6c: {  	_ =	shalt  }
0x6d: {  	_ =	shalt  }
0x6e: {  	_ =	shalt  }
0x6f: {  	_ =	shalt  }
0x70: {  	_ =	shalt  }
0x71: {  	_ =	shalt  }
0x72: {  	_ =	shalt  }
0x73: {  	_ =	shalt  }
0x74: {  	_ =	shalt  }
0x75: {  	_ =	shalt  }
0x76: {  	_ =	shalt  }
0x77: {  	_ =	shalt  }
0x78: {  	_ =	shalt  }
0x79: {  	_ =	shalt  }
0x7a: {  	_ =	shalt  }
0x7b: {  	_ =	shalt  }
0x7c: {  	_ =	shalt  }
0x7d: {  	_ =	shalt  }
0x7e: {  	_ =	shalt  }
0x7f: {  	_ =	shalt  }
0x80: {  	_ =	shalt  }
0x81: {  	_ =	shalt  }
0x82: {  	_ =	shalt  }
0x83: {  	_ =	shalt  }
0x84: {  	_ =	shalt  }
0x85: {  	_ =	shalt  }
0x86: {  	_ =	shalt  }
0x87: {  	_ =	shalt  }
.Lfunc_end0:
.L_simem_size_0:
called_computation_lowered:
.L_overlay_start_0:
0x88: {  	s2 =	sld [smem:$0x3FD9]  }
0x89: {  	s3 =	sld [smem:$0x3FFE];
	_ =	sdelay $0x1  }
0x8a: {  	s1 =	srdreg.scid  }
0x8b: {  	s0 =	sand.u32 $0x1, s1  }
0x8c: {  	s16 =	sshll.u32 s0, $0xA;
	s2 =	sadd.s32 s3, s2  }
0x8d: {  	s2 =	sadd.s32 s2, s16  }
0x8e: {  	[smem:$0x3FB8] =	sst s2  }
0x8f: {  	_ = 	snop  }
0x90: {  	(tm) =	ssettm $0x1  }
0x91: {  	s17 =	sld [smem:$0x3FFB];
	_ =	sdelay $0x3  }
0x92: {  	_ =	strace s17  }
0x93: {  	s2 =	sld [smem:$0x3FFC];
	_ =	sdelay $0x3  }
0x94: {  	_ =	strace s2  }
0x95: {  	s2 =	sld [smem:$0x3FFD];
	_ =	sdelay $0x3  }
0x96: {  	_ =	strace s2  }
0x97: {  	_ =	strace $0x8FFFFFFF  }
0x98: {  	s18 =	sld [smem:$0x3FDB];
	_ =	sdelay $0x1  }
0x99: {  	s19 =	simm.s32 $_scs_section_size  }
0x9a: {  	s4 =	simm.s32 $_size__tile_overlayer_lowered;
	s5 =	simm.s32 $_tile_overlayer_lowered  }
0x9b: {  	s22 =	simm.s32 $0x1BFF;
	s21 =	sshll.u32 s5, $0x1;
	s2 =	sadd.s32 s19, s18  }
0x9c: {  	s6 =	simm.s32 $0x0;
	s20 =	sshll.u32 s4, $0x1;
	s4 =	sadd.s32 s21, s2  }
0x9d: {  	[timem:s6], [sflag:s22] =	dma.local [hbm:s4], s20  }
0x9e: {  	_ =	swait.ge [sflag:s22], s20  }
0x9f: {  	s3 =	ssub.s32 $0x0, s20;
	[sflag:s22] =	ssyncset.done $0x0  }
0xa0: {  	[sflag:s22] =	ssyncadd.s32 s3;
	_ =	sdelay $0x1  }
0xa1: {  	s23 =	simm.s32 $0x1B8B  }
0xa2: {  	_ =	swait.ge [sflag:s23], $0x1  }
0xa3: {  	[sflag:s23] =	ssyncset.done $0x0  }
0xa4: {  	s25 =	simm.s32 $0x1B8E;
	s24 =	sld [smem:$0x3FFE];
	[sflag:s23] =	ssyncadd.s32 $0xFFFFFFFF  }
0xa5: {  	s26 =	simm.s32 $execute0_lowered;
	[smem:$0x3FD2] =	sst s25  }
0xa6: {  	s4 =	sshll.u32 s26, $0x1;
	_ =	strace $0x80000046;
	[dreg:$0x1] =	wrdreg $0xFFFFFFFF  }
0xa7: {  	s28 =	simm.s32 $_size_execute0_lowered;
	s2 =	sadd.s32 s2, s4;
	[dreg:$0x0] =	wrdreg $0x0  }
0xa8: {  	s4 =	sshll.u32 s28, $0x1;
	[dreg:$0x2] =	wrdreg s2  }
0xa9: {  	[dreg:$0x3] =	wrdreg s4  }
0xaa: {  	[dreg:$0x4] =	wrdreg $0xC0  }
0xab: {  	_ =	task [dreg:s6], $0x5FFFF  }
0xac: {  	[dreg:$0x1] =	wrdreg $0xFFFFFFFF  }
0xad: {  	[dreg:$0x0] =	wrdreg $0x60  }
0xae: {  	[dreg:$0x2] =	wrdreg s24  }
0xaf: {  	[dreg:$0x3] =	wrdreg $0xAD800  }
0xb0: {  	[dreg:$0x4] =	wrdreg $0xC6000  }
0xb1: {  	[dreg:$0x5] =	wrdreg $0x7C800  }
0xb2: {  	[dreg:$0x6] =	wrdreg $0x95000  }
0xb3: {  	[dreg:$0x7] =	wrdreg $0x9  }
0xb4: {  	_ =	task.clear_ibuf [dreg:s6], $0x8FFFF;
	_ =	strace $0x90000046  }
0xb5: {  	s29 =	simm.s32 $0x9;
	_ =	strace $0x80000048  }
0xb6: {  	_ =	swait.ge [sflag:s29], $0x1  }
0xb7: {  	[sflag:s29] =	ssyncadd.s32 $0xFFFFFFFF  }
0xb8: {  	_ =	strace $0x90000048  }
0xb9: {  	_ =	sfence  }
0xba: {  	s30 =	sld [smem:$0x0];
	_ =	sdelay $0x2  }
0xbb: {  	s31 =	sshll.u32 s1, $0xD;
	s1 =	sshrl.u32 s1, $0x2  }
0xbc: {  	s3 =	sand.u32 $0x4000, s31;
	s1 =	sadd.s32 s1, s30  }
0xbd: {  	s0 =	sor.u32 s3, s0;
	s1 =	sshll.u32 s1, $0x11  }
0xbe: {  	s0 =	sor.u32 s1, s0  }
0xbf: {  	s0 =	sadd.s32 $0x8F2B, s0  }
0xc0: {  	[sflag:s0] =	ssyncadd.remote.s32 $0x1  }
0xc1: {  	_ =	sfence.sel $0xFFFF  }
0xc2: {  	[dreg:$0x0] =	wrdreg $0xFFFFFFFF;
	(pc) =	sbr.abs _section_cstart, $3  }
0xc3: {  	[dreg:$0x1] =	wrdreg $0xFFFFFFFF  }
0xc4: {  	_ =	task.clear_ibuf [dreg:s6], $0x2FFFF;
	_ =	strace $0x9FFFFFFF  }
0xc5: {  	(tm) =	ssettm $0x7FFFFFFF  }
tec
execute0_lowered:
.L_overlay_start_1:
0x0: {  	(tag) =	ssettag $0x1  }
0x1: {  	s0 =	rddreg [dreg:$0x0]  }
0x2: {  	s1 =	rddreg [dreg:$0x1]  }
0x3: {  	s3 =	rddreg [dreg:$0x2]  }
0x4: {  	s4 =	rddreg [dreg:$0x3]  }
0x5: {  	s5 =	rddreg [dreg:$0x4]  }
0x6: {  	s15 =	stileid.u32;
	s6 =	simm.s32 $0x0;
	s7 =	srdreg.scid  }
0x7: {  	s18 =	simm.s32 $0x6400;
	s19 =	simm.s32 $0x2;
	s22 =	simm.s32 $0x1400  }
0x8: {  	s23 =	simm.s32 $0x80;
	s24 =	simm.s32 $0x1;
	s25 =	simm.s32 $0x2800  }
0x9: {  	s2 =	smul.u32 $0x1880, s15;
	[smem:$0x7FF] =	sst s6;
	s10 =	sand.u32 $0x1, s7  }
0xa: {  	s7 =	sadd.s32 $0xA600, s0;
	s8 =	sadd.s32 $0x23600, s0;
	s9 =	sadd.s32 $0x3C600, s0  }
0xb: {  	_ =	strace $0x80000047;
	s11 =	smul.u32 $0x18800, s10;
	s12 =	ssub.s32 $0x2, s10  }
0xc: {  	s10 =	sshll.u32 s10, $0x4;
	s30 =	sshrl.u32 s2, $0x3;
	s14 =	sshrl.u32 s12, $0x1  }
0xd: {  	s31 =	sor.u32 s15, s10;
	s10 =	sadd.s32 s2, s1;
	s20 =	sadd.s32 s2, s4  }
0xe: {  	s13 =	sadd.s32 s30, s0;
	s11 =	sadd.s32 s2, s11;
	s17 =	ssub.s32 s12, s14  }
0xf: {  	s14 =	smul.u32 $0xC8, s31;
	s20 =	sshrl.u32 s20, $0x3;
	s11 =	sshrl.u32 s11, $0x3  }
0x10: {  	s12 =	sadd.s32 $0x4200, s13;
	s13 =	sadd.s32 $0x7400, s13;
	s17 =	smax.u32 s17, $0x1  }
0x11: {  	s0 =	sadd.s32 s11, s0;
	s11 =	sadd.s32 s2, s3;
	s2 =	sadd.s32 s2, s5  }
0x12: {  	v0 =	vimm.f32 $1.000000000e+00;
	v1 =	vimm.f32 $0.0e+00;
	s15 =	sadd.s32 $0x55600, s0;
	s16 =	sadd.s32 $0x5B800, s0;
	s21 =	sshrl.u32 s2, $0x3  }
.LBB2_1:
0x13: {  	s0 =	simm.s32 $0x0;
	s26 =	simm.s32 $0x0  }
.LBB2_2:
0x14: {  	p0 =	sne.s32 s26, $0x4FC0  }
.Ltmp0:
0x15: {  	_ = 	snop;
	(pc) =	sbr.rel @p0 .LBB2_2-.Ltmp0, $4  }
0x16: {  	s2 =	sand.u32 $0x7E00, s26  }
0x17: {  	s28 =	sand.u32 $0x70, s0;
	s2 =	sshrl.u32 s2, $0x2  }
0x18: {  	s2 =	sor.u32 s28, s2  }
0x19: {  	s0 =	sadd.s32 $0x10, s0;
	s26 =	sadd.s32 $0x40, s26;
	[tilespmem:s2+$0x5000] =	vst v0  }
0x1a: {  	s0 =	simm.s32 $0x40;
	s26 =	simm.s32 $0x0  }
.LBB2_4:
0x1b: {  	p0 =	sne.s32 s0, $0x61C0;
	[tilespmem:s26+$0x6400] =	vst v1;
	s2 =	smov.u32 s0;
	s0 =	sadd.s32 $0x40, s0  }
.Ltmp1:
0x1c: {  	(pc) =	sbr.rel @p0 .LBB2_4-.Ltmp1, $2  }
0x1d: {  	_ =	sdelay $0x2  }
0x1e: {  	s26 =	sshra.s32 s2, $0x2  }
0x1f: {  	[tilespmem:s26+$0x6400] =	vst v1  }
0x20: {  	[spmem:s10] =	stream.linear.scatter [tilespmem:s18], [sflag:$0x2], $0x1880, $0x38;
	[tilespmem:$0xDE80] =	vst v63  }
0x21: {  	_ =	swait.ge [sflag:s19], $0x1880  }
0x22: {  	[sflag:s19] =	ssyncset.done $0x0  }
0x23: {  	[sflag:s19] =	ssyncadd.s32 $0xFFFFE780  }
0x24: {  	[spmem:s11] =	stream.linear.scatter [tilespmem:s18], [sflag:$0x2], $0x1880, $0x38;
	[tilespmem:$0xDE80] =	vst v63  }
0x25: {  	s0 =	stileid.u32;
	_ =	swait.ge [sflag:s19], $0x1880  }
0x26: {  	s0 =	sshll.u32 s0, $0x6;
	[sflag:s19] =	ssyncset.done $0x0  }
0x27: {  	s26 =	sor.u32 $0x1C02, s0;
	[sflag:s19] =	ssyncadd.s32 $0xFFFFE780  }
0x28: {  	[spmem:s20], [sflag:s26] =	dma.local [hbm:s12], $0x310  }
0x29: {  	_ =	swait.ge [sflag:s19], $0x310  }
0x2a: {  	[sflag:s19] =	ssyncset.done $0x0  }
0x2b: {  	[sflag:s19] =	ssyncadd.s32 $0xFFFFFCF0  }
0x2c: {  	[spmem:s21], [sflag:s26] =	dma.local [hbm:s13], $0x310  }
0x2d: {  	_ =	swait.ge [sflag:s19], $0x310  }
0x2e: {  	[sflag:s19] =	ssyncset.done $0x0  }
0x2f: {  	[sflag:s19] =	ssyncadd.s32 $0xFFFFFCF0  }
0x30: {  	s28 =	simm.s32 $0x0;
	s29 =	simm.s32 $0x0;
	[bflag:$0x0] =	sbarrier.arrive $0xFFFF  }
.LBB2_6:
0x31: {  	s0 =	smul.u32 $0x28, s29;
	_ =	sdelay $0x1  }
0x32: {  	s0 =	sadd.s32 s14, s0  }
0x33: {  	s30 =	sshll.u32 s0, $0x4  }
0x34: {  	s0 =	sadd.s32 s7, s30  }
0x35: {  	[tilespmem:s28], [sflag:$0x2] =	stream.linear.gather [hbm4b:s0+s28], $0x1400, $0x38;
	[tilespmem:$0xDE80] =	vst v63  }
0x36: {  	_ =	swait.ge [sflag:s19], $0x1400  }
0x37: {  	[sflag:s19] =	ssyncset.done $0x0  }
0x38: {  	s2 =	sadd.s32 s8, s30;
	[sflag:s19] =	ssyncadd.s32 $0xFFFFEC00  }
0x39: {  	[tilespmem:s22], [sflag:$0x2] =	stream.linear.gather [hbm4b:s2+s28], $0x1400, $0x38;
	[tilespmem:$0xDE80] =	vst v63  }
0x3a: {  	_ =	swait.ge [sflag:s19], $0x1400  }
0x3b: {  	[sflag:s19] =	ssyncset.done $0x0  }
0x3c: {  	s0 =	simm.s32 $0x0;
	s2 =	simm.s32 $0x2800;
	[sflag:s19] =	ssyncadd.s32 $0xFFFFEC00  }
0x3d: {  	[tilespmem:s2], [sflag:$0x1] =	stream.indirect.gather [spmem:s4], $0x1, s0, s23, $0xb8;
	[tilespmem:$0xDE80] =	vst v63  }
0x3e: {  	s31 =	simm.s32 $0x200;
	s2 =	simm.s32 $0x3C00  }
.LBB2_7:
0x3f: {  	[tilespmem:s2], [sflag:$0x1] =	stream.indirect.gather [spmem:s5], $0x1, s0, s23, $0xb8;
	[tilespmem:$0xDE80] =	vst v63  }
0x40: {  	s0 =	smov.u32 s31;
	p0 =	sne.s32 s31, $0x4E00  }
.Ltmp2:
0x41: {  	s31 =	sadd.s32 $0x200, s31;
	(pc) =	sbr.rel @p0 .LBB2_7-.Ltmp2, $4  }
0x42: {  	s0 =	sshra.s32 s0, $0x2  }
0x43: {  	s2 =	sadd.s32 $0x2800, s0  }
0x44: {  	[tilespmem:s2], [sflag:$0x1] =	stream.indirect.gather [spmem:s4], $0x1, s0, s23, $0xb8;
	[tilespmem:$0xDE80] =	vst v63  }
0x45: {  	s2 =	sadd.s32 $0x3C00, s0  }
0x46: {  	[tilespmem:s2], [sflag:$0x1] =	stream.indirect.gather [spmem:s5], $0x1, s0, s23, $0xb8;
	[tilespmem:$0xDE80] =	vst v63  }
0x47: {  	_ =	swait.ge [sflag:s24], $0x1400  }
0x48: {  	[sflag:s24] =	ssyncset.done $0x0  }
0x49: {  	[sflag:s24] =	ssyncadd.s32 $0xFFFFEC00  }
0x4a: {  	_ =	swait.ge [sflag:s24], $0x1400  }
0x4b: {  	[sflag:s24] =	ssyncset.done $0x0  }
0x4c: {  	s2 =	sadd.s32 s9, s30;
	s31 =	simm.s32 $0x0;
	[sflag:s24] =	ssyncadd.s32 $0xFFFFEC00  }
0x4d: {  	[hbm4b:s2+s31] =	stream.linear.scatter [tilespmem:s25], [sflag:$0x2], $0x1400, $0x38;
	[tilespmem:$0xDE80] =	vst v63  }
0x4e: {  	_ =	swait.ge [sflag:s19], $0x1400  }
0x4f: {  	s0 =	simm.s32 $0x1400;
	s30 =	simm.s32 $0x200;
	[sflag:s19] =	ssyncset.done $0x0  }
0x50: {  	s31 =	simm.s32 $0x3C00;
	s2 =	simm.s32 $0x5000;
	[sflag:s19] =	ssyncadd.s32 $0xFFFFEC00  }
0x51: {  	[spmem:s1] =	stream.indirect.scatter.add.f32 [tilespmem:s31], [sflag:$0x1], $0x1, s0, s23, $0xb8;
	[tilespmem:$0xDE80] =	vst v63  }
.LBB2_9:
0x52: {  	[spmem:s3] =	stream.indirect.scatter.add.f32 [tilespmem:s2], [sflag:$0x1], $0x1, s0, s23, $0xb8;
	[tilespmem:$0xDE80] =	vst v63  }
0x53: {  	s0 =	smov.u32 s30;
	p0 =	sne.s32 s30, $0x4E00  }
.Ltmp3:
0x54: {  	s30 =	sadd.s32 $0x200, s30;
	(pc) =	sbr.rel @p0 .LBB2_9-.Ltmp3, $4  }
0x55: {  	s2 =	sshra.s32 s0, $0x2  }
0x56: {  	s31 =	sadd.s32 $0x3C00, s2;
	s0 =	sadd.s32 $0x1400, s2  }
0x57: {  	[spmem:s1] =	stream.indirect.scatter.add.f32 [tilespmem:s31], [sflag:$0x1], $0x1, s0, s23, $0xb8;
	[tilespmem:$0xDE80] =	vst v63  }
0x58: {  	s2 =	sadd.s32 $0x5000, s2  }
0x59: {  	[spmem:s3] =	stream.indirect.scatter.add.f32 [tilespmem:s2], [sflag:$0x1], $0x1, s0, s23, $0xb8;
	[tilespmem:$0xDE80] =	vst v63  }
0x5a: {  	s29 =	sadd.s32 $0x1, s29  }
0x5b: {  	_ =	swait.ge [sflag:s24], $0x1400;
	p0 =	sne.s32 s29, $0x5  }
.Ltmp4:
0x5c: {  	[sflag:s24] =	ssyncset.done $0x0;
	(pc) =	sbr.rel @p0 .LBB2_6-.Ltmp4, $4  }
0x5d: {  	[sflag:s24] =	ssyncadd.s32 $0xFFFFEC00  }
0x5e: {  	_ =	swait.ge [sflag:s24], $0x1400  }
0x5f: {  	[sflag:s24] =	ssyncset.done $0x0  }
0x60: {  	[sflag:s24] =	ssyncadd.s32 $0xFFFFEC00  }
0x61: {  	[bflag:$0x0] =	sbarrier.arrive $0xFFFF;
	s0 =	sshrl.u32 s10, $0x3  }
0x62: {  	[hbm:s15], [sflag:s26] =	dma.local [spmem:s0], $0x310  }
0x63: {  	s6 =	sadd.s32 $0x1, s6;
	_ =	swait.ge [sflag:s19], $0x310  }
0x64: {  	p0 =	sne.s32 s6, s17;
	[sflag:s19] =	ssyncset.done $0x0  }
.Ltmp5:
0x65: {  	s31 =	sshrl.u32 s11, $0x3;
	[sflag:s19] =	ssyncadd.s32 $0xFFFFFCF0;
	(pc) =	sbr.rel @p0 .LBB2_1-.Ltmp5, $4  }
0x66: {  	[hbm:s16], [sflag:s26] =	dma.local [spmem:s31], $0x310  }
0x67: {  	_ =	swait.ge [sflag:s19], $0x310  }
0x68: {  	[sflag:s19] =	ssyncset.done $0x0  }
0x69: {  	[sflag:s19] =	ssyncadd.s32 $0xFFFFFCF0  }
0x6a: {  	_ =	sfence.sel $0x180000  }
0x6b: {  	[bflag:$0x0] =	sbarrier.arrive $0xFFFF  }
0x6c: {  	_ =	strace $0x90000047  }
0x6d: {  	s0 =	stileid.u32;
	[bflag:$0x2] =	sbarrier.arrive $0xFFFF  }
0x6e: {  	p0 =	sne.s32 s0, $0x0;
	s0 =	rddreg [dreg:$0x5]  }
0x6f: {  	s0 =	sadd.s32 @!p0 $0x100000, s0  }
0x70: {  	[sflag:s0] =	ssyncadd.tile.s32 @!p0 $0x1;
	_ =	shalt  }
.Lfunc_end2:
_tile_overlayer_lowered:
.L_overlay_start_2:
0x71: {  	(tag) =	ssettag $0x2  }
0x72: {  	s0 =	rddreg [dreg:$0x0];
	s2 =	stileid.u32  }
0x73: {  	s1 =	rddreg [dreg:$0x1];
	p0 =	sne.s32 s2, $0x0  }
0x74: {  	s3 =	rddreg [dreg:$0x2];
	[bflag:$0x3] =	sbarrier.arrive $0xFFFF;
	s2 =	simm.s32 @!p0 $0x1C02  }
0x75: {  	[timem:s3], [sflag:s2] =	dma.local @!p0 [hbm:s0], s1  }
0x76: {  	s0 =	simm.s32 @!p0 $0x2  }
0x77: {  	_ =	swait.ge @!p0 [sflag:s0], s1  }
0x78: {  	s1 =	ssub.s32 @!p0 $0x0, s1;
	[sflag:s0] =	ssyncset.done @!p0 $0x0  }
0x79: {  	[sflag:s0] =	ssyncadd.s32 @!p0 s1  }
0x7a: {  	[bflag:$0x3] =	sbarrier.arrive $0xFFFF  }
0x7b: {  	_ =	shalt  }

</sc_bundles>
